<compile_context>
chip_gen: v7x
topology: tpu7x:2x2x1
jax: 0.10.2.dev20260603
libtpu: 0.0.44.dev20260713+nightly
codegen_flags: <defaults>
</compile_context>

<pallas_src>
import functools

import jax
import jax.numpy as jnp
from jax import lax
from jax.experimental import pallas as pl
from jax.experimental.pallas import tpu as pltpu
from jax.experimental.pallas import tpu_sc as plsc

N, D, H, O, E, TOPK = 2048, 1024, 1024, 1024, 8, 2
BLK = 256
G = N * TOPK // BLK + E
P = G * BLK
NW = 32
TPW = N // NW


def _sc_mesh():
    return plsc.VectorSubcoreMesh(
        core_axis_name="c", subcore_axis_name="s", num_cores=2, num_subcores=16)



def _route_body(x_ref, gw1_ref, gw2_ref, d0_ref, d1_ref, w0_ref, w1_ref,
                thr_ref):
    x = x_ref[...]
    t = jnp.tanh(jnp.dot(x, gw1_ref[...], preferred_element_type=jnp.float32))
    logits = jnp.dot(t, gw2_ref[...], preferred_element_type=jnp.float32)
    m = jnp.max(logits, axis=-1, keepdims=True)
    ex = jnp.exp(logits - m)
    s = ex / jnp.sum(ex, axis=-1, keepdims=True)
    iota8 = lax.broadcasted_iota(jnp.int32, (N, E), 1)
    m1 = jnp.max(s, axis=-1, keepdims=True)
    idx1 = jnp.min(jnp.where(s >= m1, iota8, E), axis=-1, keepdims=True)
    s2 = jnp.where(iota8 == idx1, -1.0, s)
    m2 = jnp.max(s2, axis=-1, keepdims=True)
    idx2 = jnp.min(jnp.where(s2 >= m2, iota8, E), axis=-1, keepdims=True)
    denom = m1 + m2 + 1e-12
    w0_ref[...] = jnp.broadcast_to(m1 / denom, (N, 16))
    w1_ref[...] = jnp.broadcast_to(m2 / denom, (N, 16))

    oh0 = (iota8 == idx1).astype(jnp.float32)
    oh1 = (iota8 == idx2).astype(jnp.float32)
    hi = jax.lax.Precision.DEFAULT
    tstrict = (lax.broadcasted_iota(jnp.int32, (128, 128), 0)
               > lax.broadcasted_iota(jnp.int32, (128, 128), 1)).astype(jnp.float32)
    run = jnp.zeros((1, E), jnp.float32)
    excl = []
    for oh in (oh0, oh1):
        for c in range(N // 128):
            blk = oh[c * 128:(c + 1) * 128]
            pre = jax.lax.dot(tstrict, blk, precision=hi)
            excl.append(pre + run)
            run = run + jnp.sum(blk, axis=0, keepdims=True)
    counts = run
    pc = jnp.ceil(counts / BLK) * BLK
    tu8 = (lax.broadcasted_iota(jnp.int32, (E, E), 0)
           < lax.broadcasted_iota(jnp.int32, (E, E), 1)).astype(jnp.float32)
    seg = jax.lax.dot(pc, tu8, precision=hi)

    excl0 = jnp.concatenate(excl[:N // 128], axis=0)
    excl1 = jnp.concatenate(excl[N // 128:], axis=0)
    d0 = jnp.sum(oh0 * (excl0 + seg), axis=1, keepdims=True)
    d1 = jnp.sum(oh1 * (excl1 + seg), axis=1, keepdims=True)
    d0_ref[...] = jnp.broadcast_to(d0.astype(jnp.int32), (N, E))
    d1_ref[...] = jnp.broadcast_to(d1.astype(jnp.int32), (N, E))
    thr_ref[...] = jnp.broadcast_to(((seg + pc) / BLK).astype(jnp.int32), (E, E))


def _route_call(x, gw1, gw2, interpret=False):
    return pl.pallas_call(
        _route_body,
        out_shape=[
            jax.ShapeDtypeStruct((N, E), jnp.int32),
            jax.ShapeDtypeStruct((N, E), jnp.int32),
            jax.ShapeDtypeStruct((N, 16), jnp.float32),
            jax.ShapeDtypeStruct((N, 16), jnp.float32),
            jax.ShapeDtypeStruct((E, E), jnp.int32),
        ],
        interpret=interpret,
    )(x, gw1, gw2)



def _dispatch_body(x_hbm, d0_hbm, d1_hbm, xs_hbm, i0_v, i1_v, rows_v, sem,
                   sem2):
    wid = lax.axis_index("s") * 2 + lax.axis_index("c")
    base = wid * TPW
    pltpu.sync_copy(d0_hbm.at[pl.ds(base, TPW)], i0_v)
    pltpu.sync_copy(d1_hbm.at[pl.ds(base, TPW)], i1_v)
    pltpu.sync_copy(x_hbm.at[pl.ds(base, TPW)], rows_v)
    cp0 = pltpu.async_copy(rows_v, xs_hbm.at[i0_v], sem)
    cp1 = pltpu.async_copy(rows_v, xs_hbm.at[i1_v], sem2)
    cp0.wait()
    cp1.wait()


def _dispatch_call(x, d0, d1, interpret=False):
    return pl.kernel(
        _dispatch_body,
        out_type=jax.ShapeDtypeStruct((P, D), jnp.float32),
        mesh=_sc_mesh(),
        scratch_types=[
            pltpu.VMEM((TPW,), jnp.int32),
            pltpu.VMEM((TPW,), jnp.int32),
            pltpu.VMEM((TPW, D), jnp.float32),
            pltpu.SemaphoreType.DMA,
            pltpu.SemaphoreType.DMA,
        ],
        interpret=interpret,
    )(x, d0, d1)



def _gelu(h):
    return 0.5 * h * (1.0 + lax.erf(h * (2.0 ** -0.5)))


def _ln(h, g, b):
    mu = jnp.mean(h, axis=-1, keepdims=True)
    var = jnp.mean((h - mu) ** 2, axis=-1, keepdims=True)
    return (h - mu) / jnp.sqrt(var + 1e-5) * g + b


def _ffn_body(be_s, act_s, xs_ref, w1_ref, b1_ref, g1_ref, be1_ref,
              w2_ref, b2_ref, g2_ref, be2_ref, w3_ref, b3_ref, y_ref):
    i = pl.program_id(0)

    @pl.when(act_s[i] == 1)
    def _():
        h = jnp.dot(xs_ref[...], w1_ref[0], preferred_element_type=jnp.float32)
        h = _ln(h + b1_ref[0], g1_ref[0], be1_ref[0])
        h = _gelu(h)
        h = jnp.dot(h, w2_ref[0], preferred_element_type=jnp.float32)
        h = _ln(h + b2_ref[0], g2_ref[0], be2_ref[0])
        h = _gelu(h)
        y_ref[...] = jnp.dot(h, w3_ref[0],
                             preferred_element_type=jnp.float32) + b3_ref[0]


def _ffn_call(be_arr, act_arr, xs, W1, b1, g1, be1, W2, b2, g2, be2, W3, b3,
              interpret=False):
    wspec = pl.BlockSpec((1, D, H), lambda i, be, act: (be[i], 0, 0))
    vspec = pl.BlockSpec((1, 1, H), lambda i, be, act: (be[i], 0, 0))
    grid_spec = pltpu.PrefetchScalarGridSpec(
        num_scalar_prefetch=2,
        grid=(G,),
        in_specs=[
            pl.BlockSpec((BLK, D), lambda i, be, act: (i, 0)),
            wspec, vspec, vspec, vspec,
            wspec, vspec, vspec, vspec,
            wspec, vspec,
        ],
        out_specs=pl.BlockSpec((BLK, O), lambda i, be, act: (i, 0)),
    )
    v3 = lambda a: a.reshape(E, 1, H)
    return pl.pallas_call(
        _ffn_body,
        grid_spec=grid_spec,
        out_shape=jax.ShapeDtypeStruct((P, O), jnp.float32),
        compiler_params=pltpu.CompilerParams(
            dimension_semantics=("arbitrary",)),
        interpret=interpret,
    )(be_arr, act_arr, xs, W1, v3(b1), v3(g1), v3(be1),
      W2, v3(b2), v3(g2), v3(be2), W3, v3(b3))



def _combine_body(y_hbm, d0_hbm, d1_hbm, w0_hbm, w1_hbm, out_hbm,
                  i0_v, i1_v, r0_v, r1_v, wv0_v, wv1_v, sem, sem2):
    wid = lax.axis_index("s") * 2 + lax.axis_index("c")
    half_t = TPW // 2
    for half in range(2):
        base = wid * TPW + half * half_t
        pltpu.sync_copy(d0_hbm.at[pl.ds(base, half_t)], i0_v)
        pltpu.sync_copy(d1_hbm.at[pl.ds(base, half_t)], i1_v)
        pltpu.sync_copy(w0_hbm.at[pl.ds(base, half_t)], wv0_v)
        pltpu.sync_copy(w1_hbm.at[pl.ds(base, half_t)], wv1_v)
        cp0 = pltpu.async_copy(y_hbm.at[i0_v], r0_v, sem)
        cp1 = pltpu.async_copy(y_hbm.at[i1_v], r1_v, sem2)
        cp0.wait()
        cp1.wait()

        def tok(t, carry):
            w0 = wv0_v[t, :]
            w1 = wv1_v[t, :]
            for ch in range(O // 16):
                sl = pl.ds(ch * 16, 16)
                r0_v[t, sl] = r0_v[t, sl] * w0 + r1_v[t, sl] * w1
            return carry

        lax.fori_loop(0, half_t, tok, 0)
        pltpu.sync_copy(r0_v, out_hbm.at[pl.ds(base, half_t)])


def _combine_call(y, d0, d1, w0b, w1b, interpret=False):
    half_t = TPW // 2
    return pl.kernel(
        _combine_body,
        out_type=jax.ShapeDtypeStruct((N, O), jnp.float32),
        mesh=_sc_mesh(),
        scratch_types=[
            pltpu.VMEM((half_t,), jnp.int32),
            pltpu.VMEM((half_t,), jnp.int32),
            pltpu.VMEM((half_t, O), jnp.float32),
            pltpu.VMEM((half_t, O), jnp.float32),
            pltpu.VMEM((half_t, 16), jnp.float32),
            pltpu.VMEM((half_t, 16), jnp.float32),
            pltpu.SemaphoreType.DMA,
            pltpu.SemaphoreType.DMA,
        ],
        interpret=interpret,
    )(y, d0, d1, w0b, w1b)



def kernel(x, gw1, gw2, W1, b1, g1, be1, W2, b2, g2, be2, W3, b3):
    d0b, d1b, w0b, w1b, thr8 = _route_call(x, gw1, gw2)
    d0 = d0b[:, 0]
    d1 = d1b[:, 0]
    thr = thr8[0]
    jg = jnp.arange(G, dtype=jnp.int32)
    be_arr = jnp.minimum(
        jnp.sum((jg[:, None] >= thr[None, :]).astype(jnp.int32), axis=1), E - 1)
    act_arr = (jg < thr[E - 1]).astype(jnp.int32)
    xs = _dispatch_call(x, d0, d1)
    y = _ffn_call(be_arr, act_arr, xs, W1, b1, g1, be1, W2, b2, g2, be2, W3, b3)
    return _combine_call(y, d0, d1, w0b, w1b)

# --- scband reference (transcript-rebuilt; emitter-appended) ---
"""Pipeline reference for scband-mo-elayer-54348516163746 (READ-ONLY COPY).

The authoritative reference and input builder live on the scoring server;
editing this copy changes nothing except your own understanding.
"""

import jax, jax.numpy as jnp
import numpy as np

N, D, H, O, E, TOPK = 2048, 1024, 1024, 1024, 8, 2


def layer_norm(x, g, b, eps=1e-5):
    mu = jnp.mean(x, axis=-1, keepdims=True)
    var = jnp.var(x, axis=-1, keepdims=True)
    return (x - mu) / jnp.sqrt(var + eps) * g + b


def expert_forward(x, W1, b1, g1, be1, W2, b2, g2, be2, W3, b3):
    h = jax.nn.gelu(layer_norm(x @ W1 + b1, g1, be1), approximate=False)
    h = jax.nn.gelu(layer_norm(h @ W2 + b2, g2, be2), approximate=False)
    return h @ W3 + b3


def setup_inputs(seed: int = 0) -> dict:
    key = jax.random.key(seed)
    ks = jax.random.split(key, 8)
    x = jax.random.normal(ks[0], (N, D), dtype=jnp.float32)
    gw1 = jax.random.normal(ks[1], (D, 2 * E), dtype=jnp.float32) * 0.02
    gw2 = jax.random.normal(ks[2], (2 * E, E), dtype=jnp.float32) * 0.02
    W1 = jax.random.normal(ks[3], (E, D, H), dtype=jnp.float32) * 0.02
    b1 = jnp.zeros((E, H), dtype=jnp.float32)
    g1 = jnp.ones((E, H), dtype=jnp.float32)
    be1 = jnp.zeros((E, H), dtype=jnp.float32)
    W2 = jax.random.normal(ks[4], (E, H, H), dtype=jnp.float32) * 0.02
    b2 = jnp.zeros((E, H), dtype=jnp.float32)
    g2 = jnp.ones((E, H), dtype=jnp.float32)
    be2 = jnp.zeros((E, H), dtype=jnp.float32)
    W3 = jax.random.normal(ks[5], (E, H, O), dtype=jnp.float32) * 0.02
    b3 = jnp.zeros((E, O), dtype=jnp.float32)
    return {"x": x, "gw1": gw1, "gw2": gw2, "W1": W1, "b1": b1, "g1": g1, "be1": be1, "W2": W2, "b2": b2, "g2": g2, "be2": be2, "W3": W3, "b3": b3}


def reference(x, gw1, gw2, W1, b1, g1, be1, W2, b2, g2, be2, W3, b3):
    # Gate: Linear(no bias) -> tanh -> Linear(no bias) -> softmax
    gate_logits = jnp.tanh(x @ gw1) @ gw2
    gate_weights = jax.nn.softmax(gate_logits, axis=-1)
    top_k_weights, top_k_indices = jax.lax.top_k(gate_weights, TOPK)
    top_k_weights = top_k_weights / (jnp.sum(top_k_weights, axis=-1, keepdims=True) + 1e-12)
    # Compute every expert on all tokens (math-equivalent to masked dispatch;
    # only selected experts' outputs contribute below). Dropout is identity in eval.
    expert_outs = jax.vmap(expert_forward, in_axes=(None, 0, 0, 0, 0, 0, 0, 0, 0, 0, 0))(
        x, W1, b1, g1, be1, W2, b2, g2, be2, W3, b3)  # [E, N, O]
    outs = jnp.transpose(expert_outs, (1, 0, 2))  # [N, E, O]
    gathered = jnp.take_along_axis(outs, top_k_indices[:, :, None], axis=1)  # [N, K, O]
    output = jnp.sum(gathered * top_k_weights[:, :, None], axis=1)  # [N, O]
    return output

if __name__ == "__main__":
    import jax
    _d = setup_inputs()
    print(jax.jit(kernel)(*tuple(_d.values())))

</pallas_src>

<mosaic_0001>
#map = affine_map<(d0, d1) -> (0, 0)>
#map1 = affine_map<(d0, d1) -> (0)>
module attributes {stable_mosaic.version = 14 : i64} {
  func.func @_dispatch_body(%arg0: i32, %arg1: i32, %arg2: memref<2048x1024xf32, #tpu.memory_space<hbm>>, %arg3: memref<2048xi32, #tpu.memory_space<hbm>>, %arg4: memref<2048xi32, #tpu.memory_space<hbm>>, %arg5: memref<6144x1024xf32, #tpu.memory_space<hbm>>, %arg6: memref<64xi32, #tpu.memory_space<vmem>>, %arg7: memref<64xi32, #tpu.memory_space<vmem>>, %arg8: memref<64x1024xf32, #tpu.memory_space<vmem>>, %arg9: memref<!tpu.dma_semaphore, #tpu.memory_space<semaphore_mem>>, %arg10: memref<!tpu.dma_semaphore, #tpu.memory_space<semaphore_mem>>) attributes {dimension_semantics = [#tpu.dimension_semantics<core_parallel>, #tpu.dimension_semantics<subcore_parallel>], iteration_bounds = array<i64: 2, 16>, scalar_prefetch = 0 : i64, scratch_operands = 5 : i64, tpu.core_type = #tpu.core_type<sc_vector_subcore>, window_params = [{transform_indices = #map}, {transform_indices = #map1}, {transform_indices = #map1}, {transform_indices = #map}]} {
    %mul3A = arith.constant 2 : i32
    %mul3A_0 = arith.muli %arg1, %mul3A : i32
    %add3A = arith.addi %mul3A_0, %arg0 : i32
    %mul3A_1 = arith.constant 64 : i32
    %mul3A_2 = arith.muli %add3A, %mul3A_1 : i32
    "tpu.region"() ({
      %run_scoped3A = tpu.sem_alloc : memref<!tpu.dma_semaphore, #tpu.memory_space<semaphore_mem>>
      %dma_start3A_13 = tpu.memref_slice %arg3[%mul3A_2] : memref<2048xi32, #tpu.memory_space<hbm>> -> memref<64xi32, #tpu.memory_space<hbm>>
      %dma_start3A_14 = tpu.memref_slice %arg3[%mul3A_2] : memref<2048xi32, #tpu.memory_space<hbm>> -> memref<64xi32, #tpu.memory_space<hbm>>
      tpu.enqueue_dma source(%dma_start3A_14 : memref<64xi32, #tpu.memory_space<hbm>>) target(%arg6 : memref<64xi32, #tpu.memory_space<vmem>>) target_semaphore(%run_scoped3A : memref<!tpu.dma_semaphore, #tpu.memory_space<semaphore_mem>>)
      %dma_wait3A_15 = tpu.memref_slice %arg3[%mul3A_2] : memref<2048xi32, #tpu.memory_space<hbm>> -> memref<64xi32, #tpu.memory_space<hbm>>
      %dma_wait3A_16 = tpu.memref_slice %arg3[%mul3A_2] : memref<2048xi32, #tpu.memory_space<hbm>> -> memref<64xi32, #tpu.memory_space<hbm>>
      tpu.wait_dma2 semaphore(%run_scoped3A : memref<!tpu.dma_semaphore, #tpu.memory_space<semaphore_mem>>) src(%dma_wait3A_16 : memref<64xi32, #tpu.memory_space<hbm>>) dst(%arg6 : memref<64xi32, #tpu.memory_space<vmem>>)
      tpu.yield
    }) : () -> ()
    "tpu.region"() ({
      %run_scoped3A = tpu.sem_alloc : memref<!tpu.dma_semaphore, #tpu.memory_space<semaphore_mem>>
      %dma_start3A_13 = tpu.memref_slice %arg4[%mul3A_2] : memref<2048xi32, #tpu.memory_space<hbm>> -> memref<64xi32, #tpu.memory_space<hbm>>
      %dma_start3A_14 = tpu.memref_slice %arg4[%mul3A_2] : memref<2048xi32, #tpu.memory_space<hbm>> -> memref<64xi32, #tpu.memory_space<hbm>>
      tpu.enqueue_dma source(%dma_start3A_14 : memref<64xi32, #tpu.memory_space<hbm>>) target(%arg7 : memref<64xi32, #tpu.memory_space<vmem>>) target_semaphore(%run_scoped3A : memref<!tpu.dma_semaphore, #tpu.memory_space<semaphore_mem>>)
      %dma_wait3A_15 = tpu.memref_slice %arg4[%mul3A_2] : memref<2048xi32, #tpu.memory_space<hbm>> -> memref<64xi32, #tpu.memory_space<hbm>>
      %dma_wait3A_16 = tpu.memref_slice %arg4[%mul3A_2] : memref<2048xi32, #tpu.memory_space<hbm>> -> memref<64xi32, #tpu.memory_space<hbm>>
      tpu.wait_dma2 semaphore(%run_scoped3A : memref<!tpu.dma_semaphore, #tpu.memory_space<semaphore_mem>>) src(%dma_wait3A_16 : memref<64xi32, #tpu.memory_space<hbm>>) dst(%arg7 : memref<64xi32, #tpu.memory_space<vmem>>)
      tpu.yield
    }) : () -> ()
    "tpu.region"() ({
      %run_scoped3A = tpu.sem_alloc : memref<!tpu.dma_semaphore, #tpu.memory_space<semaphore_mem>>
      %dma_start3A_13 = arith.constant 0 : i32
      %dma_start3A_14 = tpu.memref_slice %arg2[%mul3A_2, %dma_start3A_13] : memref<2048x1024xf32, #tpu.memory_space<hbm>> -> memref<64x1024xf32, #tpu.memory_space<hbm>>
      %dma_start3A_15 = arith.constant 0 : i32
      %dma_start3A_16 = tpu.memref_slice %arg2[%mul3A_2, %dma_start3A_15] : memref<2048x1024xf32, #tpu.memory_space<hbm>> -> memref<64x1024xf32, #tpu.memory_space<hbm>>
      tpu.enqueue_dma source(%dma_start3A_16 : memref<64x1024xf32, #tpu.memory_space<hbm>>) target(%arg8 : memref<64x1024xf32, #tpu.memory_space<vmem>>) target_semaphore(%run_scoped3A : memref<!tpu.dma_semaphore, #tpu.memory_space<semaphore_mem>>)
      %dma_wait3A_17 = arith.constant 0 : i32
      %dma_wait3A_18 = tpu.memref_slice %arg2[%mul3A_2, %dma_wait3A_17] : memref<2048x1024xf32, #tpu.memory_space<hbm>> -> memref<64x1024xf32, #tpu.memory_space<hbm>>
      %dma_wait3A_19 = arith.constant 0 : i32
      %dma_wait3A_20 = tpu.memref_slice %arg2[%mul3A_2, %dma_wait3A_19] : memref<2048x1024xf32, #tpu.memory_space<hbm>> -> memref<64x1024xf32, #tpu.memory_space<hbm>>
      tpu.wait_dma2 semaphore(%run_scoped3A : memref<!tpu.dma_semaphore, #tpu.memory_space<semaphore_mem>>) src(%dma_wait3A_20 : memref<64x1024xf32, #tpu.memory_space<hbm>>) dst(%arg8 : memref<64x1024xf32, #tpu.memory_space<vmem>>)
      tpu.yield
    }) : () -> ()
    %dma_start3A = arith.constant 0 : i32
    %dma_start3A_3 = arith.constant 0 : i32
    %dma_start3A_4 = tpu.memref_slice %arg5[%dma_start3A, %dma_start3A_3] : memref<6144x1024xf32, #tpu.memory_space<hbm>> -> memref<6144x1024xf32, #tpu.memory_space<hbm>>
    tpu.enqueue_indirect_dma source(%arg8 : memref<64x1024xf32, #tpu.memory_space<vmem>>) target(%dma_start3A_4 : memref<6144x1024xf32, #tpu.memory_space<hbm>>) offsets(%arg6 : memref<64xi32, #tpu.memory_space<vmem>>) semaphore(%arg9 : memref<!tpu.dma_semaphore, #tpu.memory_space<semaphore_mem>>)
    %dma_start3A_5 = arith.constant 0 : i32
    %dma_start3A_6 = arith.constant 0 : i32
    %dma_start3A_7 = tpu.memref_slice %arg5[%dma_start3A_5, %dma_start3A_6] : memref<6144x1024xf32, #tpu.memory_space<hbm>> -> memref<6144x1024xf32, #tpu.memory_space<hbm>>
    tpu.enqueue_indirect_dma source(%arg8 : memref<64x1024xf32, #tpu.memory_space<vmem>>) target(%dma_start3A_7 : memref<6144x1024xf32, #tpu.memory_space<hbm>>) offsets(%arg7 : memref<64xi32, #tpu.memory_space<vmem>>) semaphore(%arg10 : memref<!tpu.dma_semaphore, #tpu.memory_space<semaphore_mem>>)
    %dma_wait3A = arith.constant 0 : i32
    %dma_wait3A_8 = arith.constant 0 : i32
    %dma_wait3A_9 = tpu.memref_slice %arg5[%dma_wait3A, %dma_wait3A_8] : memref<6144x1024xf32, #tpu.memory_space<hbm>> -> memref<6144x1024xf32, #tpu.memory_space<hbm>>
    tpu.wait_indirect_dma semaphore(%arg9 : memref<!tpu.dma_semaphore, #tpu.memory_space<semaphore_mem>>) src(%arg8 : memref<64x1024xf32, #tpu.memory_space<vmem>>) dst(%dma_wait3A_9 : memref<6144x1024xf32, #tpu.memory_space<hbm>>)
    %dma_wait3A_10 = arith.constant 0 : i32
    %dma_wait3A_11 = arith.constant 0 : i32
    %dma_wait3A_12 = tpu.memref_slice %arg5[%dma_wait3A_10, %dma_wait3A_11] : memref<6144x1024xf32, #tpu.memory_space<hbm>> -> memref<6144x1024xf32, #tpu.memory_space<hbm>>
    tpu.wait_indirect_dma semaphore(%arg10 : memref<!tpu.dma_semaphore, #tpu.memory_space<semaphore_mem>>) src(%arg8 : memref<64x1024xf32, #tpu.memory_space<vmem>>) dst(%dma_wait3A_12 : memref<6144x1024xf32, #tpu.memory_space<hbm>>)
    return
  }
}

#map = affine_map<(d0, d1) -> (0, 0)>
#map1 = affine_map<(d0, d1) -> (0)>
module attributes {stable_mosaic.version = 14 : i64} {
  func.func @_combine_body(%arg0: i32, %arg1: i32, %arg2: memref<6144x1024xf32, #tpu.memory_space<hbm>>, %arg3: memref<2048xi32, #tpu.memory_space<hbm>>, %arg4: memref<2048xi32, #tpu.memory_space<hbm>>, %arg5: memref<2048x16xf32, #tpu.memory_space<hbm>>, %arg6: memref<2048x16xf32, #tpu.memory_space<hbm>>, %arg7: memref<2048x1024xf32, #tpu.memory_space<hbm>>, %arg8: memref<32xi32, #tpu.memory_space<vmem>>, %arg9: memref<32xi32, #tpu.memory_space<vmem>>, %arg10: memref<32x1024xf32, #tpu.memory_space<vmem>>, %arg11: memref<32x1024xf32, #tpu.memory_space<vmem>>, %arg12: memref<32x16xf32, #tpu.memory_space<vmem>>, %arg13: memref<32x16xf32, #tpu.memory_space<vmem>>, %arg14: memref<!tpu.dma_semaphore, #tpu.memory_space<semaphore_mem>>, %arg15: memref<!tpu.dma_semaphore, #tpu.memory_space<semaphore_mem>>) attributes {dimension_semantics = [#tpu.dimension_semantics<core_parallel>, #tpu.dimension_semantics<subcore_parallel>], iteration_bounds = array<i64: 2, 16>, scalar_prefetch = 0 : i64, scratch_operands = 8 : i64, tpu.core_type = #tpu.core_type<sc_vector_subcore>, window_params = [{transform_indices = #map}, {transform_indices = #map1}, {transform_indices = #map1}, {transform_indices = #map}, {transform_indices = #map}, {transform_indices = #map}]} {
    %mul3A = arith.constant 2 : i32
    %mul3A_0 = arith.muli %arg1, %mul3A : i32
    %add3A = arith.addi %mul3A_0, %arg0 : i32
    %mul3A_1 = arith.constant 64 : i32
    %mul3A_2 = arith.muli %add3A, %mul3A_1 : i32
    %add3A_3 = arith.constant 0 : i32
    %add3A_4 = arith.addi %mul3A_2, %add3A_3 : i32
    "tpu.region"() ({
      %run_scoped3A = tpu.sem_alloc : memref<!tpu.dma_semaphore, #tpu.memory_space<semaphore_mem>>
      %dma_start3A_42 = tpu.memref_slice %arg3[%add3A_4] : memref<2048xi32, #tpu.memory_space<hbm>> -> memref<32xi32, #tpu.memory_space<hbm>>
      %dma_start3A_43 = tpu.memref_slice %arg3[%add3A_4] : memref<2048xi32, #tpu.memory_space<hbm>> -> memref<32xi32, #tpu.memory_space<hbm>>
      tpu.enqueue_dma source(%dma_start3A_43 : memref<32xi32, #tpu.memory_space<hbm>>) target(%arg8 : memref<32xi32, #tpu.memory_space<vmem>>) target_semaphore(%run_scoped3A : memref<!tpu.dma_semaphore, #tpu.memory_space<semaphore_mem>>)
      %dma_wait3A_44 = tpu.memref_slice %arg3[%add3A_4] : memref<2048xi32, #tpu.memory_space<hbm>> -> memref<32xi32, #tpu.memory_space<hbm>>
      %dma_wait3A_45 = tpu.memref_slice %arg3[%add3A_4] : memref<2048xi32, #tpu.memory_space<hbm>> -> memref<32xi32, #tpu.memory_space<hbm>>
      tpu.wait_dma2 semaphore(%run_scoped3A : memref<!tpu.dma_semaphore, #tpu.memory_space<semaphore_mem>>) src(%dma_wait3A_45 : memref<32xi32, #tpu.memory_space<hbm>>) dst(%arg8 : memref<32xi32, #tpu.memory_space<vmem>>)
      tpu.yield
    }) : () -> ()
    "tpu.region"() ({
      %run_scoped3A = tpu.sem_alloc : memref<!tpu.dma_semaphore, #tpu.memory_space<semaphore_mem>>
      %dma_start3A_42 = tpu.memref_slice %arg4[%add3A_4] : memref<2048xi32, #tpu.memory_space<hbm>> -> memref<32xi32, #tpu.memory_space<hbm>>
      %dma_start3A_43 = tpu.memref_slice %arg4[%add3A_4] : memref<2048xi32, #tpu.memory_space<hbm>> -> memref<32xi32, #tpu.memory_space<hbm>>
      tpu.enqueue_dma source(%dma_start3A_43 : memref<32xi32, #tpu.memory_space<hbm>>) target(%arg9 : memref<32xi32, #tpu.memory_space<vmem>>) target_semaphore(%run_scoped3A : memref<!tpu.dma_semaphore, #tpu.memory_space<semaphore_mem>>)
      %dma_wait3A_44 = tpu.memref_slice %arg4[%add3A_4] : memref<2048xi32, #tpu.memory_space<hbm>> -> memref<32xi32, #tpu.memory_space<hbm>>
      %dma_wait3A_45 = tpu.memref_slice %arg4[%add3A_4] : memref<2048xi32, #tpu.memory_space<hbm>> -> memref<32xi32, #tpu.memory_space<hbm>>
      tpu.wait_dma2 semaphore(%run_scoped3A : memref<!tpu.dma_semaphore, #tpu.memory_space<semaphore_mem>>) src(%dma_wait3A_45 : memref<32xi32, #tpu.memory_space<hbm>>) dst(%arg9 : memref<32xi32, #tpu.memory_space<vmem>>)
      tpu.yield
    }) : () -> ()
    "tpu.region"() ({
      %run_scoped3A = tpu.sem_alloc : memref<!tpu.dma_semaphore, #tpu.memory_space<semaphore_mem>>
      %dma_start3A_42 = arith.constant 0 : i32
      %dma_start3A_43 = tpu.memref_slice %arg5[%add3A_4, %dma_start3A_42] : memref<2048x16xf32, #tpu.memory_space<hbm>> -> memref<32x16xf32, #tpu.memory_space<hbm>>
      %dma_start3A_44 = arith.constant 0 : i32
      %dma_start3A_45 = tpu.memref_slice %arg5[%add3A_4, %dma_start3A_44] : memref<2048x16xf32, #tpu.memory_space<hbm>> -> memref<32x16xf32, #tpu.memory_space<hbm>>
      tpu.enqueue_dma source(%dma_start3A_45 : memref<32x16xf32, #tpu.memory_space<hbm>>) target(%arg12 : memref<32x16xf32, #tpu.memory_space<vmem>>) target_semaphore(%run_scoped3A : memref<!tpu.dma_semaphore, #tpu.memory_space<semaphore_mem>>)
      %dma_wait3A_46 = arith.constant 0 : i32
      %dma_wait3A_47 = tpu.memref_slice %arg5[%add3A_4, %dma_wait3A_46] : memref<2048x16xf32, #tpu.memory_space<hbm>> -> memref<32x16xf32, #tpu.memory_space<hbm>>
      %dma_wait3A_48 = arith.constant 0 : i32
      %dma_wait3A_49 = tpu.memref_slice %arg5[%add3A_4, %dma_wait3A_48] : memref<2048x16xf32, #tpu.memory_space<hbm>> -> memref<32x16xf32, #tpu.memory_space<hbm>>
      tpu.wait_dma2 semaphore(%run_scoped3A : memref<!tpu.dma_semaphore, #tpu.memory_space<semaphore_mem>>) src(%dma_wait3A_49 : memref<32x16xf32, #tpu.memory_space<hbm>>) dst(%arg12 : memref<32x16xf32, #tpu.memory_space<vmem>>)
      tpu.yield
    }) : () -> ()
    "tpu.region"() ({
      %run_scoped3A = tpu.sem_alloc : memref<!tpu.dma_semaphore, #tpu.memory_space<semaphore_mem>>
      %dma_start3A_42 = arith.constant 0 : i32
      %dma_start3A_43 = tpu.memref_slice %arg6[%add3A_4, %dma_start3A_42] : memref<2048x16xf32, #tpu.memory_space<hbm>> -> memref<32x16xf32, #tpu.memory_space<hbm>>
      %dma_start3A_44 = arith.constant 0 : i32
      %dma_start3A_45 = tpu.memref_slice %arg6[%add3A_4, %dma_start3A_44] : memref<2048x16xf32, #tpu.memory_space<hbm>> -> memref<32x16xf32, #tpu.memory_space<hbm>>
      tpu.enqueue_dma source(%dma_start3A_45 : memref<32x16xf32, #tpu.memory_space<hbm>>) target(%arg13 : memref<32x16xf32, #tpu.memory_space<vmem>>) target_semaphore(%run_scoped3A : memref<!tpu.dma_semaphore, #tpu.memory_space<semaphore_mem>>)
      %dma_wait3A_46 = arith.constant 0 : i32
      %dma_wait3A_47 = tpu.memref_slice %arg6[%add3A_4, %dma_wait3A_46] : memref<2048x16xf32, #tpu.memory_space<hbm>> -> memref<32x16xf32, #tpu.memory_space<hbm>>
      %dma_wait3A_48 = arith.constant 0 : i32
      %dma_wait3A_49 = tpu.memref_slice %arg6[%add3A_4, %dma_wait3A_48] : memref<2048x16xf32, #tpu.memory_space<hbm>> -> memref<32x16xf32, #tpu.memory_space<hbm>>
      tpu.wait_dma2 semaphore(%run_scoped3A : memref<!tpu.dma_semaphore, #tpu.memory_space<semaphore_mem>>) src(%dma_wait3A_49 : memref<32x16xf32, #tpu.memory_space<hbm>>) dst(%arg13 : memref<32x16xf32, #tpu.memory_space<vmem>>)
      tpu.yield
    }) : () -> ()
    %dma_start3A = arith.constant 0 : i32
    %dma_start3A_5 = arith.constant 0 : i32
    %dma_start3A_6 = tpu.memref_slice %arg2[%dma_start3A, %dma_start3A_5] : memref<6144x1024xf32, #tpu.memory_space<hbm>> -> memref<6144x1024xf32, #tpu.memory_space<hbm>>
    tpu.enqueue_indirect_dma source(%dma_start3A_6 : memref<6144x1024xf32, #tpu.memory_space<hbm>>) target(%arg10 : memref<32x1024xf32, #tpu.memory_space<vmem>>) offsets(%arg8 : memref<32xi32, #tpu.memory_space<vmem>>) semaphore(%arg14 : memref<!tpu.dma_semaphore, #tpu.memory_space<semaphore_mem>>)
    %dma_start3A_7 = arith.constant 0 : i32
    %dma_start3A_8 = arith.constant 0 : i32
    %dma_start3A_9 = tpu.memref_slice %arg2[%dma_start3A_7, %dma_start3A_8] : memref<6144x1024xf32, #tpu.memory_space<hbm>> -> memref<6144x1024xf32, #tpu.memory_space<hbm>>
    tpu.enqueue_indirect_dma source(%dma_start3A_9 : memref<6144x1024xf32, #tpu.memory_space<hbm>>) target(%arg11 : memref<32x1024xf32, #tpu.memory_space<vmem>>) offsets(%arg9 : memref<32xi32, #tpu.memory_space<vmem>>) semaphore(%arg15 : memref<!tpu.dma_semaphore, #tpu.memory_space<semaphore_mem>>)
    %dma_wait3A = arith.constant 0 : i32
    %dma_wait3A_10 = arith.constant 0 : i32
    %dma_wait3A_11 = tpu.memref_slice %arg2[%dma_wait3A, %dma_wait3A_10] : memref<6144x1024xf32, #tpu.memory_space<hbm>> -> memref<6144x1024xf32, #tpu.memory_space<hbm>>
    tpu.wait_indirect_dma semaphore(%arg14 : memref<!tpu.dma_semaphore, #tpu.memory_space<semaphore_mem>>) src(%dma_wait3A_11 : memref<6144x1024xf32, #tpu.memory_space<hbm>>) dst(%arg10 : memref<32x1024xf32, #tpu.memory_space<vmem>>)
    %dma_wait3A_12 = arith.constant 0 : i32
    %dma_wait3A_13 = arith.constant 0 : i32
    %dma_wait3A_14 = tpu.memref_slice %arg2[%dma_wait3A_12, %dma_wait3A_13] : memref<6144x1024xf32, #tpu.memory_space<hbm>> -> memref<6144x1024xf32, #tpu.memory_space<hbm>>
    tpu.wait_indirect_dma semaphore(%arg15 : memref<!tpu.dma_semaphore, #tpu.memory_space<semaphore_mem>>) src(%dma_wait3A_14 : memref<6144x1024xf32, #tpu.memory_space<hbm>>) dst(%arg11 : memref<32x1024xf32, #tpu.memory_space<vmem>>)
    %scan3A = arith.constant 0 : i32
    %scan3A_15 = arith.constant 0 : i32
    %scan3A_16 = arith.constant 32 : i32
    %scan3A_17 = arith.addi %scan3A_15, %scan3A_16 : i32
    %scan3A_18 = arith.constant 1 : i32
    scf.for %scan3A_42 = %scan3A_15 to %scan3A_17 step %scan3A_18  : i32 {
      %get3A = arith.index_cast %scan3A_42 : i32 to index
      %get3A_43 = arith.constant 0 : index
      %get3A_44 = tpu.vector_load %arg12[%get3A, %get3A_43] {strides = array<i32>} : memref<32x16xf32, #tpu.memory_space<vmem>>, vector<1x16xf32>,
      %get3A_45 = vector.shape_cast %get3A_44 : vector<1x16xf32> to vector<16xf32>
      %get3A_46 = arith.index_cast %scan3A_42 : i32 to index
      %get3A_47 = arith.constant 0 : index
      %get3A_48 = tpu.vector_load %arg13[%get3A_46, %get3A_47] {strides = array<i32>} : memref<32x16xf32, #tpu.memory_space<vmem>>, vector<1x16xf32>,
      %get3A_49 = vector.shape_cast %get3A_48 : vector<1x16xf32> to vector<16xf32>
      %get3A_50 = arith.index_cast %scan3A_42 : i32 to index
      %get3A_51 = arith.constant 0 : index
      %get3A_52 = tpu.vector_load %arg10[%get3A_50, %get3A_51] {strides = array<i32>} : memref<32x1024xf32, #tpu.memory_space<vmem>>, vector<1x16xf32>,
      %get3A_53 = vector.shape_cast %get3A_52 : vector<1x16xf32> to vector<16xf32>
      %mul3A_54 = arith.mulf %get3A_53, %get3A_45 : vector<16xf32>
      %get3A_55 = arith.index_cast %scan3A_42 : i32 to index
      %get3A_56 = arith.constant 0 : index
      %get3A_57 = tpu.vector_load %arg11[%get3A_55, %get3A_56] {strides = array<i32>} : memref<32x1024xf32, #tpu.memory_space<vmem>>, vector<1x16xf32>,
      %get3A_58 = vector.shape_cast %get3A_57 : vector<1x16xf32> to vector<16xf32>
      %mul3A_59 = arith.mulf %get3A_58, %get3A_49 : vector<16xf32>
      %add3A_60 = arith.addf %mul3A_54, %mul3A_59 : vector<16xf32>
      %swap3A = arith.index_cast %scan3A_42 : i32 to index
      %swap3A_61 = arith.constant 0 : index
      %swap3A_62 = tpu.vector_load %arg10[%swap3A, %swap3A_61] {strides = array<i32>} : memref<32x1024xf32, #tpu.memory_space<vmem>>, vector<1x16xf32>,
      %swap3A_63 = vector.shape_cast %swap3A_62 : vector<1x16xf32> to vector<16xf32>
      %swap3A_64 = vector.shape_cast %add3A_60 : vector<16xf32> to vector<1x16xf32>
      tpu.vector_store %arg10[%swap3A, %swap3A_61], %swap3A_64 {strides = array<i32>} : memref<32x1024xf32, #tpu.memory_space<vmem>>, vector<1x16xf32>,
      %get3A_65 = arith.index_cast %scan3A_42 : i32 to index
      %get3A_66 = arith.constant 16 : index
      %get3A_67 = tpu.vector_load %arg10[%get3A_65, %get3A_66] {strides = array<i32>} : memref<32x1024xf32, #tpu.memory_space<vmem>>, vector<1x16xf32>,
      %get3A_68 = vector.shape_cast %get3A_67 : vector<1x16xf32> to vector<16xf32>
      %mul3A_69 = arith.mulf %get3A_68, %get3A_45 : vector<16xf32>
      %get3A_70 = arith.index_cast %scan3A_42 : i32 to index
      %get3A_71 = arith.constant 16 : index
      %get3A_72 = tpu.vector_load %arg11[%get3A_70, %get3A_71] {strides = array<i32>} : memref<32x1024xf32, #tpu.memory_space<vmem>>, vector<1x16xf32>,
      %get3A_73 = vector.shape_cast %get3A_72 : vector<1x16xf32> to vector<16xf32>
      %mul3A_74 = arith.mulf %get3A_73, %get3A_49 : vector<16xf32>
      %add3A_75 = arith.addf %mul3A_69, %mul3A_74 : vector<16xf32>
      %swap3A_76 = arith.index_cast %scan3A_42 : i32 to index
      %swap3A_77 = arith.constant 16 : index
      %swap3A_78 = tpu.vector_load %arg10[%swap3A_76, %swap3A_77] {strides = array<i32>} : memref<32x1024xf32, #tpu.memory_space<vmem>>, vector<1x16xf32>,
      %swap3A_79 = vector.shape_cast %swap3A_78 : vector<1x16xf32> to vector<16xf32>
      %swap3A_80 = vector.shape_cast %add3A_75 : vector<16xf32> to vector<1x16xf32>
      tpu.vector_store %arg10[%swap3A_76, %swap3A_77], %swap3A_80 {strides = array<i32>} : memref<32x1024xf32, #tpu.memory_space<vmem>>, vector<1x16xf32>,
      %get3A_81 = arith.index_cast %scan3A_42 : i32 to index
      %get3A_82 = arith.constant 32 : index
      %get3A_83 = tpu.vector_load %arg10[%get3A_81, %get3A_82] {strides = array<i32>} : memref<32x1024xf32, #tpu.memory_space<vmem>>, vector<1x16xf32>,
      %get3A_84 = vector.shape_cast %get3A_83 : vector<1x16xf32> to vector<16xf32>
      %mul3A_85 = arith.mulf %get3A_84, %get3A_45 : vector<16xf32>
      %get3A_86 = arith.index_cast %scan3A_42 : i32 to index
      %get3A_87 = arith.constant 32 : index
      %get3A_88 = tpu.vector_load %arg11[%get3A_86, %get3A_87] {strides = array<i32>} : memref<32x1024xf32, #tpu.memory_space<vmem>>, vector<1x16xf32>,
      %get3A_89 = vector.shape_cast %get3A_88 : vector<1x16xf32> to vector<16xf32>
      %mul3A_90 = arith.mulf %get3A_89, %get3A_49 : vector<16xf32>
      %add3A_91 = arith.addf %mul3A_85, %mul3A_90 : vector<16xf32>
      %swap3A_92 = arith.index_cast %scan3A_42 : i32 to index
      %swap3A_93 = arith.constant 32 : index
      %swap3A_94 = tpu.vector_load %arg10[%swap3A_92, %swap3A_93] {strides = array<i32>} : memref<32x1024xf32, #tpu.memory_space<vmem>>, vector<1x16xf32>,
      %swap3A_95 = vector.shape_cast %swap3A_94 : vector<1x16xf32> to vector<16xf32>
      %swap3A_96 = vector.shape_cast %add3A_91 : vector<16xf32> to vector<1x16xf32>
      tpu.vector_store %arg10[%swap3A_92, %swap3A_93], %swap3A_96 {strides = array<i32>} : memref<32x1024xf32, #tpu.memory_space<vmem>>, vector<1x16xf32>,
      %get3A_97 = arith.index_cast %scan3A_42 : i32 to index
      %get3A_98 = arith.constant 48 : index
      %get3A_99 = tpu.vector_load %arg10[%get3A_97, %get3A_98] {strides = array<i32>} : memref<32x1024xf32, #tpu.memory_space<vmem>>, vector<1x16xf32>,
      %get3A_100 = vector.shape_cast %get3A_99 : vector<1x16xf32> to vector<16xf32>
      %mul3A_101 = arith.mulf %get3A_100, %get3A_45 : vector<16xf32>
      %get3A_102 = arith.index_cast %scan3A_42 : i32 to index
      %get3A_103 = arith.constant 48 : index
      %get3A_104 = tpu.vector_load %arg11[%get3A_102, %get3A_103] {strides = array<i32>} : memref<32x1024xf32, #tpu.memory_space<vmem>>, vector<1x16xf32>,
      %get3A_105 = vector.shape_cast %get3A_104 : vector<1x16xf32> to vector<16xf32>
      %mul3A_106 = arith.mulf %get3A_105, %get3A_49 : vector<16xf32>
      %add3A_107 = arith.addf %mul3A_101, %mul3A_106 : vector<16xf32>
      %swap3A_108 = arith.index_cast %scan3A_42 : i32 to index
      %swap3A_109 = arith.constant 48 : index
      %swap3A_110 = tpu.vector_load %arg10[%swap3A_108, %swap3A_109] {strides = array<i32>} : memref<32x1024xf32, #tpu.memory_space<vmem>>, vector<1x16xf32>,
      %swap3A_111 = vector.shape_cast %swap3A_110 : vector<1x16xf32> to vector<16xf32>
      %swap3A_112 = vector.shape_cast %add3A_107 : vector<16xf32> to vector<1x16xf32>
      tpu.vector_store %arg10[%swap3A_108, %swap3A_109], %swap3A_112 {strides = array<i32>} : memref<32x1024xf32, #tpu.memory_space<vmem>>, vector<1x16xf32>,
      %get3A_113 = arith.index_cast %scan3A_42 : i32 to index
      %get3A_114 = arith.constant 64 : index
      %get3A_115 = tpu.vector_load %arg10[%get3A_113, %get3A_114] {strides = array<i32>} : memref<32x1024xf32, #tpu.memory_space<vmem>>, vector<1x16xf32>,
      %get3A_116 = vector.shape_cast %get3A_115 : vector<1x16xf32> to vector<16xf32>
      %mul3A_117 = arith.mulf %get3A_116, %get3A_45 : vector<16xf32>
      %get3A_118 = arith.index_cast %scan3A_42 : i32 to index
      %get3A_119 = arith.constant 64 : index
      %get3A_120 = tpu.vector_load %arg11[%get3A_118, %get3A_119] {strides = array<i32>} : memref<32x1024xf32, #tpu.memory_space<vmem>>, vector<1x16xf32>,
      %get3A_121 = vector.shape_cast %get3A_120 : vector<1x16xf32> to vector<16xf32>
      %mul3A_122 = arith.mulf %get3A_121, %get3A_49 : vector<16xf32>
      %add3A_123 = arith.addf %mul3A_117, %mul3A_122 : vector<16xf32>
      %swap3A_124 = arith.index_cast %scan3A_42 : i32 to index
      %swap3A_125 = arith.constant 64 : index
      %swap3A_126 = tpu.vector_load %arg10[%swap3A_124, %swap3A_125] {strides = array<i32>} : memref<32x1024xf32, #tpu.memory_space<vmem>>, vector<1x16xf32>,
      %swap3A_127 = vector.shape_cast %swap3A_126 : vector<1x16xf32> to vector<16xf32>
      %swap3A_128 = vector.shape_cast %add3A_123 : vector<16xf32> to vector<1x16xf32>
      tpu.vector_store %arg10[%swap3A_124, %swap3A_125], %swap3A_128 {strides = array<i32>} : memref<32x1024xf32, #tpu.memory_space<vmem>>, vector<1x16xf32>,
      %get3A_129 = arith.index_cast %scan3A_42 : i32 to index
      %get3A_130 = arith.constant 80 : index
      %get3A_131 = tpu.vector_load %arg10[%get3A_129, %get3A_130] {strides = array<i32>} : memref<32x1024xf32, #tpu.memory_space<vmem>>, vector<1x16xf32>,
      %get3A_132 = vector.shape_cast %get3A_131 : vector<1x16xf32> to vector<16xf32>
      %mul3A_133 = arith.mulf %get3A_132, %get3A_45 : vector<16xf32>
      %get3A_134 = arith.index_cast %scan3A_42 : i32 to index
      %get3A_135 = arith.constant 80 : index
      %get3A_136 = tpu.vector_load %arg11[%get3A_134, %get3A_135] {strides = array<i32>} : memref<32x1024xf32, #tpu.memory_space<vmem>>, vector<1x16xf32>,
      %get3A_137 = vector.shape_cast %get3A_136 : vector<1x16xf32> to vector<16xf32>
      %mul3A_138 = arith.mulf %get3A_137, %get3A_49 : vector<16xf32>
      %add3A_139 = arith.addf %mul3A_133, %mul3A_138 : vector<16xf32>
      %swap3A_140 = arith.index_cast %scan3A_42 : i32 to index
      %swap3A_141 = arith.constant 80 : index
      %swap3A_142 = tpu.vector_load %arg10[%swap3A_140, %swap3A_141] {strides = array<i32>} : memref<32x1024xf32, #tpu.memory_space<vmem>>, vector<1x16xf32>,
      %swap3A_143 = vector.shape_cast %swap3A_142 : vector<1x16xf32> to vector<16xf32>
      %swap3A_144 = vector.shape_cast %add3A_139 : vector<16xf32> to vector<1x16xf32>
      tpu.vector_store %arg10[%swap3A_140, %swap3A_141], %swap3A_144 {strides = array<i32>} : memref<32x1024xf32, #tpu.memory_space<vmem>>, vector<1x16xf32>,
      %get3A_145 = arith.index_cast %scan3A_42 : i32 to index
      %get3A_146 = arith.constant 96 : index
      %get3A_147 = tpu.vector_load %arg10[%get3A_145, %get3A_146] {strides = array<i32>} : memref<32x1024xf32, #tpu.memory_space<vmem>>, vector<1x16xf32>,
      %get3A_148 = vector.shape_cast %get3A_147 : vector<1x16xf32> to vector<16xf32>
      %mul3A_149 = arith.mulf %get3A_148, %get3A_45 : vector<16xf32>
      %get3A_150 = arith.index_cast %scan3A_42 : i32 to index
      %get3A_151 = arith.constant 96 : index
      %get3A_152 = tpu.vector_load %arg11[%get3A_150, %get3A_151] {strides = array<i32>} : memref<32x1024xf32, #tpu.memory_space<vmem>>, vector<1x16xf32>,
      %get3A_153 = vector.shape_cast %get3A_152 : vector<1x16xf32> to vector<16xf32>
      %mul3A_154 = arith.mulf %get3A_153, %get3A_49 : vector<16xf32>
      %add3A_155 = arith.addf %mul3A_149, %mul3A_154 : vector<16xf32>
      %swap3A_156 = arith.index_cast %scan3A_42 : i32 to index
      %swap3A_157 = arith.constant 96 : index
      %swap3A_158 = tpu.vector_load %arg10[%swap3A_156, %swap3A_157] {strides = array<i32>} : memref<32x1024xf32, #tpu.memory_space<vmem>>, vector<1x16xf32>,
      %swap3A_159 = vector.shape_cast %swap3A_158 : vector<1x16xf32> to vector<16xf32>
      %swap3A_160 = vector.shape_cast %add3A_155 : vector<16xf32> to vector<1x16xf32>
      tpu.vector_store %arg10[%swap3A_156, %swap3A_157], %swap3A_160 {strides = array<i32>} : memref<32x1024xf32, #tpu.memory_space<vmem>>, vector<1x16xf32>,
      %get3A_161 = arith.index_cast %scan3A_42 : i32 to index
      %get3A_162 = arith.constant 112 : index
      %get3A_163 = tpu.vector_load %arg10[%get3A_161, %get3A_162] {strides = array<i32>} : memref<32x1024xf32, #tpu.memory_space<vmem>>, vector<1x16xf32>,
      %get3A_164 = vector.shape_cast %get3A_163 : vector<1x16xf32> to vector<16xf32>
      %mul3A_165 = arith.mulf %get3A_164, %get3A_45 : vector<16xf32>
      %get3A_166 = arith.index_cast %scan3A_42 : i32 to index
      %get3A_167 = arith.constant 112 : index
      %get3A_168 = tpu.vector_load %arg11[%get3A_166, %get3A_167] {strides = array<i32>} : memref<32x1024xf32, #tpu.memory_space<vmem>>, vector<1x16xf32>,
      %get3A_169 = vector.shape_cast %get3A_168 : vector<1x16xf32> to vector<16xf32>
      %mul3A_170 = arith.mulf %get3A_169, %get3A_49 : vector<16xf32>
      %add3A_171 = arith.addf %mul3A_165, %mul3A_170 : vector<16xf32>
      %swap3A_172 = arith.index_cast %scan3A_42 : i32 to index
      %swap3A_173 = arith.constant 112 : index
      %swap3A_174 = tpu.vector_load %arg10[%swap3A_172, %swap3A_173] {strides = array<i32>} : memref<32x1024xf32, #tpu.memory_space<vmem>>, vector<1x16xf32>,
      %swap3A_175 = vector.shape_cast %swap3A_174 : vector<1x16xf32> to vector<16xf32>
      %swap3A_176 = vector.shape_cast %add3A_171 : vector<16xf32> to vector<1x16xf32>
      tpu.vector_store %arg10[%swap3A_172, %swap3A_173], %swap3A_176 {strides = array<i32>} : memref<32x1024xf32, #tpu.memory_space<vmem>>, vector<1x16xf32>,
      %get3A_177 = arith.index_cast %scan3A_42 : i32 to index
      %get3A_178 = arith.constant 128 : index
      %get3A_179 = tpu.vector_load %arg10[%get3A_177, %get3A_178] {strides = array<i32>} : memref<32x1024xf32, #tpu.memory_space<vmem>>, vector<1x16xf32>,
      %get3A_180 = vector.shape_cast %get3A_179 : vector<1x16xf32> to vector<16xf32>
      %mul3A_181 = arith.mulf %get3A_180, %get3A_45 : vector<16xf32>
      %get3A_182 = arith.index_cast %scan3A_42 : i32 to index
      %get3A_183 = arith.constant 128 : index
      %get3A_184 = tpu.vector_load %arg11[%get3A_182, %get3A_183] {strides = array<i32>} : memref<32x1024xf32, #tpu.memory_space<vmem>>, vector<1x16xf32>,
      %get3A_185 = vector.shape_cast %get3A_184 : vector<1x16xf32> to vector<16xf32>
      %mul3A_186 = arith.mulf %get3A_185, %get3A_49 : vector<16xf32>
      %add3A_187 = arith.addf %mul3A_181, %mul3A_186 : vector<16xf32>
      %swap3A_188 = arith.index_cast %scan3A_42 : i32 to index
      %swap3A_189 = arith.constant 128 : index
      %swap3A_190 = tpu.vector_load %arg10[%swap3A_188, %swap3A_189] {strides = array<i32>} : memref<32x1024xf32, #tpu.memory_space<vmem>>, vector<1x16xf32>,
      %swap3A_191 = vector.shape_cast %swap3A_190 : vector<1x16xf32> to vector<16xf32>
      %swap3A_192 = vector.shape_cast %add3A_187 : vector<16xf32> to vector<1x16xf32>
      tpu.vector_store %arg10[%swap3A_188, %swap3A_189], %swap3A_192 {strides = array<i32>} : memref<32x1024xf32, #tpu.memory_space<vmem>>, vector<1x16xf32>,
      %get3A_193 = arith.index_cast %scan3A_42 : i32 to index
      %get3A_194 = arith.constant 144 : index
      %get3A_195 = tpu.vector_load %arg10[%get3A_193, %get3A_194] {strides = array<i32>} : memref<32x1024xf32, #tpu.memory_space<vmem>>, vector<1x16xf32>,
      %get3A_196 = vector.shape_cast %get3A_195 : vector<1x16xf32> to vector<16xf32>
      %mul3A_197 = arith.mulf %get3A_196, %get3A_45 : vector<16xf32>
      %get3A_198 = arith.index_cast %scan3A_42 : i32 to index
      %get3A_199 = arith.constant 144 : index
      %get3A_200 = tpu.vector_load %arg11[%get3A_198, %get3A_199] {strides = array<i32>} : memref<32x1024xf32, #tpu.memory_space<vmem>>, vector<1x16xf32>,
      %get3A_201 = vector.shape_cast %get3A_200 : vector<1x16xf32> to vector<16xf32>
      %mul3A_202 = arith.mulf %get3A_201, %get3A_49 : vector<16xf32>
      %add3A_203 = arith.addf %mul3A_197, %mul3A_202 : vector<16xf32>
      %swap3A_204 = arith.index_cast %scan3A_42 : i32 to index
      %swap3A_205 = arith.constant 144 : index
      %swap3A_206 = tpu.vector_load %arg10[%swap3A_204, %swap3A_205] {strides = array<i32>} : memref<32x1024xf32, #tpu.memory_space<vmem>>, vector<1x16xf32>,
      %swap3A_207 = vector.shape_cast %swap3A_206 : vector<1x16xf32> to vector<16xf32>
      %swap3A_208 = vector.shape_cast %add3A_203 : vector<16xf32> to vector<1x16xf32>
      tpu.vector_store %arg10[%swap3A_204, %swap3A_205], %swap3A_208 {strides = array<i32>} : memref<32x1024xf32, #tpu.memory_space<vmem>>, vector<1x16xf32>,
      %get3A_209 = arith.index_cast %scan3A_42 : i32 to index
      %get3A_210 = arith.constant 160 : index
      %get3A_211 = tpu.vector_load %arg10[%get3A_209, %get3A_210] {strides = array<i32>} : memref<32x1024xf32, #tpu.memory_space<vmem>>, vector<1x16xf32>,
      %get3A_212 = vector.shape_cast %get3A_211 : vector<1x16xf32> to vector<16xf32>
      %mul3A_213 = arith.mulf %get3A_212, %get3A_45 : vector<16xf32>
      %get3A_214 = arith.index_cast %scan3A_42 : i32 to index
      %get3A_215 = arith.constant 160 : index
      %get3A_216 = tpu.vector_load %arg11[%get3A_214, %get3A_215] {strides = array<i32>} : memref<32x1024xf32, #tpu.memory_space<vmem>>, vector<1x16xf32>,
      %get3A_217 = vector.shape_cast %get3A_216 : vector<1x16xf32> to vector<16xf32>
      %mul3A_218 = arith.mulf %get3A_217, %get3A_49 : vector<16xf32>
      %add3A_219 = arith.addf %mul3A_213, %mul3A_218 : vector<16xf32>
      %swap3A_220 = arith.index_cast %scan3A_42 : i32 to index
      %swap3A_221 = arith.constant 160 : index
      %swap3A_222 = tpu.vector_load %arg10[%swap3A_220, %swap3A_221] {strides = array<i32>} : memref<32x1024xf32, #tpu.memory_space<vmem>>, vector<1x16xf32>,
      %swap3A_223 = vector.shape_cast %swap3A_222 : vector<1x16xf32> to vector<16xf32>
      %swap3A_224 = vector.shape_cast %add3A_219 : vector<16xf32> to vector<1x16xf32>
      tpu.vector_store %arg10[%swap3A_220, %swap3A_221], %swap3A_224 {strides = array<i32>} : memref<32x1024xf32, #tpu.memory_space<vmem>>, vector<1x16xf32>,
      %get3A_225 = arith.index_cast %scan3A_42 : i32 to index
      %get3A_226 = arith.constant 176 : index
      %get3A_227 = tpu.vector_load %arg10[%get3A_225, %get3A_226] {strides = array<i32>} : memref<32x1024xf32, #tpu.memory_space<vmem>>, vector<1x16xf32>,
      %get3A_228 = vector.shape_cast %get3A_227 : vector<1x16xf32> to vector<16xf32>
      %mul3A_229 = arith.mulf %get3A_228, %get3A_45 : vector<16xf32>
      %get3A_230 = arith.index_cast %scan3A_42 : i32 to index
      %get3A_231 = arith.constant 176 : index
      %get3A_232 = tpu.vector_load %arg11[%get3A_230, %get3A_231] {strides = array<i32>} : memref<32x1024xf32, #tpu.memory_space<vmem>>, vector<1x16xf32>,
      %get3A_233 = vector.shape_cast %get3A_232 : vector<1x16xf32> to vector<16xf32>
      %mul3A_234 = arith.mulf %get3A_233, %get3A_49 : vector<16xf32>
      %add3A_235 = arith.addf %mul3A_229, %mul3A_234 : vector<16xf32>
      %swap3A_236 = arith.index_cast %scan3A_42 : i32 to index
      %swap3A_237 = arith.constant 176 : index
      %swap3A_238 = tpu.vector_load %arg10[%swap3A_236, %swap3A_237] {strides = array<i32>} : memref<32x1024xf32, #tpu.memory_space<vmem>>, vector<1x16xf32>,
      %swap3A_239 = vector.shape_cast %swap3A_238 : vector<1x16xf32> to vector<16xf32>
      %swap3A_240 = vector.shape_cast %add3A_235 : vector<16xf32> to vector<1x16xf32>
      tpu.vector_store %arg10[%swap3A_236, %swap3A_237], %swap3A_240 {strides = array<i32>} : memref<32x1024xf32, #tpu.memory_space<vmem>>, vector<1x16xf32>,
      %get3A_241 = arith.index_cast %scan3A_42 : i32 to index
      %get3A_242 = arith.constant 192 : index
      %get3A_243 = tpu.vector_load %arg10[%get3A_241, %get3A_242] {strides = array<i32>} : memref<32x1024xf32, #tpu.memory_space<vmem>>, vector<1x16xf32>,
      %get3A_244 = vector.shape_cast %get3A_243 : vector<1x16xf32> to vector<16xf32>
      %mul3A_245 = arith.mulf %get3A_244, %get3A_45 : vector<16xf32>
      %get3A_246 = arith.index_cast %scan3A_42 : i32 to index
      %get3A_247 = arith.constant 192 : index
      %get3A_248 = tpu.vector_load %arg11[%get3A_246, %get3A_247] {strides = array<i32>} : memref<32x1024xf32, #tpu.memory_space<vmem>>, vector<1x16xf32>,
      %get3A_249 = vector.shape_cast %get3A_248 : vector<1x16xf32> to vector<16xf32>
      %mul3A_250 = arith.mulf %get3A_249, %get3A_49 : vector<16xf32>
      %add3A_251 = arith.addf %mul3A_245, %mul3A_250 : vector<16xf32>
      %swap3A_252 = arith.index_cast %scan3A_42 : i32 to index
      %swap3A_253 = arith.constant 192 : index
      %swap3A_254 = tpu.vector_load %arg10[%swap3A_252, %swap3A_253] {strides = array<i32>} : memref<32x1024xf32, #tpu.memory_space<vmem>>, vector<1x16xf32>,
      %swap3A_255 = vector.shape_cast %swap3A_254 : vector<1x16xf32> to vector<16xf32>
      %swap3A_256 = vector.shape_cast %add3A_251 : vector<16xf32> to vector<1x16xf32>
      tpu.vector_store %arg10[%swap3A_252, %swap3A_253], %swap3A_256 {strides = array<i32>} : memref<32x1024xf32, #tpu.memory_space<vmem>>, vector<1x16xf32>,
      %get3A_257 = arith.index_cast %scan3A_42 : i32 to index
      %get3A_258 = arith.constant 208 : index
      %get3A_259 = tpu.vector_load %arg10[%get3A_257, %get3A_258] {strides = array<i32>} : memref<32x1024xf32, #tpu.memory_space<vmem>>, vector<1x16xf32>,
      %get3A_260 = vector.shape_cast %get3A_259 : vector<1x16xf32> to vector<16xf32>
      %mul3A_261 = arith.mulf %get3A_260, %get3A_45 : vector<16xf32>
      %get3A_262 = arith.index_cast %scan3A_42 : i32 to index
      %get3A_263 = arith.constant 208 : index
      %get3A_264 = tpu.vector_load %arg11[%get3A_262, %get3A_263] {strides = array<i32>} : memref<32x1024xf32, #tpu.memory_space<vmem>>, vector<1x16xf32>,
      %get3A_265 = vector.shape_cast %get3A_264 : vector<1x16xf32> to vector<16xf32>
      %mul3A_266 = arith.mulf %get3A_265, %get3A_49 : vector<16xf32>
      %add3A_267 = arith.addf %mul3A_261, %mul3A_266 : vector<16xf32>
      %swap3A_268 = arith.index_cast %scan3A_42 : i32 to index
      %swap3A_269 = arith.constant 208 : index
      %swap3A_270 = tpu.vector_load %arg10[%swap3A_268, %swap3A_269] {strides = array<i32>} : memref<32x1024xf32, #tpu.memory_space<vmem>>, vector<1x16xf32>,
      %swap3A_271 = vector.shape_cast %swap3A_270 : vector<1x16xf32> to vector<16xf32>
      %swap3A_272 = vector.shape_cast %add3A_267 : vector<16xf32> to vector<1x16xf32>
      tpu.vector_store %arg10[%swap3A_268, %swap3A_269], %swap3A_272 {strides = array<i32>} : memref<32x1024xf32, #tpu.memory_space<vmem>>, vector<1x16xf32>,
      %get3A_273 = arith.index_cast %scan3A_42 : i32 to index
      %get3A_274 = arith.constant 224 : index
      %get3A_275 = tpu.vector_load %arg10[%get3A_273, %get3A_274] {strides = array<i32>} : memref<32x1024xf32, #tpu.memory_space<vmem>>, vector<1x16xf32>,
      %get3A_276 = vector.shape_cast %get3A_275 : vector<1x16xf32> to vector<16xf32>
      %mul3A_277 = arith.mulf %get3A_276, %get3A_45 : vector<16xf32>
      %get3A_278 = arith.index_cast %scan3A_42 : i32 to index
      %get3A_279 = arith.constant 224 : index
      %get3A_280 = tpu.vector_load %arg11[%get3A_278, %get3A_279] {strides = array<i32>} : memref<32x1024xf32, #tpu.memory_space<vmem>>, vector<1x16xf32>,
      %get3A_281 = vector.shape_cast %get3A_280 : vector<1x16xf32> to vector<16xf32>
      %mul3A_282 = arith.mulf %get3A_281, %get3A_49 : vector<16xf32>
      %add3A_283 = arith.addf %mul3A_277, %mul3A_282 : vector<16xf32>
      %swap3A_284 = arith.index_cast %scan3A_42 : i32 to index
      %swap3A_285 = arith.constant 224 : index
      %swap3A_286 = tpu.vector_load %arg10[%swap3A_284, %swap3A_285] {strides = array<i32>} : memref<32x1024xf32, #tpu.memory_space<vmem>>, vector<1x16xf32>,
      %swap3A_287 = vector.shape_cast %swap3A_286 : vector<1x16xf32> to vector<16xf32>
      %swap3A_288 = vector.shape_cast %add3A_283 : vector<16xf32> to vector<1x16xf32>
      tpu.vector_store %arg10[%swap3A_284, %swap3A_285], %swap3A_288 {strides = array<i32>} : memref<32x1024xf32, #tpu.memory_space<vmem>>, vector<1x16xf32>,
      %get3A_289 = arith.index_cast %scan3A_42 : i32 to index
      %get3A_290 = arith.constant 240 : index
      %get3A_291 = tpu.vector_load %arg10[%get3A_289, %get3A_290] {strides = array<i32>} : memref<32x1024xf32, #tpu.memory_space<vmem>>, vector<1x16xf32>,
      %get3A_292 = vector.shape_cast %get3A_291 : vector<1x16xf32> to vector<16xf32>
      %mul3A_293 = arith.mulf %get3A_292, %get3A_45 : vector<16xf32>
      %get3A_294 = arith.index_cast %scan3A_42 : i32 to index
      %get3A_295 = arith.constant 240 : index
      %get3A_296 = tpu.vector_load %arg11[%get3A_294, %get3A_295] {strides = array<i32>} : memref<32x1024xf32, #tpu.memory_space<vmem>>, vector<1x16xf32>,
      %get3A_297 = vector.shape_cast %get3A_296 : vector<1x16xf32> to vector<16xf32>
      %mul3A_298 = arith.mulf %get3A_297, %get3A_49 : vector<16xf32>
      %add3A_299 = arith.addf %mul3A_293, %mul3A_298 : vector<16xf32>
      %swap3A_300 = arith.index_cast %scan3A_42 : i32 to index
      %swap3A_301 = arith.constant 240 : index
      %swap3A_302 = tpu.vector_load %arg10[%swap3A_300, %swap3A_301] {strides = array<i32>} : memref<32x1024xf32, #tpu.memory_space<vmem>>, vector<1x16xf32>,
      %swap3A_303 = vector.shape_cast %swap3A_302 : vector<1x16xf32> to vector<16xf32>
      %swap3A_304 = vector.shape_cast %add3A_299 : vector<16xf32> to vector<1x16xf32>
      tpu.vector_store %arg10[%swap3A_300, %swap3A_301], %swap3A_304 {strides = array<i32>} : memref<32x1024xf32, #tpu.memory_space<vmem>>, vector<1x16xf32>,
      %get3A_305 = arith.index_cast %scan3A_42 : i32 to index
      %get3A_306 = arith.constant 256 : index
      %get3A_307 = tpu.vector_load %arg10[%get3A_305, %get3A_306] {strides = array<i32>} : memref<32x1024xf32, #tpu.memory_space<vmem>>, vector<1x16xf32>,
      %get3A_308 = vector.shape_cast %get3A_307 : vector<1x16xf32> to vector<16xf32>
      %mul3A_309 = arith.mulf %get3A_308, %get3A_45 : vector<16xf32>
      %get3A_310 = arith.index_cast %scan3A_42 : i32 to index
      %get3A_311 = arith.constant 256 : index
      %get3A_312 = tpu.vector_load %arg11[%get3A_310, %get3A_311] {strides = array<i32>} : memref<32x1024xf32, #tpu.memory_space<vmem>>, vector<1x16xf32>,
      %get3A_313 = vector.shape_cast %get3A_312 : vector<1x16xf32> to vector<16xf32>
      %mul3A_314 = arith.mulf %get3A_313, %get3A_49 : vector<16xf32>
      %add3A_315 = arith.addf %mul3A_309, %mul3A_314 : vector<16xf32>
      %swap3A_316 = arith.index_cast %scan3A_42 : i32 to index
      %swap3A_317 = arith.constant 256 : index
      %swap3A_318 = tpu.vector_load %arg10[%swap3A_316, %swap3A_317] {strides = array<i32>} : memref<32x1024xf32, #tpu.memory_space<vmem>>, vector<1x16xf32>,
      %swap3A_319 = vector.shape_cast %swap3A_318 : vector<1x16xf32> to vector<16xf32>
      %swap3A_320 = vector.shape_cast %add3A_315 : vector<16xf32> to vector<1x16xf32>
      tpu.vector_store %arg10[%swap3A_316, %swap3A_317], %swap3A_320 {strides = array<i32>} : memref<32x1024xf32, #tpu.memory_space<vmem>>, vector<1x16xf32>,
      %get3A_321 = arith.index_cast %scan3A_42 : i32 to index
      %get3A_322 = arith.constant 272 : index
      %get3A_323 = tpu.vector_load %arg10[%get3A_321, %get3A_322] {strides = array<i32>} : memref<32x1024xf32, #tpu.memory_space<vmem>>, vector<1x16xf32>,
      %get3A_324 = vector.shape_cast %get3A_323 : vector<1x16xf32> to vector<16xf32>
      %mul3A_325 = arith.mulf %get3A_324, %get3A_45 : vector<16xf32>
      %get3A_326 = arith.index_cast %scan3A_42 : i32 to index
      %get3A_327 = arith.constant 272 : index
      %get3A_328 = tpu.vector_load %arg11[%get3A_326, %get3A_327] {strides = array<i32>} : memref<32x1024xf32, #tpu.memory_space<vmem>>, vector<1x16xf32>,
      %get3A_329 = vector.shape_cast %get3A_328 : vector<1x16xf32> to vector<16xf32>
      %mul3A_330 = arith.mulf %get3A_329, %get3A_49 : vector<16xf32>
      %add3A_331 = arith.addf %mul3A_325, %mul3A_330 : vector<16xf32>
      %swap3A_332 = arith.index_cast %scan3A_42 : i32 to index
      %swap3A_333 = arith.constant 272 : index
      %swap3A_334 = tpu.vector_load %arg10[%swap3A_332, %swap3A_333] {strides = array<i32>} : memref<32x1024xf32, #tpu.memory_space<vmem>>, vector<1x16xf32>,
      %swap3A_335 = vector.shape_cast %swap3A_334 : vector<1x16xf32> to vector<16xf32>
      %swap3A_336 = vector.shape_cast %add3A_331 : vector<16xf32> to vector<1x16xf32>
      tpu.vector_store %arg10[%swap3A_332, %swap3A_333], %swap3A_336 {strides = array<i32>} : memref<32x1024xf32, #tpu.memory_space<vmem>>, vector<1x16xf32>,
      %get3A_337 = arith.index_cast %scan3A_42 : i32 to index
      %get3A_338 = arith.constant 288 : index
      %get3A_339 = tpu.vector_load %arg10[%get3A_337, %get3A_338] {strides = array<i32>} : memref<32x1024xf32, #tpu.memory_space<vmem>>, vector<1x16xf32>,
      %get3A_340 = vector.shape_cast %get3A_339 : vector<1x16xf32> to vector<16xf32>
      %mul3A_341 = arith.mulf %get3A_340, %get3A_45 : vector<16xf32>
      %get3A_342 = arith.index_cast %scan3A_42 : i32 to index
      %get3A_343 = arith.constant 288 : index
      %get3A_344 = tpu.vector_load %arg11[%get3A_342, %get3A_343] {strides = array<i32>} : memref<32x1024xf32, #tpu.memory_space<vmem>>, vector<1x16xf32>,
      %get3A_345 = vector.shape_cast %get3A_344 : vector<1x16xf32> to vector<16xf32>
      %mul3A_346 = arith.mulf %get3A_345, %get3A_49 : vector<16xf32>
      %add3A_347 = arith.addf %mul3A_341, %mul3A_346 : vector<16xf32>
      %swap3A_348 = arith.index_cast %scan3A_42 : i32 to index
      %swap3A_349 = arith.constant 288 : index
      %swap3A_350 = tpu.vector_load %arg10[%swap3A_348, %swap3A_349] {strides = array<i32>} : memref<32x1024xf32, #tpu.memory_space<vmem>>, vector<1x16xf32>,
      %swap3A_351 = vector.shape_cast %swap3A_350 : vector<1x16xf32> to vector<16xf32>
      %swap3A_352 = vector.shape_cast %add3A_347 : vector<16xf32> to vector<1x16xf32>
      tpu.vector_store %arg10[%swap3A_348, %swap3A_349], %swap3A_352 {strides = array<i32>} : memref<32x1024xf32, #tpu.memory_space<vmem>>, vector<1x16xf32>,
      %get3A_353 = arith.index_cast %scan3A_42 : i32 to index
      %get3A_354 = arith.constant 304 : index
      %get3A_355 = tpu.vector_load %arg10[%get3A_353, %get3A_354] {strides = array<i32>} : memref<32x1024xf32, #tpu.memory_space<vmem>>, vector<1x16xf32>,
      %get3A_356 = vector.shape_cast %get3A_355 : vector<1x16xf32> to vector<16xf32>
      %mul3A_357 = arith.mulf %get3A_356, %get3A_45 : vector<16xf32>
      %get3A_358 = arith.index_cast %scan3A_42 : i32 to index
      %get3A_359 = arith.constant 304 : index
      %get3A_360 = tpu.vector_load %arg11[%get3A_358, %get3A_359] {strides = array<i32>} : memref<32x1024xf32, #tpu.memory_space<vmem>>, vector<1x16xf32>,
      %get3A_361 = vector.shape_cast %get3A_360 : vector<1x16xf32> to vector<16xf32>
      %mul3A_362 = arith.mulf %get3A_361, %get3A_49 : vector<16xf32>
      %add3A_363 = arith.addf %mul3A_357, %mul3A_362 : vector<16xf32>
      %swap3A_364 = arith.index_cast %scan3A_42 : i32 to index
      %swap3A_365 = arith.constant 304 : index
      %swap3A_366 = tpu.vector_load %arg10[%swap3A_364, %swap3A_365] {strides = array<i32>} : memref<32x1024xf32, #tpu.memory_space<vmem>>, vector<1x16xf32>,
      %swap3A_367 = vector.shape_cast %swap3A_366 : vector<1x16xf32> to vector<16xf32>
      %swap3A_368 = vector.shape_cast %add3A_363 : vector<16xf32> to vector<1x16xf32>
      tpu.vector_store %arg10[%swap3A_364, %swap3A_365], %swap3A_368 {strides = array<i32>} : memref<32x1024xf32, #tpu.memory_space<vmem>>, vector<1x16xf32>,
      %get3A_369 = arith.index_cast %scan3A_42 : i32 to index
      %get3A_370 = arith.constant 320 : index
      %get3A_371 = tpu.vector_load %arg10[%get3A_369, %get3A_370] {strides = array<i32>} : memref<32x1024xf32, #tpu.memory_space<vmem>>, vector<1x16xf32>,
      %get3A_372 = vector.shape_cast %get3A_371 : vector<1x16xf32> to vector<16xf32>
      %mul3A_373 = arith.mulf %get3A_372, %get3A_45 : vector<16xf32>
      %get3A_374 = arith.index_cast %scan3A_42 : i32 to index
      %get3A_375 = arith.constant 320 : index
      %get3A_376 = tpu.vector_load %arg11[%get3A_374, %get3A_375] {strides = array<i32>} : memref<32x1024xf32, #tpu.memory_space<vmem>>, vector<1x16xf32>,
      %get3A_377 = vector.shape_cast %get3A_376 : vector<1x16xf32> to vector<16xf32>
      %mul3A_378 = arith.mulf %get3A_377, %get3A_49 : vector<16xf32>
      %add3A_379 = arith.addf %mul3A_373, %mul3A_378 : vector<16xf32>
      %swap3A_380 = arith.index_cast %scan3A_42 : i32 to index
      %swap3A_381 = arith.constant 320 : index
      %swap3A_382 = tpu.vector_load %arg10[%swap3A_380, %swap3A_381] {strides = array<i32>} : memref<32x1024xf32, #tpu.memory_space<vmem>>, vector<1x16xf32>,
      %swap3A_383 = vector.shape_cast %swap3A_382 : vector<1x16xf32> to vector<16xf32>
      %swap3A_384 = vector.shape_cast %add3A_379 : vector<16xf32> to vector<1x16xf32>
      tpu.vector_store %arg10[%swap3A_380, %swap3A_381], %swap3A_384 {strides = array<i32>} : memref<32x1024xf32, #tpu.memory_space<vmem>>, vector<1x16xf32>,
      %get3A_385 = arith.index_cast %scan3A_42 : i32 to index
      %get3A_386 = arith.constant 336 : index
      %get3A_387 = tpu.vector_load %arg10[%get3A_385, %get3A_386] {strides = array<i32>} : memref<32x1024xf32, #tpu.memory_space<vmem>>, vector<1x16xf32>,
      %get3A_388 = vector.shape_cast %get3A_387 : vector<1x16xf32> to vector<16xf32>
      %mul3A_389 = arith.mulf %get3A_388, %get3A_45 : vector<16xf32>
      %get3A_390 = arith.index_cast %scan3A_42 : i32 to index
      %get3A_391 = arith.constant 336 : index
      %get3A_392 = tpu.vector_load %arg11[%get3A_390, %get3A_391] {strides = array<i32>} : memref<32x1024xf32, #tpu.memory_space<vmem>>, vector<1x16xf32>,
      %get3A_393 = vector.shape_cast %get3A_392 : vector<1x16xf32> to vector<16xf32>
      %mul3A_394 = arith.mulf %get3A_393, %get3A_49 : vector<16xf32>
      %add3A_395 = arith.addf %mul3A_389, %mul3A_394 : vector<16xf32>
      %swap3A_396 = arith.index_cast %scan3A_42 : i32 to index
      %swap3A_397 = arith.constant 336 : index
      %swap3A_398 = tpu.vector_load %arg10[%swap3A_396, %swap3A_397] {strides = array<i32>} : memref<32x1024xf32, #tpu.memory_space<vmem>>, vector<1x16xf32>,
      %swap3A_399 = vector.shape_cast %swap3A_398 : vector<1x16xf32> to vector<16xf32>
      %swap3A_400 = vector.shape_cast %add3A_395 : vector<16xf32> to vector<1x16xf32>
      tpu.vector_store %arg10[%swap3A_396, %swap3A_397], %swap3A_400 {strides = array<i32>} : memref<32x1024xf32, #tpu.memory_space<vmem>>, vector<1x16xf32>,
      %get3A_401 = arith.index_cast %scan3A_42 : i32 to index
      %get3A_402 = arith.constant 352 : index
      %get3A_403 = tpu.vector_load %arg10[%get3A_401, %get3A_402] {strides = array<i32>} : memref<32x1024xf32, #tpu.memory_space<vmem>>, vector<1x16xf32>,
      %get3A_404 = vector.shape_cast %get3A_403 : vector<1x16xf32> to vector<16xf32>
      %mul3A_405 = arith.mulf %get3A_404, %get3A_45 : vector<16xf32>
      %get3A_406 = arith.index_cast %scan3A_42 : i32 to index
      %get3A_407 = arith.constant 352 : index
      %get3A_408 = tpu.vector_load %arg11[%get3A_406, %get3A_407] {strides = array<i32>} : memref<32x1024xf32, #tpu.memory_space<vmem>>, vector<1x16xf32>,
      %get3A_409 = vector.shape_cast %get3A_408 : vector<1x16xf32> to vector<16xf32>
      %mul3A_410 = arith.mulf %get3A_409, %get3A_49 : vector<16xf32>
      %add3A_411 = arith.addf %mul3A_405, %mul3A_410 : vector<16xf32>
      %swap3A_412 = arith.index_cast %scan3A_42 : i32 to index
      %swap3A_413 = arith.constant 352 : index
      %swap3A_414 = tpu.vector_load %arg10[%swap3A_412, %swap3A_413] {strides = array<i32>} : memref<32x1024xf32, #tpu.memory_space<vmem>>, vector<1x16xf32>,
      %swap3A_415 = vector.shape_cast %swap3A_414 : vector<1x16xf32> to vector<16xf32>
      %swap3A_416 = vector.shape_cast %add3A_411 : vector<16xf32> to vector<1x16xf32>
      tpu.vector_store %arg10[%swap3A_412, %swap3A_413], %swap3A_416 {strides = array<i32>} : memref<32x1024xf32, #tpu.memory_space<vmem>>, vector<1x16xf32>,
      %get3A_417 = arith.index_cast %scan3A_42 : i32 to index
      %get3A_418 = arith.constant 368 : index
      %get3A_419 = tpu.vector_load %arg10[%get3A_417, %get3A_418] {strides = array<i32>} : memref<32x1024xf32, #tpu.memory_space<vmem>>, vector<1x16xf32>,
      %get3A_420 = vector.shape_cast %get3A_419 : vector<1x16xf32> to vector<16xf32>
      %mul3A_421 = arith.mulf %get3A_420, %get3A_45 : vector<16xf32>
      %get3A_422 = arith.index_cast %scan3A_42 : i32 to index
      %get3A_423 = arith.constant 368 : index
      %get3A_424 = tpu.vector_load %arg11[%get3A_422, %get3A_423] {strides = array<i32>} : memref<32x1024xf32, #tpu.memory_space<vmem>>, vector<1x16xf32>,
      %get3A_425 = vector.shape_cast %get3A_424 : vector<1x16xf32> to vector<16xf32>
      %mul3A_426 = arith.mulf %get3A_425, %get3A_49 : vector<16xf32>
      %add3A_427 = arith.addf %mul3A_421, %mul3A_426 : vector<16xf32>
      %swap3A_428 = arith.index_cast %scan3A_42 : i32 to index
      %swap3A_429 = arith.constant 368 : index
      %swap3A_430 = tpu.vector_load %arg10[%swap3A_428, %swap3A_429] {strides = array<i32>} : memref<32x1024xf32, #tpu.memory_space<vmem>>, vector<1x16xf32>,
      %swap3A_431 = vector.shape_cast %swap3A_430 : vector<1x16xf32> to vector<16xf32>
      %swap3A_432 = vector.shape_cast %add3A_427 : vector<16xf32> to vector<1x16xf32>
      tpu.vector_store %arg10[%swap3A_428, %swap3A_429], %swap3A_432 {strides = array<i32>} : memref<32x1024xf32, #tpu.memory_space<vmem>>, vector<1x16xf32>,
      %get3A_433 = arith.index_cast %scan3A_42 : i32 to index
      %get3A_434 = arith.constant 384 : index
      %get3A_435 = tpu.vector_load %arg10[%get3A_433, %get3A_434] {strides = array<i32>} : memref<32x1024xf32, #tpu.memory_space<vmem>>, vector<1x16xf32>,
      %get3A_436 = vector.shape_cast %get3A_435 : vector<1x16xf32> to vector<16xf32>
      %mul3A_437 = arith.mulf %get3A_436, %get3A_45 : vector<16xf32>
      %get3A_438 = arith.index_cast %scan3A_42 : i32 to index
      %get3A_439 = arith.constant 384 : index
      %get3A_440 = tpu.vector_load %arg11[%get3A_438, %get3A_439] {strides = array<i32>} : memref<32x1024xf32, #tpu.memory_space<vmem>>, vector<1x16xf32>,
      %get3A_441 = vector.shape_cast %get3A_440 : vector<1x16xf32> to vector<16xf32>
      %mul3A_442 = arith.mulf %get3A_441, %get3A_49 : vector<16xf32>
      %add3A_443 = arith.addf %mul3A_437, %mul3A_442 : vector<16xf32>
      %swap3A_444 = arith.index_cast %scan3A_42 : i32 to index
      %swap3A_445 = arith.constant 384 : index
      %swap3A_446 = tpu.vector_load %arg10[%swap3A_444, %swap3A_445] {strides = array<i32>} : memref<32x1024xf32, #tpu.memory_space<vmem>>, vector<1x16xf32>,
      %swap3A_447 = vector.shape_cast %swap3A_446 : vector<1x16xf32> to vector<16xf32>
      %swap3A_448 = vector.shape_cast %add3A_443 : vector<16xf32> to vector<1x16xf32>
      tpu.vector_store %arg10[%swap3A_444, %swap3A_445], %swap3A_448 {strides = array<i32>} : memref<32x1024xf32, #tpu.memory_space<vmem>>, vector<1x16xf32>,
      %get3A_449 = arith.index_cast %scan3A_42 : i32 to index
      %get3A_450 = arith.constant 400 : index
      %get3A_451 = tpu.vector_load %arg10[%get3A_449, %get3A_450] {strides = array<i32>} : memref<32x1024xf32, #tpu.memory_space<vmem>>, vector<1x16xf32>,
      %get3A_452 = vector.shape_cast %get3A_451 : vector<1x16xf32> to vector<16xf32>
      %mul3A_453 = arith.mulf %get3A_452, %get3A_45 : vector<16xf32>
      %get3A_454 = arith.index_cast %scan3A_42 : i32 to index
      %get3A_455 = arith.constant 400 : index
      %get3A_456 = tpu.vector_load %arg11[%get3A_454, %get3A_455] {strides = array<i32>} : memref<32x1024xf32, #tpu.memory_space<vmem>>, vector<1x16xf32>,
      %get3A_457 = vector.shape_cast %get3A_456 : vector<1x16xf32> to vector<16xf32>
      %mul3A_458 = arith.mulf %get3A_457, %get3A_49 : vector<16xf32>
      %add3A_459 = arith.addf %mul3A_453, %mul3A_458 : vector<16xf32>
      %swap3A_460 = arith.index_cast %scan3A_42 : i32 to index
      %swap3A_461 = arith.constant 400 : index
      %swap3A_462 = tpu.vector_load %arg10[%swap3A_460, %swap3A_461] {strides = array<i32>} : memref<32x1024xf32, #tpu.memory_space<vmem>>, vector<1x16xf32>,
      %swap3A_463 = vector.shape_cast %swap3A_462 : vector<1x16xf32> to vector<16xf32>
      %swap3A_464 = vector.shape_cast %add3A_459 : vector<16xf32> to vector<1x16xf32>
      tpu.vector_store %arg10[%swap3A_460, %swap3A_461], %swap3A_464 {strides = array<i32>} : memref<32x1024xf32, #tpu.memory_space<vmem>>, vector<1x16xf32>,
      %get3A_465 = arith.index_cast %scan3A_42 : i32 to index
      %get3A_466 = arith.constant 416 : index
      %get3A_467 = tpu.vector_load %arg10[%get3A_465, %get3A_466] {strides = array<i32>} : memref<32x1024xf32, #tpu.memory_space<vmem>>, vector<1x16xf32>,
      %get3A_468 = vector.shape_cast %get3A_467 : vector<1x16xf32> to vector<16xf32>
      %mul3A_469 = arith.mulf %get3A_468, %get3A_45 : vector<16xf32>
      %get3A_470 = arith.index_cast %scan3A_42 : i32 to index
      %get3A_471 = arith.constant 416 : index
      %get3A_472 = tpu.vector_load %arg11[%get3A_470, %get3A_471] {strides = array<i32>} : memref<32x1024xf32, #tpu.memory_space<vmem>>, vector<1x16xf32>,
      %get3A_473 = vector.shape_cast %get3A_472 : vector<1x16xf32> to vector<16xf32>
      %mul3A_474 = arith.mulf %get3A_473, %get3A_49 : vector<16xf32>
      %add3A_475 = arith.addf %mul3A_469, %mul3A_474 : vector<16xf32>
      %swap3A_476 = arith.index_cast %scan3A_42 : i32 to index
      %swap3A_477 = arith.constant 416 : index
      %swap3A_478 = tpu.vector_load %arg10[%swap3A_476, %swap3A_477] {strides = array<i32>} : memref<32x1024xf32, #tpu.memory_space<vmem>>, vector<1x16xf32>,
      %swap3A_479 = vector.shape_cast %swap3A_478 : vector<1x16xf32> to vector<16xf32>
      %swap3A_480 = vector.shape_cast %add3A_475 : vector<16xf32> to vector<1x16xf32>
      tpu.vector_store %arg10[%swap3A_476, %swap3A_477], %swap3A_480 {strides = array<i32>} : memref<32x1024xf32, #tpu.memory_space<vmem>>, vector<1x16xf32>,
      %get3A_481 = arith.index_cast %scan3A_42 : i32 to index
      %get3A_482 = arith.constant 432 : index
      %get3A_483 = tpu.vector_load %arg10[%get3A_481, %get3A_482] {strides = array<i32>} : memref<32x1024xf32, #tpu.memory_space<vmem>>, vector<1x16xf32>,
      %get3A_484 = vector.shape_cast %get3A_483 : vector<1x16xf32> to vector<16xf32>
      %mul3A_485 = arith.mulf %get3A_484, %get3A_45 : vector<16xf32>
      %get3A_486 = arith.index_cast %scan3A_42 : i32 to index
      %get3A_487 = arith.constant 432 : index
      %get3A_488 = tpu.vector_load %arg11[%get3A_486, %get3A_487] {strides = array<i32>} : memref<32x1024xf32, #tpu.memory_space<vmem>>, vector<1x16xf32>,
      %get3A_489 = vector.shape_cast %get3A_488 : vector<1x16xf32> to vector<16xf32>
      %mul3A_490 = arith.mulf %get3A_489, %get3A_49 : vector<16xf32>
      %add3A_491 = arith.addf %mul3A_485, %mul3A_490 : vector<16xf32>
      %swap3A_492 = arith.index_cast %scan3A_42 : i32 to index
      %swap3A_493 = arith.constant 432 : index
      %swap3A_494 = tpu.vector_load %arg10[%swap3A_492, %swap3A_493] {strides = array<i32>} : memref<32x1024xf32, #tpu.memory_space<vmem>>, vector<1x16xf32>,
      %swap3A_495 = vector.shape_cast %swap3A_494 : vector<1x16xf32> to vector<16xf32>
      %swap3A_496 = vector.shape_cast %add3A_491 : vector<16xf32> to vector<1x16xf32>
      tpu.vector_store %arg10[%swap3A_492, %swap3A_493], %swap3A_496 {strides = array<i32>} : memref<32x1024xf32, #tpu.memory_space<vmem>>, vector<1x16xf32>,
      %get3A_497 = arith.index_cast %scan3A_42 : i32 to index
      %get3A_498 = arith.constant 448 : index
      %get3A_499 = tpu.vector_load %arg10[%get3A_497, %get3A_498] {strides = array<i32>} : memref<32x1024xf32, #tpu.memory_space<vmem>>, vector<1x16xf32>,
      %get3A_500 = vector.shape_cast %get3A_499 : vector<1x16xf32> to vector<16xf32>
      %mul3A_501 = arith.mulf %get3A_500, %get3A_45 : vector<16xf32>
      %get3A_502 = arith.index_cast %scan3A_42 : i32 to index
      %get3A_503 = arith.constant 448 : index
      %get3A_504 = tpu.vector_load %arg11[%get3A_502, %get3A_503] {strides = array<i32>} : memref<32x1024xf32, #tpu.memory_space<vmem>>, vector<1x16xf32>,
      %get3A_505 = vector.shape_cast %get3A_504 : vector<1x16xf32> to vector<16xf32>
      %mul3A_506 = arith.mulf %get3A_505, %get3A_49 : vector<16xf32>
      %add3A_507 = arith.addf %mul3A_501, %mul3A_506 : vector<16xf32>
      %swap3A_508 = arith.index_cast %scan3A_42 : i32 to index
      %swap3A_509 = arith.constant 448 : index
      %swap3A_510 = tpu.vector_load %arg10[%swap3A_508, %swap3A_509] {strides = array<i32>} : memref<32x1024xf32, #tpu.memory_space<vmem>>, vector<1x16xf32>,
      %swap3A_511 = vector.shape_cast %swap3A_510 : vector<1x16xf32> to vector<16xf32>
      %swap3A_512 = vector.shape_cast %add3A_507 : vector<16xf32> to vector<1x16xf32>
      tpu.vector_store %arg10[%swap3A_508, %swap3A_509], %swap3A_512 {strides = array<i32>} : memref<32x1024xf32, #tpu.memory_space<vmem>>, vector<1x16xf32>,
      %get3A_513 = arith.index_cast %scan3A_42 : i32 to index
      %get3A_514 = arith.constant 464 : index
      %get3A_515 = tpu.vector_load %arg10[%get3A_513, %get3A_514] {strides = array<i32>} : memref<32x1024xf32, #tpu.memory_space<vmem>>, vector<1x16xf32>,
      %get3A_516 = vector.shape_cast %get3A_515 : vector<1x16xf32> to vector<16xf32>
      %mul3A_517 = arith.mulf %get3A_516, %get3A_45 : vector<16xf32>
      %get3A_518 = arith.index_cast %scan3A_42 : i32 to index
      %get3A_519 = arith.constant 464 : index
      %get3A_520 = tpu.vector_load %arg11[%get3A_518, %get3A_519] {strides = array<i32>} : memref<32x1024xf32, #tpu.memory_space<vmem>>, vector<1x16xf32>,
      %get3A_521 = vector.shape_cast %get3A_520 : vector<1x16xf32> to vector<16xf32>
      %mul3A_522 = arith.mulf %get3A_521, %get3A_49 : vector<16xf32>
      %add3A_523 = arith.addf %mul3A_517, %mul3A_522 : vector<16xf32>
      %swap3A_524 = arith.index_cast %scan3A_42 : i32 to index
      %swap3A_525 = arith.constant 464 : index
      %swap3A_526 = tpu.vector_load %arg10[%swap3A_524, %swap3A_525] {strides = array<i32>} : memref<32x1024xf32, #tpu.memory_space<vmem>>, vector<1x16xf32>,
      %swap3A_527 = vector.shape_cast %swap3A_526 : vector<1x16xf32> to vector<16xf32>
      %swap3A_528 = vector.shape_cast %add3A_523 : vector<16xf32> to vector<1x16xf32>
      tpu.vector_store %arg10[%swap3A_524, %swap3A_525], %swap3A_528 {strides = array<i32>} : memref<32x1024xf32, #tpu.memory_space<vmem>>, vector<1x16xf32>,
      %get3A_529 = arith.index_cast %scan3A_42 : i32 to index
      %get3A_530 = arith.constant 480 : index
      %get3A_531 = tpu.vector_load %arg10[%get3A_529, %get3A_530] {strides = array<i32>} : memref<32x1024xf32, #tpu.memory_space<vmem>>, vector<1x16xf32>,
      %get3A_532 = vector.shape_cast %get3A_531 : vector<1x16xf32> to vector<16xf32>
      %mul3A_533 = arith.mulf %get3A_532, %get3A_45 : vector<16xf32>
      %get3A_534 = arith.index_cast %scan3A_42 : i32 to index
      %get3A_535 = arith.constant 480 : index
      %get3A_536 = tpu.vector_load %arg11[%get3A_534, %get3A_535] {strides = array<i32>} : memref<32x1024xf32, #tpu.memory_space<vmem>>, vector<1x16xf32>,
      %get3A_537 = vector.shape_cast %get3A_536 : vector<1x16xf32> to vector<16xf32>
      %mul3A_538 = arith.mulf %get3A_537, %get3A_49 : vector<16xf32>
      %add3A_539 = arith.addf %mul3A_533, %mul3A_538 : vector<16xf32>
      %swap3A_540 = arith.index_cast %scan3A_42 : i32 to index
      %swap3A_541 = arith.constant 480 : index
      %swap3A_542 = tpu.vector_load %arg10[%swap3A_540, %swap3A_541] {strides = array<i32>} : memref<32x1024xf32, #tpu.memory_space<vmem>>, vector<1x16xf32>,
      %swap3A_543 = vector.shape_cast %swap3A_542 : vector<1x16xf32> to vector<16xf32>
      %swap3A_544 = vector.shape_cast %add3A_539 : vector<16xf32> to vector<1x16xf32>
      tpu.vector_store %arg10[%swap3A_540, %swap3A_541], %swap3A_544 {strides = array<i32>} : memref<32x1024xf32, #tpu.memory_space<vmem>>, vector<1x16xf32>,
      %get3A_545 = arith.index_cast %scan3A_42 : i32 to index
      %get3A_546 = arith.constant 496 : index
      %get3A_547 = tpu.vector_load %arg10[%get3A_545, %get3A_546] {strides = array<i32>} : memref<32x1024xf32, #tpu.memory_space<vmem>>, vector<1x16xf32>,
      %get3A_548 = vector.shape_cast %get3A_547 : vector<1x16xf32> to vector<16xf32>
      %mul3A_549 = arith.mulf %get3A_548, %get3A_45 : vector<16xf32>
      %get3A_550 = arith.index_cast %scan3A_42 : i32 to index
      %get3A_551 = arith.constant 496 : index
      %get3A_552 = tpu.vector_load %arg11[%get3A_550, %get3A_551] {strides = array<i32>} : memref<32x1024xf32, #tpu.memory_space<vmem>>, vector<1x16xf32>,
      %get3A_553 = vector.shape_cast %get3A_552 : vector<1x16xf32> to vector<16xf32>
      %mul3A_554 = arith.mulf %get3A_553, %get3A_49 : vector<16xf32>
      %add3A_555 = arith.addf %mul3A_549, %mul3A_554 : vector<16xf32>
      %swap3A_556 = arith.index_cast %scan3A_42 : i32 to index
      %swap3A_557 = arith.constant 496 : index
      %swap3A_558 = tpu.vector_load %arg10[%swap3A_556, %swap3A_557] {strides = array<i32>} : memref<32x1024xf32, #tpu.memory_space<vmem>>, vector<1x16xf32>,
      %swap3A_559 = vector.shape_cast %swap3A_558 : vector<1x16xf32> to vector<16xf32>
      %swap3A_560 = vector.shape_cast %add3A_555 : vector<16xf32> to vector<1x16xf32>
      tpu.vector_store %arg10[%swap3A_556, %swap3A_557], %swap3A_560 {strides = array<i32>} : memref<32x1024xf32, #tpu.memory_space<vmem>>, vector<1x16xf32>,
      %get3A_561 = arith.index_cast %scan3A_42 : i32 to index
      %get3A_562 = arith.constant 512 : index
      %get3A_563 = tpu.vector_load %arg10[%get3A_561, %get3A_562] {strides = array<i32>} : memref<32x1024xf32, #tpu.memory_space<vmem>>, vector<1x16xf32>,
      %get3A_564 = vector.shape_cast %get3A_563 : vector<1x16xf32> to vector<16xf32>
      %mul3A_565 = arith.mulf %get3A_564, %get3A_45 : vector<16xf32>
      %get3A_566 = arith.index_cast %scan3A_42 : i32 to index
      %get3A_567 = arith.constant 512 : index
      %get3A_568 = tpu.vector_load %arg11[%get3A_566, %get3A_567] {strides = array<i32>} : memref<32x1024xf32, #tpu.memory_space<vmem>>, vector<1x16xf32>,
      %get3A_569 = vector.shape_cast %get3A_568 : vector<1x16xf32> to vector<16xf32>
      %mul3A_570 = arith.mulf %get3A_569, %get3A_49 : vector<16xf32>
      %add3A_571 = arith.addf %mul3A_565, %mul3A_570 : vector<16xf32>
      %swap3A_572 = arith.index_cast %scan3A_42 : i32 to index
      %swap3A_573 = arith.constant 512 : index
      %swap3A_574 = tpu.vector_load %arg10[%swap3A_572, %swap3A_573] {strides = array<i32>} : memref<32x1024xf32, #tpu.memory_space<vmem>>, vector<1x16xf32>,
      %swap3A_575 = vector.shape_cast %swap3A_574 : vector<1x16xf32> to vector<16xf32>
      %swap3A_576 = vector.shape_cast %add3A_571 : vector<16xf32> to vector<1x16xf32>
      tpu.vector_store %arg10[%swap3A_572, %swap3A_573], %swap3A_576 {strides = array<i32>} : memref<32x1024xf32, #tpu.memory_space<vmem>>, vector<1x16xf32>,
      %get3A_577 = arith.index_cast %scan3A_42 : i32 to index
      %get3A_578 = arith.constant 528 : index
      %get3A_579 = tpu.vector_load %arg10[%get3A_577, %get3A_578] {strides = array<i32>} : memref<32x1024xf32, #tpu.memory_space<vmem>>, vector<1x16xf32>,
      %get3A_580 = vector.shape_cast %get3A_579 : vector<1x16xf32> to vector<16xf32>
      %mul3A_581 = arith.mulf %get3A_580, %get3A_45 : vector<16xf32>
      %get3A_582 = arith.index_cast %scan3A_42 : i32 to index
      %get3A_583 = arith.constant 528 : index
      %get3A_584 = tpu.vector_load %arg11[%get3A_582, %get3A_583] {strides = array<i32>} : memref<32x1024xf32, #tpu.memory_space<vmem>>, vector<1x16xf32>,
      %get3A_585 = vector.shape_cast %get3A_584 : vector<1x16xf32> to vector<16xf32>
      %mul3A_586 = arith.mulf %get3A_585, %get3A_49 : vector<16xf32>
      %add3A_587 = arith.addf %mul3A_581, %mul3A_586 : vector<16xf32>
      %swap3A_588 = arith.index_cast %scan3A_42 : i32 to index
      %swap3A_589 = arith.constant 528 : index
      %swap3A_590 = tpu.vector_load %arg10[%swap3A_588, %swap3A_589] {strides = array<i32>} : memref<32x1024xf32, #tpu.memory_space<vmem>>, vector<1x16xf32>,
      %swap3A_591 = vector.shape_cast %swap3A_590 : vector<1x16xf32> to vector<16xf32>
      %swap3A_592 = vector.shape_cast %add3A_587 : vector<16xf32> to vector<1x16xf32>
      tpu.vector_store %arg10[%swap3A_588, %swap3A_589], %swap3A_592 {strides = array<i32>} : memref<32x1024xf32, #tpu.memory_space<vmem>>, vector<1x16xf32>,
      %get3A_593 = arith.index_cast %scan3A_42 : i32 to index
      %get3A_594 = arith.constant 544 : index
      %get3A_595 = tpu.vector_load %arg10[%get3A_593, %get3A_594] {strides = array<i32>} : memref<32x1024xf32, #tpu.memory_space<vmem>>, vector<1x16xf32>,
      %get3A_596 = vector.shape_cast %get3A_595 : vector<1x16xf32> to vector<16xf32>
      %mul3A_597 = arith.mulf %get3A_596, %get3A_45 : vector<16xf32>
      %get3A_598 = arith.index_cast %scan3A_42 : i32 to index
      %get3A_599 = arith.constant 544 : index
      %get3A_600 = tpu.vector_load %arg11[%get3A_598, %get3A_599] {strides = array<i32>} : memref<32x1024xf32, #tpu.memory_space<vmem>>, vector<1x16xf32>,
      %get3A_601 = vector.shape_cast %get3A_600 : vector<1x16xf32> to vector<16xf32>
      %mul3A_602 = arith.mulf %get3A_601, %get3A_49 : vector<16xf32>
      %add3A_603 = arith.addf %mul3A_597, %mul3A_602 : vector<16xf32>
      %swap3A_604 = arith.index_cast %scan3A_42 : i32 to index
      %swap3A_605 = arith.constant 544 : index
      %swap3A_606 = tpu.vector_load %arg10[%swap3A_604, %swap3A_605] {strides = array<i32>} : memref<32x1024xf32, #tpu.memory_space<vmem>>, vector<1x16xf32>,
      %swap3A_607 = vector.shape_cast %swap3A_606 : vector<1x16xf32> to vector<16xf32>
      %swap3A_608 = vector.shape_cast %add3A_603 : vector<16xf32> to vector<1x16xf32>
      tpu.vector_store %arg10[%swap3A_604, %swap3A_605], %swap3A_608 {strides = array<i32>} : memref<32x1024xf32, #tpu.memory_space<vmem>>, vector<1x16xf32>,
      %get3A_609 = arith.index_cast %scan3A_42 : i32 to index
      %get3A_610 = arith.constant 560 : index
      %get3A_611 = tpu.vector_load %arg10[%get3A_609, %get3A_610] {strides = array<i32>} : memref<32x1024xf32, #tpu.memory_space<vmem>>, vector<1x16xf32>,
      %get3A_612 = vector.shape_cast %get3A_611 : vector<1x16xf32> to vector<16xf32>
      %mul3A_613 = arith.mulf %get3A_612, %get3A_45 : vector<16xf32>
      %get3A_614 = arith.index_cast %scan3A_42 : i32 to index
      %get3A_615 = arith.constant 560 : index
      %get3A_616 = tpu.vector_load %arg11[%get3A_614, %get3A_615] {strides = array<i32>} : memref<32x1024xf32, #tpu.memory_space<vmem>>, vector<1x16xf32>,
      %get3A_617 = vector.shape_cast %get3A_616 : vector<1x16xf32> to vector<16xf32>
      %mul3A_618 = arith.mulf %get3A_617, %get3A_49 : vector<16xf32>
      %add3A_619 = arith.addf %mul3A_613, %mul3A_618 : vector<16xf32>
      %swap3A_620 = arith.index_cast %scan3A_42 : i32 to index
      %swap3A_621 = arith.constant 560 : index
      %swap3A_622 = tpu.vector_load %arg10[%swap3A_620, %swap3A_621] {strides = array<i32>} : memref<32x1024xf32, #tpu.memory_space<vmem>>, vector<1x16xf32>,
      %swap3A_623 = vector.shape_cast %swap3A_622 : vector<1x16xf32> to vector<16xf32>
      %swap3A_624 = vector.shape_cast %add3A_619 : vector<16xf32> to vector<1x16xf32>
      tpu.vector_store %arg10[%swap3A_620, %swap3A_621], %swap3A_624 {strides = array<i32>} : memref<32x1024xf32, #tpu.memory_space<vmem>>, vector<1x16xf32>,
      %get3A_625 = arith.index_cast %scan3A_42 : i32 to index
      %get3A_626 = arith.constant 576 : index
      %get3A_627 = tpu.vector_load %arg10[%get3A_625, %get3A_626] {strides = array<i32>} : memref<32x1024xf32, #tpu.memory_space<vmem>>, vector<1x16xf32>,
      %get3A_628 = vector.shape_cast %get3A_627 : vector<1x16xf32> to vector<16xf32>
      %mul3A_629 = arith.mulf %get3A_628, %get3A_45 : vector<16xf32>
      %get3A_630 = arith.index_cast %scan3A_42 : i32 to index
      %get3A_631 = arith.constant 576 : index
      %get3A_632 = tpu.vector_load %arg11[%get3A_630, %get3A_631] {strides = array<i32>} : memref<32x1024xf32, #tpu.memory_space<vmem>>, vector<1x16xf32>,
      %get3A_633 = vector.shape_cast %get3A_632 : vector<1x16xf32> to vector<16xf32>
      %mul3A_634 = arith.mulf %get3A_633, %get3A_49 : vector<16xf32>
      %add3A_635 = arith.addf %mul3A_629, %mul3A_634 : vector<16xf32>
      %swap3A_636 = arith.index_cast %scan3A_42 : i32 to index
      %swap3A_637 = arith.constant 576 : index
      %swap3A_638 = tpu.vector_load %arg10[%swap3A_636, %swap3A_637] {strides = array<i32>} : memref<32x1024xf32, #tpu.memory_space<vmem>>, vector<1x16xf32>,
      %swap3A_639 = vector.shape_cast %swap3A_638 : vector<1x16xf32> to vector<16xf32>
      %swap3A_640 = vector.shape_cast %add3A_635 : vector<16xf32> to vector<1x16xf32>
      tpu.vector_store %arg10[%swap3A_636, %swap3A_637], %swap3A_640 {strides = array<i32>} : memref<32x1024xf32, #tpu.memory_space<vmem>>, vector<1x16xf32>,
      %get3A_641 = arith.index_cast %scan3A_42 : i32 to index
      %get3A_642 = arith.constant 592 : index
      %get3A_643 = tpu.vector_load %arg10[%get3A_641, %get3A_642] {strides = array<i32>} : memref<32x1024xf32, #tpu.memory_space<vmem>>, vector<1x16xf32>,
      %get3A_644 = vector.shape_cast %get3A_643 : vector<1x16xf32> to vector<16xf32>
      %mul3A_645 = arith.mulf %get3A_644, %get3A_45 : vector<16xf32>
      %get3A_646 = arith.index_cast %scan3A_42 : i32 to index
      %get3A_647 = arith.constant 592 : index
      %get3A_648 = tpu.vector_load %arg11[%get3A_646, %get3A_647] {strides = array<i32>} : memref<32x1024xf32, #tpu.memory_space<vmem>>, vector<1x16xf32>,
      %get3A_649 = vector.shape_cast %get3A_648 : vector<1x16xf32> to vector<16xf32>
      %mul3A_650 = arith.mulf %get3A_649, %get3A_49 : vector<16xf32>
      %add3A_651 = arith.addf %mul3A_645, %mul3A_650 : vector<16xf32>
      %swap3A_652 = arith.index_cast %scan3A_42 : i32 to index
      %swap3A_653 = arith.constant 592 : index
      %swap3A_654 = tpu.vector_load %arg10[%swap3A_652, %swap3A_653] {strides = array<i32>} : memref<32x1024xf32, #tpu.memory_space<vmem>>, vector<1x16xf32>,
      %swap3A_655 = vector.shape_cast %swap3A_654 : vector<1x16xf32> to vector<16xf32>
      %swap3A_656 = vector.shape_cast %add3A_651 : vector<16xf32> to vector<1x16xf32>
      tpu.vector_store %arg10[%swap3A_652, %swap3A_653], %swap3A_656 {strides = array<i32>} : memref<32x1024xf32, #tpu.memory_space<vmem>>, vector<1x16xf32>,
      %get3A_657 = arith.index_cast %scan3A_42 : i32 to index
      %get3A_658 = arith.constant 608 : index
      %get3A_659 = tpu.vector_load %arg10[%get3A_657, %get3A_658] {strides = array<i32>} : memref<32x1024xf32, #tpu.memory_space<vmem>>, vector<1x16xf32>,
      %get3A_660 = vector.shape_cast %get3A_659 : vector<1x16xf32> to vector<16xf32>
      %mul3A_661 = arith.mulf %get3A_660, %get3A_45 : vector<16xf32>
      %get3A_662 = arith.index_cast %scan3A_42 : i32 to index
      %get3A_663 = arith.constant 608 : index
      %get3A_664 = tpu.vector_load %arg11[%get3A_662, %get3A_663] {strides = array<i32>} : memref<32x1024xf32, #tpu.memory_space<vmem>>, vector<1x16xf32>,
      %get3A_665 = vector.shape_cast %get3A_664 : vector<1x16xf32> to vector<16xf32>
      %mul3A_666 = arith.mulf %get3A_665, %get3A_49 : vector<16xf32>
      %add3A_667 = arith.addf %mul3A_661, %mul3A_666 : vector<16xf32>
      %swap3A_668 = arith.index_cast %scan3A_42 : i32 to index
      %swap3A_669 = arith.constant 608 : index
      %swap3A_670 = tpu.vector_load %arg10[%swap3A_668, %swap3A_669] {strides = array<i32>} : memref<32x1024xf32, #tpu.memory_space<vmem>>, vector<1x16xf32>,
      %swap3A_671 = vector.shape_cast %swap3A_670 : vector<1x16xf32> to vector<16xf32>
      %swap3A_672 = vector.shape_cast %add3A_667 : vector<16xf32> to vector<1x16xf32>
      tpu.vector_store %arg10[%swap3A_668, %swap3A_669], %swap3A_672 {strides = array<i32>} : memref<32x1024xf32, #tpu.memory_space<vmem>>, vector<1x16xf32>,
      %get3A_673 = arith.index_cast %scan3A_42 : i32 to index
      %get3A_674 = arith.constant 624 : index
      %get3A_675 = tpu.vector_load %arg10[%get3A_673, %get3A_674] {strides = array<i32>} : memref<32x1024xf32, #tpu.memory_space<vmem>>, vector<1x16xf32>,
      %get3A_676 = vector.shape_cast %get3A_675 : vector<1x16xf32> to vector<16xf32>
      %mul3A_677 = arith.mulf %get3A_676, %get3A_45 : vector<16xf32>
      %get3A_678 = arith.index_cast %scan3A_42 : i32 to index
      %get3A_679 = arith.constant 624 : index
      %get3A_680 = tpu.vector_load %arg11[%get3A_678, %get3A_679] {strides = array<i32>} : memref<32x1024xf32, #tpu.memory_space<vmem>>, vector<1x16xf32>,
      %get3A_681 = vector.shape_cast %get3A_680 : vector<1x16xf32> to vector<16xf32>
      %mul3A_682 = arith.mulf %get3A_681, %get3A_49 : vector<16xf32>
      %add3A_683 = arith.addf %mul3A_677, %mul3A_682 : vector<16xf32>
      %swap3A_684 = arith.index_cast %scan3A_42 : i32 to index
      %swap3A_685 = arith.constant 624 : index
      %swap3A_686 = tpu.vector_load %arg10[%swap3A_684, %swap3A_685] {strides = array<i32>} : memref<32x1024xf32, #tpu.memory_space<vmem>>, vector<1x16xf32>,
      %swap3A_687 = vector.shape_cast %swap3A_686 : vector<1x16xf32> to vector<16xf32>
      %swap3A_688 = vector.shape_cast %add3A_683 : vector<16xf32> to vector<1x16xf32>
      tpu.vector_store %arg10[%swap3A_684, %swap3A_685], %swap3A_688 {strides = array<i32>} : memref<32x1024xf32, #tpu.memory_space<vmem>>, vector<1x16xf32>,
      %get3A_689 = arith.index_cast %scan3A_42 : i32 to index
      %get3A_690 = arith.constant 640 : index
      %get3A_691 = tpu.vector_load %arg10[%get3A_689, %get3A_690] {strides = array<i32>} : memref<32x1024xf32, #tpu.memory_space<vmem>>, vector<1x16xf32>,
      %get3A_692 = vector.shape_cast %get3A_691 : vector<1x16xf32> to vector<16xf32>
      %mul3A_693 = arith.mulf %get3A_692, %get3A_45 : vector<16xf32>
      %get3A_694 = arith.index_cast %scan3A_42 : i32 to index
      %get3A_695 = arith.constant 640 : index
      %get3A_696 = tpu.vector_load %arg11[%get3A_694, %get3A_695] {strides = array<i32>} : memref<32x1024xf32, #tpu.memory_space<vmem>>, vector<1x16xf32>,
      %get3A_697 = vector.shape_cast %get3A_696 : vector<1x16xf32> to vector<16xf32>
      %mul3A_698 = arith.mulf %get3A_697, %get3A_49 : vector<16xf32>
      %add3A_699 = arith.addf %mul3A_693, %mul3A_698 : vector<16xf32>
      %swap3A_700 = arith.index_cast %scan3A_42 : i32 to index
      %swap3A_701 = arith.constant 640 : index
      %swap3A_702 = tpu.vector_load %arg10[%swap3A_700, %swap3A_701] {strides = array<i32>} : memref<32x1024xf32, #tpu.memory_space<vmem>>, vector<1x16xf32>,
      %swap3A_703 = vector.shape_cast %swap3A_702 : vector<1x16xf32> to vector<16xf32>
      %swap3A_704 = vector.shape_cast %add3A_699 : vector<16xf32> to vector<1x16xf32>
      tpu.vector_store %arg10[%swap3A_700, %swap3A_701], %swap3A_704 {strides = array<i32>} : memref<32x1024xf32, #tpu.memory_space<vmem>>, vector<1x16xf32>,
      %get3A_705 = arith.index_cast %scan3A_42 : i32 to index
      %get3A_706 = arith.constant 656 : index
      %get3A_707 = tpu.vector_load %arg10[%get3A_705, %get3A_706] {strides = array<i32>} : memref<32x1024xf32, #tpu.memory_space<vmem>>, vector<1x16xf32>,
      %get3A_708 = vector.shape_cast %get3A_707 : vector<1x16xf32> to vector<16xf32>
      %mul3A_709 = arith.mulf %get3A_708, %get3A_45 : vector<16xf32>
      %get3A_710 = arith.index_cast %scan3A_42 : i32 to index
      %get3A_711 = arith.constant 656 : index
      %get3A_712 = tpu.vector_load %arg11[%get3A_710, %get3A_711] {strides = array<i32>} : memref<32x1024xf32, #tpu.memory_space<vmem>>, vector<1x16xf32>,
      %get3A_713 = vector.shape_cast %get3A_712 : vector<1x16xf32> to vector<16xf32>
      %mul3A_714 = arith.mulf %get3A_713, %get3A_49 : vector<16xf32>
      %add3A_715 = arith.addf %mul3A_709, %mul3A_714 : vector<16xf32>
      %swap3A_716 = arith.index_cast %scan3A_42 : i32 to index
      %swap3A_717 = arith.constant 656 : index
      %swap3A_718 = tpu.vector_load %arg10[%swap3A_716, %swap3A_717] {strides = array<i32>} : memref<32x1024xf32, #tpu.memory_space<vmem>>, vector<1x16xf32>,
      %swap3A_719 = vector.shape_cast %swap3A_718 : vector<1x16xf32> to vector<16xf32>
      %swap3A_720 = vector.shape_cast %add3A_715 : vector<16xf32> to vector<1x16xf32>
      tpu.vector_store %arg10[%swap3A_716, %swap3A_717], %swap3A_720 {strides = array<i32>} : memref<32x1024xf32, #tpu.memory_space<vmem>>, vector<1x16xf32>,
      %get3A_721 = arith.index_cast %scan3A_42 : i32 to index
      %get3A_722 = arith.constant 672 : index
      %get3A_723 = tpu.vector_load %arg10[%get3A_721, %get3A_722] {strides = array<i32>} : memref<32x1024xf32, #tpu.memory_space<vmem>>, vector<1x16xf32>,
      %get3A_724 = vector.shape_cast %get3A_723 : vector<1x16xf32> to vector<16xf32>
      %mul3A_725 = arith.mulf %get3A_724, %get3A_45 : vector<16xf32>
      %get3A_726 = arith.index_cast %scan3A_42 : i32 to index
      %get3A_727 = arith.constant 672 : index
      %get3A_728 = tpu.vector_load %arg11[%get3A_726, %get3A_727] {strides = array<i32>} : memref<32x1024xf32, #tpu.memory_space<vmem>>, vector<1x16xf32>,
      %get3A_729 = vector.shape_cast %get3A_728 : vector<1x16xf32> to vector<16xf32>
      %mul3A_730 = arith.mulf %get3A_729, %get3A_49 : vector<16xf32>
      %add3A_731 = arith.addf %mul3A_725, %mul3A_730 : vector<16xf32>
      %swap3A_732 = arith.index_cast %scan3A_42 : i32 to index
      %swap3A_733 = arith.constant 672 : index
      %swap3A_734 = tpu.vector_load %arg10[%swap3A_732, %swap3A_733] {strides = array<i32>} : memref<32x1024xf32, #tpu.memory_space<vmem>>, vector<1x16xf32>,
      %swap3A_735 = vector.shape_cast %swap3A_734 : vector<1x16xf32> to vector<16xf32>
      %swap3A_736 = vector.shape_cast %add3A_731 : vector<16xf32> to vector<1x16xf32>
      tpu.vector_store %arg10[%swap3A_732, %swap3A_733], %swap3A_736 {strides = array<i32>} : memref<32x1024xf32, #tpu.memory_space<vmem>>, vector<1x16xf32>,
      %get3A_737 = arith.index_cast %scan3A_42 : i32 to index
      %get3A_738 = arith.constant 688 : index
      %get3A_739 = tpu.vector_load %arg10[%get3A_737, %get3A_738] {strides = array<i32>} : memref<32x1024xf32, #tpu.memory_space<vmem>>, vector<1x16xf32>,
      %get3A_740 = vector.shape_cast %get3A_739 : vector<1x16xf32> to vector<16xf32>
      %mul3A_741 = arith.mulf %get3A_740, %get3A_45 : vector<16xf32>
      %get3A_742 = arith.index_cast %scan3A_42 : i32 to index
      %get3A_743 = arith.constant 688 : index
      %get3A_744 = tpu.vector_load %arg11[%get3A_742, %get3A_743] {strides = array<i32>} : memref<32x1024xf32, #tpu.memory_space<vmem>>, vector<1x16xf32>,
      %get3A_745 = vector.shape_cast %get3A_744 : vector<1x16xf32> to vector<16xf32>
      %mul3A_746 = arith.mulf %get3A_745, %get3A_49 : vector<16xf32>
      %add3A_747 = arith.addf %mul3A_741, %mul3A_746 : vector<16xf32>
      %swap3A_748 = arith.index_cast %scan3A_42 : i32 to index
      %swap3A_749 = arith.constant 688 : index
      %swap3A_750 = tpu.vector_load %arg10[%swap3A_748, %swap3A_749] {strides = array<i32>} : memref<32x1024xf32, #tpu.memory_space<vmem>>, vector<1x16xf32>,
      %swap3A_751 = vector.shape_cast %swap3A_750 : vector<1x16xf32> to vector<16xf32>
      %swap3A_752 = vector.shape_cast %add3A_747 : vector<16xf32> to vector<1x16xf32>
      tpu.vector_store %arg10[%swap3A_748, %swap3A_749], %swap3A_752 {strides = array<i32>} : memref<32x1024xf32, #tpu.memory_space<vmem>>, vector<1x16xf32>,
      %get3A_753 = arith.index_cast %scan3A_42 : i32 to index
      %get3A_754 = arith.constant 704 : index
      %get3A_755 = tpu.vector_load %arg10[%get3A_753, %get3A_754] {strides = array<i32>} : memref<32x1024xf32, #tpu.memory_space<vmem>>, vector<1x16xf32>,
      %get3A_756 = vector.shape_cast %get3A_755 : vector<1x16xf32> to vector<16xf32>
      %mul3A_757 = arith.mulf %get3A_756, %get3A_45 : vector<16xf32>
      %get3A_758 = arith.index_cast %scan3A_42 : i32 to index
      %get3A_759 = arith.constant 704 : index
      %get3A_760 = tpu.vector_load %arg11[%get3A_758, %get3A_759] {strides = array<i32>} : memref<32x1024xf32, #tpu.memory_space<vmem>>, vector<1x16xf32>,
      %get3A_761 = vector.shape_cast %get3A_760 : vector<1x16xf32> to vector<16xf32>
      %mul3A_762 = arith.mulf %get3A_761, %get3A_49 : vector<16xf32>
      %add3A_763 = arith.addf %mul3A_757, %mul3A_762 : vector<16xf32>
      %swap3A_764 = arith.index_cast %scan3A_42 : i32 to index
      %swap3A_765 = arith.constant 704 : index
      %swap3A_766 = tpu.vector_load %arg10[%swap3A_764, %swap3A_765] {strides = array<i32>} : memref<32x1024xf32, #tpu.memory_space<vmem>>, vector<1x16xf32>,
      %swap3A_767 = vector.shape_cast %swap3A_766 : vector<1x16xf32> to vector<16xf32>
      %swap3A_768 = vector.shape_cast %add3A_763 : vector<16xf32> to vector<1x16xf32>
      tpu.vector_store %arg10[%swap3A_764, %swap3A_765], %swap3A_768 {strides = array<i32>} : memref<32x1024xf32, #tpu.memory_space<vmem>>, vector<1x16xf32>,
      %get3A_769 = arith.index_cast %scan3A_42 : i32 to index
      %get3A_770 = arith.constant 720 : index
      %get3A_771 = tpu.vector_load %arg10[%get3A_769, %get3A_770] {strides = array<i32>} : memref<32x1024xf32, #tpu.memory_space<vmem>>, vector<1x16xf32>,
      %get3A_772 = vector.shape_cast %get3A_771 : vector<1x16xf32> to vector<16xf32>
      %mul3A_773 = arith.mulf %get3A_772, %get3A_45 : vector<16xf32>
      %get3A_774 = arith.index_cast %scan3A_42 : i32 to index
      %get3A_775 = arith.constant 720 : index
      %get3A_776 = tpu.vector_load %arg11[%get3A_774, %get3A_775] {strides = array<i32>} : memref<32x1024xf32, #tpu.memory_space<vmem>>, vector<1x16xf32>,
      %get3A_777 = vector.shape_cast %get3A_776 : vector<1x16xf32> to vector<16xf32>
      %mul3A_778 = arith.mulf %get3A_777, %get3A_49 : vector<16xf32>
      %add3A_779 = arith.addf %mul3A_773, %mul3A_778 : vector<16xf32>
      %swap3A_780 = arith.index_cast %scan3A_42 : i32 to index
      %swap3A_781 = arith.constant 720 : index
      %swap3A_782 = tpu.vector_load %arg10[%swap3A_780, %swap3A_781] {strides = array<i32>} : memref<32x1024xf32, #tpu.memory_space<vmem>>, vector<1x16xf32>,
      %swap3A_783 = vector.shape_cast %swap3A_782 : vector<1x16xf32> to vector<16xf32>
      %swap3A_784 = vector.shape_cast %add3A_779 : vector<16xf32> to vector<1x16xf32>
      tpu.vector_store %arg10[%swap3A_780, %swap3A_781], %swap3A_784 {strides = array<i32>} : memref<32x1024xf32, #tpu.memory_space<vmem>>, vector<1x16xf32>,
      %get3A_785 = arith.index_cast %scan3A_42 : i32 to index
      %get3A_786 = arith.constant 736 : index
      %get3A_787 = tpu.vector_load %arg10[%get3A_785, %get3A_786] {strides = array<i32>} : memref<32x1024xf32, #tpu.memory_space<vmem>>, vector<1x16xf32>,
      %get3A_788 = vector.shape_cast %get3A_787 : vector<1x16xf32> to vector<16xf32>
      %mul3A_789 = arith.mulf %get3A_788, %get3A_45 : vector<16xf32>
      %get3A_790 = arith.index_cast %scan3A_42 : i32 to index
      %get3A_791 = arith.constant 736 : index
      %get3A_792 = tpu.vector_load %arg11[%get3A_790, %get3A_791] {strides = array<i32>} : memref<32x1024xf32, #tpu.memory_space<vmem>>, vector<1x16xf32>,
      %get3A_793 = vector.shape_cast %get3A_792 : vector<1x16xf32> to vector<16xf32>
      %mul3A_794 = arith.mulf %get3A_793, %get3A_49 : vector<16xf32>
      %add3A_795 = arith.addf %mul3A_789, %mul3A_794 : vector<16xf32>
      %swap3A_796 = arith.index_cast %scan3A_42 : i32 to index
      %swap3A_797 = arith.constant 736 : index
      %swap3A_798 = tpu.vector_load %arg10[%swap3A_796, %swap3A_797] {strides = array<i32>} : memref<32x1024xf32, #tpu.memory_space<vmem>>, vector<1x16xf32>,
      %swap3A_799 = vector.shape_cast %swap3A_798 : vector<1x16xf32> to vector<16xf32>
      %swap3A_800 = vector.shape_cast %add3A_795 : vector<16xf32> to vector<1x16xf32>
      tpu.vector_store %arg10[%swap3A_796, %swap3A_797], %swap3A_800 {strides = array<i32>} : memref<32x1024xf32, #tpu.memory_space<vmem>>, vector<1x16xf32>,
      %get3A_801 = arith.index_cast %scan3A_42 : i32 to index
      %get3A_802 = arith.constant 752 : index
      %get3A_803 = tpu.vector_load %arg10[%get3A_801, %get3A_802] {strides = array<i32>} : memref<32x1024xf32, #tpu.memory_space<vmem>>, vector<1x16xf32>,
      %get3A_804 = vector.shape_cast %get3A_803 : vector<1x16xf32> to vector<16xf32>
      %mul3A_805 = arith.mulf %get3A_804, %get3A_45 : vector<16xf32>
      %get3A_806 = arith.index_cast %scan3A_42 : i32 to index
      %get3A_807 = arith.constant 752 : index
      %get3A_808 = tpu.vector_load %arg11[%get3A_806, %get3A_807] {strides = array<i32>} : memref<32x1024xf32, #tpu.memory_space<vmem>>, vector<1x16xf32>,
      %get3A_809 = vector.shape_cast %get3A_808 : vector<1x16xf32> to vector<16xf32>
      %mul3A_810 = arith.mulf %get3A_809, %get3A_49 : vector<16xf32>
      %add3A_811 = arith.addf %mul3A_805, %mul3A_810 : vector<16xf32>
      %swap3A_812 = arith.index_cast %scan3A_42 : i32 to index
      %swap3A_813 = arith.constant 752 : index
      %swap3A_814 = tpu.vector_load %arg10[%swap3A_812, %swap3A_813] {strides = array<i32>} : memref<32x1024xf32, #tpu.memory_space<vmem>>, vector<1x16xf32>,
      %swap3A_815 = vector.shape_cast %swap3A_814 : vector<1x16xf32> to vector<16xf32>
      %swap3A_816 = vector.shape_cast %add3A_811 : vector<16xf32> to vector<1x16xf32>
      tpu.vector_store %arg10[%swap3A_812, %swap3A_813], %swap3A_816 {strides = array<i32>} : memref<32x1024xf32, #tpu.memory_space<vmem>>, vector<1x16xf32>,
      %get3A_817 = arith.index_cast %scan3A_42 : i32 to index
      %get3A_818 = arith.constant 768 : index
      %get3A_819 = tpu.vector_load %arg10[%get3A_817, %get3A_818] {strides = array<i32>} : memref<32x1024xf32, #tpu.memory_space<vmem>>, vector<1x16xf32>,
      %get3A_820 = vector.shape_cast %get3A_819 : vector<1x16xf32> to vector<16xf32>
      %mul3A_821 = arith.mulf %get3A_820, %get3A_45 : vector<16xf32>
      %get3A_822 = arith.index_cast %scan3A_42 : i32 to index
      %get3A_823 = arith.constant 768 : index
      %get3A_824 = tpu.vector_load %arg11[%get3A_822, %get3A_823] {strides = array<i32>} : memref<32x1024xf32, #tpu.memory_space<vmem>>, vector<1x16xf32>,
      %get3A_825 = vector.shape_cast %get3A_824 : vector<1x16xf32> to vector<16xf32>
      %mul3A_826 = arith.mulf %get3A_825, %get3A_49 : vector<16xf32>
      %add3A_827 = arith.addf %mul3A_821, %mul3A_826 : vector<16xf32>
      %swap3A_828 = arith.index_cast %scan3A_42 : i32 to index
      %swap3A_829 = arith.constant 768 : index
      %swap3A_830 = tpu.vector_load %arg10[%swap3A_828, %swap3A_829] {strides = array<i32>} : memref<32x1024xf32, #tpu.memory_space<vmem>>, vector<1x16xf32>,
      %swap3A_831 = vector.shape_cast %swap3A_830 : vector<1x16xf32> to vector<16xf32>
      %swap3A_832 = vector.shape_cast %add3A_827 : vector<16xf32> to vector<1x16xf32>
      tpu.vector_store %arg10[%swap3A_828, %swap3A_829], %swap3A_832 {strides = array<i32>} : memref<32x1024xf32, #tpu.memory_space<vmem>>, vector<1x16xf32>,
      %get3A_833 = arith.index_cast %scan3A_42 : i32 to index
      %get3A_834 = arith.constant 784 : index
      %get3A_835 = tpu.vector_load %arg10[%get3A_833, %get3A_834] {strides = array<i32>} : memref<32x1024xf32, #tpu.memory_space<vmem>>, vector<1x16xf32>,
      %get3A_836 = vector.shape_cast %get3A_835 : vector<1x16xf32> to vector<16xf32>
      %mul3A_837 = arith.mulf %get3A_836, %get3A_45 : vector<16xf32>
      %get3A_838 = arith.index_cast %scan3A_42 : i32 to index
      %get3A_839 = arith.constant 784 : index
      %get3A_840 = tpu.vector_load %arg11[%get3A_838, %get3A_839] {strides = array<i32>} : memref<32x1024xf32, #tpu.memory_space<vmem>>, vector<1x16xf32>,
      %get3A_841 = vector.shape_cast %get3A_840 : vector<1x16xf32> to vector<16xf32>
      %mul3A_842 = arith.mulf %get3A_841, %get3A_49 : vector<16xf32>
      %add3A_843 = arith.addf %mul3A_837, %mul3A_842 : vector<16xf32>
      %swap3A_844 = arith.index_cast %scan3A_42 : i32 to index
      %swap3A_845 = arith.constant 784 : index
      %swap3A_846 = tpu.vector_load %arg10[%swap3A_844, %swap3A_845] {strides = array<i32>} : memref<32x1024xf32, #tpu.memory_space<vmem>>, vector<1x16xf32>,
      %swap3A_847 = vector.shape_cast %swap3A_846 : vector<1x16xf32> to vector<16xf32>
      %swap3A_848 = vector.shape_cast %add3A_843 : vector<16xf32> to vector<1x16xf32>
      tpu.vector_store %arg10[%swap3A_844, %swap3A_845], %swap3A_848 {strides = array<i32>} : memref<32x1024xf32, #tpu.memory_space<vmem>>, vector<1x16xf32>,
      %get3A_849 = arith.index_cast %scan3A_42 : i32 to index
      %get3A_850 = arith.constant 800 : index
      %get3A_851 = tpu.vector_load %arg10[%get3A_849, %get3A_850] {strides = array<i32>} : memref<32x1024xf32, #tpu.memory_space<vmem>>, vector<1x16xf32>,
      %get3A_852 = vector.shape_cast %get3A_851 : vector<1x16xf32> to vector<16xf32>
      %mul3A_853 = arith.mulf %get3A_852, %get3A_45 : vector<16xf32>
      %get3A_854 = arith.index_cast %scan3A_42 : i32 to index
      %get3A_855 = arith.constant 800 : index
      %get3A_856 = tpu.vector_load %arg11[%get3A_854, %get3A_855] {strides = array<i32>} : memref<32x1024xf32, #tpu.memory_space<vmem>>, vector<1x16xf32>,
      %get3A_857 = vector.shape_cast %get3A_856 : vector<1x16xf32> to vector<16xf32>
      %mul3A_858 = arith.mulf %get3A_857, %get3A_49 : vector<16xf32>
      %add3A_859 = arith.addf %mul3A_853, %mul3A_858 : vector<16xf32>
      %swap3A_860 = arith.index_cast %scan3A_42 : i32 to index
      %swap3A_861 = arith.constant 800 : index
      %swap3A_862 = tpu.vector_load %arg10[%swap3A_860, %swap3A_861] {strides = array<i32>} : memref<32x1024xf32, #tpu.memory_space<vmem>>, vector<1x16xf32>,
      %swap3A_863 = vector.shape_cast %swap3A_862 : vector<1x16xf32> to vector<16xf32>
      %swap3A_864 = vector.shape_cast %add3A_859 : vector<16xf32> to vector<1x16xf32>
      tpu.vector_store %arg10[%swap3A_860, %swap3A_861], %swap3A_864 {strides = array<i32>} : memref<32x1024xf32, #tpu.memory_space<vmem>>, vector<1x16xf32>,
      %get3A_865 = arith.index_cast %scan3A_42 : i32 to index
      %get3A_866 = arith.constant 816 : index
      %get3A_867 = tpu.vector_load %arg10[%get3A_865, %get3A_866] {strides = array<i32>} : memref<32x1024xf32, #tpu.memory_space<vmem>>, vector<1x16xf32>,
      %get3A_868 = vector.shape_cast %get3A_867 : vector<1x16xf32> to vector<16xf32>
      %mul3A_869 = arith.mulf %get3A_868, %get3A_45 : vector<16xf32>
      %get3A_870 = arith.index_cast %scan3A_42 : i32 to index
      %get3A_871 = arith.constant 816 : index
      %get3A_872 = tpu.vector_load %arg11[%get3A_870, %get3A_871] {strides = array<i32>} : memref<32x1024xf32, #tpu.memory_space<vmem>>, vector<1x16xf32>,
      %get3A_873 = vector.shape_cast %get3A_872 : vector<1x16xf32> to vector<16xf32>
      %mul3A_874 = arith.mulf %get3A_873, %get3A_49 : vector<16xf32>
      %add3A_875 = arith.addf %mul3A_869, %mul3A_874 : vector<16xf32>
      %swap3A_876 = arith.index_cast %scan3A_42 : i32 to index
      %swap3A_877 = arith.constant 816 : index
      %swap3A_878 = tpu.vector_load %arg10[%swap3A_876, %swap3A_877] {strides = array<i32>} : memref<32x1024xf32, #tpu.memory_space<vmem>>, vector<1x16xf32>,
      %swap3A_879 = vector.shape_cast %swap3A_878 : vector<1x16xf32> to vector<16xf32>
      %swap3A_880 = vector.shape_cast %add3A_875 : vector<16xf32> to vector<1x16xf32>
      tpu.vector_store %arg10[%swap3A_876, %swap3A_877], %swap3A_880 {strides = array<i32>} : memref<32x1024xf32, #tpu.memory_space<vmem>>, vector<1x16xf32>,
      %get3A_881 = arith.index_cast %scan3A_42 : i32 to index
      %get3A_882 = arith.constant 832 : index
      %get3A_883 = tpu.vector_load %arg10[%get3A_881, %get3A_882] {strides = array<i32>} : memref<32x1024xf32, #tpu.memory_space<vmem>>, vector<1x16xf32>,
      %get3A_884 = vector.shape_cast %get3A_883 : vector<1x16xf32> to vector<16xf32>
      %mul3A_885 = arith.mulf %get3A_884, %get3A_45 : vector<16xf32>
      %get3A_886 = arith.index_cast %scan3A_42 : i32 to index
      %get3A_887 = arith.constant 832 : index
      %get3A_888 = tpu.vector_load %arg11[%get3A_886, %get3A_887] {strides = array<i32>} : memref<32x1024xf32, #tpu.memory_space<vmem>>, vector<1x16xf32>,
      %get3A_889 = vector.shape_cast %get3A_888 : vector<1x16xf32> to vector<16xf32>
      %mul3A_890 = arith.mulf %get3A_889, %get3A_49 : vector<16xf32>
      %add3A_891 = arith.addf %mul3A_885, %mul3A_890 : vector<16xf32>
      %swap3A_892 = arith.index_cast %scan3A_42 : i32 to index
      %swap3A_893 = arith.constant 832 : index
      %swap3A_894 = tpu.vector_load %arg10[%swap3A_892, %swap3A_893] {strides = array<i32>} : memref<32x1024xf32, #tpu.memory_space<vmem>>, vector<1x16xf32>,
      %swap3A_895 = vector.shape_cast %swap3A_894 : vector<1x16xf32> to vector<16xf32>
      %swap3A_896 = vector.shape_cast %add3A_891 : vector<16xf32> to vector<1x16xf32>
      tpu.vector_store %arg10[%swap3A_892, %swap3A_893], %swap3A_896 {strides = array<i32>} : memref<32x1024xf32, #tpu.memory_space<vmem>>, vector<1x16xf32>,
      %get3A_897 = arith.index_cast %scan3A_42 : i32 to index
      %get3A_898 = arith.constant 848 : index
      %get3A_899 = tpu.vector_load %arg10[%get3A_897, %get3A_898] {strides = array<i32>} : memref<32x1024xf32, #tpu.memory_space<vmem>>, vector<1x16xf32>,
      %get3A_900 = vector.shape_cast %get3A_899 : vector<1x16xf32> to vector<16xf32>
      %mul3A_901 = arith.mulf %get3A_900, %get3A_45 : vector<16xf32>
      %get3A_902 = arith.index_cast %scan3A_42 : i32 to index
      %get3A_903 = arith.constant 848 : index
      %get3A_904 = tpu.vector_load %arg11[%get3A_902, %get3A_903] {strides = array<i32>} : memref<32x1024xf32, #tpu.memory_space<vmem>>, vector<1x16xf32>,
      %get3A_905 = vector.shape_cast %get3A_904 : vector<1x16xf32> to vector<16xf32>
      %mul3A_906 = arith.mulf %get3A_905, %get3A_49 : vector<16xf32>
      %add3A_907 = arith.addf %mul3A_901, %mul3A_906 : vector<16xf32>
      %swap3A_908 = arith.index_cast %scan3A_42 : i32 to index
      %swap3A_909 = arith.constant 848 : index
      %swap3A_910 = tpu.vector_load %arg10[%swap3A_908, %swap3A_909] {strides = array<i32>} : memref<32x1024xf32, #tpu.memory_space<vmem>>, vector<1x16xf32>,
      %swap3A_911 = vector.shape_cast %swap3A_910 : vector<1x16xf32> to vector<16xf32>
      %swap3A_912 = vector.shape_cast %add3A_907 : vector<16xf32> to vector<1x16xf32>
      tpu.vector_store %arg10[%swap3A_908, %swap3A_909], %swap3A_912 {strides = array<i32>} : memref<32x1024xf32, #tpu.memory_space<vmem>>, vector<1x16xf32>,
      %get3A_913 = arith.index_cast %scan3A_42 : i32 to index
      %get3A_914 = arith.constant 864 : index
      %get3A_915 = tpu.vector_load %arg10[%get3A_913, %get3A_914] {strides = array<i32>} : memref<32x1024xf32, #tpu.memory_space<vmem>>, vector<1x16xf32>,
      %get3A_916 = vector.shape_cast %get3A_915 : vector<1x16xf32> to vector<16xf32>
      %mul3A_917 = arith.mulf %get3A_916, %get3A_45 : vector<16xf32>
      %get3A_918 = arith.index_cast %scan3A_42 : i32 to index
      %get3A_919 = arith.constant 864 : index
      %get3A_920 = tpu.vector_load %arg11[%get3A_918, %get3A_919] {strides = array<i32>} : memref<32x1024xf32, #tpu.memory_space<vmem>>, vector<1x16xf32>,
      %get3A_921 = vector.shape_cast %get3A_920 : vector<1x16xf32> to vector<16xf32>
      %mul3A_922 = arith.mulf %get3A_921, %get3A_49 : vector<16xf32>
      %add3A_923 = arith.addf %mul3A_917, %mul3A_922 : vector<16xf32>
      %swap3A_924 = arith.index_cast %scan3A_42 : i32 to index
      %swap3A_925 = arith.constant 864 : index
      %swap3A_926 = tpu.vector_load %arg10[%swap3A_924, %swap3A_925] {strides = array<i32>} : memref<32x1024xf32, #tpu.memory_space<vmem>>, vector<1x16xf32>,
      %swap3A_927 = vector.shape_cast %swap3A_926 : vector<1x16xf32> to vector<16xf32>
      %swap3A_928 = vector.shape_cast %add3A_923 : vector<16xf32> to vector<1x16xf32>
      tpu.vector_store %arg10[%swap3A_924, %swap3A_925], %swap3A_928 {strides = array<i32>} : memref<32x1024xf32, #tpu.memory_space<vmem>>, vector<1x16xf32>,
      %get3A_929 = arith.index_cast %scan3A_42 : i32 to index
      %get3A_930 = arith.constant 880 : index
      %get3A_931 = tpu.vector_load %arg10[%get3A_929, %get3A_930] {strides = array<i32>} : memref<32x1024xf32, #tpu.memory_space<vmem>>, vector<1x16xf32>,
      %get3A_932 = vector.shape_cast %get3A_931 : vector<1x16xf32> to vector<16xf32>
      %mul3A_933 = arith.mulf %get3A_932, %get3A_45 : vector<16xf32>
      %get3A_934 = arith.index_cast %scan3A_42 : i32 to index
      %get3A_935 = arith.constant 880 : index
      %get3A_936 = tpu.vector_load %arg11[%get3A_934, %get3A_935] {strides = array<i32>} : memref<32x1024xf32, #tpu.memory_space<vmem>>, vector<1x16xf32>,
      %get3A_937 = vector.shape_cast %get3A_936 : vector<1x16xf32> to vector<16xf32>
      %mul3A_938 = arith.mulf %get3A_937, %get3A_49 : vector<16xf32>
      %add3A_939 = arith.addf %mul3A_933, %mul3A_938 : vector<16xf32>
      %swap3A_940 = arith.index_cast %scan3A_42 : i32 to index
      %swap3A_941 = arith.constant 880 : index
      %swap3A_942 = tpu.vector_load %arg10[%swap3A_940, %swap3A_941] {strides = array<i32>} : memref<32x1024xf32, #tpu.memory_space<vmem>>, vector<1x16xf32>,
      %swap3A_943 = vector.shape_cast %swap3A_942 : vector<1x16xf32> to vector<16xf32>
      %swap3A_944 = vector.shape_cast %add3A_939 : vector<16xf32> to vector<1x16xf32>
      tpu.vector_store %arg10[%swap3A_940, %swap3A_941], %swap3A_944 {strides = array<i32>} : memref<32x1024xf32, #tpu.memory_space<vmem>>, vector<1x16xf32>,
      %get3A_945 = arith.index_cast %scan3A_42 : i32 to index
      %get3A_946 = arith.constant 896 : index
      %get3A_947 = tpu.vector_load %arg10[%get3A_945, %get3A_946] {strides = array<i32>} : memref<32x1024xf32, #tpu.memory_space<vmem>>, vector<1x16xf32>,
      %get3A_948 = vector.shape_cast %get3A_947 : vector<1x16xf32> to vector<16xf32>
      %mul3A_949 = arith.mulf %get3A_948, %get3A_45 : vector<16xf32>
      %get3A_950 = arith.index_cast %scan3A_42 : i32 to index
      %get3A_951 = arith.constant 896 : index
      %get3A_952 = tpu.vector_load %arg11[%get3A_950, %get3A_951] {strides = array<i32>} : memref<32x1024xf32, #tpu.memory_space<vmem>>, vector<1x16xf32>,
      %get3A_953 = vector.shape_cast %get3A_952 : vector<1x16xf32> to vector<16xf32>
      %mul3A_954 = arith.mulf %get3A_953, %get3A_49 : vector<16xf32>
      %add3A_955 = arith.addf %mul3A_949, %mul3A_954 : vector<16xf32>
      %swap3A_956 = arith.index_cast %scan3A_42 : i32 to index
      %swap3A_957 = arith.constant 896 : index
      %swap3A_958 = tpu.vector_load %arg10[%swap3A_956, %swap3A_957] {strides = array<i32>} : memref<32x1024xf32, #tpu.memory_space<vmem>>, vector<1x16xf32>,
      %swap3A_959 = vector.shape_cast %swap3A_958 : vector<1x16xf32> to vector<16xf32>
      %swap3A_960 = vector.shape_cast %add3A_955 : vector<16xf32> to vector<1x16xf32>
      tpu.vector_store %arg10[%swap3A_956, %swap3A_957], %swap3A_960 {strides = array<i32>} : memref<32x1024xf32, #tpu.memory_space<vmem>>, vector<1x16xf32>,
      %get3A_961 = arith.index_cast %scan3A_42 : i32 to index
      %get3A_962 = arith.constant 912 : index
      %get3A_963 = tpu.vector_load %arg10[%get3A_961, %get3A_962] {strides = array<i32>} : memref<32x1024xf32, #tpu.memory_space<vmem>>, vector<1x16xf32>,
      %get3A_964 = vector.shape_cast %get3A_963 : vector<1x16xf32> to vector<16xf32>
      %mul3A_965 = arith.mulf %get3A_964, %get3A_45 : vector<16xf32>
      %get3A_966 = arith.index_cast %scan3A_42 : i32 to index
      %get3A_967 = arith.constant 912 : index
      %get3A_968 = tpu.vector_load %arg11[%get3A_966, %get3A_967] {strides = array<i32>} : memref<32x1024xf32, #tpu.memory_space<vmem>>, vector<1x16xf32>,
      %get3A_969 = vector.shape_cast %get3A_968 : vector<1x16xf32> to vector<16xf32>
      %mul3A_970 = arith.mulf %get3A_969, %get3A_49 : vector<16xf32>
      %add3A_971 = arith.addf %mul3A_965, %mul3A_970 : vector<16xf32>
      %swap3A_972 = arith.index_cast %scan3A_42 : i32 to index
      %swap3A_973 = arith.constant 912 : index
      %swap3A_974 = tpu.vector_load %arg10[%swap3A_972, %swap3A_973] {strides = array<i32>} : memref<32x1024xf32, #tpu.memory_space<vmem>>, vector<1x16xf32>,
      %swap3A_975 = vector.shape_cast %swap3A_974 : vector<1x16xf32> to vector<16xf32>
      %swap3A_976 = vector.shape_cast %add3A_971 : vector<16xf32> to vector<1x16xf32>
      tpu.vector_store %arg10[%swap3A_972, %swap3A_973], %swap3A_976 {strides = array<i32>} : memref<32x1024xf32, #tpu.memory_space<vmem>>, vector<1x16xf32>,
      %get3A_977 = arith.index_cast %scan3A_42 : i32 to index
      %get3A_978 = arith.constant 928 : index
      %get3A_979 = tpu.vector_load %arg10[%get3A_977, %get3A_978] {strides = array<i32>} : memref<32x1024xf32, #tpu.memory_space<vmem>>, vector<1x16xf32>,
      %get3A_980 = vector.shape_cast %get3A_979 : vector<1x16xf32> to vector<16xf32>
      %mul3A_981 = arith.mulf %get3A_980, %get3A_45 : vector<16xf32>
      %get3A_982 = arith.index_cast %scan3A_42 : i32 to index
      %get3A_983 = arith.constant 928 : index
      %get3A_984 = tpu.vector_load %arg11[%get3A_982, %get3A_983] {strides = array<i32>} : memref<32x1024xf32, #tpu.memory_space<vmem>>, vector<1x16xf32>,
      %get3A_985 = vector.shape_cast %get3A_984 : vector<1x16xf32> to vector<16xf32>
      %mul3A_986 = arith.mulf %get3A_985, %get3A_49 : vector<16xf32>
      %add3A_987 = arith.addf %mul3A_981, %mul3A_986 : vector<16xf32>
      %swap3A_988 = arith.index_cast %scan3A_42 : i32 to index
      %swap3A_989 = arith.constant 928 : index
      %swap3A_990 = tpu.vector_load %arg10[%swap3A_988, %swap3A_989] {strides = array<i32>} : memref<32x1024xf32, #tpu.memory_space<vmem>>, vector<1x16xf32>,
      %swap3A_991 = vector.shape_cast %swap3A_990 : vector<1x16xf32> to vector<16xf32>
      %swap3A_992 = vector.shape_cast %add3A_987 : vector<16xf32> to vector<1x16xf32>
      tpu.vector_store %arg10[%swap3A_988, %swap3A_989], %swap3A_992 {strides = array<i32>} : memref<32x1024xf32, #tpu.memory_space<vmem>>, vector<1x16xf32>,
      %get3A_993 = arith.index_cast %scan3A_42 : i32 to index
      %get3A_994 = arith.constant 944 : index
      %get3A_995 = tpu.vector_load %arg10[%get3A_993, %get3A_994] {strides = array<i32>} : memref<32x1024xf32, #tpu.memory_space<vmem>>, vector<1x16xf32>,
      %get3A_996 = vector.shape_cast %get3A_995 : vector<1x16xf32> to vector<16xf32>
      %mul3A_997 = arith.mulf %get3A_996, %get3A_45 : vector<16xf32>
      %get3A_998 = arith.index_cast %scan3A_42 : i32 to index
      %get3A_999 = arith.constant 944 : index
      %get3A_1000 = tpu.vector_load %arg11[%get3A_998, %get3A_999] {strides = array<i32>} : memref<32x1024xf32, #tpu.memory_space<vmem>>, vector<1x16xf32>,
      %get3A_1001 = vector.shape_cast %get3A_1000 : vector<1x16xf32> to vector<16xf32>
      %mul3A_1002 = arith.mulf %get3A_1001, %get3A_49 : vector<16xf32>
      %add3A_1003 = arith.addf %mul3A_997, %mul3A_1002 : vector<16xf32>
      %swap3A_1004 = arith.index_cast %scan3A_42 : i32 to index
      %swap3A_1005 = arith.constant 944 : index
      %swap3A_1006 = tpu.vector_load %arg10[%swap3A_1004, %swap3A_1005] {strides = array<i32>} : memref<32x1024xf32, #tpu.memory_space<vmem>>, vector<1x16xf32>,
      %swap3A_1007 = vector.shape_cast %swap3A_1006 : vector<1x16xf32> to vector<16xf32>
      %swap3A_1008 = vector.shape_cast %add3A_1003 : vector<16xf32> to vector<1x16xf32>
      tpu.vector_store %arg10[%swap3A_1004, %swap3A_1005], %swap3A_1008 {strides = array<i32>} : memref<32x1024xf32, #tpu.memory_space<vmem>>, vector<1x16xf32>,
      %get3A_1009 = arith.index_cast %scan3A_42 : i32 to index
      %get3A_1010 = arith.constant 960 : index
      %get3A_1011 = tpu.vector_load %arg10[%get3A_1009, %get3A_1010] {strides = array<i32>} : memref<32x1024xf32, #tpu.memory_space<vmem>>, vector<1x16xf32>,
      %get3A_1012 = vector.shape_cast %get3A_1011 : vector<1x16xf32> to vector<16xf32>
      %mul3A_1013 = arith.mulf %get3A_1012, %get3A_45 : vector<16xf32>
      %get3A_1014 = arith.index_cast %scan3A_42 : i32 to index
      %get3A_1015 = arith.constant 960 : index
      %get3A_1016 = tpu.vector_load %arg11[%get3A_1014, %get3A_1015] {strides = array<i32>} : memref<32x1024xf32, #tpu.memory_space<vmem>>, vector<1x16xf32>,
      %get3A_1017 = vector.shape_cast %get3A_1016 : vector<1x16xf32> to vector<16xf32>
      %mul3A_1018 = arith.mulf %get3A_1017, %get3A_49 : vector<16xf32>
      %add3A_1019 = arith.addf %mul3A_1013, %mul3A_1018 : vector<16xf32>
      %swap3A_1020 = arith.index_cast %scan3A_42 : i32 to index
      %swap3A_1021 = arith.constant 960 : index
      %swap3A_1022 = tpu.vector_load %arg10[%swap3A_1020, %swap3A_1021] {strides = array<i32>} : memref<32x1024xf32, #tpu.memory_space<vmem>>, vector<1x16xf32>,
      %swap3A_1023 = vector.shape_cast %swap3A_1022 : vector<1x16xf32> to vector<16xf32>
      %swap3A_1024 = vector.shape_cast %add3A_1019 : vector<16xf32> to vector<1x16xf32>
      tpu.vector_store %arg10[%swap3A_1020, %swap3A_1021], %swap3A_1024 {strides = array<i32>} : memref<32x1024xf32, #tpu.memory_space<vmem>>, vector<1x16xf32>,
      %get3A_1025 = arith.index_cast %scan3A_42 : i32 to index
      %get3A_1026 = arith.constant 976 : index
      %get3A_1027 = tpu.vector_load %arg10[%get3A_1025, %get3A_1026] {strides = array<i32>} : memref<32x1024xf32, #tpu.memory_space<vmem>>, vector<1x16xf32>,
      %get3A_1028 = vector.shape_cast %get3A_1027 : vector<1x16xf32> to vector<16xf32>
      %mul3A_1029 = arith.mulf %get3A_1028, %get3A_45 : vector<16xf32>
      %get3A_1030 = arith.index_cast %scan3A_42 : i32 to index
      %get3A_1031 = arith.constant 976 : index
      %get3A_1032 = tpu.vector_load %arg11[%get3A_1030, %get3A_1031] {strides = array<i32>} : memref<32x1024xf32, #tpu.memory_space<vmem>>, vector<1x16xf32>,
      %get3A_1033 = vector.shape_cast %get3A_1032 : vector<1x16xf32> to vector<16xf32>
      %mul3A_1034 = arith.mulf %get3A_1033, %get3A_49 : vector<16xf32>
      %add3A_1035 = arith.addf %mul3A_1029, %mul3A_1034 : vector<16xf32>
      %swap3A_1036 = arith.index_cast %scan3A_42 : i32 to index
      %swap3A_1037 = arith.constant 976 : index
      %swap3A_1038 = tpu.vector_load %arg10[%swap3A_1036, %swap3A_1037] {strides = array<i32>} : memref<32x1024xf32, #tpu.memory_space<vmem>>, vector<1x16xf32>,
      %swap3A_1039 = vector.shape_cast %swap3A_1038 : vector<1x16xf32> to vector<16xf32>
      %swap3A_1040 = vector.shape_cast %add3A_1035 : vector<16xf32> to vector<1x16xf32>
      tpu.vector_store %arg10[%swap3A_1036, %swap3A_1037], %swap3A_1040 {strides = array<i32>} : memref<32x1024xf32, #tpu.memory_space<vmem>>, vector<1x16xf32>,
      %get3A_1041 = arith.index_cast %scan3A_42 : i32 to index
      %get3A_1042 = arith.constant 992 : index
      %get3A_1043 = tpu.vector_load %arg10[%get3A_1041, %get3A_1042] {strides = array<i32>} : memref<32x1024xf32, #tpu.memory_space<vmem>>, vector<1x16xf32>,
      %get3A_1044 = vector.shape_cast %get3A_1043 : vector<1x16xf32> to vector<16xf32>
      %mul3A_1045 = arith.mulf %get3A_1044, %get3A_45 : vector<16xf32>
      %get3A_1046 = arith.index_cast %scan3A_42 : i32 to index
      %get3A_1047 = arith.constant 992 : index
      %get3A_1048 = tpu.vector_load %arg11[%get3A_1046, %get3A_1047] {strides = array<i32>} : memref<32x1024xf32, #tpu.memory_space<vmem>>, vector<1x16xf32>,
      %get3A_1049 = vector.shape_cast %get3A_1048 : vector<1x16xf32> to vector<16xf32>
      %mul3A_1050 = arith.mulf %get3A_1049, %get3A_49 : vector<16xf32>
      %add3A_1051 = arith.addf %mul3A_1045, %mul3A_1050 : vector<16xf32>
      %swap3A_1052 = arith.index_cast %scan3A_42 : i32 to index
      %swap3A_1053 = arith.constant 992 : index
      %swap3A_1054 = tpu.vector_load %arg10[%swap3A_1052, %swap3A_1053] {strides = array<i32>} : memref<32x1024xf32, #tpu.memory_space<vmem>>, vector<1x16xf32>,
      %swap3A_1055 = vector.shape_cast %swap3A_1054 : vector<1x16xf32> to vector<16xf32>
      %swap3A_1056 = vector.shape_cast %add3A_1051 : vector<16xf32> to vector<1x16xf32>
      tpu.vector_store %arg10[%swap3A_1052, %swap3A_1053], %swap3A_1056 {strides = array<i32>} : memref<32x1024xf32, #tpu.memory_space<vmem>>, vector<1x16xf32>,
      %get3A_1057 = arith.index_cast %scan3A_42 : i32 to index
      %get3A_1058 = arith.constant 1008 : index
      %get3A_1059 = tpu.vector_load %arg10[%get3A_1057, %get3A_1058] {strides = array<i32>} : memref<32x1024xf32, #tpu.memory_space<vmem>>, vector<1x16xf32>,
      %get3A_1060 = vector.shape_cast %get3A_1059 : vector<1x16xf32> to vector<16xf32>
      %mul3A_1061 = arith.mulf %get3A_1060, %get3A_45 : vector<16xf32>
      %get3A_1062 = arith.index_cast %scan3A_42 : i32 to index
      %get3A_1063 = arith.constant 1008 : index
      %get3A_1064 = tpu.vector_load %arg11[%get3A_1062, %get3A_1063] {strides = array<i32>} : memref<32x1024xf32, #tpu.memory_space<vmem>>, vector<1x16xf32>,
      %get3A_1065 = vector.shape_cast %get3A_1064 : vector<1x16xf32> to vector<16xf32>
      %mul3A_1066 = arith.mulf %get3A_1065, %get3A_49 : vector<16xf32>
      %add3A_1067 = arith.addf %mul3A_1061, %mul3A_1066 : vector<16xf32>
      %swap3A_1068 = arith.index_cast %scan3A_42 : i32 to index
      %swap3A_1069 = arith.constant 1008 : index
      %swap3A_1070 = tpu.vector_load %arg10[%swap3A_1068, %swap3A_1069] {strides = array<i32>} : memref<32x1024xf32, #tpu.memory_space<vmem>>, vector<1x16xf32>,
      %swap3A_1071 = vector.shape_cast %swap3A_1070 : vector<1x16xf32> to vector<16xf32>
      %swap3A_1072 = vector.shape_cast %add3A_1067 : vector<16xf32> to vector<1x16xf32>
      tpu.vector_store %arg10[%swap3A_1068, %swap3A_1069], %swap3A_1072 {strides = array<i32>} : memref<32x1024xf32, #tpu.memory_space<vmem>>, vector<1x16xf32>,
    }
    %scan3A_19 = arith.constant 32 : i32
    "tpu.region"() ({
      %run_scoped3A = tpu.sem_alloc : memref<!tpu.dma_semaphore, #tpu.memory_space<semaphore_mem>>
      %dma_start3A_42 = arith.constant 0 : i32
      %dma_start3A_43 = tpu.memref_slice %arg7[%add3A_4, %dma_start3A_42] : memref<2048x1024xf32, #tpu.memory_space<hbm>> -> memref<32x1024xf32, #tpu.memory_space<hbm>>
      %dma_start3A_44 = arith.constant 0 : i32
      %dma_start3A_45 = tpu.memref_slice %arg7[%add3A_4, %dma_start3A_44] : memref<2048x1024xf32, #tpu.memory_space<hbm>> -> memref<32x1024xf32, #tpu.memory_space<hbm>>
      tpu.enqueue_dma source(%arg10 : memref<32x1024xf32, #tpu.memory_space<vmem>>) target(%dma_start3A_45 : memref<32x1024xf32, #tpu.memory_space<hbm>>) target_semaphore(%run_scoped3A : memref<!tpu.dma_semaphore, #tpu.memory_space<semaphore_mem>>)
      %dma_wait3A_46 = arith.constant 0 : i32
      %dma_wait3A_47 = tpu.memref_slice %arg7[%add3A_4, %dma_wait3A_46] : memref<2048x1024xf32, #tpu.memory_space<hbm>> -> memref<32x1024xf32, #tpu.memory_space<hbm>>
      %dma_wait3A_48 = arith.constant 0 : i32
      %dma_wait3A_49 = tpu.memref_slice %arg7[%add3A_4, %dma_wait3A_48] : memref<2048x1024xf32, #tpu.memory_space<hbm>> -> memref<32x1024xf32, #tpu.memory_space<hbm>>
      tpu.wait_dma2 semaphore(%run_scoped3A : memref<!tpu.dma_semaphore, #tpu.memory_space<semaphore_mem>>) src(%arg10 : memref<32x1024xf32, #tpu.memory_space<vmem>>) dst(%dma_wait3A_49 : memref<32x1024xf32, #tpu.memory_space<hbm>>)
      tpu.yield
    }) : () -> ()
    %mul3A_20 = arith.constant 64 : i32
    %mul3A_21 = arith.muli %add3A, %mul3A_20 : i32
    %add3A_22 = arith.constant 32 : i32
    %add3A_23 = arith.addi %mul3A_21, %add3A_22 : i32
    "tpu.region"() ({
      %run_scoped3A = tpu.sem_alloc : memref<!tpu.dma_semaphore, #tpu.memory_space<semaphore_mem>>
      %dma_start3A_42 = tpu.memref_slice %arg3[%add3A_23] : memref<2048xi32, #tpu.memory_space<hbm>> -> memref<32xi32, #tpu.memory_space<hbm>>
      %dma_start3A_43 = tpu.memref_slice %arg3[%add3A_23] : memref<2048xi32, #tpu.memory_space<hbm>> -> memref<32xi32, #tpu.memory_space<hbm>>
      tpu.enqueue_dma source(%dma_start3A_43 : memref<32xi32, #tpu.memory_space<hbm>>) target(%arg8 : memref<32xi32, #tpu.memory_space<vmem>>) target_semaphore(%run_scoped3A : memref<!tpu.dma_semaphore, #tpu.memory_space<semaphore_mem>>)
      %dma_wait3A_44 = tpu.memref_slice %arg3[%add3A_23] : memref<2048xi32, #tpu.memory_space<hbm>> -> memref<32xi32, #tpu.memory_space<hbm>>
      %dma_wait3A_45 = tpu.memref_slice %arg3[%add3A_23] : memref<2048xi32, #tpu.memory_space<hbm>> -> memref<32xi32, #tpu.memory_space<hbm>>
      tpu.wait_dma2 semaphore(%run_scoped3A : memref<!tpu.dma_semaphore, #tpu.memory_space<semaphore_mem>>) src(%dma_wait3A_45 : memref<32xi32, #tpu.memory_space<hbm>>) dst(%arg8 : memref<32xi32, #tpu.memory_space<vmem>>)
      tpu.yield
    }) : () -> ()
    "tpu.region"() ({
      %run_scoped3A = tpu.sem_alloc : memref<!tpu.dma_semaphore, #tpu.memory_space<semaphore_mem>>
      %dma_start3A_42 = tpu.memref_slice %arg4[%add3A_23] : memref<2048xi32, #tpu.memory_space<hbm>> -> memref<32xi32, #tpu.memory_space<hbm>>
      %dma_start3A_43 = tpu.memref_slice %arg4[%add3A_23] : memref<2048xi32, #tpu.memory_space<hbm>> -> memref<32xi32, #tpu.memory_space<hbm>>
      tpu.enqueue_dma source(%dma_start3A_43 : memref<32xi32, #tpu.memory_space<hbm>>) target(%arg9 : memref<32xi32, #tpu.memory_space<vmem>>) target_semaphore(%run_scoped3A : memref<!tpu.dma_semaphore, #tpu.memory_space<semaphore_mem>>)
      %dma_wait3A_44 = tpu.memref_slice %arg4[%add3A_23] : memref<2048xi32, #tpu.memory_space<hbm>> -> memref<32xi32, #tpu.memory_space<hbm>>
      %dma_wait3A_45 = tpu.memref_slice %arg4[%add3A_23] : memref<2048xi32, #tpu.memory_space<hbm>> -> memref<32xi32, #tpu.memory_space<hbm>>
      tpu.wait_dma2 semaphore(%run_scoped3A : memref<!tpu.dma_semaphore, #tpu.memory_space<semaphore_mem>>) src(%dma_wait3A_45 : memref<32xi32, #tpu.memory_space<hbm>>) dst(%arg9 : memref<32xi32, #tpu.memory_space<vmem>>)
      tpu.yield
    }) : () -> ()
    "tpu.region"() ({
      %run_scoped3A = tpu.sem_alloc : memref<!tpu.dma_semaphore, #tpu.memory_space<semaphore_mem>>
      %dma_start3A_42 = arith.constant 0 : i32
      %dma_start3A_43 = tpu.memref_slice %arg5[%add3A_23, %dma_start3A_42] : memref<2048x16xf32, #tpu.memory_space<hbm>> -> memref<32x16xf32, #tpu.memory_space<hbm>>
      %dma_start3A_44 = arith.constant 0 : i32
      %dma_start3A_45 = tpu.memref_slice %arg5[%add3A_23, %dma_start3A_44] : memref<2048x16xf32, #tpu.memory_space<hbm>> -> memref<32x16xf32, #tpu.memory_space<hbm>>
      tpu.enqueue_dma source(%dma_start3A_45 : memref<32x16xf32, #tpu.memory_space<hbm>>) target(%arg12 : memref<32x16xf32, #tpu.memory_space<vmem>>) target_semaphore(%run_scoped3A : memref<!tpu.dma_semaphore, #tpu.memory_space<semaphore_mem>>)
      %dma_wait3A_46 = arith.constant 0 : i32
      %dma_wait3A_47 = tpu.memref_slice %arg5[%add3A_23, %dma_wait3A_46] : memref<2048x16xf32, #tpu.memory_space<hbm>> -> memref<32x16xf32, #tpu.memory_space<hbm>>
      %dma_wait3A_48 = arith.constant 0 : i32
      %dma_wait3A_49 = tpu.memref_slice %arg5[%add3A_23, %dma_wait3A_48] : memref<2048x16xf32, #tpu.memory_space<hbm>> -> memref<32x16xf32, #tpu.memory_space<hbm>>
      tpu.wait_dma2 semaphore(%run_scoped3A : memref<!tpu.dma_semaphore, #tpu.memory_space<semaphore_mem>>) src(%dma_wait3A_49 : memref<32x16xf32, #tpu.memory_space<hbm>>) dst(%arg12 : memref<32x16xf32, #tpu.memory_space<vmem>>)
      tpu.yield
    }) : () -> ()
    "tpu.region"() ({
      %run_scoped3A = tpu.sem_alloc : memref<!tpu.dma_semaphore, #tpu.memory_space<semaphore_mem>>
      %dma_start3A_42 = arith.constant 0 : i32
      %dma_start3A_43 = tpu.memref_slice %arg6[%add3A_23, %dma_start3A_42] : memref<2048x16xf32, #tpu.memory_space<hbm>> -> memref<32x16xf32, #tpu.memory_space<hbm>>
      %dma_start3A_44 = arith.constant 0 : i32
      %dma_start3A_45 = tpu.memref_slice %arg6[%add3A_23, %dma_start3A_44] : memref<2048x16xf32, #tpu.memory_space<hbm>> -> memref<32x16xf32, #tpu.memory_space<hbm>>
      tpu.enqueue_dma source(%dma_start3A_45 : memref<32x16xf32, #tpu.memory_space<hbm>>) target(%arg13 : memref<32x16xf32, #tpu.memory_space<vmem>>) target_semaphore(%run_scoped3A : memref<!tpu.dma_semaphore, #tpu.memory_space<semaphore_mem>>)
      %dma_wait3A_46 = arith.constant 0 : i32
      %dma_wait3A_47 = tpu.memref_slice %arg6[%add3A_23, %dma_wait3A_46] : memref<2048x16xf32, #tpu.memory_space<hbm>> -> memref<32x16xf32, #tpu.memory_space<hbm>>
      %dma_wait3A_48 = arith.constant 0 : i32
      %dma_wait3A_49 = tpu.memref_slice %arg6[%add3A_23, %dma_wait3A_48] : memref<2048x16xf32, #tpu.memory_space<hbm>> -> memref<32x16xf32, #tpu.memory_space<hbm>>
      tpu.wait_dma2 semaphore(%run_scoped3A : memref<!tpu.dma_semaphore, #tpu.memory_space<semaphore_mem>>) src(%dma_wait3A_49 : memref<32x16xf32, #tpu.memory_space<hbm>>) dst(%arg13 : memref<32x16xf32, #tpu.memory_space<vmem>>)
      tpu.yield
    }) : () -> ()
    %dma_start3A_24 = arith.constant 0 : i32
    %dma_start3A_25 = arith.constant 0 : i32
    %dma_start3A_26 = tpu.memref_slice %arg2[%dma_start3A_24, %dma_start3A_25] : memref<6144x1024xf32, #tpu.memory_space<hbm>> -> memref<6144x1024xf32, #tpu.memory_space<hbm>>
    tpu.enqueue_indirect_dma source(%dma_start3A_26 : memref<6144x1024xf32, #tpu.memory_space<hbm>>) target(%arg10 : memref<32x1024xf32, #tpu.memory_space<vmem>>) offsets(%arg8 : memref<32xi32, #tpu.memory_space<vmem>>) semaphore(%arg14 : memref<!tpu.dma_semaphore, #tpu.memory_space<semaphore_mem>>)
    %dma_start3A_27 = arith.constant 0 : i32
    %dma_start3A_28 = arith.constant 0 : i32
    %dma_start3A_29 = tpu.memref_slice %arg2[%dma_start3A_27, %dma_start3A_28] : memref<6144x1024xf32, #tpu.memory_space<hbm>> -> memref<6144x1024xf32, #tpu.memory_space<hbm>>
    tpu.enqueue_indirect_dma source(%dma_start3A_29 : memref<6144x1024xf32, #tpu.memory_space<hbm>>) target(%arg11 : memref<32x1024xf32, #tpu.memory_space<vmem>>) offsets(%arg9 : memref<32xi32, #tpu.memory_space<vmem>>) semaphore(%arg15 : memref<!tpu.dma_semaphore, #tpu.memory_space<semaphore_mem>>)
    %dma_wait3A_30 = arith.constant 0 : i32
    %dma_wait3A_31 = arith.constant 0 : i32
    %dma_wait3A_32 = tpu.memref_slice %arg2[%dma_wait3A_30, %dma_wait3A_31] : memref<6144x1024xf32, #tpu.memory_space<hbm>> -> memref<6144x1024xf32, #tpu.memory_space<hbm>>
    tpu.wait_indirect_dma semaphore(%arg14 : memref<!tpu.dma_semaphore, #tpu.memory_space<semaphore_mem>>) src(%dma_wait3A_32 : memref<6144x1024xf32, #tpu.memory_space<hbm>>) dst(%arg10 : memref<32x1024xf32, #tpu.memory_space<vmem>>)
    %dma_wait3A_33 = arith.constant 0 : i32
    %dma_wait3A_34 = arith.constant 0 : i32
    %dma_wait3A_35 = tpu.memref_slice %arg2[%dma_wait3A_33, %dma_wait3A_34] : memref<6144x1024xf32, #tpu.memory_space<hbm>> -> memref<6144x1024xf32, #tpu.memory_space<hbm>>
    tpu.wait_indirect_dma semaphore(%arg15 : memref<!tpu.dma_semaphore, #tpu.memory_space<semaphore_mem>>) src(%dma_wait3A_35 : memref<6144x1024xf32, #tpu.memory_space<hbm>>) dst(%arg11 : memref<32x1024xf32, #tpu.memory_space<vmem>>)
    %scan3A_36 = arith.constant 0 : i32
    %scan3A_37 = arith.constant 0 : i32
    %scan3A_38 = arith.constant 32 : i32
    %scan3A_39 = arith.addi %scan3A_37, %scan3A_38 : i32
    %scan3A_40 = arith.constant 1 : i32
    scf.for %scan3A_42 = %scan3A_37 to %scan3A_39 step %scan3A_40  : i32 {
      %get3A = arith.index_cast %scan3A_42 : i32 to index
      %get3A_43 = arith.constant 0 : index
      %get3A_44 = tpu.vector_load %arg12[%get3A, %get3A_43] {strides = array<i32>} : memref<32x16xf32, #tpu.memory_space<vmem>>, vector<1x16xf32>,
      %get3A_45 = vector.shape_cast %get3A_44 : vector<1x16xf32> to vector<16xf32>
      %get3A_46 = arith.index_cast %scan3A_42 : i32 to index
      %get3A_47 = arith.constant 0 : index
      %get3A_48 = tpu.vector_load %arg13[%get3A_46, %get3A_47] {strides = array<i32>} : memref<32x16xf32, #tpu.memory_space<vmem>>, vector<1x16xf32>,
      %get3A_49 = vector.shape_cast %get3A_48 : vector<1x16xf32> to vector<16xf32>
      %get3A_50 = arith.index_cast %scan3A_42 : i32 to index
      %get3A_51 = arith.constant 0 : index
      %get3A_52 = tpu.vector_load %arg10[%get3A_50, %get3A_51] {strides = array<i32>} : memref<32x1024xf32, #tpu.memory_space<vmem>>, vector<1x16xf32>,
      %get3A_53 = vector.shape_cast %get3A_52 : vector<1x16xf32> to vector<16xf32>
      %mul3A_54 = arith.mulf %get3A_53, %get3A_45 : vector<16xf32>
      %get3A_55 = arith.index_cast %scan3A_42 : i32 to index
      %get3A_56 = arith.constant 0 : index
      %get3A_57 = tpu.vector_load %arg11[%get3A_55, %get3A_56] {strides = array<i32>} : memref<32x1024xf32, #tpu.memory_space<vmem>>, vector<1x16xf32>,
      %get3A_58 = vector.shape_cast %get3A_57 : vector<1x16xf32> to vector<16xf32>
      %mul3A_59 = arith.mulf %get3A_58, %get3A_49 : vector<16xf32>
      %add3A_60 = arith.addf %mul3A_54, %mul3A_59 : vector<16xf32>
      %swap3A = arith.index_cast %scan3A_42 : i32 to index
      %swap3A_61 = arith.constant 0 : index
      %swap3A_62 = tpu.vector_load %arg10[%swap3A, %swap3A_61] {strides = array<i32>} : memref<32x1024xf32, #tpu.memory_space<vmem>>, vector<1x16xf32>,
      %swap3A_63 = vector.shape_cast %swap3A_62 : vector<1x16xf32> to vector<16xf32>
      %swap3A_64 = vector.shape_cast %add3A_60 : vector<16xf32> to vector<1x16xf32>
      tpu.vector_store %arg10[%swap3A, %swap3A_61], %swap3A_64 {strides = array<i32>} : memref<32x1024xf32, #tpu.memory_space<vmem>>, vector<1x16xf32>,
      %get3A_65 = arith.index_cast %scan3A_42 : i32 to index
      %get3A_66 = arith.constant 16 : index
      %get3A_67 = tpu.vector_load %arg10[%get3A_65, %get3A_66] {strides = array<i32>} : memref<32x1024xf32, #tpu.memory_space<vmem>>, vector<1x16xf32>,
      %get3A_68 = vector.shape_cast %get3A_67 : vector<1x16xf32> to vector<16xf32>
      %mul3A_69 = arith.mulf %get3A_68, %get3A_45 : vector<16xf32>
      %get3A_70 = arith.index_cast %scan3A_42 : i32 to index
      %get3A_71 = arith.constant 16 : index
      %get3A_72 = tpu.vector_load %arg11[%get3A_70, %get3A_71] {strides = array<i32>} : memref<32x1024xf32, #tpu.memory_space<vmem>>, vector<1x16xf32>,
      %get3A_73 = vector.shape_cast %get3A_72 : vector<1x16xf32> to vector<16xf32>
      %mul3A_74 = arith.mulf %get3A_73, %get3A_49 : vector<16xf32>
      %add3A_75 = arith.addf %mul3A_69, %mul3A_74 : vector<16xf32>
      %swap3A_76 = arith.index_cast %scan3A_42 : i32 to index
      %swap3A_77 = arith.constant 16 : index
      %swap3A_78 = tpu.vector_load %arg10[%swap3A_76, %swap3A_77] {strides = array<i32>} : memref<32x1024xf32, #tpu.memory_space<vmem>>, vector<1x16xf32>,
      %swap3A_79 = vector.shape_cast %swap3A_78 : vector<1x16xf32> to vector<16xf32>
      %swap3A_80 = vector.shape_cast %add3A_75 : vector<16xf32> to vector<1x16xf32>
      tpu.vector_store %arg10[%swap3A_76, %swap3A_77], %swap3A_80 {strides = array<i32>} : memref<32x1024xf32, #tpu.memory_space<vmem>>, vector<1x16xf32>,
      %get3A_81 = arith.index_cast %scan3A_42 : i32 to index
      %get3A_82 = arith.constant 32 : index
      %get3A_83 = tpu.vector_load %arg10[%get3A_81, %get3A_82] {strides = array<i32>} : memref<32x1024xf32, #tpu.memory_space<vmem>>, vector<1x16xf32>,
      %get3A_84 = vector.shape_cast %get3A_83 : vector<1x16xf32> to vector<16xf32>
      %mul3A_85 = arith.mulf %get3A_84, %get3A_45 : vector<16xf32>
      %get3A_86 = arith.index_cast %scan3A_42 : i32 to index
      %get3A_87 = arith.constant 32 : index
      %get3A_88 = tpu.vector_load %arg11[%get3A_86, %get3A_87] {strides = array<i32>} : memref<32x1024xf32, #tpu.memory_space<vmem>>, vector<1x16xf32>,
      %get3A_89 = vector.shape_cast %get3A_88 : vector<1x16xf32> to vector<16xf32>
      %mul3A_90 = arith.mulf %get3A_89, %get3A_49 : vector<16xf32>
      %add3A_91 = arith.addf %mul3A_85, %mul3A_90 : vector<16xf32>
      %swap3A_92 = arith.index_cast %scan3A_42 : i32 to index
      %swap3A_93 = arith.constant 32 : index
      %swap3A_94 = tpu.vector_load %arg10[%swap3A_92, %swap3A_93] {strides = array<i32>} : memref<32x1024xf32, #tpu.memory_space<vmem>>, vector<1x16xf32>,
      %swap3A_95 = vector.shape_cast %swap3A_94 : vector<1x16xf32> to vector<16xf32>
      %swap3A_96 = vector.shape_cast %add3A_91 : vector<16xf32> to vector<1x16xf32>
      tpu.vector_store %arg10[%swap3A_92, %swap3A_93], %swap3A_96 {strides = array<i32>} : memref<32x1024xf32, #tpu.memory_space<vmem>>, vector<1x16xf32>,
      %get3A_97 = arith.index_cast %scan3A_42 : i32 to index
      %get3A_98 = arith.constant 48 : index
      %get3A_99 = tpu.vector_load %arg10[%get3A_97, %get3A_98] {strides = array<i32>} : memref<32x1024xf32, #tpu.memory_space<vmem>>, vector<1x16xf32>,
      %get3A_100 = vector.shape_cast %get3A_99 : vector<1x16xf32> to vector<16xf32>
      %mul3A_101 = arith.mulf %get3A_100, %get3A_45 : vector<16xf32>
      %get3A_102 = arith.index_cast %scan3A_42 : i32 to index
      %get3A_103 = arith.constant 48 : index
      %get3A_104 = tpu.vector_load %arg11[%get3A_102, %get3A_103] {strides = array<i32>} : memref<32x1024xf32, #tpu.memory_space<vmem>>, vector<1x16xf32>,
      %get3A_105 = vector.shape_cast %get3A_104 : vector<1x16xf32> to vector<16xf32>
      %mul3A_106 = arith.mulf %get3A_105, %get3A_49 : vector<16xf32>
      %add3A_107 = arith.addf %mul3A_101, %mul3A_106 : vector<16xf32>
      %swap3A_108 = arith.index_cast %scan3A_42 : i32 to index
      %swap3A_109 = arith.constant 48 : index
      %swap3A_110 = tpu.vector_load %arg10[%swap3A_108, %swap3A_109] {strides = array<i32>} : memref<32x1024xf32, #tpu.memory_space<vmem>>, vector<1x16xf32>,
      %swap3A_111 = vector.shape_cast %swap3A_110 : vector<1x16xf32> to vector<16xf32>
      %swap3A_112 = vector.shape_cast %add3A_107 : vector<16xf32> to vector<1x16xf32>
      tpu.vector_store %arg10[%swap3A_108, %swap3A_109], %swap3A_112 {strides = array<i32>} : memref<32x1024xf32, #tpu.memory_space<vmem>>, vector<1x16xf32>,
      %get3A_113 = arith.index_cast %scan3A_42 : i32 to index
      %get3A_114 = arith.constant 64 : index
      %get3A_115 = tpu.vector_load %arg10[%get3A_113, %get3A_114] {strides = array<i32>} : memref<32x1024xf32, #tpu.memory_space<vmem>>, vector<1x16xf32>,
      %get3A_116 = vector.shape_cast %get3A_115 : vector<1x16xf32> to vector<16xf32>
      %mul3A_117 = arith.mulf %get3A_116, %get3A_45 : vector<16xf32>
      %get3A_118 = arith.index_cast %scan3A_42 : i32 to index
      %get3A_119 = arith.constant 64 : index
      %get3A_120 = tpu.vector_load %arg11[%get3A_118, %get3A_119] {strides = array<i32>} : memref<32x1024xf32, #tpu.memory_space<vmem>>, vector<1x16xf32>,
      %get3A_121 = vector.shape_cast %get3A_120 : vector<1x16xf32> to vector<16xf32>
      %mul3A_122 = arith.mulf %get3A_121, %get3A_49 : vector<16xf32>
      %add3A_123 = arith.addf %mul3A_117, %mul3A_122 : vector<16xf32>
      %swap3A_124 = arith.index_cast %scan3A_42 : i32 to index
      %swap3A_125 = arith.constant 64 : index
      %swap3A_126 = tpu.vector_load %arg10[%swap3A_124, %swap3A_125] {strides = array<i32>} : memref<32x1024xf32, #tpu.memory_space<vmem>>, vector<1x16xf32>,
      %swap3A_127 = vector.shape_cast %swap3A_126 : vector<1x16xf32> to vector<16xf32>
      %swap3A_128 = vector.shape_cast %add3A_123 : vector<16xf32> to vector<1x16xf32>
      tpu.vector_store %arg10[%swap3A_124, %swap3A_125], %swap3A_128 {strides = array<i32>} : memref<32x1024xf32, #tpu.memory_space<vmem>>, vector<1x16xf32>,
      %get3A_129 = arith.index_cast %scan3A_42 : i32 to index
      %get3A_130 = arith.constant 80 : index
      %get3A_131 = tpu.vector_load %arg10[%get3A_129, %get3A_130] {strides = array<i32>} : memref<32x1024xf32, #tpu.memory_space<vmem>>, vector<1x16xf32>,
      %get3A_132 = vector.shape_cast %get3A_131 : vector<1x16xf32> to vector<16xf32>
      %mul3A_133 = arith.mulf %get3A_132, %get3A_45 : vector<16xf32>
      %get3A_134 = arith.index_cast %scan3A_42 : i32 to index
      %get3A_135 = arith.constant 80 : index
      %get3A_136 = tpu.vector_load %arg11[%get3A_134, %get3A_135] {strides = array<i32>} : memref<32x1024xf32, #tpu.memory_space<vmem>>, vector<1x16xf32>,
      %get3A_137 = vector.shape_cast %get3A_136 : vector<1x16xf32> to vector<16xf32>
      %mul3A_138 = arith.mulf %get3A_137, %get3A_49 : vector<16xf32>
      %add3A_139 = arith.addf %mul3A_133, %mul3A_138 : vector<16xf32>
      %swap3A_140 = arith.index_cast %scan3A_42 : i32 to index
      %swap3A_141 = arith.constant 80 : index
      %swap3A_142 = tpu.vector_load %arg10[%swap3A_140, %swap3A_141] {strides = array<i32>} : memref<32x1024xf32, #tpu.memory_space<vmem>>, vector<1x16xf32>,
      %swap3A_143 = vector.shape_cast %swap3A_142 : vector<1x16xf32> to vector<16xf32>
      %swap3A_144 = vector.shape_cast %add3A_139 : vector<16xf32> to vector<1x16xf32>
      tpu.vector_store %arg10[%swap3A_140, %swap3A_141], %swap3A_144 {strides = array<i32>} : memref<32x1024xf32, #tpu.memory_space<vmem>>, vector<1x16xf32>,
      %get3A_145 = arith.index_cast %scan3A_42 : i32 to index
      %get3A_146 = arith.constant 96 : index
      %get3A_147 = tpu.vector_load %arg10[%get3A_145, %get3A_146] {strides = array<i32>} : memref<32x1024xf32, #tpu.memory_space<vmem>>, vector<1x16xf32>,
      %get3A_148 = vector.shape_cast %get3A_147 : vector<1x16xf32> to vector<16xf32>
      %mul3A_149 = arith.mulf %get3A_148, %get3A_45 : vector<16xf32>
      %get3A_150 = arith.index_cast %scan3A_42 : i32 to index
      %get3A_151 = arith.constant 96 : index
      %get3A_152 = tpu.vector_load %arg11[%get3A_150, %get3A_151] {strides = array<i32>} : memref<32x1024xf32, #tpu.memory_space<vmem>>, vector<1x16xf32>,
      %get3A_153 = vector.shape_cast %get3A_152 : vector<1x16xf32> to vector<16xf32>
      %mul3A_154 = arith.mulf %get3A_153, %get3A_49 : vector<16xf32>
      %add3A_155 = arith.addf %mul3A_149, %mul3A_154 : vector<16xf32>
      %swap3A_156 = arith.index_cast %scan3A_42 : i32 to index
      %swap3A_157 = arith.constant 96 : index
      %swap3A_158 = tpu.vector_load %arg10[%swap3A_156, %swap3A_157] {strides = array<i32>} : memref<32x1024xf32, #tpu.memory_space<vmem>>, vector<1x16xf32>,
      %swap3A_159 = vector.shape_cast %swap3A_158 : vector<1x16xf32> to vector<16xf32>
      %swap3A_160 = vector.shape_cast %add3A_155 : vector<16xf32> to vector<1x16xf32>
      tpu.vector_store %arg10[%swap3A_156, %swap3A_157], %swap3A_160 {strides = array<i32>} : memref<32x1024xf32, #tpu.memory_space<vmem>>, vector<1x16xf32>,
      %get3A_161 = arith.index_cast %scan3A_42 : i32 to index
      %get3A_162 = arith.constant 112 : index
      %get3A_163 = tpu.vector_load %arg10[%get3A_161, %get3A_162] {strides = array<i32>} : memref<32x1024xf32, #tpu.memory_space<vmem>>, vector<1x16xf32>,
      %get3A_164 = vector.shape_cast %get3A_163 : vector<1x16xf32> to vector<16xf32>
      %mul3A_165 = arith.mulf %get3A_164, %get3A_45 : vector<16xf32>
      %get3A_166 = arith.index_cast %scan3A_42 : i32 to index
      %get3A_167 = arith.constant 112 : index
      %get3A_168 = tpu.vector_load %arg11[%get3A_166, %get3A_167] {strides = array<i32>} : memref<32x1024xf32, #tpu.memory_space<vmem>>, vector<1x16xf32>,
      %get3A_169 = vector.shape_cast %get3A_168 : vector<1x16xf32> to vector<16xf32>
      %mul3A_170 = arith.mulf %get3A_169, %get3A_49 : vector<16xf32>
      %add3A_171 = arith.addf %mul3A_165, %mul3A_170 : vector<16xf32>
      %swap3A_172 = arith.index_cast %scan3A_42 : i32 to index
      %swap3A_173 = arith.constant 112 : index
      %swap3A_174 = tpu.vector_load %arg10[%swap3A_172, %swap3A_173] {strides = array<i32>} : memref<32x1024xf32, #tpu.memory_space<vmem>>, vector<1x16xf32>,
      %swap3A_175 = vector.shape_cast %swap3A_174 : vector<1x16xf32> to vector<16xf32>
      %swap3A_176 = vector.shape_cast %add3A_171 : vector<16xf32> to vector<1x16xf32>
      tpu.vector_store %arg10[%swap3A_172, %swap3A_173], %swap3A_176 {strides = array<i32>} : memref<32x1024xf32, #tpu.memory_space<vmem>>, vector<1x16xf32>,
      %get3A_177 = arith.index_cast %scan3A_42 : i32 to index
      %get3A_178 = arith.constant 128 : index
      %get3A_179 = tpu.vector_load %arg10[%get3A_177, %get3A_178] {strides = array<i32>} : memref<32x1024xf32, #tpu.memory_space<vmem>>, vector<1x16xf32>,
      %get3A_180 = vector.shape_cast %get3A_179 : vector<1x16xf32> to vector<16xf32>
      %mul3A_181 = arith.mulf %get3A_180, %get3A_45 : vector<16xf32>
      %get3A_182 = arith.index_cast %scan3A_42 : i32 to index
      %get3A_183 = arith.constant 128 : index
      %get3A_184 = tpu.vector_load %arg11[%get3A_182, %get3A_183] {strides = array<i32>} : memref<32x1024xf32, #tpu.memory_space<vmem>>, vector<1x16xf32>,
      %get3A_185 = vector.shape_cast %get3A_184 : vector<1x16xf32> to vector<16xf32>
      %mul3A_186 = arith.mulf %get3A_185, %get3A_49 : vector<16xf32>
      %add3A_187 = arith.addf %mul3A_181, %mul3A_186 : vector<16xf32>
      %swap3A_188 = arith.index_cast %scan3A_42 : i32 to index
      %swap3A_189 = arith.constant 128 : index
      %swap3A_190 = tpu.vector_load %arg10[%swap3A_188, %swap3A_189] {strides = array<i32>} : memref<32x1024xf32, #tpu.memory_space<vmem>>, vector<1x16xf32>,
      %swap3A_191 = vector.shape_cast %swap3A_190 : vector<1x16xf32> to vector<16xf32>
      %swap3A_192 = vector.shape_cast %add3A_187 : vector<16xf32> to vector<1x16xf32>
      tpu.vector_store %arg10[%swap3A_188, %swap3A_189], %swap3A_192 {strides = array<i32>} : memref<32x1024xf32, #tpu.memory_space<vmem>>, vector<1x16xf32>,
      %get3A_193 = arith.index_cast %scan3A_42 : i32 to index
      %get3A_194 = arith.constant 144 : index
      %get3A_195 = tpu.vector_load %arg10[%get3A_193, %get3A_194] {strides = array<i32>} : memref<32x1024xf32, #tpu.memory_space<vmem>>, vector<1x16xf32>,
      %get3A_196 = vector.shape_cast %get3A_195 : vector<1x16xf32> to vector<16xf32>
      %mul3A_197 = arith.mulf %get3A_196, %get3A_45 : vector<16xf32>
      %get3A_198 = arith.index_cast %scan3A_42 : i32 to index
      %get3A_199 = arith.constant 144 : index
      %get3A_200 = tpu.vector_load %arg11[%get3A_198, %get3A_199] {strides = array<i32>} : memref<32x1024xf32, #tpu.memory_space<vmem>>, vector<1x16xf32>,
      %get3A_201 = vector.shape_cast %get3A_200 : vector<1x16xf32> to vector<16xf32>
      %mul3A_202 = arith.mulf %get3A_201, %get3A_49 : vector<16xf32>
      %add3A_203 = arith.addf %mul3A_197, %mul3A_202 : vector<16xf32>
      %swap3A_204 = arith.index_cast %scan3A_42 : i32 to index
      %swap3A_205 = arith.constant 144 : index
      %swap3A_206 = tpu.vector_load %arg10[%swap3A_204, %swap3A_205] {strides = array<i32>} : memref<32x1024xf32, #tpu.memory_space<vmem>>, vector<1x16xf32>,
      %swap3A_207 = vector.shape_cast %swap3A_206 : vector<1x16xf32> to vector<16xf32>
      %swap3A_208 = vector.shape_cast %add3A_203 : vector<16xf32> to vector<1x16xf32>
      tpu.vector_store %arg10[%swap3A_204, %swap3A_205], %swap3A_208 {strides = array<i32>} : memref<32x1024xf32, #tpu.memory_space<vmem>>, vector<1x16xf32>,
      %get3A_209 = arith.index_cast %scan3A_42 : i32 to index
      %get3A_210 = arith.constant 160 : index
      %get3A_211 = tpu.vector_load %arg10[%get3A_209, %get3A_210] {strides = array<i32>} : memref<32x1024xf32, #tpu.memory_space<vmem>>, vector<1x16xf32>,
      %get3A_212 = vector.shape_cast %get3A_211 : vector<1x16xf32> to vector<16xf32>
      %mul3A_213 = arith.mulf %get3A_212, %get3A_45 : vector<16xf32>
      %get3A_214 = arith.index_cast %scan3A_42 : i32 to index
      %get3A_215 = arith.constant 160 : index
      %get3A_216 = tpu.vector_load %arg11[%get3A_214, %get3A_215] {strides = array<i32>} : memref<32x1024xf32, #tpu.memory_space<vmem>>, vector<1x16xf32>,
      %get3A_217 = vector.shape_cast %get3A_216 : vector<1x16xf32> to vector<16xf32>
      %mul3A_218 = arith.mulf %get3A_217, %get3A_49 : vector<16xf32>
      %add3A_219 = arith.addf %mul3A_213, %mul3A_218 : vector<16xf32>
      %swap3A_220 = arith.index_cast %scan3A_42 : i32 to index
      %swap3A_221 = arith.constant 160 : index
      %swap3A_222 = tpu.vector_load %arg10[%swap3A_220, %swap3A_221] {strides = array<i32>} : memref<32x1024xf32, #tpu.memory_space<vmem>>, vector<1x16xf32>,
      %swap3A_223 = vector.shape_cast %swap3A_222 : vector<1x16xf32> to vector<16xf32>
      %swap3A_224 = vector.shape_cast %add3A_219 : vector<16xf32> to vector<1x16xf32>
      tpu.vector_store %arg10[%swap3A_220, %swap3A_221], %swap3A_224 {strides = array<i32>} : memref<32x1024xf32, #tpu.memory_space<vmem>>, vector<1x16xf32>,
      %get3A_225 = arith.index_cast %scan3A_42 : i32 to index
      %get3A_226 = arith.constant 176 : index
      %get3A_227 = tpu.vector_load %arg10[%get3A_225, %get3A_226] {strides = array<i32>} : memref<32x1024xf32, #tpu.memory_space<vmem>>, vector<1x16xf32>,
      %get3A_228 = vector.shape_cast %get3A_227 : vector<1x16xf32> to vector<16xf32>
      %mul3A_229 = arith.mulf %get3A_228, %get3A_45 : vector<16xf32>
      %get3A_230 = arith.index_cast %scan3A_42 : i32 to index
      %get3A_231 = arith.constant 176 : index
      %get3A_232 = tpu.vector_load %arg11[%get3A_230, %get3A_231] {strides = array<i32>} : memref<32x1024xf32, #tpu.memory_space<vmem>>, vector<1x16xf32>,
      %get3A_233 = vector.shape_cast %get3A_232 : vector<1x16xf32> to vector<16xf32>
      %mul3A_234 = arith.mulf %get3A_233, %get3A_49 : vector<16xf32>
      %add3A_235 = arith.addf %mul3A_229, %mul3A_234 : vector<16xf32>
      %swap3A_236 = arith.index_cast %scan3A_42 : i32 to index
      %swap3A_237 = arith.constant 176 : index
      %swap3A_238 = tpu.vector_load %arg10[%swap3A_236, %swap3A_237] {strides = array<i32>} : memref<32x1024xf32, #tpu.memory_space<vmem>>, vector<1x16xf32>,
      %swap3A_239 = vector.shape_cast %swap3A_238 : vector<1x16xf32> to vector<16xf32>
      %swap3A_240 = vector.shape_cast %add3A_235 : vector<16xf32> to vector<1x16xf32>
      tpu.vector_store %arg10[%swap3A_236, %swap3A_237], %swap3A_240 {strides = array<i32>} : memref<32x1024xf32, #tpu.memory_space<vmem>>, vector<1x16xf32>,
      %get3A_241 = arith.index_cast %scan3A_42 : i32 to index
      %get3A_242 = arith.constant 192 : index
      %get3A_243 = tpu.vector_load %arg10[%get3A_241, %get3A_242] {strides = array<i32>} : memref<32x1024xf32, #tpu.memory_space<vmem>>, vector<1x16xf32>,
      %get3A_244 = vector.shape_cast %get3A_243 : vector<1x16xf32> to vector<16xf32>
      %mul3A_245 = arith.mulf %get3A_244, %get3A_45 : vector<16xf32>
      %get3A_246 = arith.index_cast %scan3A_42 : i32 to index
      %get3A_247 = arith.constant 192 : index
      %get3A_248 = tpu.vector_load %arg11[%get3A_246, %get3A_247] {strides = array<i32>} : memref<32x1024xf32, #tpu.memory_space<vmem>>, vector<1x16xf32>,
      %get3A_249 = vector.shape_cast %get3A_248 : vector<1x16xf32> to vector<16xf32>
      %mul3A_250 = arith.mulf %get3A_249, %get3A_49 : vector<16xf32>
      %add3A_251 = arith.addf %mul3A_245, %mul3A_250 : vector<16xf32>
      %swap3A_252 = arith.index_cast %scan3A_42 : i32 to index
      %swap3A_253 = arith.constant 192 : index
      %swap3A_254 = tpu.vector_load %arg10[%swap3A_252, %swap3A_253] {strides = array<i32>} : memref<32x1024xf32, #tpu.memory_space<vmem>>, vector<1x16xf32>,
      %swap3A_255 = vector.shape_cast %swap3A_254 : vector<1x16xf32> to vector<16xf32>
      %swap3A_256 = vector.shape_cast %add3A_251 : vector<16xf32> to vector<1x16xf32>
      tpu.vector_store %arg10[%swap3A_252, %swap3A_253], %swap3A_256 {strides = array<i32>} : memref<32x1024xf32, #tpu.memory_space<vmem>>, vector<1x16xf32>,
      %get3A_257 = arith.index_cast %scan3A_42 : i32 to index
      %get3A_258 = arith.constant 208 : index
      %get3A_259 = tpu.vector_load %arg10[%get3A_257, %get3A_258] {strides = array<i32>} : memref<32x1024xf32, #tpu.memory_space<vmem>>, vector<1x16xf32>,
      %get3A_260 = vector.shape_cast %get3A_259 : vector<1x16xf32> to vector<16xf32>
      %mul3A_261 = arith.mulf %get3A_260, %get3A_45 : vector<16xf32>
      %get3A_262 = arith.index_cast %scan3A_42 : i32 to index
      %get3A_263 = arith.constant 208 : index
      %get3A_264 = tpu.vector_load %arg11[%get3A_262, %get3A_263] {strides = array<i32>} : memref<32x1024xf32, #tpu.memory_space<vmem>>, vector<1x16xf32>,
      %get3A_265 = vector.shape_cast %get3A_264 : vector<1x16xf32> to vector<16xf32>
      %mul3A_266 = arith.mulf %get3A_265, %get3A_49 : vector<16xf32>
      %add3A_267 = arith.addf %mul3A_261, %mul3A_266 : vector<16xf32>
      %swap3A_268 = arith.index_cast %scan3A_42 : i32 to index
      %swap3A_269 = arith.constant 208 : index
      %swap3A_270 = tpu.vector_load %arg10[%swap3A_268, %swap3A_269] {strides = array<i32>} : memref<32x1024xf32, #tpu.memory_space<vmem>>, vector<1x16xf32>,
      %swap3A_271 = vector.shape_cast %swap3A_270 : vector<1x16xf32> to vector<16xf32>
      %swap3A_272 = vector.shape_cast %add3A_267 : vector<16xf32> to vector<1x16xf32>
      tpu.vector_store %arg10[%swap3A_268, %swap3A_269], %swap3A_272 {strides = array<i32>} : memref<32x1024xf32, #tpu.memory_space<vmem>>, vector<1x16xf32>,
      %get3A_273 = arith.index_cast %scan3A_42 : i32 to index
      %get3A_274 = arith.constant 224 : index
      %get3A_275 = tpu.vector_load %arg10[%get3A_273, %get3A_274] {strides = array<i32>} : memref<32x1024xf32, #tpu.memory_space<vmem>>, vector<1x16xf32>,
      %get3A_276 = vector.shape_cast %get3A_275 : vector<1x16xf32> to vector<16xf32>
      %mul3A_277 = arith.mulf %get3A_276, %get3A_45 : vector<16xf32>
      %get3A_278 = arith.index_cast %scan3A_42 : i32 to index
      %get3A_279 = arith.constant 224 : index
      %get3A_280 = tpu.vector_load %arg11[%get3A_278, %get3A_279] {strides = array<i32>} : memref<32x1024xf32, #tpu.memory_space<vmem>>, vector<1x16xf32>,
      %get3A_281 = vector.shape_cast %get3A_280 : vector<1x16xf32> to vector<16xf32>
      %mul3A_282 = arith.mulf %get3A_281, %get3A_49 : vector<16xf32>
      %add3A_283 = arith.addf %mul3A_277, %mul3A_282 : vector<16xf32>
      %swap3A_284 = arith.index_cast %scan3A_42 : i32 to index
      %swap3A_285 = arith.constant 224 : index
      %swap3A_286 = tpu.vector_load %arg10[%swap3A_284, %swap3A_285] {strides = array<i32>} : memref<32x1024xf32, #tpu.memory_space<vmem>>, vector<1x16xf32>,
      %swap3A_287 = vector.shape_cast %swap3A_286 : vector<1x16xf32> to vector<16xf32>
      %swap3A_288 = vector.shape_cast %add3A_283 : vector<16xf32> to vector<1x16xf32>
      tpu.vector_store %arg10[%swap3A_284, %swap3A_285], %swap3A_288 {strides = array<i32>} : memref<32x1024xf32, #tpu.memory_space<vmem>>, vector<1x16xf32>,
      %get3A_289 = arith.index_cast %scan3A_42 : i32 to index
      %get3A_290 = arith.constant 240 : index
      %get3A_291 = tpu.vector_load %arg10[%get3A_289, %get3A_290] {strides = array<i32>} : memref<32x1024xf32, #tpu.memory_space<vmem>>, vector<1x16xf32>,
      %get3A_292 = vector.shape_cast %get3A_291 : vector<1x16xf32> to vector<16xf32>
      %mul3A_293 = arith.mulf %get3A_292, %get3A_45 : vector<16xf32>
      %get3A_294 = arith.index_cast %scan3A_42 : i32 to index
      %get3A_295 = arith.constant 240 : index
      %get3A_296 = tpu.vector_load %arg11[%get3A_294, %get3A_295] {strides = array<i32>} : memref<32x1024xf32, #tpu.memory_space<vmem>>, vector<1x16xf32>,
      %get3A_297 = vector.shape_cast %get3A_296 : vector<1x16xf32> to vector<16xf32>
      %mul3A_298 = arith.mulf %get3A_297, %get3A_49 : vector<16xf32>
      %add3A_299 = arith.addf %mul3A_293, %mul3A_298 : vector<16xf32>
      %swap3A_300 = arith.index_cast %scan3A_42 : i32 to index
      %swap3A_301 = arith.constant 240 : index
      %swap3A_302 = tpu.vector_load %arg10[%swap3A_300, %swap3A_301] {strides = array<i32>} : memref<32x1024xf32, #tpu.memory_space<vmem>>, vector<1x16xf32>,
      %swap3A_303 = vector.shape_cast %swap3A_302 : vector<1x16xf32> to vector<16xf32>
      %swap3A_304 = vector.shape_cast %add3A_299 : vector<16xf32> to vector<1x16xf32>
      tpu.vector_store %arg10[%swap3A_300, %swap3A_301], %swap3A_304 {strides = array<i32>} : memref<32x1024xf32, #tpu.memory_space<vmem>>, vector<1x16xf32>,
      %get3A_305 = arith.index_cast %scan3A_42 : i32 to index
      %get3A_306 = arith.constant 256 : index
      %get3A_307 = tpu.vector_load %arg10[%get3A_305, %get3A_306] {strides = array<i32>} : memref<32x1024xf32, #tpu.memory_space<vmem>>, vector<1x16xf32>,
      %get3A_308 = vector.shape_cast %get3A_307 : vector<1x16xf32> to vector<16xf32>
      %mul3A_309 = arith.mulf %get3A_308, %get3A_45 : vector<16xf32>
      %get3A_310 = arith.index_cast %scan3A_42 : i32 to index
      %get3A_311 = arith.constant 256 : index
      %get3A_312 = tpu.vector_load %arg11[%get3A_310, %get3A_311] {strides = array<i32>} : memref<32x1024xf32, #tpu.memory_space<vmem>>, vector<1x16xf32>,
      %get3A_313 = vector.shape_cast %get3A_312 : vector<1x16xf32> to vector<16xf32>
      %mul3A_314 = arith.mulf %get3A_313, %get3A_49 : vector<16xf32>
      %add3A_315 = arith.addf %mul3A_309, %mul3A_314 : vector<16xf32>
      %swap3A_316 = arith.index_cast %scan3A_42 : i32 to index
      %swap3A_317 = arith.constant 256 : index
      %swap3A_318 = tpu.vector_load %arg10[%swap3A_316, %swap3A_317] {strides = array<i32>} : memref<32x1024xf32, #tpu.memory_space<vmem>>, vector<1x16xf32>,
      %swap3A_319 = vector.shape_cast %swap3A_318 : vector<1x16xf32> to vector<16xf32>
      %swap3A_320 = vector.shape_cast %add3A_315 : vector<16xf32> to vector<1x16xf32>
      tpu.vector_store %arg10[%swap3A_316, %swap3A_317], %swap3A_320 {strides = array<i32>} : memref<32x1024xf32, #tpu.memory_space<vmem>>, vector<1x16xf32>,
      %get3A_321 = arith.index_cast %scan3A_42 : i32 to index
      %get3A_322 = arith.constant 272 : index
      %get3A_323 = tpu.vector_load %arg10[%get3A_321, %get3A_322] {strides = array<i32>} : memref<32x1024xf32, #tpu.memory_space<vmem>>, vector<1x16xf32>,
      %get3A_324 = vector.shape_cast %get3A_323 : vector<1x16xf32> to vector<16xf32>
      %mul3A_325 = arith.mulf %get3A_324, %get3A_45 : vector<16xf32>
      %get3A_326 = arith.index_cast %scan3A_42 : i32 to index
      %get3A_327 = arith.constant 272 : index
      %get3A_328 = tpu.vector_load %arg11[%get3A_326, %get3A_327] {strides = array<i32>} : memref<32x1024xf32, #tpu.memory_space<vmem>>, vector<1x16xf32>,
      %get3A_329 = vector.shape_cast %get3A_328 : vector<1x16xf32> to vector<16xf32>
      %mul3A_330 = arith.mulf %get3A_329, %get3A_49 : vector<16xf32>
      %add3A_331 = arith.addf %mul3A_325, %mul3A_330 : vector<16xf32>
      %swap3A_332 = arith.index_cast %scan3A_42 : i32 to index
      %swap3A_333 = arith.constant 272 : index
      %swap3A_334 = tpu.vector_load %arg10[%swap3A_332, %swap3A_333] {strides = array<i32>} : memref<32x1024xf32, #tpu.memory_space<vmem>>, vector<1x16xf32>,
      %swap3A_335 = vector.shape_cast %swap3A_334 : vector<1x16xf32> to vector<16xf32>
      %swap3A_336 = vector.shape_cast %add3A_331 : vector<16xf32> to vector<1x16xf32>
      tpu.vector_store %arg10[%swap3A_332, %swap3A_333], %swap3A_336 {strides = array<i32>} : memref<32x1024xf32, #tpu.memory_space<vmem>>, vector<1x16xf32>,
      %get3A_337 = arith.index_cast %scan3A_42 : i32 to index
      %get3A_338 = arith.constant 288 : index
      %get3A_339 = tpu.vector_load %arg10[%get3A_337, %get3A_338] {strides = array<i32>} : memref<32x1024xf32, #tpu.memory_space<vmem>>, vector<1x16xf32>,
      %get3A_340 = vector.shape_cast %get3A_339 : vector<1x16xf32> to vector<16xf32>
      %mul3A_341 = arith.mulf %get3A_340, %get3A_45 : vector<16xf32>
      %get3A_342 = arith.index_cast %scan3A_42 : i32 to index
      %get3A_343 = arith.constant 288 : index
      %get3A_344 = tpu.vector_load %arg11[%get3A_342, %get3A_343] {strides = array<i32>} : memref<32x1024xf32, #tpu.memory_space<vmem>>, vector<1x16xf32>,
      %get3A_345 = vector.shape_cast %get3A_344 : vector<1x16xf32> to vector<16xf32>
      %mul3A_346 = arith.mulf %get3A_345, %get3A_49 : vector<16xf32>
      %add3A_347 = arith.addf %mul3A_341, %mul3A_346 : vector<16xf32>
      %swap3A_348 = arith.index_cast %scan3A_42 : i32 to index
      %swap3A_349 = arith.constant 288 : index
      %swap3A_350 = tpu.vector_load %arg10[%swap3A_348, %swap3A_349] {strides = array<i32>} : memref<32x1024xf32, #tpu.memory_space<vmem>>, vector<1x16xf32>,
      %swap3A_351 = vector.shape_cast %swap3A_350 : vector<1x16xf32> to vector<16xf32>
      %swap3A_352 = vector.shape_cast %add3A_347 : vector<16xf32> to vector<1x16xf32>
      tpu.vector_store %arg10[%swap3A_348, %swap3A_349], %swap3A_352 {strides = array<i32>} : memref<32x1024xf32, #tpu.memory_space<vmem>>, vector<1x16xf32>,
      %get3A_353 = arith.index_cast %scan3A_42 : i32 to index
      %get3A_354 = arith.constant 304 : index
      %get3A_355 = tpu.vector_load %arg10[%get3A_353, %get3A_354] {strides = array<i32>} : memref<32x1024xf32, #tpu.memory_space<vmem>>, vector<1x16xf32>,
      %get3A_356 = vector.shape_cast %get3A_355 : vector<1x16xf32> to vector<16xf32>
      %mul3A_357 = arith.mulf %get3A_356, %get3A_45 : vector<16xf32>
      %get3A_358 = arith.index_cast %scan3A_42 : i32 to index
      %get3A_359 = arith.constant 304 : index
      %get3A_360 = tpu.vector_load %arg11[%get3A_358, %get3A_359] {strides = array<i32>} : memref<32x1024xf32, #tpu.memory_space<vmem>>, vector<1x16xf32>,
      %get3A_361 = vector.shape_cast %get3A_360 : vector<1x16xf32> to vector<16xf32>
      %mul3A_362 = arith.mulf %get3A_361, %get3A_49 : vector<16xf32>
      %add3A_363 = arith.addf %mul3A_357, %mul3A_362 : vector<16xf32>
      %swap3A_364 = arith.index_cast %scan3A_42 : i32 to index
      %swap3A_365 = arith.constant 304 : index
      %swap3A_366 = tpu.vector_load %arg10[%swap3A_364, %swap3A_365] {strides = array<i32>} : memref<32x1024xf32, #tpu.memory_space<vmem>>, vector<1x16xf32>,
      %swap3A_367 = vector.shape_cast %swap3A_366 : vector<1x16xf32> to vector<16xf32>
      %swap3A_368 = vector.shape_cast %add3A_363 : vector<16xf32> to vector<1x16xf32>
      tpu.vector_store %arg10[%swap3A_364, %swap3A_365], %swap3A_368 {strides = array<i32>} : memref<32x1024xf32, #tpu.memory_space<vmem>>, vector<1x16xf32>,
      %get3A_369 = arith.index_cast %scan3A_42 : i32 to index
      %get3A_370 = arith.constant 320 : index
      %get3A_371 = tpu.vector_load %arg10[%get3A_369, %get3A_370] {strides = array<i32>} : memref<32x1024xf32, #tpu.memory_space<vmem>>, vector<1x16xf32>,
      %get3A_372 = vector.shape_cast %get3A_371 : vector<1x16xf32> to vector<16xf32>
      %mul3A_373 = arith.mulf %get3A_372, %get3A_45 : vector<16xf32>
      %get3A_374 = arith.index_cast %scan3A_42 : i32 to index
      %get3A_375 = arith.constant 320 : index
      %get3A_376 = tpu.vector_load %arg11[%get3A_374, %get3A_375] {strides = array<i32>} : memref<32x1024xf32, #tpu.memory_space<vmem>>, vector<1x16xf32>,
      %get3A_377 = vector.shape_cast %get3A_376 : vector<1x16xf32> to vector<16xf32>
      %mul3A_378 = arith.mulf %get3A_377, %get3A_49 : vector<16xf32>
      %add3A_379 = arith.addf %mul3A_373, %mul3A_378 : vector<16xf32>
      %swap3A_380 = arith.index_cast %scan3A_42 : i32 to index
      %swap3A_381 = arith.constant 320 : index
      %swap3A_382 = tpu.vector_load %arg10[%swap3A_380, %swap3A_381] {strides = array<i32>} : memref<32x1024xf32, #tpu.memory_space<vmem>>, vector<1x16xf32>,
      %swap3A_383 = vector.shape_cast %swap3A_382 : vector<1x16xf32> to vector<16xf32>
      %swap3A_384 = vector.shape_cast %add3A_379 : vector<16xf32> to vector<1x16xf32>
      tpu.vector_store %arg10[%swap3A_380, %swap3A_381], %swap3A_384 {strides = array<i32>} : memref<32x1024xf32, #tpu.memory_space<vmem>>, vector<1x16xf32>,
      %get3A_385 = arith.index_cast %scan3A_42 : i32 to index
      %get3A_386 = arith.constant 336 : index
      %get3A_387 = tpu.vector_load %arg10[%get3A_385, %get3A_386] {strides = array<i32>} : memref<32x1024xf32, #tpu.memory_space<vmem>>, vector<1x16xf32>,
      %get3A_388 = vector.shape_cast %get3A_387 : vector<1x16xf32> to vector<16xf32>
      %mul3A_389 = arith.mulf %get3A_388, %get3A_45 : vector<16xf32>
      %get3A_390 = arith.index_cast %scan3A_42 : i32 to index
      %get3A_391 = arith.constant 336 : index
      %get3A_392 = tpu.vector_load %arg11[%get3A_390, %get3A_391] {strides = array<i32>} : memref<32x1024xf32, #tpu.memory_space<vmem>>, vector<1x16xf32>,
      %get3A_393 = vector.shape_cast %get3A_392 : vector<1x16xf32> to vector<16xf32>
      %mul3A_394 = arith.mulf %get3A_393, %get3A_49 : vector<16xf32>
      %add3A_395 = arith.addf %mul3A_389, %mul3A_394 : vector<16xf32>
      %swap3A_396 = arith.index_cast %scan3A_42 : i32 to index
      %swap3A_397 = arith.constant 336 : index
      %swap3A_398 = tpu.vector_load %arg10[%swap3A_396, %swap3A_397] {strides = array<i32>} : memref<32x1024xf32, #tpu.memory_space<vmem>>, vector<1x16xf32>,
      %swap3A_399 = vector.shape_cast %swap3A_398 : vector<1x16xf32> to vector<16xf32>
      %swap3A_400 = vector.shape_cast %add3A_395 : vector<16xf32> to vector<1x16xf32>
      tpu.vector_store %arg10[%swap3A_396, %swap3A_397], %swap3A_400 {strides = array<i32>} : memref<32x1024xf32, #tpu.memory_space<vmem>>, vector<1x16xf32>,
      %get3A_401 = arith.index_cast %scan3A_42 : i32 to index
      %get3A_402 = arith.constant 352 : index
      %get3A_403 = tpu.vector_load %arg10[%get3A_401, %get3A_402] {strides = array<i32>} : memref<32x1024xf32, #tpu.memory_space<vmem>>, vector<1x16xf32>,
      %get3A_404 = vector.shape_cast %get3A_403 : vector<1x16xf32> to vector<16xf32>
      %mul3A_405 = arith.mulf %get3A_404, %get3A_45 : vector<16xf32>
      %get3A_406 = arith.index_cast %scan3A_42 : i32 to index
      %get3A_407 = arith.constant 352 : index
      %get3A_408 = tpu.vector_load %arg11[%get3A_406, %get3A_407] {strides = array<i32>} : memref<32x1024xf32, #tpu.memory_space<vmem>>, vector<1x16xf32>,
      %get3A_409 = vector.shape_cast %get3A_408 : vector<1x16xf32> to vector<16xf32>
      %mul3A_410 = arith.mulf %get3A_409, %get3A_49 : vector<16xf32>
      %add3A_411 = arith.addf %mul3A_405, %mul3A_410 : vector<16xf32>
      %swap3A_412 = arith.index_cast %scan3A_42 : i32 to index
      %swap3A_413 = arith.constant 352 : index
      %swap3A_414 = tpu.vector_load %arg10[%swap3A_412, %swap3A_413] {strides = array<i32>} : memref<32x1024xf32, #tpu.memory_space<vmem>>, vector<1x16xf32>,
      %swap3A_415 = vector.shape_cast %swap3A_414 : vector<1x16xf32> to vector<16xf32>
      %swap3A_416 = vector.shape_cast %add3A_411 : vector<16xf32> to vector<1x16xf32>
      tpu.vector_store %arg10[%swap3A_412, %swap3A_413], %swap3A_416 {strides = array<i32>} : memref<32x1024xf32, #tpu.memory_space<vmem>>, vector<1x16xf32>,
      %get3A_417 = arith.index_cast %scan3A_42 : i32 to index
      %get3A_418 = arith.constant 368 : index
      %get3A_419 = tpu.vector_load %arg10[%get3A_417, %get3A_418] {strides = array<i32>} : memref<32x1024xf32, #tpu.memory_space<vmem>>, vector<1x16xf32>,
      %get3A_420 = vector.shape_cast %get3A_419 : vector<1x16xf32> to vector<16xf32>
      %mul3A_421 = arith.mulf %get3A_420, %get3A_45 : vector<16xf32>
      %get3A_422 = arith.index_cast %scan3A_42 : i32 to index
      %get3A_423 = arith.constant 368 : index
      %get3A_424 = tpu.vector_load %arg11[%get3A_422, %get3A_423] {strides = array<i32>} : memref<32x1024xf32, #tpu.memory_space<vmem>>, vector<1x16xf32>,
      %get3A_425 = vector.shape_cast %get3A_424 : vector<1x16xf32> to vector<16xf32>
      %mul3A_426 = arith.mulf %get3A_425, %get3A_49 : vector<16xf32>
      %add3A_427 = arith.addf %mul3A_421, %mul3A_426 : vector<16xf32>
      %swap3A_428 = arith.index_cast %scan3A_42 : i32 to index
      %swap3A_429 = arith.constant 368 : index
      %swap3A_430 = tpu.vector_load %arg10[%swap3A_428, %swap3A_429] {strides = array<i32>} : memref<32x1024xf32, #tpu.memory_space<vmem>>, vector<1x16xf32>,
      %swap3A_431 = vector.shape_cast %swap3A_430 : vector<1x16xf32> to vector<16xf32>
      %swap3A_432 = vector.shape_cast %add3A_427 : vector<16xf32> to vector<1x16xf32>
      tpu.vector_store %arg10[%swap3A_428, %swap3A_429], %swap3A_432 {strides = array<i32>} : memref<32x1024xf32, #tpu.memory_space<vmem>>, vector<1x16xf32>,
      %get3A_433 = arith.index_cast %scan3A_42 : i32 to index
      %get3A_434 = arith.constant 384 : index
      %get3A_435 = tpu.vector_load %arg10[%get3A_433, %get3A_434] {strides = array<i32>} : memref<32x1024xf32, #tpu.memory_space<vmem>>, vector<1x16xf32>,
      %get3A_436 = vector.shape_cast %get3A_435 : vector<1x16xf32> to vector<16xf32>
      %mul3A_437 = arith.mulf %get3A_436, %get3A_45 : vector<16xf32>
      %get3A_438 = arith.index_cast %scan3A_42 : i32 to index
      %get3A_439 = arith.constant 384 : index
      %get3A_440 = tpu.vector_load %arg11[%get3A_438, %get3A_439] {strides = array<i32>} : memref<32x1024xf32, #tpu.memory_space<vmem>>, vector<1x16xf32>,
      %get3A_441 = vector.shape_cast %get3A_440 : vector<1x16xf32> to vector<16xf32>
      %mul3A_442 = arith.mulf %get3A_441, %get3A_49 : vector<16xf32>
      %add3A_443 = arith.addf %mul3A_437, %mul3A_442 : vector<16xf32>
      %swap3A_444 = arith.index_cast %scan3A_42 : i32 to index
      %swap3A_445 = arith.constant 384 : index
      %swap3A_446 = tpu.vector_load %arg10[%swap3A_444, %swap3A_445] {strides = array<i32>} : memref<32x1024xf32, #tpu.memory_space<vmem>>, vector<1x16xf32>,
      %swap3A_447 = vector.shape_cast %swap3A_446 : vector<1x16xf32> to vector<16xf32>
      %swap3A_448 = vector.shape_cast %add3A_443 : vector<16xf32> to vector<1x16xf32>
      tpu.vector_store %arg10[%swap3A_444, %swap3A_445], %swap3A_448 {strides = array<i32>} : memref<32x1024xf32, #tpu.memory_space<vmem>>, vector<1x16xf32>,
      %get3A_449 = arith.index_cast %scan3A_42 : i32 to index
      %get3A_450 = arith.constant 400 : index
      %get3A_451 = tpu.vector_load %arg10[%get3A_449, %get3A_450] {strides = array<i32>} : memref<32x1024xf32, #tpu.memory_space<vmem>>, vector<1x16xf32>,
      %get3A_452 = vector.shape_cast %get3A_451 : vector<1x16xf32> to vector<16xf32>
      %mul3A_453 = arith.mulf %get3A_452, %get3A_45 : vector<16xf32>
      %get3A_454 = arith.index_cast %scan3A_42 : i32 to index
      %get3A_455 = arith.constant 400 : index
      %get3A_456 = tpu.vector_load %arg11[%get3A_454, %get3A_455] {strides = array<i32>} : memref<32x1024xf32, #tpu.memory_space<vmem>>, vector<1x16xf32>,
      %get3A_457 = vector.shape_cast %get3A_456 : vector<1x16xf32> to vector<16xf32>
      %mul3A_458 = arith.mulf %get3A_457, %get3A_49 : vector<16xf32>
      %add3A_459 = arith.addf %mul3A_453, %mul3A_458 : vector<16xf32>
      %swap3A_460 = arith.index_cast %scan3A_42 : i32 to index
      %swap3A_461 = arith.constant 400 : index
      %swap3A_462 = tpu.vector_load %arg10[%swap3A_460, %swap3A_461] {strides = array<i32>} : memref<32x1024xf32, #tpu.memory_space<vmem>>, vector<1x16xf32>,
      %swap3A_463 = vector.shape_cast %swap3A_462 : vector<1x16xf32> to vector<16xf32>
      %swap3A_464 = vector.shape_cast %add3A_459 : vector<16xf32> to vector<1x16xf32>
      tpu.vector_store %arg10[%swap3A_460, %swap3A_461], %swap3A_464 {strides = array<i32>} : memref<32x1024xf32, #tpu.memory_space<vmem>>, vector<1x16xf32>,
      %get3A_465 = arith.index_cast %scan3A_42 : i32 to index
      %get3A_466 = arith.constant 416 : index
      %get3A_467 = tpu.vector_load %arg10[%get3A_465, %get3A_466] {strides = array<i32>} : memref<32x1024xf32, #tpu.memory_space<vmem>>, vector<1x16xf32>,
      %get3A_468 = vector.shape_cast %get3A_467 : vector<1x16xf32> to vector<16xf32>
      %mul3A_469 = arith.mulf %get3A_468, %get3A_45 : vector<16xf32>
      %get3A_470 = arith.index_cast %scan3A_42 : i32 to index
      %get3A_471 = arith.constant 416 : index
      %get3A_472 = tpu.vector_load %arg11[%get3A_470, %get3A_471] {strides = array<i32>} : memref<32x1024xf32, #tpu.memory_space<vmem>>, vector<1x16xf32>,
      %get3A_473 = vector.shape_cast %get3A_472 : vector<1x16xf32> to vector<16xf32>
      %mul3A_474 = arith.mulf %get3A_473, %get3A_49 : vector<16xf32>
      %add3A_475 = arith.addf %mul3A_469, %mul3A_474 : vector<16xf32>
      %swap3A_476 = arith.index_cast %scan3A_42 : i32 to index
      %swap3A_477 = arith.constant 416 : index
      %swap3A_478 = tpu.vector_load %arg10[%swap3A_476, %swap3A_477] {strides = array<i32>} : memref<32x1024xf32, #tpu.memory_space<vmem>>, vector<1x16xf32>,
      %swap3A_479 = vector.shape_cast %swap3A_478 : vector<1x16xf32> to vector<16xf32>
      %swap3A_480 = vector.shape_cast %add3A_475 : vector<16xf32> to vector<1x16xf32>
      tpu.vector_store %arg10[%swap3A_476, %swap3A_477], %swap3A_480 {strides = array<i32>} : memref<32x1024xf32, #tpu.memory_space<vmem>>, vector<1x16xf32>,
      %get3A_481 = arith.index_cast %scan3A_42 : i32 to index
      %get3A_482 = arith.constant 432 : index
      %get3A_483 = tpu.vector_load %arg10[%get3A_481, %get3A_482] {strides = array<i32>} : memref<32x1024xf32, #tpu.memory_space<vmem>>, vector<1x16xf32>,
      %get3A_484 = vector.shape_cast %get3A_483 : vector<1x16xf32> to vector<16xf32>
      %mul3A_485 = arith.mulf %get3A_484, %get3A_45 : vector<16xf32>
      %get3A_486 = arith.index_cast %scan3A_42 : i32 to index
      %get3A_487 = arith.constant 432 : index
      %get3A_488 = tpu.vector_load %arg11[%get3A_486, %get3A_487] {strides = array<i32>} : memref<32x1024xf32, #tpu.memory_space<vmem>>, vector<1x16xf32>,
      %get3A_489 = vector.shape_cast %get3A_488 : vector<1x16xf32> to vector<16xf32>
      %mul3A_490 = arith.mulf %get3A_489, %get3A_49 : vector<16xf32>
      %add3A_491 = arith.addf %mul3A_485, %mul3A_490 : vector<16xf32>
      %swap3A_492 = arith.index_cast %scan3A_42 : i32 to index
      %swap3A_493 = arith.constant 432 : index
      %swap3A_494 = tpu.vector_load %arg10[%swap3A_492, %swap3A_493] {strides = array<i32>} : memref<32x1024xf32, #tpu.memory_space<vmem>>, vector<1x16xf32>,
      %swap3A_495 = vector.shape_cast %swap3A_494 : vector<1x16xf32> to vector<16xf32>
      %swap3A_496 = vector.shape_cast %add3A_491 : vector<16xf32> to vector<1x16xf32>
      tpu.vector_store %arg10[%swap3A_492, %swap3A_493], %swap3A_496 {strides = array<i32>} : memref<32x1024xf32, #tpu.memory_space<vmem>>, vector<1x16xf32>,
      %get3A_497 = arith.index_cast %scan3A_42 : i32 to index
      %get3A_498 = arith.constant 448 : index
      %get3A_499 = tpu.vector_load %arg10[%get3A_497, %get3A_498] {strides = array<i32>} : memref<32x1024xf32, #tpu.memory_space<vmem>>, vector<1x16xf32>,
      %get3A_500 = vector.shape_cast %get3A_499 : vector<1x16xf32> to vector<16xf32>
      %mul3A_501 = arith.mulf %get3A_500, %get3A_45 : vector<16xf32>
      %get3A_502 = arith.index_cast %scan3A_42 : i32 to index
      %get3A_503 = arith.constant 448 : index
      %get3A_504 = tpu.vector_load %arg11[%get3A_502, %get3A_503] {strides = array<i32>} : memref<32x1024xf32, #tpu.memory_space<vmem>>, vector<1x16xf32>,
      %get3A_505 = vector.shape_cast %get3A_504 : vector<1x16xf32> to vector<16xf32>
      %mul3A_506 = arith.mulf %get3A_505, %get3A_49 : vector<16xf32>
      %add3A_507 = arith.addf %mul3A_501, %mul3A_506 : vector<16xf32>
      %swap3A_508 = arith.index_cast %scan3A_42 : i32 to index
      %swap3A_509 = arith.constant 448 : index
      %swap3A_510 = tpu.vector_load %arg10[%swap3A_508, %swap3A_509] {strides = array<i32>} : memref<32x1024xf32, #tpu.memory_space<vmem>>, vector<1x16xf32>,
      %swap3A_511 = vector.shape_cast %swap3A_510 : vector<1x16xf32> to vector<16xf32>
      %swap3A_512 = vector.shape_cast %add3A_507 : vector<16xf32> to vector<1x16xf32>
      tpu.vector_store %arg10[%swap3A_508, %swap3A_509], %swap3A_512 {strides = array<i32>} : memref<32x1024xf32, #tpu.memory_space<vmem>>, vector<1x16xf32>,
      %get3A_513 = arith.index_cast %scan3A_42 : i32 to index
      %get3A_514 = arith.constant 464 : index
      %get3A_515 = tpu.vector_load %arg10[%get3A_513, %get3A_514] {strides = array<i32>} : memref<32x1024xf32, #tpu.memory_space<vmem>>, vector<1x16xf32>,
      %get3A_516 = vector.shape_cast %get3A_515 : vector<1x16xf32> to vector<16xf32>
      %mul3A_517 = arith.mulf %get3A_516, %get3A_45 : vector<16xf32>
      %get3A_518 = arith.index_cast %scan3A_42 : i32 to index
      %get3A_519 = arith.constant 464 : index
      %get3A_520 = tpu.vector_load %arg11[%get3A_518, %get3A_519] {strides = array<i32>} : memref<32x1024xf32, #tpu.memory_space<vmem>>, vector<1x16xf32>,
      %get3A_521 = vector.shape_cast %get3A_520 : vector<1x16xf32> to vector<16xf32>
      %mul3A_522 = arith.mulf %get3A_521, %get3A_49 : vector<16xf32>
      %add3A_523 = arith.addf %mul3A_517, %mul3A_522 : vector<16xf32>
      %swap3A_524 = arith.index_cast %scan3A_42 : i32 to index
      %swap3A_525 = arith.constant 464 : index
      %swap3A_526 = tpu.vector_load %arg10[%swap3A_524, %swap3A_525] {strides = array<i32>} : memref<32x1024xf32, #tpu.memory_space<vmem>>, vector<1x16xf32>,
      %swap3A_527 = vector.shape_cast %swap3A_526 : vector<1x16xf32> to vector<16xf32>
      %swap3A_528 = vector.shape_cast %add3A_523 : vector<16xf32> to vector<1x16xf32>
      tpu.vector_store %arg10[%swap3A_524, %swap3A_525], %swap3A_528 {strides = array<i32>} : memref<32x1024xf32, #tpu.memory_space<vmem>>, vector<1x16xf32>,
      %get3A_529 = arith.index_cast %scan3A_42 : i32 to index
      %get3A_530 = arith.constant 480 : index
      %get3A_531 = tpu.vector_load %arg10[%get3A_529, %get3A_530] {strides = array<i32>} : memref<32x1024xf32, #tpu.memory_space<vmem>>, vector<1x16xf32>,
      %get3A_532 = vector.shape_cast %get3A_531 : vector<1x16xf32> to vector<16xf32>
      %mul3A_533 = arith.mulf %get3A_532, %get3A_45 : vector<16xf32>
      %get3A_534 = arith.index_cast %scan3A_42 : i32 to index
      %get3A_535 = arith.constant 480 : index
      %get3A_536 = tpu.vector_load %arg11[%get3A_534, %get3A_535] {strides = array<i32>} : memref<32x1024xf32, #tpu.memory_space<vmem>>, vector<1x16xf32>,
      %get3A_537 = vector.shape_cast %get3A_536 : vector<1x16xf32> to vector<16xf32>
      %mul3A_538 = arith.mulf %get3A_537, %get3A_49 : vector<16xf32>
      %add3A_539 = arith.addf %mul3A_533, %mul3A_538 : vector<16xf32>
      %swap3A_540 = arith.index_cast %scan3A_42 : i32 to index
      %swap3A_541 = arith.constant 480 : index
      %swap3A_542 = tpu.vector_load %arg10[%swap3A_540, %swap3A_541] {strides = array<i32>} : memref<32x1024xf32, #tpu.memory_space<vmem>>, vector<1x16xf32>,
      %swap3A_543 = vector.shape_cast %swap3A_542 : vector<1x16xf32> to vector<16xf32>
      %swap3A_544 = vector.shape_cast %add3A_539 : vector<16xf32> to vector<1x16xf32>
      tpu.vector_store %arg10[%swap3A_540, %swap3A_541], %swap3A_544 {strides = array<i32>} : memref<32x1024xf32, #tpu.memory_space<vmem>>, vector<1x16xf32>,
      %get3A_545 = arith.index_cast %scan3A_42 : i32 to index
      %get3A_546 = arith.constant 496 : index
      %get3A_547 = tpu.vector_load %arg10[%get3A_545, %get3A_546] {strides = array<i32>} : memref<32x1024xf32, #tpu.memory_space<vmem>>, vector<1x16xf32>,
      %get3A_548 = vector.shape_cast %get3A_547 : vector<1x16xf32> to vector<16xf32>
      %mul3A_549 = arith.mulf %get3A_548, %get3A_45 : vector<16xf32>
      %get3A_550 = arith.index_cast %scan3A_42 : i32 to index
      %get3A_551 = arith.constant 496 : index
      %get3A_552 = tpu.vector_load %arg11[%get3A_550, %get3A_551] {strides = array<i32>} : memref<32x1024xf32, #tpu.memory_space<vmem>>, vector<1x16xf32>,
      %get3A_553 = vector.shape_cast %get3A_552 : vector<1x16xf32> to vector<16xf32>
      %mul3A_554 = arith.mulf %get3A_553, %get3A_49 : vector<16xf32>
      %add3A_555 = arith.addf %mul3A_549, %mul3A_554 : vector<16xf32>
      %swap3A_556 = arith.index_cast %scan3A_42 : i32 to index
      %swap3A_557 = arith.constant 496 : index
      %swap3A_558 = tpu.vector_load %arg10[%swap3A_556, %swap3A_557] {strides = array<i32>} : memref<32x1024xf32, #tpu.memory_space<vmem>>, vector<1x16xf32>,
      %swap3A_559 = vector.shape_cast %swap3A_558 : vector<1x16xf32> to vector<16xf32>
      %swap3A_560 = vector.shape_cast %add3A_555 : vector<16xf32> to vector<1x16xf32>
      tpu.vector_store %arg10[%swap3A_556, %swap3A_557], %swap3A_560 {strides = array<i32>} : memref<32x1024xf32, #tpu.memory_space<vmem>>, vector<1x16xf32>,
      %get3A_561 = arith.index_cast %scan3A_42 : i32 to index
      %get3A_562 = arith.constant 512 : index
      %get3A_563 = tpu.vector_load %arg10[%get3A_561, %get3A_562] {strides = array<i32>} : memref<32x1024xf32, #tpu.memory_space<vmem>>, vector<1x16xf32>,
      %get3A_564 = vector.shape_cast %get3A_563 : vector<1x16xf32> to vector<16xf32>
      %mul3A_565 = arith.mulf %get3A_564, %get3A_45 : vector<16xf32>
      %get3A_566 = arith.index_cast %scan3A_42 : i32 to index
      %get3A_567 = arith.constant 512 : index
      %get3A_568 = tpu.vector_load %arg11[%get3A_566, %get3A_567] {strides = array<i32>} : memref<32x1024xf32, #tpu.memory_space<vmem>>, vector<1x16xf32>,
      %get3A_569 = vector.shape_cast %get3A_568 : vector<1x16xf32> to vector<16xf32>
      %mul3A_570 = arith.mulf %get3A_569, %get3A_49 : vector<16xf32>
      %add3A_571 = arith.addf %mul3A_565, %mul3A_570 : vector<16xf32>
      %swap3A_572 = arith.index_cast %scan3A_42 : i32 to index
      %swap3A_573 = arith.constant 512 : index
      %swap3A_574 = tpu.vector_load %arg10[%swap3A_572, %swap3A_573] {strides = array<i32>} : memref<32x1024xf32, #tpu.memory_space<vmem>>, vector<1x16xf32>,
      %swap3A_575 = vector.shape_cast %swap3A_574 : vector<1x16xf32> to vector<16xf32>
      %swap3A_576 = vector.shape_cast %add3A_571 : vector<16xf32> to vector<1x16xf32>
      tpu.vector_store %arg10[%swap3A_572, %swap3A_573], %swap3A_576 {strides = array<i32>} : memref<32x1024xf32, #tpu.memory_space<vmem>>, vector<1x16xf32>,
      %get3A_577 = arith.index_cast %scan3A_42 : i32 to index
      %get3A_578 = arith.constant 528 : index
      %get3A_579 = tpu.vector_load %arg10[%get3A_577, %get3A_578] {strides = array<i32>} : memref<32x1024xf32, #tpu.memory_space<vmem>>, vector<1x16xf32>,
      %get3A_580 = vector.shape_cast %get3A_579 : vector<1x16xf32> to vector<16xf32>
      %mul3A_581 = arith.mulf %get3A_580, %get3A_45 : vector<16xf32>
      %get3A_582 = arith.index_cast %scan3A_42 : i32 to index
      %get3A_583 = arith.constant 528 : index
      %get3A_584 = tpu.vector_load %arg11[%get3A_582, %get3A_583] {strides = array<i32>} : memref<32x1024xf32, #tpu.memory_space<vmem>>, vector<1x16xf32>,
      %get3A_585 = vector.shape_cast %get3A_584 : vector<1x16xf32> to vector<16xf32>
      %mul3A_586 = arith.mulf %get3A_585, %get3A_49 : vector<16xf32>
      %add3A_587 = arith.addf %mul3A_581, %mul3A_586 : vector<16xf32>
      %swap3A_588 = arith.index_cast %scan3A_42 : i32 to index
      %swap3A_589 = arith.constant 528 : index
      %swap3A_590 = tpu.vector_load %arg10[%swap3A_588, %swap3A_589] {strides = array<i32>} : memref<32x1024xf32, #tpu.memory_space<vmem>>, vector<1x16xf32>,
      %swap3A_591 = vector.shape_cast %swap3A_590 : vector<1x16xf32> to vector<16xf32>
      %swap3A_592 = vector.shape_cast %add3A_587 : vector<16xf32> to vector<1x16xf32>
      tpu.vector_store %arg10[%swap3A_588, %swap3A_589], %swap3A_592 {strides = array<i32>} : memref<32x1024xf32, #tpu.memory_space<vmem>>, vector<1x16xf32>,
      %get3A_593 = arith.index_cast %scan3A_42 : i32 to index
      %get3A_594 = arith.constant 544 : index
      %get3A_595 = tpu.vector_load %arg10[%get3A_593, %get3A_594] {strides = array<i32>} : memref<32x1024xf32, #tpu.memory_space<vmem>>, vector<1x16xf32>,
      %get3A_596 = vector.shape_cast %get3A_595 : vector<1x16xf32> to vector<16xf32>
      %mul3A_597 = arith.mulf %get3A_596, %get3A_45 : vector<16xf32>
      %get3A_598 = arith.index_cast %scan3A_42 : i32 to index
      %get3A_599 = arith.constant 544 : index
      %get3A_600 = tpu.vector_load %arg11[%get3A_598, %get3A_599] {strides = array<i32>} : memref<32x1024xf32, #tpu.memory_space<vmem>>, vector<1x16xf32>,
      %get3A_601 = vector.shape_cast %get3A_600 : vector<1x16xf32> to vector<16xf32>
      %mul3A_602 = arith.mulf %get3A_601, %get3A_49 : vector<16xf32>
      %add3A_603 = arith.addf %mul3A_597, %mul3A_602 : vector<16xf32>
      %swap3A_604 = arith.index_cast %scan3A_42 : i32 to index
      %swap3A_605 = arith.constant 544 : index
      %swap3A_606 = tpu.vector_load %arg10[%swap3A_604, %swap3A_605] {strides = array<i32>} : memref<32x1024xf32, #tpu.memory_space<vmem>>, vector<1x16xf32>,
      %swap3A_607 = vector.shape_cast %swap3A_606 : vector<1x16xf32> to vector<16xf32>
      %swap3A_608 = vector.shape_cast %add3A_603 : vector<16xf32> to vector<1x16xf32>
      tpu.vector_store %arg10[%swap3A_604, %swap3A_605], %swap3A_608 {strides = array<i32>} : memref<32x1024xf32, #tpu.memory_space<vmem>>, vector<1x16xf32>,
      %get3A_609 = arith.index_cast %scan3A_42 : i32 to index
      %get3A_610 = arith.constant 560 : index
      %get3A_611 = tpu.vector_load %arg10[%get3A_609, %get3A_610] {strides = array<i32>} : memref<32x1024xf32, #tpu.memory_space<vmem>>, vector<1x16xf32>,
      %get3A_612 = vector.shape_cast %get3A_611 : vector<1x16xf32> to vector<16xf32>
      %mul3A_613 = arith.mulf %get3A_612, %get3A_45 : vector<16xf32>
      %get3A_614 = arith.index_cast %scan3A_42 : i32 to index
      %get3A_615 = arith.constant 560 : index
      %get3A_616 = tpu.vector_load %arg11[%get3A_614, %get3A_615] {strides = array<i32>} : memref<32x1024xf32, #tpu.memory_space<vmem>>, vector<1x16xf32>,
      %get3A_617 = vector.shape_cast %get3A_616 : vector<1x16xf32> to vector<16xf32>
      %mul3A_618 = arith.mulf %get3A_617, %get3A_49 : vector<16xf32>
      %add3A_619 = arith.addf %mul3A_613, %mul3A_618 : vector<16xf32>
      %swap3A_620 = arith.index_cast %scan3A_42 : i32 to index
      %swap3A_621 = arith.constant 560 : index
      %swap3A_622 = tpu.vector_load %arg10[%swap3A_620, %swap3A_621] {strides = array<i32>} : memref<32x1024xf32, #tpu.memory_space<vmem>>, vector<1x16xf32>,
      %swap3A_623 = vector.shape_cast %swap3A_622 : vector<1x16xf32> to vector<16xf32>
      %swap3A_624 = vector.shape_cast %add3A_619 : vector<16xf32> to vector<1x16xf32>
      tpu.vector_store %arg10[%swap3A_620, %swap3A_621], %swap3A_624 {strides = array<i32>} : memref<32x1024xf32, #tpu.memory_space<vmem>>, vector<1x16xf32>,
      %get3A_625 = arith.index_cast %scan3A_42 : i32 to index
      %get3A_626 = arith.constant 576 : index
      %get3A_627 = tpu.vector_load %arg10[%get3A_625, %get3A_626] {strides = array<i32>} : memref<32x1024xf32, #tpu.memory_space<vmem>>, vector<1x16xf32>,
      %get3A_628 = vector.shape_cast %get3A_627 : vector<1x16xf32> to vector<16xf32>
      %mul3A_629 = arith.mulf %get3A_628, %get3A_45 : vector<16xf32>
      %get3A_630 = arith.index_cast %scan3A_42 : i32 to index
      %get3A_631 = arith.constant 576 : index
      %get3A_632 = tpu.vector_load %arg11[%get3A_630, %get3A_631] {strides = array<i32>} : memref<32x1024xf32, #tpu.memory_space<vmem>>, vector<1x16xf32>,
      %get3A_633 = vector.shape_cast %get3A_632 : vector<1x16xf32> to vector<16xf32>
      %mul3A_634 = arith.mulf %get3A_633, %get3A_49 : vector<16xf32>
      %add3A_635 = arith.addf %mul3A_629, %mul3A_634 : vector<16xf32>
      %swap3A_636 = arith.index_cast %scan3A_42 : i32 to index
      %swap3A_637 = arith.constant 576 : index
      %swap3A_638 = tpu.vector_load %arg10[%swap3A_636, %swap3A_637] {strides = array<i32>} : memref<32x1024xf32, #tpu.memory_space<vmem>>, vector<1x16xf32>,
      %swap3A_639 = vector.shape_cast %swap3A_638 : vector<1x16xf32> to vector<16xf32>
      %swap3A_640 = vector.shape_cast %add3A_635 : vector<16xf32> to vector<1x16xf32>
      tpu.vector_store %arg10[%swap3A_636, %swap3A_637], %swap3A_640 {strides = array<i32>} : memref<32x1024xf32, #tpu.memory_space<vmem>>, vector<1x16xf32>,
      %get3A_641 = arith.index_cast %scan3A_42 : i32 to index
      %get3A_642 = arith.constant 592 : index
      %get3A_643 = tpu.vector_load %arg10[%get3A_641, %get3A_642] {strides = array<i32>} : memref<32x1024xf32, #tpu.memory_space<vmem>>, vector<1x16xf32>,
      %get3A_644 = vector.shape_cast %get3A_643 : vector<1x16xf32> to vector<16xf32>
      %mul3A_645 = arith.mulf %get3A_644, %get3A_45 : vector<16xf32>
      %get3A_646 = arith.index_cast %scan3A_42 : i32 to index
      %get3A_647 = arith.constant 592 : index
      %get3A_648 = tpu.vector_load %arg11[%get3A_646, %get3A_647] {strides = array<i32>} : memref<32x1024xf32, #tpu.memory_space<vmem>>, vector<1x16xf32>,
      %get3A_649 = vector.shape_cast %get3A_648 : vector<1x16xf32> to vector<16xf32>
      %mul3A_650 = arith.mulf %get3A_649, %get3A_49 : vector<16xf32>
      %add3A_651 = arith.addf %mul3A_645, %mul3A_650 : vector<16xf32>
      %swap3A_652 = arith.index_cast %scan3A_42 : i32 to index
      %swap3A_653 = arith.constant 592 : index
      %swap3A_654 = tpu.vector_load %arg10[%swap3A_652, %swap3A_653] {strides = array<i32>} : memref<32x1024xf32, #tpu.memory_space<vmem>>, vector<1x16xf32>,
      %swap3A_655 = vector.shape_cast %swap3A_654 : vector<1x16xf32> to vector<16xf32>
      %swap3A_656 = vector.shape_cast %add3A_651 : vector<16xf32> to vector<1x16xf32>
      tpu.vector_store %arg10[%swap3A_652, %swap3A_653], %swap3A_656 {strides = array<i32>} : memref<32x1024xf32, #tpu.memory_space<vmem>>, vector<1x16xf32>,
      %get3A_657 = arith.index_cast %scan3A_42 : i32 to index
      %get3A_658 = arith.constant 608 : index
      %get3A_659 = tpu.vector_load %arg10[%get3A_657, %get3A_658] {strides = array<i32>} : memref<32x1024xf32, #tpu.memory_space<vmem>>, vector<1x16xf32>,
      %get3A_660 = vector.shape_cast %get3A_659 : vector<1x16xf32> to vector<16xf32>
      %mul3A_661 = arith.mulf %get3A_660, %get3A_45 : vector<16xf32>
      %get3A_662 = arith.index_cast %scan3A_42 : i32 to index
      %get3A_663 = arith.constant 608 : index
      %get3A_664 = tpu.vector_load %arg11[%get3A_662, %get3A_663] {strides = array<i32>} : memref<32x1024xf32, #tpu.memory_space<vmem>>, vector<1x16xf32>,
      %get3A_665 = vector.shape_cast %get3A_664 : vector<1x16xf32> to vector<16xf32>
      %mul3A_666 = arith.mulf %get3A_665, %get3A_49 : vector<16xf32>
      %add3A_667 = arith.addf %mul3A_661, %mul3A_666 : vector<16xf32>
      %swap3A_668 = arith.index_cast %scan3A_42 : i32 to index
      %swap3A_669 = arith.constant 608 : index
      %swap3A_670 = tpu.vector_load %arg10[%swap3A_668, %swap3A_669] {strides = array<i32>} : memref<32x1024xf32, #tpu.memory_space<vmem>>, vector<1x16xf32>,
      %swap3A_671 = vector.shape_cast %swap3A_670 : vector<1x16xf32> to vector<16xf32>
      %swap3A_672 = vector.shape_cast %add3A_667 : vector<16xf32> to vector<1x16xf32>
      tpu.vector_store %arg10[%swap3A_668, %swap3A_669], %swap3A_672 {strides = array<i32>} : memref<32x1024xf32, #tpu.memory_space<vmem>>, vector<1x16xf32>,
      %get3A_673 = arith.index_cast %scan3A_42 : i32 to index
      %get3A_674 = arith.constant 624 : index
      %get3A_675 = tpu.vector_load %arg10[%get3A_673, %get3A_674] {strides = array<i32>} : memref<32x1024xf32, #tpu.memory_space<vmem>>, vector<1x16xf32>,
      %get3A_676 = vector.shape_cast %get3A_675 : vector<1x16xf32> to vector<16xf32>
      %mul3A_677 = arith.mulf %get3A_676, %get3A_45 : vector<16xf32>
      %get3A_678 = arith.index_cast %scan3A_42 : i32 to index
      %get3A_679 = arith.constant 624 : index
      %get3A_680 = tpu.vector_load %arg11[%get3A_678, %get3A_679] {strides = array<i32>} : memref<32x1024xf32, #tpu.memory_space<vmem>>, vector<1x16xf32>,
      %get3A_681 = vector.shape_cast %get3A_680 : vector<1x16xf32> to vector<16xf32>
      %mul3A_682 = arith.mulf %get3A_681, %get3A_49 : vector<16xf32>
      %add3A_683 = arith.addf %mul3A_677, %mul3A_682 : vector<16xf32>
      %swap3A_684 = arith.index_cast %scan3A_42 : i32 to index
      %swap3A_685 = arith.constant 624 : index
      %swap3A_686 = tpu.vector_load %arg10[%swap3A_684, %swap3A_685] {strides = array<i32>} : memref<32x1024xf32, #tpu.memory_space<vmem>>, vector<1x16xf32>,
      %swap3A_687 = vector.shape_cast %swap3A_686 : vector<1x16xf32> to vector<16xf32>
      %swap3A_688 = vector.shape_cast %add3A_683 : vector<16xf32> to vector<1x16xf32>
      tpu.vector_store %arg10[%swap3A_684, %swap3A_685], %swap3A_688 {strides = array<i32>} : memref<32x1024xf32, #tpu.memory_space<vmem>>, vector<1x16xf32>,
      %get3A_689 = arith.index_cast %scan3A_42 : i32 to index
      %get3A_690 = arith.constant 640 : index
      %get3A_691 = tpu.vector_load %arg10[%get3A_689, %get3A_690] {strides = array<i32>} : memref<32x1024xf32, #tpu.memory_space<vmem>>, vector<1x16xf32>,
      %get3A_692 = vector.shape_cast %get3A_691 : vector<1x16xf32> to vector<16xf32>
      %mul3A_693 = arith.mulf %get3A_692, %get3A_45 : vector<16xf32>
      %get3A_694 = arith.index_cast %scan3A_42 : i32 to index
      %get3A_695 = arith.constant 640 : index
      %get3A_696 = tpu.vector_load %arg11[%get3A_694, %get3A_695] {strides = array<i32>} : memref<32x1024xf32, #tpu.memory_space<vmem>>, vector<1x16xf32>,
      %get3A_697 = vector.shape_cast %get3A_696 : vector<1x16xf32> to vector<16xf32>
      %mul3A_698 = arith.mulf %get3A_697, %get3A_49 : vector<16xf32>
      %add3A_699 = arith.addf %mul3A_693, %mul3A_698 : vector<16xf32>
      %swap3A_700 = arith.index_cast %scan3A_42 : i32 to index
      %swap3A_701 = arith.constant 640 : index
      %swap3A_702 = tpu.vector_load %arg10[%swap3A_700, %swap3A_701] {strides = array<i32>} : memref<32x1024xf32, #tpu.memory_space<vmem>>, vector<1x16xf32>,
      %swap3A_703 = vector.shape_cast %swap3A_702 : vector<1x16xf32> to vector<16xf32>
      %swap3A_704 = vector.shape_cast %add3A_699 : vector<16xf32> to vector<1x16xf32>
      tpu.vector_store %arg10[%swap3A_700, %swap3A_701], %swap3A_704 {strides = array<i32>} : memref<32x1024xf32, #tpu.memory_space<vmem>>, vector<1x16xf32>,
      %get3A_705 = arith.index_cast %scan3A_42 : i32 to index
      %get3A_706 = arith.constant 656 : index
      %get3A_707 = tpu.vector_load %arg10[%get3A_705, %get3A_706] {strides = array<i32>} : memref<32x1024xf32, #tpu.memory_space<vmem>>, vector<1x16xf32>,
      %get3A_708 = vector.shape_cast %get3A_707 : vector<1x16xf32> to vector<16xf32>
      %mul3A_709 = arith.mulf %get3A_708, %get3A_45 : vector<16xf32>
      %get3A_710 = arith.index_cast %scan3A_42 : i32 to index
      %get3A_711 = arith.constant 656 : index
      %get3A_712 = tpu.vector_load %arg11[%get3A_710, %get3A_711] {strides = array<i32>} : memref<32x1024xf32, #tpu.memory_space<vmem>>, vector<1x16xf32>,
      %get3A_713 = vector.shape_cast %get3A_712 : vector<1x16xf32> to vector<16xf32>
      %mul3A_714 = arith.mulf %get3A_713, %get3A_49 : vector<16xf32>
      %add3A_715 = arith.addf %mul3A_709, %mul3A_714 : vector<16xf32>
      %swap3A_716 = arith.index_cast %scan3A_42 : i32 to index
      %swap3A_717 = arith.constant 656 : index
      %swap3A_718 = tpu.vector_load %arg10[%swap3A_716, %swap3A_717] {strides = array<i32>} : memref<32x1024xf32, #tpu.memory_space<vmem>>, vector<1x16xf32>,
      %swap3A_719 = vector.shape_cast %swap3A_718 : vector<1x16xf32> to vector<16xf32>
      %swap3A_720 = vector.shape_cast %add3A_715 : vector<16xf32> to vector<1x16xf32>
      tpu.vector_store %arg10[%swap3A_716, %swap3A_717], %swap3A_720 {strides = array<i32>} : memref<32x1024xf32, #tpu.memory_space<vmem>>, vector<1x16xf32>,
      %get3A_721 = arith.index_cast %scan3A_42 : i32 to index
      %get3A_722 = arith.constant 672 : index
      %get3A_723 = tpu.vector_load %arg10[%get3A_721, %get3A_722] {strides = array<i32>} : memref<32x1024xf32, #tpu.memory_space<vmem>>, vector<1x16xf32>,
      %get3A_724 = vector.shape_cast %get3A_723 : vector<1x16xf32> to vector<16xf32>
      %mul3A_725 = arith.mulf %get3A_724, %get3A_45 : vector<16xf32>
      %get3A_726 = arith.index_cast %scan3A_42 : i32 to index
      %get3A_727 = arith.constant 672 : index
      %get3A_728 = tpu.vector_load %arg11[%get3A_726, %get3A_727] {strides = array<i32>} : memref<32x1024xf32, #tpu.memory_space<vmem>>, vector<1x16xf32>,
      %get3A_729 = vector.shape_cast %get3A_728 : vector<1x16xf32> to vector<16xf32>
      %mul3A_730 = arith.mulf %get3A_729, %get3A_49 : vector<16xf32>
      %add3A_731 = arith.addf %mul3A_725, %mul3A_730 : vector<16xf32>
      %swap3A_732 = arith.index_cast %scan3A_42 : i32 to index
      %swap3A_733 = arith.constant 672 : index
      %swap3A_734 = tpu.vector_load %arg10[%swap3A_732, %swap3A_733] {strides = array<i32>} : memref<32x1024xf32, #tpu.memory_space<vmem>>, vector<1x16xf32>,
      %swap3A_735 = vector.shape_cast %swap3A_734 : vector<1x16xf32> to vector<16xf32>
      %swap3A_736 = vector.shape_cast %add3A_731 : vector<16xf32> to vector<1x16xf32>
      tpu.vector_store %arg10[%swap3A_732, %swap3A_733], %swap3A_736 {strides = array<i32>} : memref<32x1024xf32, #tpu.memory_space<vmem>>, vector<1x16xf32>,
      %get3A_737 = arith.index_cast %scan3A_42 : i32 to index
      %get3A_738 = arith.constant 688 : index
      %get3A_739 = tpu.vector_load %arg10[%get3A_737, %get3A_738] {strides = array<i32>} : memref<32x1024xf32, #tpu.memory_space<vmem>>, vector<1x16xf32>,
      %get3A_740 = vector.shape_cast %get3A_739 : vector<1x16xf32> to vector<16xf32>
      %mul3A_741 = arith.mulf %get3A_740, %get3A_45 : vector<16xf32>
      %get3A_742 = arith.index_cast %scan3A_42 : i32 to index
      %get3A_743 = arith.constant 688 : index
      %get3A_744 = tpu.vector_load %arg11[%get3A_742, %get3A_743] {strides = array<i32>} : memref<32x1024xf32, #tpu.memory_space<vmem>>, vector<1x16xf32>,
      %get3A_745 = vector.shape_cast %get3A_744 : vector<1x16xf32> to vector<16xf32>
      %mul3A_746 = arith.mulf %get3A_745, %get3A_49 : vector<16xf32>
      %add3A_747 = arith.addf %mul3A_741, %mul3A_746 : vector<16xf32>
      %swap3A_748 = arith.index_cast %scan3A_42 : i32 to index
      %swap3A_749 = arith.constant 688 : index
      %swap3A_750 = tpu.vector_load %arg10[%swap3A_748, %swap3A_749] {strides = array<i32>} : memref<32x1024xf32, #tpu.memory_space<vmem>>, vector<1x16xf32>,
      %swap3A_751 = vector.shape_cast %swap3A_750 : vector<1x16xf32> to vector<16xf32>
      %swap3A_752 = vector.shape_cast %add3A_747 : vector<16xf32> to vector<1x16xf32>
      tpu.vector_store %arg10[%swap3A_748, %swap3A_749], %swap3A_752 {strides = array<i32>} : memref<32x1024xf32, #tpu.memory_space<vmem>>, vector<1x16xf32>,
      %get3A_753 = arith.index_cast %scan3A_42 : i32 to index
      %get3A_754 = arith.constant 704 : index
      %get3A_755 = tpu.vector_load %arg10[%get3A_753, %get3A_754] {strides = array<i32>} : memref<32x1024xf32, #tpu.memory_space<vmem>>, vector<1x16xf32>,
      %get3A_756 = vector.shape_cast %get3A_755 : vector<1x16xf32> to vector<16xf32>
      %mul3A_757 = arith.mulf %get3A_756, %get3A_45 : vector<16xf32>
      %get3A_758 = arith.index_cast %scan3A_42 : i32 to index
      %get3A_759 = arith.constant 704 : index
      %get3A_760 = tpu.vector_load %arg11[%get3A_758, %get3A_759] {strides = array<i32>} : memref<32x1024xf32, #tpu.memory_space<vmem>>, vector<1x16xf32>,
      %get3A_761 = vector.shape_cast %get3A_760 : vector<1x16xf32> to vector<16xf32>
      %mul3A_762 = arith.mulf %get3A_761, %get3A_49 : vector<16xf32>
      %add3A_763 = arith.addf %mul3A_757, %mul3A_762 : vector<16xf32>
      %swap3A_764 = arith.index_cast %scan3A_42 : i32 to index
      %swap3A_765 = arith.constant 704 : index
      %swap3A_766 = tpu.vector_load %arg10[%swap3A_764, %swap3A_765] {strides = array<i32>} : memref<32x1024xf32, #tpu.memory_space<vmem>>, vector<1x16xf32>,
      %swap3A_767 = vector.shape_cast %swap3A_766 : vector<1x16xf32> to vector<16xf32>
      %swap3A_768 = vector.shape_cast %add3A_763 : vector<16xf32> to vector<1x16xf32>
      tpu.vector_store %arg10[%swap3A_764, %swap3A_765], %swap3A_768 {strides = array<i32>} : memref<32x1024xf32, #tpu.memory_space<vmem>>, vector<1x16xf32>,
      %get3A_769 = arith.index_cast %scan3A_42 : i32 to index
      %get3A_770 = arith.constant 720 : index
      %get3A_771 = tpu.vector_load %arg10[%get3A_769, %get3A_770] {strides = array<i32>} : memref<32x1024xf32, #tpu.memory_space<vmem>>, vector<1x16xf32>,
      %get3A_772 = vector.shape_cast %get3A_771 : vector<1x16xf32> to vector<16xf32>
      %mul3A_773 = arith.mulf %get3A_772, %get3A_45 : vector<16xf32>
      %get3A_774 = arith.index_cast %scan3A_42 : i32 to index
      %get3A_775 = arith.constant 720 : index
      %get3A_776 = tpu.vector_load %arg11[%get3A_774, %get3A_775] {strides = array<i32>} : memref<32x1024xf32, #tpu.memory_space<vmem>>, vector<1x16xf32>,
      %get3A_777 = vector.shape_cast %get3A_776 : vector<1x16xf32> to vector<16xf32>
      %mul3A_778 = arith.mulf %get3A_777, %get3A_49 : vector<16xf32>
      %add3A_779 = arith.addf %mul3A_773, %mul3A_778 : vector<16xf32>
      %swap3A_780 = arith.index_cast %scan3A_42 : i32 to index
      %swap3A_781 = arith.constant 720 : index
      %swap3A_782 = tpu.vector_load %arg10[%swap3A_780, %swap3A_781] {strides = array<i32>} : memref<32x1024xf32, #tpu.memory_space<vmem>>, vector<1x16xf32>,
      %swap3A_783 = vector.shape_cast %swap3A_782 : vector<1x16xf32> to vector<16xf32>
      %swap3A_784 = vector.shape_cast %add3A_779 : vector<16xf32> to vector<1x16xf32>
      tpu.vector_store %arg10[%swap3A_780, %swap3A_781], %swap3A_784 {strides = array<i32>} : memref<32x1024xf32, #tpu.memory_space<vmem>>, vector<1x16xf32>,
      %get3A_785 = arith.index_cast %scan3A_42 : i32 to index
      %get3A_786 = arith.constant 736 : index
      %get3A_787 = tpu.vector_load %arg10[%get3A_785, %get3A_786] {strides = array<i32>} : memref<32x1024xf32, #tpu.memory_space<vmem>>, vector<1x16xf32>,
      %get3A_788 = vector.shape_cast %get3A_787 : vector<1x16xf32> to vector<16xf32>
      %mul3A_789 = arith.mulf %get3A_788, %get3A_45 : vector<16xf32>
      %get3A_790 = arith.index_cast %scan3A_42 : i32 to index
      %get3A_791 = arith.constant 736 : index
      %get3A_792 = tpu.vector_load %arg11[%get3A_790, %get3A_791] {strides = array<i32>} : memref<32x1024xf32, #tpu.memory_space<vmem>>, vector<1x16xf32>,
      %get3A_793 = vector.shape_cast %get3A_792 : vector<1x16xf32> to vector<16xf32>
      %mul3A_794 = arith.mulf %get3A_793, %get3A_49 : vector<16xf32>
      %add3A_795 = arith.addf %mul3A_789, %mul3A_794 : vector<16xf32>
      %swap3A_796 = arith.index_cast %scan3A_42 : i32 to index
      %swap3A_797 = arith.constant 736 : index
      %swap3A_798 = tpu.vector_load %arg10[%swap3A_796, %swap3A_797] {strides = array<i32>} : memref<32x1024xf32, #tpu.memory_space<vmem>>, vector<1x16xf32>,
      %swap3A_799 = vector.shape_cast %swap3A_798 : vector<1x16xf32> to vector<16xf32>
      %swap3A_800 = vector.shape_cast %add3A_795 : vector<16xf32> to vector<1x16xf32>
      tpu.vector_store %arg10[%swap3A_796, %swap3A_797], %swap3A_800 {strides = array<i32>} : memref<32x1024xf32, #tpu.memory_space<vmem>>, vector<1x16xf32>,
      %get3A_801 = arith.index_cast %scan3A_42 : i32 to index
      %get3A_802 = arith.constant 752 : index
      %get3A_803 = tpu.vector_load %arg10[%get3A_801, %get3A_802] {strides = array<i32>} : memref<32x1024xf32, #tpu.memory_space<vmem>>, vector<1x16xf32>,
      %get3A_804 = vector.shape_cast %get3A_803 : vector<1x16xf32> to vector<16xf32>
      %mul3A_805 = arith.mulf %get3A_804, %get3A_45 : vector<16xf32>
      %get3A_806 = arith.index_cast %scan3A_42 : i32 to index
      %get3A_807 = arith.constant 752 : index
      %get3A_808 = tpu.vector_load %arg11[%get3A_806, %get3A_807] {strides = array<i32>} : memref<32x1024xf32, #tpu.memory_space<vmem>>, vector<1x16xf32>,
      %get3A_809 = vector.shape_cast %get3A_808 : vector<1x16xf32> to vector<16xf32>
      %mul3A_810 = arith.mulf %get3A_809, %get3A_49 : vector<16xf32>
      %add3A_811 = arith.addf %mul3A_805, %mul3A_810 : vector<16xf32>
      %swap3A_812 = arith.index_cast %scan3A_42 : i32 to index
      %swap3A_813 = arith.constant 752 : index
      %swap3A_814 = tpu.vector_load %arg10[%swap3A_812, %swap3A_813] {strides = array<i32>} : memref<32x1024xf32, #tpu.memory_space<vmem>>, vector<1x16xf32>,
      %swap3A_815 = vector.shape_cast %swap3A_814 : vector<1x16xf32> to vector<16xf32>
      %swap3A_816 = vector.shape_cast %add3A_811 : vector<16xf32> to vector<1x16xf32>
      tpu.vector_store %arg10[%swap3A_812, %swap3A_813], %swap3A_816 {strides = array<i32>} : memref<32x1024xf32, #tpu.memory_space<vmem>>, vector<1x16xf32>,
      %get3A_817 = arith.index_cast %scan3A_42 : i32 to index
      %get3A_818 = arith.constant 768 : index
      %get3A_819 = tpu.vector_load %arg10[%get3A_817, %get3A_818] {strides = array<i32>} : memref<32x1024xf32, #tpu.memory_space<vmem>>, vector<1x16xf32>,
      %get3A_820 = vector.shape_cast %get3A_819 : vector<1x16xf32> to vector<16xf32>
      %mul3A_821 = arith.mulf %get3A_820, %get3A_45 : vector<16xf32>
      %get3A_822 = arith.index_cast %scan3A_42 : i32 to index
      %get3A_823 = arith.constant 768 : index
      %get3A_824 = tpu.vector_load %arg11[%get3A_822, %get3A_823] {strides = array<i32>} : memref<32x1024xf32, #tpu.memory_space<vmem>>, vector<1x16xf32>,
      %get3A_825 = vector.shape_cast %get3A_824 : vector<1x16xf32> to vector<16xf32>
      %mul3A_826 = arith.mulf %get3A_825, %get3A_49 : vector<16xf32>
      %add3A_827 = arith.addf %mul3A_821, %mul3A_826 : vector<16xf32>
      %swap3A_828 = arith.index_cast %scan3A_42 : i32 to index
      %swap3A_829 = arith.constant 768 : index
      %swap3A_830 = tpu.vector_load %arg10[%swap3A_828, %swap3A_829] {strides = array<i32>} : memref<32x1024xf32, #tpu.memory_space<vmem>>, vector<1x16xf32>,
      %swap3A_831 = vector.shape_cast %swap3A_830 : vector<1x16xf32> to vector<16xf32>
      %swap3A_832 = vector.shape_cast %add3A_827 : vector<16xf32> to vector<1x16xf32>
      tpu.vector_store %arg10[%swap3A_828, %swap3A_829], %swap3A_832 {strides = array<i32>} : memref<32x1024xf32, #tpu.memory_space<vmem>>, vector<1x16xf32>,
      %get3A_833 = arith.index_cast %scan3A_42 : i32 to index
      %get3A_834 = arith.constant 784 : index
      %get3A_835 = tpu.vector_load %arg10[%get3A_833, %get3A_834] {strides = array<i32>} : memref<32x1024xf32, #tpu.memory_space<vmem>>, vector<1x16xf32>,
      %get3A_836 = vector.shape_cast %get3A_835 : vector<1x16xf32> to vector<16xf32>
      %mul3A_837 = arith.mulf %get3A_836, %get3A_45 : vector<16xf32>
      %get3A_838 = arith.index_cast %scan3A_42 : i32 to index
      %get3A_839 = arith.constant 784 : index
      %get3A_840 = tpu.vector_load %arg11[%get3A_838, %get3A_839] {strides = array<i32>} : memref<32x1024xf32, #tpu.memory_space<vmem>>, vector<1x16xf32>,
      %get3A_841 = vector.shape_cast %get3A_840 : vector<1x16xf32> to vector<16xf32>
      %mul3A_842 = arith.mulf %get3A_841, %get3A_49 : vector<16xf32>
      %add3A_843 = arith.addf %mul3A_837, %mul3A_842 : vector<16xf32>
      %swap3A_844 = arith.index_cast %scan3A_42 : i32 to index
      %swap3A_845 = arith.constant 784 : index
      %swap3A_846 = tpu.vector_load %arg10[%swap3A_844, %swap3A_845] {strides = array<i32>} : memref<32x1024xf32, #tpu.memory_space<vmem>>, vector<1x16xf32>,
      %swap3A_847 = vector.shape_cast %swap3A_846 : vector<1x16xf32> to vector<16xf32>
      %swap3A_848 = vector.shape_cast %add3A_843 : vector<16xf32> to vector<1x16xf32>
      tpu.vector_store %arg10[%swap3A_844, %swap3A_845], %swap3A_848 {strides = array<i32>} : memref<32x1024xf32, #tpu.memory_space<vmem>>, vector<1x16xf32>,
      %get3A_849 = arith.index_cast %scan3A_42 : i32 to index
      %get3A_850 = arith.constant 800 : index
      %get3A_851 = tpu.vector_load %arg10[%get3A_849, %get3A_850] {strides = array<i32>} : memref<32x1024xf32, #tpu.memory_space<vmem>>, vector<1x16xf32>,
      %get3A_852 = vector.shape_cast %get3A_851 : vector<1x16xf32> to vector<16xf32>
      %mul3A_853 = arith.mulf %get3A_852, %get3A_45 : vector<16xf32>
      %get3A_854 = arith.index_cast %scan3A_42 : i32 to index
      %get3A_855 = arith.constant 800 : index
      %get3A_856 = tpu.vector_load %arg11[%get3A_854, %get3A_855] {strides = array<i32>} : memref<32x1024xf32, #tpu.memory_space<vmem>>, vector<1x16xf32>,
      %get3A_857 = vector.shape_cast %get3A_856 : vector<1x16xf32> to vector<16xf32>
      %mul3A_858 = arith.mulf %get3A_857, %get3A_49 : vector<16xf32>
      %add3A_859 = arith.addf %mul3A_853, %mul3A_858 : vector<16xf32>
      %swap3A_860 = arith.index_cast %scan3A_42 : i32 to index
      %swap3A_861 = arith.constant 800 : index
      %swap3A_862 = tpu.vector_load %arg10[%swap3A_860, %swap3A_861] {strides = array<i32>} : memref<32x1024xf32, #tpu.memory_space<vmem>>, vector<1x16xf32>,
      %swap3A_863 = vector.shape_cast %swap3A_862 : vector<1x16xf32> to vector<16xf32>
      %swap3A_864 = vector.shape_cast %add3A_859 : vector<16xf32> to vector<1x16xf32>
      tpu.vector_store %arg10[%swap3A_860, %swap3A_861], %swap3A_864 {strides = array<i32>} : memref<32x1024xf32, #tpu.memory_space<vmem>>, vector<1x16xf32>,
      %get3A_865 = arith.index_cast %scan3A_42 : i32 to index
      %get3A_866 = arith.constant 816 : index
      %get3A_867 = tpu.vector_load %arg10[%get3A_865, %get3A_866] {strides = array<i32>} : memref<32x1024xf32, #tpu.memory_space<vmem>>, vector<1x16xf32>,
      %get3A_868 = vector.shape_cast %get3A_867 : vector<1x16xf32> to vector<16xf32>
      %mul3A_869 = arith.mulf %get3A_868, %get3A_45 : vector<16xf32>
      %get3A_870 = arith.index_cast %scan3A_42 : i32 to index
      %get3A_871 = arith.constant 816 : index
      %get3A_872 = tpu.vector_load %arg11[%get3A_870, %get3A_871] {strides = array<i32>} : memref<32x1024xf32, #tpu.memory_space<vmem>>, vector<1x16xf32>,
      %get3A_873 = vector.shape_cast %get3A_872 : vector<1x16xf32> to vector<16xf32>
      %mul3A_874 = arith.mulf %get3A_873, %get3A_49 : vector<16xf32>
      %add3A_875 = arith.addf %mul3A_869, %mul3A_874 : vector<16xf32>
      %swap3A_876 = arith.index_cast %scan3A_42 : i32 to index
      %swap3A_877 = arith.constant 816 : index
      %swap3A_878 = tpu.vector_load %arg10[%swap3A_876, %swap3A_877] {strides = array<i32>} : memref<32x1024xf32, #tpu.memory_space<vmem>>, vector<1x16xf32>,
      %swap3A_879 = vector.shape_cast %swap3A_878 : vector<1x16xf32> to vector<16xf32>
      %swap3A_880 = vector.shape_cast %add3A_875 : vector<16xf32> to vector<1x16xf32>
      tpu.vector_store %arg10[%swap3A_876, %swap3A_877], %swap3A_880 {strides = array<i32>} : memref<32x1024xf32, #tpu.memory_space<vmem>>, vector<1x16xf32>,
      %get3A_881 = arith.index_cast %scan3A_42 : i32 to index
      %get3A_882 = arith.constant 832 : index
      %get3A_883 = tpu.vector_load %arg10[%get3A_881, %get3A_882] {strides = array<i32>} : memref<32x1024xf32, #tpu.memory_space<vmem>>, vector<1x16xf32>,
      %get3A_884 = vector.shape_cast %get3A_883 : vector<1x16xf32> to vector<16xf32>
      %mul3A_885 = arith.mulf %get3A_884, %get3A_45 : vector<16xf32>
      %get3A_886 = arith.index_cast %scan3A_42 : i32 to index
      %get3A_887 = arith.constant 832 : index
      %get3A_888 = tpu.vector_load %arg11[%get3A_886, %get3A_887] {strides = array<i32>} : memref<32x1024xf32, #tpu.memory_space<vmem>>, vector<1x16xf32>,
      %get3A_889 = vector.shape_cast %get3A_888 : vector<1x16xf32> to vector<16xf32>
      %mul3A_890 = arith.mulf %get3A_889, %get3A_49 : vector<16xf32>
      %add3A_891 = arith.addf %mul3A_885, %mul3A_890 : vector<16xf32>
      %swap3A_892 = arith.index_cast %scan3A_42 : i32 to index
      %swap3A_893 = arith.constant 832 : index
      %swap3A_894 = tpu.vector_load %arg10[%swap3A_892, %swap3A_893] {strides = array<i32>} : memref<32x1024xf32, #tpu.memory_space<vmem>>, vector<1x16xf32>,
      %swap3A_895 = vector.shape_cast %swap3A_894 : vector<1x16xf32> to vector<16xf32>
      %swap3A_896 = vector.shape_cast %add3A_891 : vector<16xf32> to vector<1x16xf32>
      tpu.vector_store %arg10[%swap3A_892, %swap3A_893], %swap3A_896 {strides = array<i32>} : memref<32x1024xf32, #tpu.memory_space<vmem>>, vector<1x16xf32>,
      %get3A_897 = arith.index_cast %scan3A_42 : i32 to index
      %get3A_898 = arith.constant 848 : index
      %get3A_899 = tpu.vector_load %arg10[%get3A_897, %get3A_898] {strides = array<i32>} : memref<32x1024xf32, #tpu.memory_space<vmem>>, vector<1x16xf32>,
      %get3A_900 = vector.shape_cast %get3A_899 : vector<1x16xf32> to vector<16xf32>
      %mul3A_901 = arith.mulf %get3A_900, %get3A_45 : vector<16xf32>
      %get3A_902 = arith.index_cast %scan3A_42 : i32 to index
      %get3A_903 = arith.constant 848 : index
      %get3A_904 = tpu.vector_load %arg11[%get3A_902, %get3A_903] {strides = array<i32>} : memref<32x1024xf32, #tpu.memory_space<vmem>>, vector<1x16xf32>,
      %get3A_905 = vector.shape_cast %get3A_904 : vector<1x16xf32> to vector<16xf32>
      %mul3A_906 = arith.mulf %get3A_905, %get3A_49 : vector<16xf32>
      %add3A_907 = arith.addf %mul3A_901, %mul3A_906 : vector<16xf32>
      %swap3A_908 = arith.index_cast %scan3A_42 : i32 to index
      %swap3A_909 = arith.constant 848 : index
      %swap3A_910 = tpu.vector_load %arg10[%swap3A_908, %swap3A_909] {strides = array<i32>} : memref<32x1024xf32, #tpu.memory_space<vmem>>, vector<1x16xf32>,
      %swap3A_911 = vector.shape_cast %swap3A_910 : vector<1x16xf32> to vector<16xf32>
      %swap3A_912 = vector.shape_cast %add3A_907 : vector<16xf32> to vector<1x16xf32>
      tpu.vector_store %arg10[%swap3A_908, %swap3A_909], %swap3A_912 {strides = array<i32>} : memref<32x1024xf32, #tpu.memory_space<vmem>>, vector<1x16xf32>,
      %get3A_913 = arith.index_cast %scan3A_42 : i32 to index
      %get3A_914 = arith.constant 864 : index
      %get3A_915 = tpu.vector_load %arg10[%get3A_913, %get3A_914] {strides = array<i32>} : memref<32x1024xf32, #tpu.memory_space<vmem>>, vector<1x16xf32>,
      %get3A_916 = vector.shape_cast %get3A_915 : vector<1x16xf32> to vector<16xf32>
      %mul3A_917 = arith.mulf %get3A_916, %get3A_45 : vector<16xf32>
      %get3A_918 = arith.index_cast %scan3A_42 : i32 to index
      %get3A_919 = arith.constant 864 : index
      %get3A_920 = tpu.vector_load %arg11[%get3A_918, %get3A_919] {strides = array<i32>} : memref<32x1024xf32, #tpu.memory_space<vmem>>, vector<1x16xf32>,
      %get3A_921 = vector.shape_cast %get3A_920 : vector<1x16xf32> to vector<16xf32>
      %mul3A_922 = arith.mulf %get3A_921, %get3A_49 : vector<16xf32>
      %add3A_923 = arith.addf %mul3A_917, %mul3A_922 : vector<16xf32>
      %swap3A_924 = arith.index_cast %scan3A_42 : i32 to index
      %swap3A_925 = arith.constant 864 : index
      %swap3A_926 = tpu.vector_load %arg10[%swap3A_924, %swap3A_925] {strides = array<i32>} : memref<32x1024xf32, #tpu.memory_space<vmem>>, vector<1x16xf32>,
      %swap3A_927 = vector.shape_cast %swap3A_926 : vector<1x16xf32> to vector<16xf32>
      %swap3A_928 = vector.shape_cast %add3A_923 : vector<16xf32> to vector<1x16xf32>
      tpu.vector_store %arg10[%swap3A_924, %swap3A_925], %swap3A_928 {strides = array<i32>} : memref<32x1024xf32, #tpu.memory_space<vmem>>, vector<1x16xf32>,
      %get3A_929 = arith.index_cast %scan3A_42 : i32 to index
      %get3A_930 = arith.constant 880 : index
      %get3A_931 = tpu.vector_load %arg10[%get3A_929, %get3A_930] {strides = array<i32>} : memref<32x1024xf32, #tpu.memory_space<vmem>>, vector<1x16xf32>,
      %get3A_932 = vector.shape_cast %get3A_931 : vector<1x16xf32> to vector<16xf32>
      %mul3A_933 = arith.mulf %get3A_932, %get3A_45 : vector<16xf32>
      %get3A_934 = arith.index_cast %scan3A_42 : i32 to index
      %get3A_935 = arith.constant 880 : index
      %get3A_936 = tpu.vector_load %arg11[%get3A_934, %get3A_935] {strides = array<i32>} : memref<32x1024xf32, #tpu.memory_space<vmem>>, vector<1x16xf32>,
      %get3A_937 = vector.shape_cast %get3A_936 : vector<1x16xf32> to vector<16xf32>
      %mul3A_938 = arith.mulf %get3A_937, %get3A_49 : vector<16xf32>
      %add3A_939 = arith.addf %mul3A_933, %mul3A_938 : vector<16xf32>
      %swap3A_940 = arith.index_cast %scan3A_42 : i32 to index
      %swap3A_941 = arith.constant 880 : index
      %swap3A_942 = tpu.vector_load %arg10[%swap3A_940, %swap3A_941] {strides = array<i32>} : memref<32x1024xf32, #tpu.memory_space<vmem>>, vector<1x16xf32>,
      %swap3A_943 = vector.shape_cast %swap3A_942 : vector<1x16xf32> to vector<16xf32>
      %swap3A_944 = vector.shape_cast %add3A_939 : vector<16xf32> to vector<1x16xf32>
      tpu.vector_store %arg10[%swap3A_940, %swap3A_941], %swap3A_944 {strides = array<i32>} : memref<32x1024xf32, #tpu.memory_space<vmem>>, vector<1x16xf32>,
      %get3A_945 = arith.index_cast %scan3A_42 : i32 to index
      %get3A_946 = arith.constant 896 : index
      %get3A_947 = tpu.vector_load %arg10[%get3A_945, %get3A_946] {strides = array<i32>} : memref<32x1024xf32, #tpu.memory_space<vmem>>, vector<1x16xf32>,
      %get3A_948 = vector.shape_cast %get3A_947 : vector<1x16xf32> to vector<16xf32>
      %mul3A_949 = arith.mulf %get3A_948, %get3A_45 : vector<16xf32>
      %get3A_950 = arith.index_cast %scan3A_42 : i32 to index
      %get3A_951 = arith.constant 896 : index
      %get3A_952 = tpu.vector_load %arg11[%get3A_950, %get3A_951] {strides = array<i32>} : memref<32x1024xf32, #tpu.memory_space<vmem>>, vector<1x16xf32>,
      %get3A_953 = vector.shape_cast %get3A_952 : vector<1x16xf32> to vector<16xf32>
      %mul3A_954 = arith.mulf %get3A_953, %get3A_49 : vector<16xf32>
      %add3A_955 = arith.addf %mul3A_949, %mul3A_954 : vector<16xf32>
      %swap3A_956 = arith.index_cast %scan3A_42 : i32 to index
      %swap3A_957 = arith.constant 896 : index
      %swap3A_958 = tpu.vector_load %arg10[%swap3A_956, %swap3A_957] {strides = array<i32>} : memref<32x1024xf32, #tpu.memory_space<vmem>>, vector<1x16xf32>,
      %swap3A_959 = vector.shape_cast %swap3A_958 : vector<1x16xf32> to vector<16xf32>
      %swap3A_960 = vector.shape_cast %add3A_955 : vector<16xf32> to vector<1x16xf32>
      tpu.vector_store %arg10[%swap3A_956, %swap3A_957], %swap3A_960 {strides = array<i32>} : memref<32x1024xf32, #tpu.memory_space<vmem>>, vector<1x16xf32>,
      %get3A_961 = arith.index_cast %scan3A_42 : i32 to index
      %get3A_962 = arith.constant 912 : index
      %get3A_963 = tpu.vector_load %arg10[%get3A_961, %get3A_962] {strides = array<i32>} : memref<32x1024xf32, #tpu.memory_space<vmem>>, vector<1x16xf32>,
      %get3A_964 = vector.shape_cast %get3A_963 : vector<1x16xf32> to vector<16xf32>
      %mul3A_965 = arith.mulf %get3A_964, %get3A_45 : vector<16xf32>
      %get3A_966 = arith.index_cast %scan3A_42 : i32 to index
      %get3A_967 = arith.constant 912 : index
      %get3A_968 = tpu.vector_load %arg11[%get3A_966, %get3A_967] {strides = array<i32>} : memref<32x1024xf32, #tpu.memory_space<vmem>>, vector<1x16xf32>,
      %get3A_969 = vector.shape_cast %get3A_968 : vector<1x16xf32> to vector<16xf32>
      %mul3A_970 = arith.mulf %get3A_969, %get3A_49 : vector<16xf32>
      %add3A_971 = arith.addf %mul3A_965, %mul3A_970 : vector<16xf32>
      %swap3A_972 = arith.index_cast %scan3A_42 : i32 to index
      %swap3A_973 = arith.constant 912 : index
      %swap3A_974 = tpu.vector_load %arg10[%swap3A_972, %swap3A_973] {strides = array<i32>} : memref<32x1024xf32, #tpu.memory_space<vmem>>, vector<1x16xf32>,
      %swap3A_975 = vector.shape_cast %swap3A_974 : vector<1x16xf32> to vector<16xf32>
      %swap3A_976 = vector.shape_cast %add3A_971 : vector<16xf32> to vector<1x16xf32>
      tpu.vector_store %arg10[%swap3A_972, %swap3A_973], %swap3A_976 {strides = array<i32>} : memref<32x1024xf32, #tpu.memory_space<vmem>>, vector<1x16xf32>,
      %get3A_977 = arith.index_cast %scan3A_42 : i32 to index
      %get3A_978 = arith.constant 928 : index
      %get3A_979 = tpu.vector_load %arg10[%get3A_977, %get3A_978] {strides = array<i32>} : memref<32x1024xf32, #tpu.memory_space<vmem>>, vector<1x16xf32>,
      %get3A_980 = vector.shape_cast %get3A_979 : vector<1x16xf32> to vector<16xf32>
      %mul3A_981 = arith.mulf %get3A_980, %get3A_45 : vector<16xf32>
      %get3A_982 = arith.index_cast %scan3A_42 : i32 to index
      %get3A_983 = arith.constant 928 : index
      %get3A_984 = tpu.vector_load %arg11[%get3A_982, %get3A_983] {strides = array<i32>} : memref<32x1024xf32, #tpu.memory_space<vmem>>, vector<1x16xf32>,
      %get3A_985 = vector.shape_cast %get3A_984 : vector<1x16xf32> to vector<16xf32>
      %mul3A_986 = arith.mulf %get3A_985, %get3A_49 : vector<16xf32>
      %add3A_987 = arith.addf %mul3A_981, %mul3A_986 : vector<16xf32>
      %swap3A_988 = arith.index_cast %scan3A_42 : i32 to index
      %swap3A_989 = arith.constant 928 : index
      %swap3A_990 = tpu.vector_load %arg10[%swap3A_988, %swap3A_989] {strides = array<i32>} : memref<32x1024xf32, #tpu.memory_space<vmem>>, vector<1x16xf32>,
      %swap3A_991 = vector.shape_cast %swap3A_990 : vector<1x16xf32> to vector<16xf32>
      %swap3A_992 = vector.shape_cast %add3A_987 : vector<16xf32> to vector<1x16xf32>
      tpu.vector_store %arg10[%swap3A_988, %swap3A_989], %swap3A_992 {strides = array<i32>} : memref<32x1024xf32, #tpu.memory_space<vmem>>, vector<1x16xf32>,
      %get3A_993 = arith.index_cast %scan3A_42 : i32 to index
      %get3A_994 = arith.constant 944 : index
      %get3A_995 = tpu.vector_load %arg10[%get3A_993, %get3A_994] {strides = array<i32>} : memref<32x1024xf32, #tpu.memory_space<vmem>>, vector<1x16xf32>,
      %get3A_996 = vector.shape_cast %get3A_995 : vector<1x16xf32> to vector<16xf32>
      %mul3A_997 = arith.mulf %get3A_996, %get3A_45 : vector<16xf32>
      %get3A_998 = arith.index_cast %scan3A_42 : i32 to index
      %get3A_999 = arith.constant 944 : index
      %get3A_1000 = tpu.vector_load %arg11[%get3A_998, %get3A_999] {strides = array<i32>} : memref<32x1024xf32, #tpu.memory_space<vmem>>, vector<1x16xf32>,
      %get3A_1001 = vector.shape_cast %get3A_1000 : vector<1x16xf32> to vector<16xf32>
      %mul3A_1002 = arith.mulf %get3A_1001, %get3A_49 : vector<16xf32>
      %add3A_1003 = arith.addf %mul3A_997, %mul3A_1002 : vector<16xf32>
      %swap3A_1004 = arith.index_cast %scan3A_42 : i32 to index
      %swap3A_1005 = arith.constant 944 : index
      %swap3A_1006 = tpu.vector_load %arg10[%swap3A_1004, %swap3A_1005] {strides = array<i32>} : memref<32x1024xf32, #tpu.memory_space<vmem>>, vector<1x16xf32>,
      %swap3A_1007 = vector.shape_cast %swap3A_1006 : vector<1x16xf32> to vector<16xf32>
      %swap3A_1008 = vector.shape_cast %add3A_1003 : vector<16xf32> to vector<1x16xf32>
      tpu.vector_store %arg10[%swap3A_1004, %swap3A_1005], %swap3A_1008 {strides = array<i32>} : memref<32x1024xf32, #tpu.memory_space<vmem>>, vector<1x16xf32>,
      %get3A_1009 = arith.index_cast %scan3A_42 : i32 to index
      %get3A_1010 = arith.constant 960 : index
      %get3A_1011 = tpu.vector_load %arg10[%get3A_1009, %get3A_1010] {strides = array<i32>} : memref<32x1024xf32, #tpu.memory_space<vmem>>, vector<1x16xf32>,
      %get3A_1012 = vector.shape_cast %get3A_1011 : vector<1x16xf32> to vector<16xf32>
      %mul3A_1013 = arith.mulf %get3A_1012, %get3A_45 : vector<16xf32>
      %get3A_1014 = arith.index_cast %scan3A_42 : i32 to index
      %get3A_1015 = arith.constant 960 : index
      %get3A_1016 = tpu.vector_load %arg11[%get3A_1014, %get3A_1015] {strides = array<i32>} : memref<32x1024xf32, #tpu.memory_space<vmem>>, vector<1x16xf32>,
      %get3A_1017 = vector.shape_cast %get3A_1016 : vector<1x16xf32> to vector<16xf32>
      %mul3A_1018 = arith.mulf %get3A_1017, %get3A_49 : vector<16xf32>
      %add3A_1019 = arith.addf %mul3A_1013, %mul3A_1018 : vector<16xf32>
      %swap3A_1020 = arith.index_cast %scan3A_42 : i32 to index
      %swap3A_1021 = arith.constant 960 : index
      %swap3A_1022 = tpu.vector_load %arg10[%swap3A_1020, %swap3A_1021] {strides = array<i32>} : memref<32x1024xf32, #tpu.memory_space<vmem>>, vector<1x16xf32>,
      %swap3A_1023 = vector.shape_cast %swap3A_1022 : vector<1x16xf32> to vector<16xf32>
      %swap3A_1024 = vector.shape_cast %add3A_1019 : vector<16xf32> to vector<1x16xf32>
      tpu.vector_store %arg10[%swap3A_1020, %swap3A_1021], %swap3A_1024 {strides = array<i32>} : memref<32x1024xf32, #tpu.memory_space<vmem>>, vector<1x16xf32>,
      %get3A_1025 = arith.index_cast %scan3A_42 : i32 to index
      %get3A_1026 = arith.constant 976 : index
      %get3A_1027 = tpu.vector_load %arg10[%get3A_1025, %get3A_1026] {strides = array<i32>} : memref<32x1024xf32, #tpu.memory_space<vmem>>, vector<1x16xf32>,
      %get3A_1028 = vector.shape_cast %get3A_1027 : vector<1x16xf32> to vector<16xf32>
      %mul3A_1029 = arith.mulf %get3A_1028, %get3A_45 : vector<16xf32>
      %get3A_1030 = arith.index_cast %scan3A_42 : i32 to index
      %get3A_1031 = arith.constant 976 : index
      %get3A_1032 = tpu.vector_load %arg11[%get3A_1030, %get3A_1031] {strides = array<i32>} : memref<32x1024xf32, #tpu.memory_space<vmem>>, vector<1x16xf32>,
      %get3A_1033 = vector.shape_cast %get3A_1032 : vector<1x16xf32> to vector<16xf32>
      %mul3A_1034 = arith.mulf %get3A_1033, %get3A_49 : vector<16xf32>
      %add3A_1035 = arith.addf %mul3A_1029, %mul3A_1034 : vector<16xf32>
      %swap3A_1036 = arith.index_cast %scan3A_42 : i32 to index
      %swap3A_1037 = arith.constant 976 : index
      %swap3A_1038 = tpu.vector_load %arg10[%swap3A_1036, %swap3A_1037] {strides = array<i32>} : memref<32x1024xf32, #tpu.memory_space<vmem>>, vector<1x16xf32>,
      %swap3A_1039 = vector.shape_cast %swap3A_1038 : vector<1x16xf32> to vector<16xf32>
      %swap3A_1040 = vector.shape_cast %add3A_1035 : vector<16xf32> to vector<1x16xf32>
      tpu.vector_store %arg10[%swap3A_1036, %swap3A_1037], %swap3A_1040 {strides = array<i32>} : memref<32x1024xf32, #tpu.memory_space<vmem>>, vector<1x16xf32>,
      %get3A_1041 = arith.index_cast %scan3A_42 : i32 to index
      %get3A_1042 = arith.constant 992 : index
      %get3A_1043 = tpu.vector_load %arg10[%get3A_1041, %get3A_1042] {strides = array<i32>} : memref<32x1024xf32, #tpu.memory_space<vmem>>, vector<1x16xf32>,
      %get3A_1044 = vector.shape_cast %get3A_1043 : vector<1x16xf32> to vector<16xf32>
      %mul3A_1045 = arith.mulf %get3A_1044, %get3A_45 : vector<16xf32>
      %get3A_1046 = arith.index_cast %scan3A_42 : i32 to index
      %get3A_1047 = arith.constant 992 : index
      %get3A_1048 = tpu.vector_load %arg11[%get3A_1046, %get3A_1047] {strides = array<i32>} : memref<32x1024xf32, #tpu.memory_space<vmem>>, vector<1x16xf32>,
      %get3A_1049 = vector.shape_cast %get3A_1048 : vector<1x16xf32> to vector<16xf32>
      %mul3A_1050 = arith.mulf %get3A_1049, %get3A_49 : vector<16xf32>
      %add3A_1051 = arith.addf %mul3A_1045, %mul3A_1050 : vector<16xf32>
      %swap3A_1052 = arith.index_cast %scan3A_42 : i32 to index
      %swap3A_1053 = arith.constant 992 : index
      %swap3A_1054 = tpu.vector_load %arg10[%swap3A_1052, %swap3A_1053] {strides = array<i32>} : memref<32x1024xf32, #tpu.memory_space<vmem>>, vector<1x16xf32>,
      %swap3A_1055 = vector.shape_cast %swap3A_1054 : vector<1x16xf32> to vector<16xf32>
      %swap3A_1056 = vector.shape_cast %add3A_1051 : vector<16xf32> to vector<1x16xf32>
      tpu.vector_store %arg10[%swap3A_1052, %swap3A_1053], %swap3A_1056 {strides = array<i32>} : memref<32x1024xf32, #tpu.memory_space<vmem>>, vector<1x16xf32>,
      %get3A_1057 = arith.index_cast %scan3A_42 : i32 to index
      %get3A_1058 = arith.constant 1008 : index
      %get3A_1059 = tpu.vector_load %arg10[%get3A_1057, %get3A_1058] {strides = array<i32>} : memref<32x1024xf32, #tpu.memory_space<vmem>>, vector<1x16xf32>,
      %get3A_1060 = vector.shape_cast %get3A_1059 : vector<1x16xf32> to vector<16xf32>
      %mul3A_1061 = arith.mulf %get3A_1060, %get3A_45 : vector<16xf32>
      %get3A_1062 = arith.index_cast %scan3A_42 : i32 to index
      %get3A_1063 = arith.constant 1008 : index
      %get3A_1064 = tpu.vector_load %arg11[%get3A_1062, %get3A_1063] {strides = array<i32>} : memref<32x1024xf32, #tpu.memory_space<vmem>>, vector<1x16xf32>,
      %get3A_1065 = vector.shape_cast %get3A_1064 : vector<1x16xf32> to vector<16xf32>
      %mul3A_1066 = arith.mulf %get3A_1065, %get3A_49 : vector<16xf32>
      %add3A_1067 = arith.addf %mul3A_1061, %mul3A_1066 : vector<16xf32>
      %swap3A_1068 = arith.index_cast %scan3A_42 : i32 to index
      %swap3A_1069 = arith.constant 1008 : index
      %swap3A_1070 = tpu.vector_load %arg10[%swap3A_1068, %swap3A_1069] {strides = array<i32>} : memref<32x1024xf32, #tpu.memory_space<vmem>>, vector<1x16xf32>,
      %swap3A_1071 = vector.shape_cast %swap3A_1070 : vector<1x16xf32> to vector<16xf32>
      %swap3A_1072 = vector.shape_cast %add3A_1067 : vector<16xf32> to vector<1x16xf32>
      tpu.vector_store %arg10[%swap3A_1068, %swap3A_1069], %swap3A_1072 {strides = array<i32>} : memref<32x1024xf32, #tpu.memory_space<vmem>>, vector<1x16xf32>,
    }
    %scan3A_41 = arith.constant 32 : i32
    "tpu.region"() ({
      %run_scoped3A = tpu.sem_alloc : memref<!tpu.dma_semaphore, #tpu.memory_space<semaphore_mem>>
      %dma_start3A_42 = arith.constant 0 : i32
      %dma_start3A_43 = tpu.memref_slice %arg7[%add3A_23, %dma_start3A_42] : memref<2048x1024xf32, #tpu.memory_space<hbm>> -> memref<32x1024xf32, #tpu.memory_space<hbm>>
      %dma_start3A_44 = arith.constant 0 : i32
      %dma_start3A_45 = tpu.memref_slice %arg7[%add3A_23, %dma_start3A_44] : memref<2048x1024xf32, #tpu.memory_space<hbm>> -> memref<32x1024xf32, #tpu.memory_space<hbm>>
      tpu.enqueue_dma source(%arg10 : memref<32x1024xf32, #tpu.memory_space<vmem>>) target(%dma_start3A_45 : memref<32x1024xf32, #tpu.memory_space<hbm>>) target_semaphore(%run_scoped3A : memref<!tpu.dma_semaphore, #tpu.memory_space<semaphore_mem>>)
      %dma_wait3A_46 = arith.constant 0 : i32
      %dma_wait3A_47 = tpu.memref_slice %arg7[%add3A_23, %dma_wait3A_46] : memref<2048x1024xf32, #tpu.memory_space<hbm>> -> memref<32x1024xf32, #tpu.memory_space<hbm>>
      %dma_wait3A_48 = arith.constant 0 : i32
      %dma_wait3A_49 = tpu.memref_slice %arg7[%add3A_23, %dma_wait3A_48] : memref<2048x1024xf32, #tpu.memory_space<hbm>> -> memref<32x1024xf32, #tpu.memory_space<hbm>>
      tpu.wait_dma2 semaphore(%run_scoped3A : memref<!tpu.dma_semaphore, #tpu.memory_space<semaphore_mem>>) src(%arg10 : memref<32x1024xf32, #tpu.memory_space<vmem>>) dst(%dma_wait3A_49 : memref<32x1024xf32, #tpu.memory_space<hbm>>)
      tpu.yield
    }) : () -> ()
    return
  }
}

module attributes {stable_mosaic.version = 14 : i64} {
  func.func @_route_body(%arg0: memref<2048x1024xf32, #tpu.memory_space<vmem>>, %arg1: memref<1024x16xf32, #tpu.memory_space<vmem>>, %arg2: memref<16x8xf32, #tpu.memory_space<vmem>>, %arg3: memref<2048x8xi32, #tpu.memory_space<vmem>>, %arg4: memref<2048x8xi32, #tpu.memory_space<vmem>>, %arg5: memref<2048x16xf32, #tpu.memory_space<vmem>>, %arg6: memref<2048x16xf32, #tpu.memory_space<vmem>>, %arg7: memref<8x8xi32, #tpu.memory_space<vmem>>) attributes {dimension_semantics = [], scalar_prefetch = 0 : i64, scratch_operands = 0 : i64, tpu.core_type = #tpu.core_type<tc>} {
    %get3A = arith.constant 0 : index
    %get3A_0 = arith.constant 0 : index
    %get3A_1 = vector.load %arg0[%get3A, %get3A_0] : memref<2048x1024xf32, #tpu.memory_space<vmem>>, vector<2048x1024xf32>
    %get3A_2 = arith.constant 0 : index
    %get3A_3 = arith.constant 0 : index
    %get3A_4 = vector.load %arg1[%get3A_2, %get3A_3] : memref<1024x16xf32, #tpu.memory_space<vmem>>, vector<1024x16xf32>
    %dot_general3A = arith.constant dense<0.000000e+00> : vector<2048x16xf32>
    %dot_general3A_5 = tpu.matmul %get3A_1, %get3A_4, %dot_general3A {dimension_numbers = #tpu.dot_dimension_numbers<[1], [0], [0], [1], [0, 0, 1, 1], [], []>, transpose_lhs_hint = false} : vector<2048x1024xf32>, vector<1024x16xf32>, vector<2048x16xf32> -> vector<2048x16xf32>
    %tanh3A = math.tanh %dot_general3A_5 : vector<2048x16xf32>
    %get3A_6 = arith.constant 0 : index
    %get3A_7 = arith.constant 0 : index
    %get3A_8 = vector.load %arg2[%get3A_6, %get3A_7] : memref<16x8xf32, #tpu.memory_space<vmem>>, vector<16x8xf32>
    %dot_general3A_9 = arith.constant dense<0.000000e+00> : vector<2048x8xf32>
    %dot_general3A_10 = tpu.matmul %tanh3A, %get3A_8, %dot_general3A_9 {dimension_numbers = #tpu.dot_dimension_numbers<[1], [0], [0], [1], [0, 0, 1, 1], [], []>, transpose_lhs_hint = false} : vector<2048x16xf32>, vector<16x8xf32>, vector<2048x8xf32> -> vector<2048x8xf32>
    %reduce_max3A = arith.constant dense<0xFF800000> : vector<2048xf32>
    %reduce_max3A_11 = vector.multi_reduction <maximumf>, %dot_general3A_10, %reduce_max3A [1] : vector<2048x8xf32> to vector<2048xf32>
    %broadcast_in_dim3A = vector.shape_cast %reduce_max3A_11 : vector<2048xf32> to vector<2048x1xf32>
    %sub3A = vector.broadcast %broadcast_in_dim3A : vector<2048x1xf32> to vector<2048x8xf32>
    %sub3A_12 = arith.subf %dot_general3A_10, %sub3A : vector<2048x8xf32>
    %exp3A = math.exp %sub3A_12 : vector<2048x8xf32>
    %reduce_sum3A = arith.constant dense<0.000000e+00> : vector<2048xf32>
    %reduce_sum3A_13 = vector.multi_reduction <add>, %exp3A, %reduce_sum3A [1] : vector<2048x8xf32> to vector<2048xf32>
    %broadcast_in_dim3A_14 = vector.shape_cast %reduce_sum3A_13 : vector<2048xf32> to vector<2048x1xf32>
    %div3A = vector.broadcast %broadcast_in_dim3A_14 : vector<2048x1xf32> to vector<2048x8xf32>
    %div3A_15 = arith.divf %exp3A, %div3A : vector<2048x8xf32>
    %iota3A = tpu.iota {dimensions = array<i32: 1>} : vector<2048x8xi32>
    %reduce_max3A_16 = arith.constant dense<0xFF800000> : vector<2048xf32>
    %reduce_max3A_17 = vector.multi_reduction <maximumf>, %div3A_15, %reduce_max3A_16 [1] : vector<2048x8xf32> to vector<2048xf32>
    %broadcast_in_dim3A_18 = vector.shape_cast %reduce_max3A_17 : vector<2048xf32> to vector<2048x1xf32>
    %ge3A = vector.broadcast %broadcast_in_dim3A_18 : vector<2048x1xf32> to vector<2048x8xf32>
    %ge3A_19 = arith.cmpf oge, %div3A_15, %ge3A : vector<2048x8xf32>
    %jit3A = arith.constant 8 : i32
    %broadcast_in_dim3A_20 = vector.broadcast %jit3A : i32 to vector<2048x8xi32>
    %select_n3A = arith.select %ge3A_19, %iota3A, %broadcast_in_dim3A_20 : vector<2048x8xi1>, vector<2048x8xi32>
    %reduce_min3A = arith.constant dense<2147483647> : vector<2048xi32>
    %reduce_min3A_21 = vector.multi_reduction <minsi>, %select_n3A, %reduce_min3A [1] : vector<2048x8xi32> to vector<2048xi32>
    %broadcast_in_dim3A_22 = vector.shape_cast %reduce_min3A_21 : vector<2048xi32> to vector<2048x1xi32>
    %eq3A = vector.broadcast %broadcast_in_dim3A_22 : vector<2048x1xi32> to vector<2048x8xi32>
    %eq3A_23 = arith.cmpi eq, %iota3A, %eq3A : vector<2048x8xi32>
    %jit3A_24 = arith.constant -1.000000e+00 : f32
    %broadcast_in_dim3A_25 = vector.broadcast %jit3A_24 : f32 to vector<2048x8xf32>
    %select_n3A_26 = arith.select %eq3A_23, %broadcast_in_dim3A_25, %div3A_15 : vector<2048x8xi1>, vector<2048x8xf32>
    %reduce_max3A_27 = arith.constant dense<0xFF800000> : vector<2048xf32>
    %reduce_max3A_28 = vector.multi_reduction <maximumf>, %select_n3A_26, %reduce_max3A_27 [1] : vector<2048x8xf32> to vector<2048xf32>
    %broadcast_in_dim3A_29 = vector.shape_cast %reduce_max3A_28 : vector<2048xf32> to vector<2048x1xf32>
    %ge3A_30 = vector.broadcast %broadcast_in_dim3A_29 : vector<2048x1xf32> to vector<2048x8xf32>
    %ge3A_31 = arith.cmpf oge, %select_n3A_26, %ge3A_30 : vector<2048x8xf32>
    %jit3A_32 = arith.constant 8 : i32
    %broadcast_in_dim3A_33 = vector.broadcast %jit3A_32 : i32 to vector<2048x8xi32>
    %select_n3A_34 = arith.select %ge3A_31, %iota3A, %broadcast_in_dim3A_33 : vector<2048x8xi1>, vector<2048x8xi32>
    %reduce_min3A_35 = arith.constant dense<2147483647> : vector<2048xi32>
    %reduce_min3A_36 = vector.multi_reduction <minsi>, %select_n3A_34, %reduce_min3A_35 [1] : vector<2048x8xi32> to vector<2048xi32>
    %broadcast_in_dim3A_37 = vector.shape_cast %reduce_min3A_36 : vector<2048xi32> to vector<2048x1xi32>
    %add3A = arith.addf %broadcast_in_dim3A_18, %broadcast_in_dim3A_29 : vector<2048x1xf32>
    %add3A_38 = arith.constant 9.99999996E-13 : f32
    %add3A_39 = vector.broadcast %add3A_38 : f32 to vector<2048x1xf32>
    %add3A_40 = arith.addf %add3A, %add3A_39 : vector<2048x1xf32>
    %div3A_41 = arith.divf %broadcast_in_dim3A_18, %add3A_40 : vector<2048x1xf32>
    %broadcast_in_dim3A_42 = vector.shape_cast %div3A_41 : vector<2048x1xf32> to vector<2048x1xf32>
    %broadcast_in_dim3A_43 = vector.broadcast %broadcast_in_dim3A_42 : vector<2048x1xf32> to vector<2048x16xf32>
    %swap3A = arith.constant 0 : index
    %swap3A_44 = arith.constant 0 : index
    %swap3A_45 = vector.load %arg5[%swap3A, %swap3A_44] : memref<2048x16xf32, #tpu.memory_space<vmem>>, vector<2048x16xf32>
    tpu.vector_store %arg5[%swap3A, %swap3A_44], %broadcast_in_dim3A_43 {strides = array<i32>} : memref<2048x16xf32, #tpu.memory_space<vmem>>, vector<2048x16xf32>,
    %div3A_46 = arith.divf %broadcast_in_dim3A_29, %add3A_40 : vector<2048x1xf32>
    %broadcast_in_dim3A_47 = vector.shape_cast %div3A_46 : vector<2048x1xf32> to vector<2048x1xf32>
    %broadcast_in_dim3A_48 = vector.broadcast %broadcast_in_dim3A_47 : vector<2048x1xf32> to vector<2048x16xf32>
    %swap3A_49 = arith.constant 0 : index
    %swap3A_50 = arith.constant 0 : index
    %swap3A_51 = vector.load %arg6[%swap3A_49, %swap3A_50] : memref<2048x16xf32, #tpu.memory_space<vmem>>, vector<2048x16xf32>
    tpu.vector_store %arg6[%swap3A_49, %swap3A_50], %broadcast_in_dim3A_48 {strides = array<i32>} : memref<2048x16xf32, #tpu.memory_space<vmem>>, vector<2048x16xf32>,
    %eq3A_52 = vector.broadcast %broadcast_in_dim3A_22 : vector<2048x1xi32> to vector<2048x8xi32>
    %eq3A_53 = arith.cmpi eq, %iota3A, %eq3A_52 : vector<2048x8xi32>
    %convert_element_type3A = arith.extui %eq3A_53 : vector<2048x8xi1> to vector<2048x8xi32>
    %convert_element_type3A_54 = arith.sitofp %convert_element_type3A : vector<2048x8xi32> to vector<2048x8xf32>
    %eq3A_55 = vector.broadcast %broadcast_in_dim3A_37 : vector<2048x1xi32> to vector<2048x8xi32>
    %eq3A_56 = arith.cmpi eq, %iota3A, %eq3A_55 : vector<2048x8xi32>
    %convert_element_type3A_57 = arith.extui %eq3A_56 : vector<2048x8xi1> to vector<2048x8xi32>
    %convert_element_type3A_58 = arith.sitofp %convert_element_type3A_57 : vector<2048x8xi32> to vector<2048x8xf32>
    %iota3A_59 = tpu.iota {dimensions = array<i32: 0>} : vector<128x128xi32>
    %iota3A_60 = tpu.iota {dimensions = array<i32: 1>} : vector<128x128xi32>
    %gt3A = arith.cmpi sgt, %iota3A_59, %iota3A_60 : vector<128x128xi32>
    %convert_element_type3A_61 = arith.extui %gt3A : vector<128x128xi1> to vector<128x128xi32>
    %convert_element_type3A_62 = arith.sitofp %convert_element_type3A_61 : vector<128x128xi32> to vector<128x128xf32>
    %broadcast_in_dim3A_63 = arith.constant 0.000000e+00 : f32
    %broadcast_in_dim3A_64 = vector.broadcast %broadcast_in_dim3A_63 : f32 to vector<1x8xf32>
    %slice3A = vector.extract_strided_slice %convert_element_type3A_54 {offsets = [0, 0], sizes = [128, 8], strides = [1, 1]} : vector<2048x8xf32> to vector<128x8xf32>
    %dot_general3A_65 = arith.constant dense<0.000000e+00> : vector<128x8xf32>
    %dot_general3A_66 = tpu.matmul %convert_element_type3A_62, %slice3A, %dot_general3A_65 {dimension_numbers = #tpu.dot_dimension_numbers<[1], [0], [0], [1], [0, 0, 1, 1], [], []>, transpose_lhs_hint = false} : vector<128x128xf32>, vector<128x8xf32>, vector<128x8xf32> -> vector<128x8xf32>
    %add3A_67 = vector.broadcast %broadcast_in_dim3A_64 : vector<1x8xf32> to vector<128x8xf32>
    %add3A_68 = arith.addf %dot_general3A_66, %add3A_67 : vector<128x8xf32>
    %reduce_sum3A_69 = arith.constant dense<0.000000e+00> : vector<8xf32>
    %reduce_sum3A_70 = vector.multi_reduction <add>, %slice3A, %reduce_sum3A_69 [0] : vector<128x8xf32> to vector<8xf32>
    %broadcast_in_dim3A_71 = vector.shape_cast %reduce_sum3A_70 : vector<8xf32> to vector<1x8xf32>
    %add3A_72 = arith.addf %broadcast_in_dim3A_64, %broadcast_in_dim3A_71 : vector<1x8xf32>
    %slice3A_73 = vector.extract_strided_slice %convert_element_type3A_54 {offsets = [128, 0], sizes = [128, 8], strides = [1, 1]} : vector<2048x8xf32> to vector<128x8xf32>
    %dot_general3A_74 = arith.constant dense<0.000000e+00> : vector<128x8xf32>
    %dot_general3A_75 = tpu.matmul %convert_element_type3A_62, %slice3A_73, %dot_general3A_74 {dimension_numbers = #tpu.dot_dimension_numbers<[1], [0], [0], [1], [0, 0, 1, 1], [], []>, transpose_lhs_hint = false} : vector<128x128xf32>, vector<128x8xf32>, vector<128x8xf32> -> vector<128x8xf32>
    %add3A_76 = vector.broadcast %add3A_72 : vector<1x8xf32> to vector<128x8xf32>
    %add3A_77 = arith.addf %dot_general3A_75, %add3A_76 : vector<128x8xf32>
    %reduce_sum3A_78 = arith.constant dense<0.000000e+00> : vector<8xf32>
    %reduce_sum3A_79 = vector.multi_reduction <add>, %slice3A_73, %reduce_sum3A_78 [0] : vector<128x8xf32> to vector<8xf32>
    %broadcast_in_dim3A_80 = vector.shape_cast %reduce_sum3A_79 : vector<8xf32> to vector<1x8xf32>
    %add3A_81 = arith.addf %add3A_72, %broadcast_in_dim3A_80 : vector<1x8xf32>
    %slice3A_82 = vector.extract_strided_slice %convert_element_type3A_54 {offsets = [256, 0], sizes = [128, 8], strides = [1, 1]} : vector<2048x8xf32> to vector<128x8xf32>
    %dot_general3A_83 = arith.constant dense<0.000000e+00> : vector<128x8xf32>
    %dot_general3A_84 = tpu.matmul %convert_element_type3A_62, %slice3A_82, %dot_general3A_83 {dimension_numbers = #tpu.dot_dimension_numbers<[1], [0], [0], [1], [0, 0, 1, 1], [], []>, transpose_lhs_hint = false} : vector<128x128xf32>, vector<128x8xf32>, vector<128x8xf32> -> vector<128x8xf32>
    %add3A_85 = vector.broadcast %add3A_81 : vector<1x8xf32> to vector<128x8xf32>
    %add3A_86 = arith.addf %dot_general3A_84, %add3A_85 : vector<128x8xf32>
    %reduce_sum3A_87 = arith.constant dense<0.000000e+00> : vector<8xf32>
    %reduce_sum3A_88 = vector.multi_reduction <add>, %slice3A_82, %reduce_sum3A_87 [0] : vector<128x8xf32> to vector<8xf32>
    %broadcast_in_dim3A_89 = vector.shape_cast %reduce_sum3A_88 : vector<8xf32> to vector<1x8xf32>
    %add3A_90 = arith.addf %add3A_81, %broadcast_in_dim3A_89 : vector<1x8xf32>
    %slice3A_91 = vector.extract_strided_slice %convert_element_type3A_54 {offsets = [384, 0], sizes = [128, 8], strides = [1, 1]} : vector<2048x8xf32> to vector<128x8xf32>
    %dot_general3A_92 = arith.constant dense<0.000000e+00> : vector<128x8xf32>
    %dot_general3A_93 = tpu.matmul %convert_element_type3A_62, %slice3A_91, %dot_general3A_92 {dimension_numbers = #tpu.dot_dimension_numbers<[1], [0], [0], [1], [0, 0, 1, 1], [], []>, transpose_lhs_hint = false} : vector<128x128xf32>, vector<128x8xf32>, vector<128x8xf32> -> vector<128x8xf32>
    %add3A_94 = vector.broadcast %add3A_90 : vector<1x8xf32> to vector<128x8xf32>
    %add3A_95 = arith.addf %dot_general3A_93, %add3A_94 : vector<128x8xf32>
    %reduce_sum3A_96 = arith.constant dense<0.000000e+00> : vector<8xf32>
    %reduce_sum3A_97 = vector.multi_reduction <add>, %slice3A_91, %reduce_sum3A_96 [0] : vector<128x8xf32> to vector<8xf32>
    %broadcast_in_dim3A_98 = vector.shape_cast %reduce_sum3A_97 : vector<8xf32> to vector<1x8xf32>
    %add3A_99 = arith.addf %add3A_90, %broadcast_in_dim3A_98 : vector<1x8xf32>
    %slice3A_100 = vector.extract_strided_slice %convert_element_type3A_54 {offsets = [512, 0], sizes = [128, 8], strides = [1, 1]} : vector<2048x8xf32> to vector<128x8xf32>
    %dot_general3A_101 = arith.constant dense<0.000000e+00> : vector<128x8xf32>
    %dot_general3A_102 = tpu.matmul %convert_element_type3A_62, %slice3A_100, %dot_general3A_101 {dimension_numbers = #tpu.dot_dimension_numbers<[1], [0], [0], [1], [0, 0, 1, 1], [], []>, transpose_lhs_hint = false} : vector<128x128xf32>, vector<128x8xf32>, vector<128x8xf32> -> vector<128x8xf32>
    %add3A_103 = vector.broadcast %add3A_99 : vector<1x8xf32> to vector<128x8xf32>
    %add3A_104 = arith.addf %dot_general3A_102, %add3A_103 : vector<128x8xf32>
    %reduce_sum3A_105 = arith.constant dense<0.000000e+00> : vector<8xf32>
    %reduce_sum3A_106 = vector.multi_reduction <add>, %slice3A_100, %reduce_sum3A_105 [0] : vector<128x8xf32> to vector<8xf32>
    %broadcast_in_dim3A_107 = vector.shape_cast %reduce_sum3A_106 : vector<8xf32> to vector<1x8xf32>
    %add3A_108 = arith.addf %add3A_99, %broadcast_in_dim3A_107 : vector<1x8xf32>
    %slice3A_109 = vector.extract_strided_slice %convert_element_type3A_54 {offsets = [640, 0], sizes = [128, 8], strides = [1, 1]} : vector<2048x8xf32> to vector<128x8xf32>
    %dot_general3A_110 = arith.constant dense<0.000000e+00> : vector<128x8xf32>
    %dot_general3A_111 = tpu.matmul %convert_element_type3A_62, %slice3A_109, %dot_general3A_110 {dimension_numbers = #tpu.dot_dimension_numbers<[1], [0], [0], [1], [0, 0, 1, 1], [], []>, transpose_lhs_hint = false} : vector<128x128xf32>, vector<128x8xf32>, vector<128x8xf32> -> vector<128x8xf32>
    %add3A_112 = vector.broadcast %add3A_108 : vector<1x8xf32> to vector<128x8xf32>
    %add3A_113 = arith.addf %dot_general3A_111, %add3A_112 : vector<128x8xf32>
    %reduce_sum3A_114 = arith.constant dense<0.000000e+00> : vector<8xf32>
    %reduce_sum3A_115 = vector.multi_reduction <add>, %slice3A_109, %reduce_sum3A_114 [0] : vector<128x8xf32> to vector<8xf32>
    %broadcast_in_dim3A_116 = vector.shape_cast %reduce_sum3A_115 : vector<8xf32> to vector<1x8xf32>
    %add3A_117 = arith.addf %add3A_108, %broadcast_in_dim3A_116 : vector<1x8xf32>
    %slice3A_118 = vector.extract_strided_slice %convert_element_type3A_54 {offsets = [768, 0], sizes = [128, 8], strides = [1, 1]} : vector<2048x8xf32> to vector<128x8xf32>
    %dot_general3A_119 = arith.constant dense<0.000000e+00> : vector<128x8xf32>
    %dot_general3A_120 = tpu.matmul %convert_element_type3A_62, %slice3A_118, %dot_general3A_119 {dimension_numbers = #tpu.dot_dimension_numbers<[1], [0], [0], [1], [0, 0, 1, 1], [], []>, transpose_lhs_hint = false} : vector<128x128xf32>, vector<128x8xf32>, vector<128x8xf32> -> vector<128x8xf32>
    %add3A_121 = vector.broadcast %add3A_117 : vector<1x8xf32> to vector<128x8xf32>
    %add3A_122 = arith.addf %dot_general3A_120, %add3A_121 : vector<128x8xf32>
    %reduce_sum3A_123 = arith.constant dense<0.000000e+00> : vector<8xf32>
    %reduce_sum3A_124 = vector.multi_reduction <add>, %slice3A_118, %reduce_sum3A_123 [0] : vector<128x8xf32> to vector<8xf32>
    %broadcast_in_dim3A_125 = vector.shape_cast %reduce_sum3A_124 : vector<8xf32> to vector<1x8xf32>
    %add3A_126 = arith.addf %add3A_117, %broadcast_in_dim3A_125 : vector<1x8xf32>
    %slice3A_127 = vector.extract_strided_slice %convert_element_type3A_54 {offsets = [896, 0], sizes = [128, 8], strides = [1, 1]} : vector<2048x8xf32> to vector<128x8xf32>
    %dot_general3A_128 = arith.constant dense<0.000000e+00> : vector<128x8xf32>
    %dot_general3A_129 = tpu.matmul %convert_element_type3A_62, %slice3A_127, %dot_general3A_128 {dimension_numbers = #tpu.dot_dimension_numbers<[1], [0], [0], [1], [0, 0, 1, 1], [], []>, transpose_lhs_hint = false} : vector<128x128xf32>, vector<128x8xf32>, vector<128x8xf32> -> vector<128x8xf32>
    %add3A_130 = vector.broadcast %add3A_126 : vector<1x8xf32> to vector<128x8xf32>
    %add3A_131 = arith.addf %dot_general3A_129, %add3A_130 : vector<128x8xf32>
    %reduce_sum3A_132 = arith.constant dense<0.000000e+00> : vector<8xf32>
    %reduce_sum3A_133 = vector.multi_reduction <add>, %slice3A_127, %reduce_sum3A_132 [0] : vector<128x8xf32> to vector<8xf32>
    %broadcast_in_dim3A_134 = vector.shape_cast %reduce_sum3A_133 : vector<8xf32> to vector<1x8xf32>
    %add3A_135 = arith.addf %add3A_126, %broadcast_in_dim3A_134 : vector<1x8xf32>
    %slice3A_136 = vector.extract_strided_slice %convert_element_type3A_54 {offsets = [1024, 0], sizes = [128, 8], strides = [1, 1]} : vector<2048x8xf32> to vector<128x8xf32>
    %dot_general3A_137 = arith.constant dense<0.000000e+00> : vector<128x8xf32>
    %dot_general3A_138 = tpu.matmul %convert_element_type3A_62, %slice3A_136, %dot_general3A_137 {dimension_numbers = #tpu.dot_dimension_numbers<[1], [0], [0], [1], [0, 0, 1, 1], [], []>, transpose_lhs_hint = false} : vector<128x128xf32>, vector<128x8xf32>, vector<128x8xf32> -> vector<128x8xf32>
    %add3A_139 = vector.broadcast %add3A_135 : vector<1x8xf32> to vector<128x8xf32>
    %add3A_140 = arith.addf %dot_general3A_138, %add3A_139 : vector<128x8xf32>
    %reduce_sum3A_141 = arith.constant dense<0.000000e+00> : vector<8xf32>
    %reduce_sum3A_142 = vector.multi_reduction <add>, %slice3A_136, %reduce_sum3A_141 [0] : vector<128x8xf32> to vector<8xf32>
    %broadcast_in_dim3A_143 = vector.shape_cast %reduce_sum3A_142 : vector<8xf32> to vector<1x8xf32>
    %add3A_144 = arith.addf %add3A_135, %broadcast_in_dim3A_143 : vector<1x8xf32>
    %slice3A_145 = vector.extract_strided_slice %convert_element_type3A_54 {offsets = [1152, 0], sizes = [128, 8], strides = [1, 1]} : vector<2048x8xf32> to vector<128x8xf32>
    %dot_general3A_146 = arith.constant dense<0.000000e+00> : vector<128x8xf32>
    %dot_general3A_147 = tpu.matmul %convert_element_type3A_62, %slice3A_145, %dot_general3A_146 {dimension_numbers = #tpu.dot_dimension_numbers<[1], [0], [0], [1], [0, 0, 1, 1], [], []>, transpose_lhs_hint = false} : vector<128x128xf32>, vector<128x8xf32>, vector<128x8xf32> -> vector<128x8xf32>
    %add3A_148 = vector.broadcast %add3A_144 : vector<1x8xf32> to vector<128x8xf32>
    %add3A_149 = arith.addf %dot_general3A_147, %add3A_148 : vector<128x8xf32>
    %reduce_sum3A_150 = arith.constant dense<0.000000e+00> : vector<8xf32>
    %reduce_sum3A_151 = vector.multi_reduction <add>, %slice3A_145, %reduce_sum3A_150 [0] : vector<128x8xf32> to vector<8xf32>
    %broadcast_in_dim3A_152 = vector.shape_cast %reduce_sum3A_151 : vector<8xf32> to vector<1x8xf32>
    %add3A_153 = arith.addf %add3A_144, %broadcast_in_dim3A_152 : vector<1x8xf32>
    %slice3A_154 = vector.extract_strided_slice %convert_element_type3A_54 {offsets = [1280, 0], sizes = [128, 8], strides = [1, 1]} : vector<2048x8xf32> to vector<128x8xf32>
    %dot_general3A_155 = arith.constant dense<0.000000e+00> : vector<128x8xf32>
    %dot_general3A_156 = tpu.matmul %convert_element_type3A_62, %slice3A_154, %dot_general3A_155 {dimension_numbers = #tpu.dot_dimension_numbers<[1], [0], [0], [1], [0, 0, 1, 1], [], []>, transpose_lhs_hint = false} : vector<128x128xf32>, vector<128x8xf32>, vector<128x8xf32> -> vector<128x8xf32>
    %add3A_157 = vector.broadcast %add3A_153 : vector<1x8xf32> to vector<128x8xf32>
    %add3A_158 = arith.addf %dot_general3A_156, %add3A_157 : vector<128x8xf32>
    %reduce_sum3A_159 = arith.constant dense<0.000000e+00> : vector<8xf32>
    %reduce_sum3A_160 = vector.multi_reduction <add>, %slice3A_154, %reduce_sum3A_159 [0] : vector<128x8xf32> to vector<8xf32>
    %broadcast_in_dim3A_161 = vector.shape_cast %reduce_sum3A_160 : vector<8xf32> to vector<1x8xf32>
    %add3A_162 = arith.addf %add3A_153, %broadcast_in_dim3A_161 : vector<1x8xf32>
    %slice3A_163 = vector.extract_strided_slice %convert_element_type3A_54 {offsets = [1408, 0], sizes = [128, 8], strides = [1, 1]} : vector<2048x8xf32> to vector<128x8xf32>
    %dot_general3A_164 = arith.constant dense<0.000000e+00> : vector<128x8xf32>
    %dot_general3A_165 = tpu.matmul %convert_element_type3A_62, %slice3A_163, %dot_general3A_164 {dimension_numbers = #tpu.dot_dimension_numbers<[1], [0], [0], [1], [0, 0, 1, 1], [], []>, transpose_lhs_hint = false} : vector<128x128xf32>, vector<128x8xf32>, vector<128x8xf32> -> vector<128x8xf32>
    %add3A_166 = vector.broadcast %add3A_162 : vector<1x8xf32> to vector<128x8xf32>
    %add3A_167 = arith.addf %dot_general3A_165, %add3A_166 : vector<128x8xf32>
    %reduce_sum3A_168 = arith.constant dense<0.000000e+00> : vector<8xf32>
    %reduce_sum3A_169 = vector.multi_reduction <add>, %slice3A_163, %reduce_sum3A_168 [0] : vector<128x8xf32> to vector<8xf32>
    %broadcast_in_dim3A_170 = vector.shape_cast %reduce_sum3A_169 : vector<8xf32> to vector<1x8xf32>
    %add3A_171 = arith.addf %add3A_162, %broadcast_in_dim3A_170 : vector<1x8xf32>
    %slice3A_172 = vector.extract_strided_slice %convert_element_type3A_54 {offsets = [1536, 0], sizes = [128, 8], strides = [1, 1]} : vector<2048x8xf32> to vector<128x8xf32>
    %dot_general3A_173 = arith.constant dense<0.000000e+00> : vector<128x8xf32>
    %dot_general3A_174 = tpu.matmul %convert_element_type3A_62, %slice3A_172, %dot_general3A_173 {dimension_numbers = #tpu.dot_dimension_numbers<[1], [0], [0], [1], [0, 0, 1, 1], [], []>, transpose_lhs_hint = false} : vector<128x128xf32>, vector<128x8xf32>, vector<128x8xf32> -> vector<128x8xf32>
    %add3A_175 = vector.broadcast %add3A_171 : vector<1x8xf32> to vector<128x8xf32>
    %add3A_176 = arith.addf %dot_general3A_174, %add3A_175 : vector<128x8xf32>
    %reduce_sum3A_177 = arith.constant dense<0.000000e+00> : vector<8xf32>
    %reduce_sum3A_178 = vector.multi_reduction <add>, %slice3A_172, %reduce_sum3A_177 [0] : vector<128x8xf32> to vector<8xf32>
    %broadcast_in_dim3A_179 = vector.shape_cast %reduce_sum3A_178 : vector<8xf32> to vector<1x8xf32>
    %add3A_180 = arith.addf %add3A_171, %broadcast_in_dim3A_179 : vector<1x8xf32>
    %slice3A_181 = vector.extract_strided_slice %convert_element_type3A_54 {offsets = [1664, 0], sizes = [128, 8], strides = [1, 1]} : vector<2048x8xf32> to vector<128x8xf32>
    %dot_general3A_182 = arith.constant dense<0.000000e+00> : vector<128x8xf32>
    %dot_general3A_183 = tpu.matmul %convert_element_type3A_62, %slice3A_181, %dot_general3A_182 {dimension_numbers = #tpu.dot_dimension_numbers<[1], [0], [0], [1], [0, 0, 1, 1], [], []>, transpose_lhs_hint = false} : vector<128x128xf32>, vector<128x8xf32>, vector<128x8xf32> -> vector<128x8xf32>
    %add3A_184 = vector.broadcast %add3A_180 : vector<1x8xf32> to vector<128x8xf32>
    %add3A_185 = arith.addf %dot_general3A_183, %add3A_184 : vector<128x8xf32>
    %reduce_sum3A_186 = arith.constant dense<0.000000e+00> : vector<8xf32>
    %reduce_sum3A_187 = vector.multi_reduction <add>, %slice3A_181, %reduce_sum3A_186 [0] : vector<128x8xf32> to vector<8xf32>
    %broadcast_in_dim3A_188 = vector.shape_cast %reduce_sum3A_187 : vector<8xf32> to vector<1x8xf32>
    %add3A_189 = arith.addf %add3A_180, %broadcast_in_dim3A_188 : vector<1x8xf32>
    %slice3A_190 = vector.extract_strided_slice %convert_element_type3A_54 {offsets = [1792, 0], sizes = [128, 8], strides = [1, 1]} : vector<2048x8xf32> to vector<128x8xf32>
    %dot_general3A_191 = arith.constant dense<0.000000e+00> : vector<128x8xf32>
    %dot_general3A_192 = tpu.matmul %convert_element_type3A_62, %slice3A_190, %dot_general3A_191 {dimension_numbers = #tpu.dot_dimension_numbers<[1], [0], [0], [1], [0, 0, 1, 1], [], []>, transpose_lhs_hint = false} : vector<128x128xf32>, vector<128x8xf32>, vector<128x8xf32> -> vector<128x8xf32>
    %add3A_193 = vector.broadcast %add3A_189 : vector<1x8xf32> to vector<128x8xf32>
    %add3A_194 = arith.addf %dot_general3A_192, %add3A_193 : vector<128x8xf32>
    %reduce_sum3A_195 = arith.constant dense<0.000000e+00> : vector<8xf32>
    %reduce_sum3A_196 = vector.multi_reduction <add>, %slice3A_190, %reduce_sum3A_195 [0] : vector<128x8xf32> to vector<8xf32>
    %broadcast_in_dim3A_197 = vector.shape_cast %reduce_sum3A_196 : vector<8xf32> to vector<1x8xf32>
    %add3A_198 = arith.addf %add3A_189, %broadcast_in_dim3A_197 : vector<1x8xf32>
    %slice3A_199 = vector.extract_strided_slice %convert_element_type3A_54 {offsets = [1920, 0], sizes = [128, 8], strides = [1, 1]} : vector<2048x8xf32> to vector<128x8xf32>
    %dot_general3A_200 = arith.constant dense<0.000000e+00> : vector<128x8xf32>
    %dot_general3A_201 = tpu.matmul %convert_element_type3A_62, %slice3A_199, %dot_general3A_200 {dimension_numbers = #tpu.dot_dimension_numbers<[1], [0], [0], [1], [0, 0, 1, 1], [], []>, transpose_lhs_hint = false} : vector<128x128xf32>, vector<128x8xf32>, vector<128x8xf32> -> vector<128x8xf32>
    %add3A_202 = vector.broadcast %add3A_198 : vector<1x8xf32> to vector<128x8xf32>
    %add3A_203 = arith.addf %dot_general3A_201, %add3A_202 : vector<128x8xf32>
    %reduce_sum3A_204 = arith.constant dense<0.000000e+00> : vector<8xf32>
    %reduce_sum3A_205 = vector.multi_reduction <add>, %slice3A_199, %reduce_sum3A_204 [0] : vector<128x8xf32> to vector<8xf32>
    %broadcast_in_dim3A_206 = vector.shape_cast %reduce_sum3A_205 : vector<8xf32> to vector<1x8xf32>
    %add3A_207 = arith.addf %add3A_198, %broadcast_in_dim3A_206 : vector<1x8xf32>
    %slice3A_208 = vector.extract_strided_slice %convert_element_type3A_58 {offsets = [0, 0], sizes = [128, 8], strides = [1, 1]} : vector<2048x8xf32> to vector<128x8xf32>
    %dot_general3A_209 = arith.constant dense<0.000000e+00> : vector<128x8xf32>
    %dot_general3A_210 = tpu.matmul %convert_element_type3A_62, %slice3A_208, %dot_general3A_209 {dimension_numbers = #tpu.dot_dimension_numbers<[1], [0], [0], [1], [0, 0, 1, 1], [], []>, transpose_lhs_hint = false} : vector<128x128xf32>, vector<128x8xf32>, vector<128x8xf32> -> vector<128x8xf32>
    %add3A_211 = vector.broadcast %add3A_207 : vector<1x8xf32> to vector<128x8xf32>
    %add3A_212 = arith.addf %dot_general3A_210, %add3A_211 : vector<128x8xf32>
    %reduce_sum3A_213 = arith.constant dense<0.000000e+00> : vector<8xf32>
    %reduce_sum3A_214 = vector.multi_reduction <add>, %slice3A_208, %reduce_sum3A_213 [0] : vector<128x8xf32> to vector<8xf32>
    %broadcast_in_dim3A_215 = vector.shape_cast %reduce_sum3A_214 : vector<8xf32> to vector<1x8xf32>
    %add3A_216 = arith.addf %add3A_207, %broadcast_in_dim3A_215 : vector<1x8xf32>
    %slice3A_217 = vector.extract_strided_slice %convert_element_type3A_58 {offsets = [128, 0], sizes = [128, 8], strides = [1, 1]} : vector<2048x8xf32> to vector<128x8xf32>
    %dot_general3A_218 = arith.constant dense<0.000000e+00> : vector<128x8xf32>
    %dot_general3A_219 = tpu.matmul %convert_element_type3A_62, %slice3A_217, %dot_general3A_218 {dimension_numbers = #tpu.dot_dimension_numbers<[1], [0], [0], [1], [0, 0, 1, 1], [], []>, transpose_lhs_hint = false} : vector<128x128xf32>, vector<128x8xf32>, vector<128x8xf32> -> vector<128x8xf32>
    %add3A_220 = vector.broadcast %add3A_216 : vector<1x8xf32> to vector<128x8xf32>
    %add3A_221 = arith.addf %dot_general3A_219, %add3A_220 : vector<128x8xf32>
    %reduce_sum3A_222 = arith.constant dense<0.000000e+00> : vector<8xf32>
    %reduce_sum3A_223 = vector.multi_reduction <add>, %slice3A_217, %reduce_sum3A_222 [0] : vector<128x8xf32> to vector<8xf32>
    %broadcast_in_dim3A_224 = vector.shape_cast %reduce_sum3A_223 : vector<8xf32> to vector<1x8xf32>
    %add3A_225 = arith.addf %add3A_216, %broadcast_in_dim3A_224 : vector<1x8xf32>
    %slice3A_226 = vector.extract_strided_slice %convert_element_type3A_58 {offsets = [256, 0], sizes = [128, 8], strides = [1, 1]} : vector<2048x8xf32> to vector<128x8xf32>
    %dot_general3A_227 = arith.constant dense<0.000000e+00> : vector<128x8xf32>
    %dot_general3A_228 = tpu.matmul %convert_element_type3A_62, %slice3A_226, %dot_general3A_227 {dimension_numbers = #tpu.dot_dimension_numbers<[1], [0], [0], [1], [0, 0, 1, 1], [], []>, transpose_lhs_hint = false} : vector<128x128xf32>, vector<128x8xf32>, vector<128x8xf32> -> vector<128x8xf32>
    %add3A_229 = vector.broadcast %add3A_225 : vector<1x8xf32> to vector<128x8xf32>
    %add3A_230 = arith.addf %dot_general3A_228, %add3A_229 : vector<128x8xf32>
    %reduce_sum3A_231 = arith.constant dense<0.000000e+00> : vector<8xf32>
    %reduce_sum3A_232 = vector.multi_reduction <add>, %slice3A_226, %reduce_sum3A_231 [0] : vector<128x8xf32> to vector<8xf32>
    %broadcast_in_dim3A_233 = vector.shape_cast %reduce_sum3A_232 : vector<8xf32> to vector<1x8xf32>
    %add3A_234 = arith.addf %add3A_225, %broadcast_in_dim3A_233 : vector<1x8xf32>
    %slice3A_235 = vector.extract_strided_slice %convert_element_type3A_58 {offsets = [384, 0], sizes = [128, 8], strides = [1, 1]} : vector<2048x8xf32> to vector<128x8xf32>
    %dot_general3A_236 = arith.constant dense<0.000000e+00> : vector<128x8xf32>
    %dot_general3A_237 = tpu.matmul %convert_element_type3A_62, %slice3A_235, %dot_general3A_236 {dimension_numbers = #tpu.dot_dimension_numbers<[1], [0], [0], [1], [0, 0, 1, 1], [], []>, transpose_lhs_hint = false} : vector<128x128xf32>, vector<128x8xf32>, vector<128x8xf32> -> vector<128x8xf32>
    %add3A_238 = vector.broadcast %add3A_234 : vector<1x8xf32> to vector<128x8xf32>
    %add3A_239 = arith.addf %dot_general3A_237, %add3A_238 : vector<128x8xf32>
    %reduce_sum3A_240 = arith.constant dense<0.000000e+00> : vector<8xf32>
    %reduce_sum3A_241 = vector.multi_reduction <add>, %slice3A_235, %reduce_sum3A_240 [0] : vector<128x8xf32> to vector<8xf32>
    %broadcast_in_dim3A_242 = vector.shape_cast %reduce_sum3A_241 : vector<8xf32> to vector<1x8xf32>
    %add3A_243 = arith.addf %add3A_234, %broadcast_in_dim3A_242 : vector<1x8xf32>
    %slice3A_244 = vector.extract_strided_slice %convert_element_type3A_58 {offsets = [512, 0], sizes = [128, 8], strides = [1, 1]} : vector<2048x8xf32> to vector<128x8xf32>
    %dot_general3A_245 = arith.constant dense<0.000000e+00> : vector<128x8xf32>
    %dot_general3A_246 = tpu.matmul %convert_element_type3A_62, %slice3A_244, %dot_general3A_245 {dimension_numbers = #tpu.dot_dimension_numbers<[1], [0], [0], [1], [0, 0, 1, 1], [], []>, transpose_lhs_hint = false} : vector<128x128xf32>, vector<128x8xf32>, vector<128x8xf32> -> vector<128x8xf32>
    %add3A_247 = vector.broadcast %add3A_243 : vector<1x8xf32> to vector<128x8xf32>
    %add3A_248 = arith.addf %dot_general3A_246, %add3A_247 : vector<128x8xf32>
    %reduce_sum3A_249 = arith.constant dense<0.000000e+00> : vector<8xf32>
    %reduce_sum3A_250 = vector.multi_reduction <add>, %slice3A_244, %reduce_sum3A_249 [0] : vector<128x8xf32> to vector<8xf32>
    %broadcast_in_dim3A_251 = vector.shape_cast %reduce_sum3A_250 : vector<8xf32> to vector<1x8xf32>
    %add3A_252 = arith.addf %add3A_243, %broadcast_in_dim3A_251 : vector<1x8xf32>
    %slice3A_253 = vector.extract_strided_slice %convert_element_type3A_58 {offsets = [640, 0], sizes = [128, 8], strides = [1, 1]} : vector<2048x8xf32> to vector<128x8xf32>
    %dot_general3A_254 = arith.constant dense<0.000000e+00> : vector<128x8xf32>
    %dot_general3A_255 = tpu.matmul %convert_element_type3A_62, %slice3A_253, %dot_general3A_254 {dimension_numbers = #tpu.dot_dimension_numbers<[1], [0], [0], [1], [0, 0, 1, 1], [], []>, transpose_lhs_hint = false} : vector<128x128xf32>, vector<128x8xf32>, vector<128x8xf32> -> vector<128x8xf32>
    %add3A_256 = vector.broadcast %add3A_252 : vector<1x8xf32> to vector<128x8xf32>
    %add3A_257 = arith.addf %dot_general3A_255, %add3A_256 : vector<128x8xf32>
    %reduce_sum3A_258 = arith.constant dense<0.000000e+00> : vector<8xf32>
    %reduce_sum3A_259 = vector.multi_reduction <add>, %slice3A_253, %reduce_sum3A_258 [0] : vector<128x8xf32> to vector<8xf32>
    %broadcast_in_dim3A_260 = vector.shape_cast %reduce_sum3A_259 : vector<8xf32> to vector<1x8xf32>
    %add3A_261 = arith.addf %add3A_252, %broadcast_in_dim3A_260 : vector<1x8xf32>
    %slice3A_262 = vector.extract_strided_slice %convert_element_type3A_58 {offsets = [768, 0], sizes = [128, 8], strides = [1, 1]} : vector<2048x8xf32> to vector<128x8xf32>
    %dot_general3A_263 = arith.constant dense<0.000000e+00> : vector<128x8xf32>
    %dot_general3A_264 = tpu.matmul %convert_element_type3A_62, %slice3A_262, %dot_general3A_263 {dimension_numbers = #tpu.dot_dimension_numbers<[1], [0], [0], [1], [0, 0, 1, 1], [], []>, transpose_lhs_hint = false} : vector<128x128xf32>, vector<128x8xf32>, vector<128x8xf32> -> vector<128x8xf32>
    %add3A_265 = vector.broadcast %add3A_261 : vector<1x8xf32> to vector<128x8xf32>
    %add3A_266 = arith.addf %dot_general3A_264, %add3A_265 : vector<128x8xf32>
    %reduce_sum3A_267 = arith.constant dense<0.000000e+00> : vector<8xf32>
    %reduce_sum3A_268 = vector.multi_reduction <add>, %slice3A_262, %reduce_sum3A_267 [0] : vector<128x8xf32> to vector<8xf32>
    %broadcast_in_dim3A_269 = vector.shape_cast %reduce_sum3A_268 : vector<8xf32> to vector<1x8xf32>
    %add3A_270 = arith.addf %add3A_261, %broadcast_in_dim3A_269 : vector<1x8xf32>
    %slice3A_271 = vector.extract_strided_slice %convert_element_type3A_58 {offsets = [896, 0], sizes = [128, 8], strides = [1, 1]} : vector<2048x8xf32> to vector<128x8xf32>
    %dot_general3A_272 = arith.constant dense<0.000000e+00> : vector<128x8xf32>
    %dot_general3A_273 = tpu.matmul %convert_element_type3A_62, %slice3A_271, %dot_general3A_272 {dimension_numbers = #tpu.dot_dimension_numbers<[1], [0], [0], [1], [0, 0, 1, 1], [], []>, transpose_lhs_hint = false} : vector<128x128xf32>, vector<128x8xf32>, vector<128x8xf32> -> vector<128x8xf32>
    %add3A_274 = vector.broadcast %add3A_270 : vector<1x8xf32> to vector<128x8xf32>
    %add3A_275 = arith.addf %dot_general3A_273, %add3A_274 : vector<128x8xf32>
    %reduce_sum3A_276 = arith.constant dense<0.000000e+00> : vector<8xf32>
    %reduce_sum3A_277 = vector.multi_reduction <add>, %slice3A_271, %reduce_sum3A_276 [0] : vector<128x8xf32> to vector<8xf32>
    %broadcast_in_dim3A_278 = vector.shape_cast %reduce_sum3A_277 : vector<8xf32> to vector<1x8xf32>
    %add3A_279 = arith.addf %add3A_270, %broadcast_in_dim3A_278 : vector<1x8xf32>
    %slice3A_280 = vector.extract_strided_slice %convert_element_type3A_58 {offsets = [1024, 0], sizes = [128, 8], strides = [1, 1]} : vector<2048x8xf32> to vector<128x8xf32>
    %dot_general3A_281 = arith.constant dense<0.000000e+00> : vector<128x8xf32>
    %dot_general3A_282 = tpu.matmul %convert_element_type3A_62, %slice3A_280, %dot_general3A_281 {dimension_numbers = #tpu.dot_dimension_numbers<[1], [0], [0], [1], [0, 0, 1, 1], [], []>, transpose_lhs_hint = false} : vector<128x128xf32>, vector<128x8xf32>, vector<128x8xf32> -> vector<128x8xf32>
    %add3A_283 = vector.broadcast %add3A_279 : vector<1x8xf32> to vector<128x8xf32>
    %add3A_284 = arith.addf %dot_general3A_282, %add3A_283 : vector<128x8xf32>
    %reduce_sum3A_285 = arith.constant dense<0.000000e+00> : vector<8xf32>
    %reduce_sum3A_286 = vector.multi_reduction <add>, %slice3A_280, %reduce_sum3A_285 [0] : vector<128x8xf32> to vector<8xf32>
    %broadcast_in_dim3A_287 = vector.shape_cast %reduce_sum3A_286 : vector<8xf32> to vector<1x8xf32>
    %add3A_288 = arith.addf %add3A_279, %broadcast_in_dim3A_287 : vector<1x8xf32>
    %slice3A_289 = vector.extract_strided_slice %convert_element_type3A_58 {offsets = [1152, 0], sizes = [128, 8], strides = [1, 1]} : vector<2048x8xf32> to vector<128x8xf32>
    %dot_general3A_290 = arith.constant dense<0.000000e+00> : vector<128x8xf32>
    %dot_general3A_291 = tpu.matmul %convert_element_type3A_62, %slice3A_289, %dot_general3A_290 {dimension_numbers = #tpu.dot_dimension_numbers<[1], [0], [0], [1], [0, 0, 1, 1], [], []>, transpose_lhs_hint = false} : vector<128x128xf32>, vector<128x8xf32>, vector<128x8xf32> -> vector<128x8xf32>
    %add3A_292 = vector.broadcast %add3A_288 : vector<1x8xf32> to vector<128x8xf32>
    %add3A_293 = arith.addf %dot_general3A_291, %add3A_292 : vector<128x8xf32>
    %reduce_sum3A_294 = arith.constant dense<0.000000e+00> : vector<8xf32>
    %reduce_sum3A_295 = vector.multi_reduction <add>, %slice3A_289, %reduce_sum3A_294 [0] : vector<128x8xf32> to vector<8xf32>
    %broadcast_in_dim3A_296 = vector.shape_cast %reduce_sum3A_295 : vector<8xf32> to vector<1x8xf32>
    %add3A_297 = arith.addf %add3A_288, %broadcast_in_dim3A_296 : vector<1x8xf32>
    %slice3A_298 = vector.extract_strided_slice %convert_element_type3A_58 {offsets = [1280, 0], sizes = [128, 8], strides = [1, 1]} : vector<2048x8xf32> to vector<128x8xf32>
    %dot_general3A_299 = arith.constant dense<0.000000e+00> : vector<128x8xf32>
    %dot_general3A_300 = tpu.matmul %convert_element_type3A_62, %slice3A_298, %dot_general3A_299 {dimension_numbers = #tpu.dot_dimension_numbers<[1], [0], [0], [1], [0, 0, 1, 1], [], []>, transpose_lhs_hint = false} : vector<128x128xf32>, vector<128x8xf32>, vector<128x8xf32> -> vector<128x8xf32>
    %add3A_301 = vector.broadcast %add3A_297 : vector<1x8xf32> to vector<128x8xf32>
    %add3A_302 = arith.addf %dot_general3A_300, %add3A_301 : vector<128x8xf32>
    %reduce_sum3A_303 = arith.constant dense<0.000000e+00> : vector<8xf32>
    %reduce_sum3A_304 = vector.multi_reduction <add>, %slice3A_298, %reduce_sum3A_303 [0] : vector<128x8xf32> to vector<8xf32>
    %broadcast_in_dim3A_305 = vector.shape_cast %reduce_sum3A_304 : vector<8xf32> to vector<1x8xf32>
    %add3A_306 = arith.addf %add3A_297, %broadcast_in_dim3A_305 : vector<1x8xf32>
    %slice3A_307 = vector.extract_strided_slice %convert_element_type3A_58 {offsets = [1408, 0], sizes = [128, 8], strides = [1, 1]} : vector<2048x8xf32> to vector<128x8xf32>
    %dot_general3A_308 = arith.constant dense<0.000000e+00> : vector<128x8xf32>
    %dot_general3A_309 = tpu.matmul %convert_element_type3A_62, %slice3A_307, %dot_general3A_308 {dimension_numbers = #tpu.dot_dimension_numbers<[1], [0], [0], [1], [0, 0, 1, 1], [], []>, transpose_lhs_hint = false} : vector<128x128xf32>, vector<128x8xf32>, vector<128x8xf32> -> vector<128x8xf32>
    %add3A_310 = vector.broadcast %add3A_306 : vector<1x8xf32> to vector<128x8xf32>
    %add3A_311 = arith.addf %dot_general3A_309, %add3A_310 : vector<128x8xf32>
    %reduce_sum3A_312 = arith.constant dense<0.000000e+00> : vector<8xf32>
    %reduce_sum3A_313 = vector.multi_reduction <add>, %slice3A_307, %reduce_sum3A_312 [0] : vector<128x8xf32> to vector<8xf32>
    %broadcast_in_dim3A_314 = vector.shape_cast %reduce_sum3A_313 : vector<8xf32> to vector<1x8xf32>
    %add3A_315 = arith.addf %add3A_306, %broadcast_in_dim3A_314 : vector<1x8xf32>
    %slice3A_316 = vector.extract_strided_slice %convert_element_type3A_58 {offsets = [1536, 0], sizes = [128, 8], strides = [1, 1]} : vector<2048x8xf32> to vector<128x8xf32>
    %dot_general3A_317 = arith.constant dense<0.000000e+00> : vector<128x8xf32>
    %dot_general3A_318 = tpu.matmul %convert_element_type3A_62, %slice3A_316, %dot_general3A_317 {dimension_numbers = #tpu.dot_dimension_numbers<[1], [0], [0], [1], [0, 0, 1, 1], [], []>, transpose_lhs_hint = false} : vector<128x128xf32>, vector<128x8xf32>, vector<128x8xf32> -> vector<128x8xf32>
    %add3A_319 = vector.broadcast %add3A_315 : vector<1x8xf32> to vector<128x8xf32>
    %add3A_320 = arith.addf %dot_general3A_318, %add3A_319 : vector<128x8xf32>
    %reduce_sum3A_321 = arith.constant dense<0.000000e+00> : vector<8xf32>
    %reduce_sum3A_322 = vector.multi_reduction <add>, %slice3A_316, %reduce_sum3A_321 [0] : vector<128x8xf32> to vector<8xf32>
    %broadcast_in_dim3A_323 = vector.shape_cast %reduce_sum3A_322 : vector<8xf32> to vector<1x8xf32>
    %add3A_324 = arith.addf %add3A_315, %broadcast_in_dim3A_323 : vector<1x8xf32>
    %slice3A_325 = vector.extract_strided_slice %convert_element_type3A_58 {offsets = [1664, 0], sizes = [128, 8], strides = [1, 1]} : vector<2048x8xf32> to vector<128x8xf32>
    %dot_general3A_326 = arith.constant dense<0.000000e+00> : vector<128x8xf32>
    %dot_general3A_327 = tpu.matmul %convert_element_type3A_62, %slice3A_325, %dot_general3A_326 {dimension_numbers = #tpu.dot_dimension_numbers<[1], [0], [0], [1], [0, 0, 1, 1], [], []>, transpose_lhs_hint = false} : vector<128x128xf32>, vector<128x8xf32>, vector<128x8xf32> -> vector<128x8xf32>
    %add3A_328 = vector.broadcast %add3A_324 : vector<1x8xf32> to vector<128x8xf32>
    %add3A_329 = arith.addf %dot_general3A_327, %add3A_328 : vector<128x8xf32>
    %reduce_sum3A_330 = arith.constant dense<0.000000e+00> : vector<8xf32>
    %reduce_sum3A_331 = vector.multi_reduction <add>, %slice3A_325, %reduce_sum3A_330 [0] : vector<128x8xf32> to vector<8xf32>
    %broadcast_in_dim3A_332 = vector.shape_cast %reduce_sum3A_331 : vector<8xf32> to vector<1x8xf32>
    %add3A_333 = arith.addf %add3A_324, %broadcast_in_dim3A_332 : vector<1x8xf32>
    %slice3A_334 = vector.extract_strided_slice %convert_element_type3A_58 {offsets = [1792, 0], sizes = [128, 8], strides = [1, 1]} : vector<2048x8xf32> to vector<128x8xf32>
    %dot_general3A_335 = arith.constant dense<0.000000e+00> : vector<128x8xf32>
    %dot_general3A_336 = tpu.matmul %convert_element_type3A_62, %slice3A_334, %dot_general3A_335 {dimension_numbers = #tpu.dot_dimension_numbers<[1], [0], [0], [1], [0, 0, 1, 1], [], []>, transpose_lhs_hint = false} : vector<128x128xf32>, vector<128x8xf32>, vector<128x8xf32> -> vector<128x8xf32>
    %add3A_337 = vector.broadcast %add3A_333 : vector<1x8xf32> to vector<128x8xf32>
    %add3A_338 = arith.addf %dot_general3A_336, %add3A_337 : vector<128x8xf32>
    %reduce_sum3A_339 = arith.constant dense<0.000000e+00> : vector<8xf32>
    %reduce_sum3A_340 = vector.multi_reduction <add>, %slice3A_334, %reduce_sum3A_339 [0] : vector<128x8xf32> to vector<8xf32>
    %broadcast_in_dim3A_341 = vector.shape_cast %reduce_sum3A_340 : vector<8xf32> to vector<1x8xf32>
    %add3A_342 = arith.addf %add3A_333, %broadcast_in_dim3A_341 : vector<1x8xf32>
    %slice3A_343 = vector.extract_strided_slice %convert_element_type3A_58 {offsets = [1920, 0], sizes = [128, 8], strides = [1, 1]} : vector<2048x8xf32> to vector<128x8xf32>
    %dot_general3A_344 = arith.constant dense<0.000000e+00> : vector<128x8xf32>
    %dot_general3A_345 = tpu.matmul %convert_element_type3A_62, %slice3A_343, %dot_general3A_344 {dimension_numbers = #tpu.dot_dimension_numbers<[1], [0], [0], [1], [0, 0, 1, 1], [], []>, transpose_lhs_hint = false} : vector<128x128xf32>, vector<128x8xf32>, vector<128x8xf32> -> vector<128x8xf32>
    %add3A_346 = vector.broadcast %add3A_342 : vector<1x8xf32> to vector<128x8xf32>
    %add3A_347 = arith.addf %dot_general3A_345, %add3A_346 : vector<128x8xf32>
    %reduce_sum3A_348 = arith.constant dense<0.000000e+00> : vector<8xf32>
    %reduce_sum3A_349 = vector.multi_reduction <add>, %slice3A_343, %reduce_sum3A_348 [0] : vector<128x8xf32> to vector<8xf32>
    %broadcast_in_dim3A_350 = vector.shape_cast %reduce_sum3A_349 : vector<8xf32> to vector<1x8xf32>
    %add3A_351 = arith.addf %add3A_342, %broadcast_in_dim3A_350 : vector<1x8xf32>
    %div3A_352 = arith.constant 2.560000e+02 : f32
    %div3A_353 = vector.broadcast %div3A_352 : f32 to vector<1x8xf32>
    %div3A_354 = arith.divf %add3A_351, %div3A_353 : vector<1x8xf32>
    %ceil3A = math.ceil %div3A_354 : vector<1x8xf32>
    %mul3A = arith.constant 2.560000e+02 : f32
    %mul3A_355 = vector.broadcast %mul3A : f32 to vector<1x8xf32>
    %mul3A_356 = arith.mulf %ceil3A, %mul3A_355 : vector<1x8xf32>
    %iota3A_357 = tpu.iota {dimensions = array<i32: 0>} : vector<8x8xi32>
    %iota3A_358 = tpu.iota {dimensions = array<i32: 1>} : vector<8x8xi32>
    %lt3A = arith.cmpi slt, %iota3A_357, %iota3A_358 : vector<8x8xi32>
    %convert_element_type3A_359 = arith.extui %lt3A : vector<8x8xi1> to vector<8x8xi32>
    %convert_element_type3A_360 = arith.sitofp %convert_element_type3A_359 : vector<8x8xi32> to vector<8x8xf32>
    %dot_general3A_361 = arith.constant dense<0.000000e+00> : vector<1x8xf32>
    %dot_general3A_362 = tpu.matmul %mul3A_356, %convert_element_type3A_360, %dot_general3A_361 {dimension_numbers = #tpu.dot_dimension_numbers<[1], [0], [0], [1], [0, 0, 1, 1], [], []>, transpose_lhs_hint = false} : vector<1x8xf32>, vector<8x8xf32>, vector<1x8xf32> -> vector<1x8xf32>
    %concatenate3A = tpu.concatenate %add3A_68, %add3A_77, %add3A_86, %add3A_95, %add3A_104, %add3A_113, %add3A_122, %add3A_131, %add3A_140, %add3A_149, %add3A_158, %add3A_167, %add3A_176, %add3A_185, %add3A_194, %add3A_203 in 0 : vector<128x8xf32>, vector<128x8xf32>, vector<128x8xf32>, vector<128x8xf32>, vector<128x8xf32>, vector<128x8xf32>, vector<128x8xf32>, vector<128x8xf32>, vector<128x8xf32>, vector<128x8xf32>, vector<128x8xf32>, vector<128x8xf32>, vector<128x8xf32>, vector<128x8xf32>, vector<128x8xf32>, vector<128x8xf32> -> vector<2048x8xf32>
    %concatenate3A_363 = tpu.concatenate %add3A_212, %add3A_221, %add3A_230, %add3A_239, %add3A_248, %add3A_257, %add3A_266, %add3A_275, %add3A_284, %add3A_293, %add3A_302, %add3A_311, %add3A_320, %add3A_329, %add3A_338, %add3A_347 in 0 : vector<128x8xf32>, vector<128x8xf32>, vector<128x8xf32>, vector<128x8xf32>, vector<128x8xf32>, vector<128x8xf32>, vector<128x8xf32>, vector<128x8xf32>, vector<128x8xf32>, vector<128x8xf32>, vector<128x8xf32>, vector<128x8xf32>, vector<128x8xf32>, vector<128x8xf32>, vector<128x8xf32>, vector<128x8xf32> -> vector<2048x8xf32>
    %add3A_364 = vector.broadcast %dot_general3A_362 : vector<1x8xf32> to vector<2048x8xf32>
    %add3A_365 = arith.addf %concatenate3A, %add3A_364 : vector<2048x8xf32>
    %mul3A_366 = arith.mulf %convert_element_type3A_54, %add3A_365 : vector<2048x8xf32>
    %reduce_sum3A_367 = arith.constant dense<0.000000e+00> : vector<2048xf32>
    %reduce_sum3A_368 = vector.multi_reduction <add>, %mul3A_366, %reduce_sum3A_367 [1] : vector<2048x8xf32> to vector<2048xf32>
    %broadcast_in_dim3A_369 = vector.shape_cast %reduce_sum3A_368 : vector<2048xf32> to vector<2048x1xf32>
    %add3A_370 = vector.broadcast %dot_general3A_362 : vector<1x8xf32> to vector<2048x8xf32>
    %add3A_371 = arith.addf %concatenate3A_363, %add3A_370 : vector<2048x8xf32>
    %mul3A_372 = arith.mulf %convert_element_type3A_58, %add3A_371 : vector<2048x8xf32>
    %reduce_sum3A_373 = arith.constant dense<0.000000e+00> : vector<2048xf32>
    %reduce_sum3A_374 = vector.multi_reduction <add>, %mul3A_372, %reduce_sum3A_373 [1] : vector<2048x8xf32> to vector<2048xf32>
    %broadcast_in_dim3A_375 = vector.shape_cast %reduce_sum3A_374 : vector<2048xf32> to vector<2048x1xf32>
    %convert_element_type3A_376 = arith.fptosi %broadcast_in_dim3A_369 : vector<2048x1xf32> to vector<2048x1xi32>
    %broadcast_in_dim3A_377 = vector.shape_cast %convert_element_type3A_376 : vector<2048x1xi32> to vector<2048x1xi32>
    %broadcast_in_dim3A_378 = vector.broadcast %broadcast_in_dim3A_377 : vector<2048x1xi32> to vector<2048x8xi32>
    %swap3A_379 = arith.constant 0 : index
    %swap3A_380 = arith.constant 0 : index
    %swap3A_381 = vector.load %arg3[%swap3A_379, %swap3A_380] : memref<2048x8xi32, #tpu.memory_space<vmem>>, vector<2048x8xi32>
    tpu.vector_store %arg3[%swap3A_379, %swap3A_380], %broadcast_in_dim3A_378 {strides = array<i32>} : memref<2048x8xi32, #tpu.memory_space<vmem>>, vector<2048x8xi32>,
    %convert_element_type3A_382 = arith.fptosi %broadcast_in_dim3A_375 : vector<2048x1xf32> to vector<2048x1xi32>
    %broadcast_in_dim3A_383 = vector.shape_cast %convert_element_type3A_382 : vector<2048x1xi32> to vector<2048x1xi32>
    %broadcast_in_dim3A_384 = vector.broadcast %broadcast_in_dim3A_383 : vector<2048x1xi32> to vector<2048x8xi32>
    %swap3A_385 = arith.constant 0 : index
    %swap3A_386 = arith.constant 0 : index
    %swap3A_387 = vector.load %arg4[%swap3A_385, %swap3A_386] : memref<2048x8xi32, #tpu.memory_space<vmem>>, vector<2048x8xi32>
    tpu.vector_store %arg4[%swap3A_385, %swap3A_386], %broadcast_in_dim3A_384 {strides = array<i32>} : memref<2048x8xi32, #tpu.memory_space<vmem>>, vector<2048x8xi32>,
    %add3A_388 = arith.addf %dot_general3A_362, %mul3A_356 : vector<1x8xf32>
    %div3A_389 = arith.constant 2.560000e+02 : f32
    %div3A_390 = vector.broadcast %div3A_389 : f32 to vector<1x8xf32>
    %div3A_391 = arith.divf %add3A_388, %div3A_390 : vector<1x8xf32>
    %convert_element_type3A_392 = arith.fptosi %div3A_391 : vector<1x8xf32> to vector<1x8xi32>
    %broadcast_in_dim3A_393 = vector.shape_cast %convert_element_type3A_392 : vector<1x8xi32> to vector<1x8xi32>
    %broadcast_in_dim3A_394 = vector.broadcast %broadcast_in_dim3A_393 : vector<1x8xi32> to vector<8x8xi32>
    %swap3A_395 = arith.constant 0 : index
    %swap3A_396 = arith.constant 0 : index
    %swap3A_397 = vector.load %arg7[%swap3A_395, %swap3A_396] : memref<8x8xi32, #tpu.memory_space<vmem>>, vector<8x8xi32>
    tpu.vector_store %arg7[%swap3A_395, %swap3A_396], %broadcast_in_dim3A_394 {strides = array<i32>} : memref<8x8xi32, #tpu.memory_space<vmem>>, vector<8x8xi32>,
    return
  }
}

module attributes {stable_mosaic.version = 14 : i64} {
  func.func @_ffn_body(%arg0: i32, %arg1: memref<24xi32, #tpu.memory_space<smem>>, %arg2: memref<24xi32, #tpu.memory_space<smem>>, %arg3: memref<256x1024xf32, #tpu.memory_space<vmem>>, %arg4: memref<1x1024x1024xf32, #tpu.memory_space<vmem>>, %arg5: memref<1x1x1024xf32, #tpu.memory_space<vmem>>, %arg6: memref<1x1x1024xf32, #tpu.memory_space<vmem>>, %arg7: memref<1x1x1024xf32, #tpu.memory_space<vmem>>, %arg8: memref<1x1024x1024xf32, #tpu.memory_space<vmem>>, %arg9: memref<1x1x1024xf32, #tpu.memory_space<vmem>>, %arg10: memref<1x1x1024xf32, #tpu.memory_space<vmem>>, %arg11: memref<1x1x1024xf32, #tpu.memory_space<vmem>>, %arg12: memref<1x1024x1024xf32, #tpu.memory_space<vmem>>, %arg13: memref<1x1x1024xf32, #tpu.memory_space<vmem>>, %arg14: memref<256x1024xf32, #tpu.memory_space<vmem>>) attributes {dimension_semantics = [#tpu.dimension_semantics<arbitrary>], iteration_bounds = array<i64: 24>, scalar_prefetch = 2 : i64, scratch_operands = 0 : i64, tpu.core_type = #tpu.core_type<tc>, window_params = [{transform_indices = @transform_0, window_bounds = array<i64: 256, 1024>}, {transform_indices = @transform_1, window_bounds = array<i64: 1, 1024, 1024>}, {transform_indices = @transform_2, window_bounds = array<i64: 1, 1, 1024>}, {transform_indices = @transform_3, window_bounds = array<i64: 1, 1, 1024>}, {transform_indices = @transform_4, window_bounds = array<i64: 1, 1, 1024>}, {transform_indices = @transform_5, window_bounds = array<i64: 1, 1024, 1024>}, {transform_indices = @transform_6, window_bounds = array<i64: 1, 1, 1024>}, {transform_indices = @transform_7, window_bounds = array<i64: 1, 1, 1024>}, {transform_indices = @transform_8, window_bounds = array<i64: 1, 1, 1024>}, {transform_indices = @transform_9, window_bounds = array<i64: 1, 1024, 1024>}, {transform_indices = @transform_10, window_bounds = array<i64: 1, 1, 1024>}, {transform_indices = @transform_11, window_bounds = array<i64: 256, 1024>}]} {
    %get3A = arith.index_cast %arg0 : i32 to index
    %get3A_0 = memref.load %arg2[%get3A] : memref<24xi32, #tpu.memory_space<smem>>
    %eq3A = arith.constant 1 : i32
    %eq3A_1 = arith.cmpi eq, %get3A_0, %eq3A : i32
    %convert_element_type3A = arith.extui %eq3A_1 : i1 to i32
    %cond3A = arith.constant 0 : i32
    %cond3A_2 = arith.cmpi ne, %convert_element_type3A, %cond3A : i32
    scf.if %cond3A_2 {
      %get3A_3 = arith.constant 0 : index
      %get3A_4 = arith.constant 0 : index
      %get3A_5 = vector.load %arg3[%get3A_3, %get3A_4] : memref<256x1024xf32, #tpu.memory_space<vmem>>, vector<256x1024xf32>
      %get3A_6 = arith.constant 0 : index
      %get3A_7 = arith.constant 0 : index
      %get3A_8 = arith.constant 0 : index
      %get3A_9 = vector.load %arg4[%get3A_6, %get3A_7, %get3A_8] : memref<1x1024x1024xf32, #tpu.memory_space<vmem>>, vector<1x1024x1024xf32>
      %get3A_10 = vector.shape_cast %get3A_9 : vector<1x1024x1024xf32> to vector<1024x1024xf32>
      %dot_general3A = arith.constant dense<0.000000e+00> : vector<256x1024xf32>
      %dot_general3A_11 = tpu.matmul %get3A_5, %get3A_10, %dot_general3A {dimension_numbers = #tpu.dot_dimension_numbers<[1], [0], [0], [1], [0, 0, 1, 1], [], []>, transpose_lhs_hint = false} : vector<256x1024xf32>, vector<1024x1024xf32>, vector<256x1024xf32> -> vector<256x1024xf32>
      %get3A_12 = arith.constant 0 : index
      %get3A_13 = arith.constant 0 : index
      %get3A_14 = arith.constant 0 : index
      %get3A_15 = vector.load %arg5[%get3A_12, %get3A_13, %get3A_14] : memref<1x1x1024xf32, #tpu.memory_space<vmem>>, vector<1x1x1024xf32>
      %get3A_16 = vector.shape_cast %get3A_15 : vector<1x1x1024xf32> to vector<1x1024xf32>
      %add3A = vector.broadcast %get3A_16 : vector<1x1024xf32> to vector<256x1024xf32>
      %add3A_17 = arith.addf %dot_general3A_11, %add3A : vector<256x1024xf32>
      %get3A_18 = arith.constant 0 : index
      %get3A_19 = arith.constant 0 : index
      %get3A_20 = arith.constant 0 : index
      %get3A_21 = vector.load %arg6[%get3A_18, %get3A_19, %get3A_20] : memref<1x1x1024xf32, #tpu.memory_space<vmem>>, vector<1x1x1024xf32>
      %get3A_22 = vector.shape_cast %get3A_21 : vector<1x1x1024xf32> to vector<1x1024xf32>
      %get3A_23 = arith.constant 0 : index
      %get3A_24 = arith.constant 0 : index
      %get3A_25 = arith.constant 0 : index
      %get3A_26 = vector.load %arg7[%get3A_23, %get3A_24, %get3A_25] : memref<1x1x1024xf32, #tpu.memory_space<vmem>>, vector<1x1x1024xf32>
      %get3A_27 = vector.shape_cast %get3A_26 : vector<1x1x1024xf32> to vector<1x1024xf32>
      %reduce_sum3A = arith.constant dense<0.000000e+00> : vector<256xf32>
      %reduce_sum3A_28 = vector.multi_reduction <add>, %add3A_17, %reduce_sum3A [1] : vector<256x1024xf32> to vector<256xf32>
      %broadcast_in_dim3A = vector.shape_cast %reduce_sum3A_28 : vector<256xf32> to vector<256x1xf32>
      %div3A = arith.constant 1.024000e+03 : f32
      %div3A_29 = vector.broadcast %div3A : f32 to vector<256x1xf32>
      %div3A_30 = arith.divf %broadcast_in_dim3A, %div3A_29 : vector<256x1xf32>
      %sub3A = vector.broadcast %div3A_30 : vector<256x1xf32> to vector<256x1024xf32>
      %sub3A_31 = arith.subf %add3A_17, %sub3A : vector<256x1024xf32>
      %integer_pow3A = arith.mulf %sub3A_31, %sub3A_31 : vector<256x1024xf32>
      %reduce_sum3A_32 = arith.constant dense<0.000000e+00> : vector<256xf32>
      %reduce_sum3A_33 = vector.multi_reduction <add>, %integer_pow3A, %reduce_sum3A_32 [1] : vector<256x1024xf32> to vector<256xf32>
      %broadcast_in_dim3A_34 = vector.shape_cast %reduce_sum3A_33 : vector<256xf32> to vector<256x1xf32>
      %div3A_35 = arith.constant 1.024000e+03 : f32
      %div3A_36 = vector.broadcast %div3A_35 : f32 to vector<256x1xf32>
      %div3A_37 = arith.divf %broadcast_in_dim3A_34, %div3A_36 : vector<256x1xf32>
      %sub3A_38 = vector.broadcast %div3A_30 : vector<256x1xf32> to vector<256x1024xf32>
      %sub3A_39 = arith.subf %add3A_17, %sub3A_38 : vector<256x1024xf32>
      %add3A_40 = arith.constant 9.99999974E-6 : f32
      %add3A_41 = vector.broadcast %add3A_40 : f32 to vector<256x1xf32>
      %add3A_42 = arith.addf %div3A_37, %add3A_41 : vector<256x1xf32>
      %sqrt3A = math.sqrt %add3A_42 : vector<256x1xf32>
      %div3A_43 = vector.broadcast %sqrt3A : vector<256x1xf32> to vector<256x1024xf32>
      %div3A_44 = arith.divf %sub3A_39, %div3A_43 : vector<256x1024xf32>
      %mul3A = vector.broadcast %get3A_22 : vector<1x1024xf32> to vector<256x1024xf32>
      %mul3A_45 = arith.mulf %div3A_44, %mul3A : vector<256x1024xf32>
      %add3A_46 = vector.broadcast %get3A_27 : vector<1x1024xf32> to vector<256x1024xf32>
      %add3A_47 = arith.addf %mul3A_45, %add3A_46 : vector<256x1024xf32>
      %mul3A_48 = arith.constant 5.000000e-01 : f32
      %mul3A_49 = vector.broadcast %mul3A_48 : f32 to vector<256x1024xf32>
      %mul3A_50 = arith.mulf %mul3A_49, %add3A_47 : vector<256x1024xf32>
      %mul3A_51 = arith.constant 0.707106769 : f32
      %mul3A_52 = vector.broadcast %mul3A_51 : f32 to vector<256x1024xf32>
      %mul3A_53 = arith.mulf %add3A_47, %mul3A_52 : vector<256x1024xf32>
      %erf3A = math.erf %mul3A_53 : vector<256x1024xf32>
      %add3A_54 = arith.constant 1.000000e+00 : f32
      %add3A_55 = vector.broadcast %add3A_54 : f32 to vector<256x1024xf32>
      %add3A_56 = arith.addf %add3A_55, %erf3A : vector<256x1024xf32>
      %mul3A_57 = arith.mulf %mul3A_50, %add3A_56 : vector<256x1024xf32>
      %get3A_58 = arith.constant 0 : index
      %get3A_59 = arith.constant 0 : index
      %get3A_60 = arith.constant 0 : index
      %get3A_61 = vector.load %arg8[%get3A_58, %get3A_59, %get3A_60] : memref<1x1024x1024xf32, #tpu.memory_space<vmem>>, vector<1x1024x1024xf32>
      %get3A_62 = vector.shape_cast %get3A_61 : vector<1x1024x1024xf32> to vector<1024x1024xf32>
      %dot_general3A_63 = arith.constant dense<0.000000e+00> : vector<256x1024xf32>
      %dot_general3A_64 = tpu.matmul %mul3A_57, %get3A_62, %dot_general3A_63 {dimension_numbers = #tpu.dot_dimension_numbers<[1], [0], [0], [1], [0, 0, 1, 1], [], []>, transpose_lhs_hint = false} : vector<256x1024xf32>, vector<1024x1024xf32>, vector<256x1024xf32> -> vector<256x1024xf32>
      %get3A_65 = arith.constant 0 : index
      %get3A_66 = arith.constant 0 : index
      %get3A_67 = arith.constant 0 : index
      %get3A_68 = vector.load %arg9[%get3A_65, %get3A_66, %get3A_67] : memref<1x1x1024xf32, #tpu.memory_space<vmem>>, vector<1x1x1024xf32>
      %get3A_69 = vector.shape_cast %get3A_68 : vector<1x1x1024xf32> to vector<1x1024xf32>
      %add3A_70 = vector.broadcast %get3A_69 : vector<1x1024xf32> to vector<256x1024xf32>
      %add3A_71 = arith.addf %dot_general3A_64, %add3A_70 : vector<256x1024xf32>
      %get3A_72 = arith.constant 0 : index
      %get3A_73 = arith.constant 0 : index
      %get3A_74 = arith.constant 0 : index
      %get3A_75 = vector.load %arg10[%get3A_72, %get3A_73, %get3A_74] : memref<1x1x1024xf32, #tpu.memory_space<vmem>>, vector<1x1x1024xf32>
      %get3A_76 = vector.shape_cast %get3A_75 : vector<1x1x1024xf32> to vector<1x1024xf32>
      %get3A_77 = arith.constant 0 : index
      %get3A_78 = arith.constant 0 : index
      %get3A_79 = arith.constant 0 : index
      %get3A_80 = vector.load %arg11[%get3A_77, %get3A_78, %get3A_79] : memref<1x1x1024xf32, #tpu.memory_space<vmem>>, vector<1x1x1024xf32>
      %get3A_81 = vector.shape_cast %get3A_80 : vector<1x1x1024xf32> to vector<1x1024xf32>
      %reduce_sum3A_82 = arith.constant dense<0.000000e+00> : vector<256xf32>
      %reduce_sum3A_83 = vector.multi_reduction <add>, %add3A_71, %reduce_sum3A_82 [1] : vector<256x1024xf32> to vector<256xf32>
      %broadcast_in_dim3A_84 = vector.shape_cast %reduce_sum3A_83 : vector<256xf32> to vector<256x1xf32>
      %div3A_85 = arith.constant 1.024000e+03 : f32
      %div3A_86 = vector.broadcast %div3A_85 : f32 to vector<256x1xf32>
      %div3A_87 = arith.divf %broadcast_in_dim3A_84, %div3A_86 : vector<256x1xf32>
      %sub3A_88 = vector.broadcast %div3A_87 : vector<256x1xf32> to vector<256x1024xf32>
      %sub3A_89 = arith.subf %add3A_71, %sub3A_88 : vector<256x1024xf32>
      %integer_pow3A_90 = arith.mulf %sub3A_89, %sub3A_89 : vector<256x1024xf32>
      %reduce_sum3A_91 = arith.constant dense<0.000000e+00> : vector<256xf32>
      %reduce_sum3A_92 = vector.multi_reduction <add>, %integer_pow3A_90, %reduce_sum3A_91 [1] : vector<256x1024xf32> to vector<256xf32>
      %broadcast_in_dim3A_93 = vector.shape_cast %reduce_sum3A_92 : vector<256xf32> to vector<256x1xf32>
      %div3A_94 = arith.constant 1.024000e+03 : f32
      %div3A_95 = vector.broadcast %div3A_94 : f32 to vector<256x1xf32>
      %div3A_96 = arith.divf %broadcast_in_dim3A_93, %div3A_95 : vector<256x1xf32>
      %sub3A_97 = vector.broadcast %div3A_87 : vector<256x1xf32> to vector<256x1024xf32>
      %sub3A_98 = arith.subf %add3A_71, %sub3A_97 : vector<256x1024xf32>
      %add3A_99 = arith.constant 9.99999974E-6 : f32
      %add3A_100 = vector.broadcast %add3A_99 : f32 to vector<256x1xf32>
      %add3A_101 = arith.addf %div3A_96, %add3A_100 : vector<256x1xf32>
      %sqrt3A_102 = math.sqrt %add3A_101 : vector<256x1xf32>
      %div3A_103 = vector.broadcast %sqrt3A_102 : vector<256x1xf32> to vector<256x1024xf32>
      %div3A_104 = arith.divf %sub3A_98, %div3A_103 : vector<256x1024xf32>
      %mul3A_105 = vector.broadcast %get3A_76 : vector<1x1024xf32> to vector<256x1024xf32>
      %mul3A_106 = arith.mulf %div3A_104, %mul3A_105 : vector<256x1024xf32>
      %add3A_107 = vector.broadcast %get3A_81 : vector<1x1024xf32> to vector<256x1024xf32>
      %add3A_108 = arith.addf %mul3A_106, %add3A_107 : vector<256x1024xf32>
      %mul3A_109 = arith.constant 5.000000e-01 : f32
      %mul3A_110 = vector.broadcast %mul3A_109 : f32 to vector<256x1024xf32>
      %mul3A_111 = arith.mulf %mul3A_110, %add3A_108 : vector<256x1024xf32>
      %mul3A_112 = arith.constant 0.707106769 : f32
      %mul3A_113 = vector.broadcast %mul3A_112 : f32 to vector<256x1024xf32>
      %mul3A_114 = arith.mulf %add3A_108, %mul3A_113 : vector<256x1024xf32>
      %erf3A_115 = math.erf %mul3A_114 : vector<256x1024xf32>
      %add3A_116 = arith.constant 1.000000e+00 : f32
      %add3A_117 = vector.broadcast %add3A_116 : f32 to vector<256x1024xf32>
      %add3A_118 = arith.addf %add3A_117, %erf3A_115 : vector<256x1024xf32>
      %mul3A_119 = arith.mulf %mul3A_111, %add3A_118 : vector<256x1024xf32>
      %get3A_120 = arith.constant 0 : index
      %get3A_121 = arith.constant 0 : index
      %get3A_122 = arith.constant 0 : index
      %get3A_123 = vector.load %arg12[%get3A_120, %get3A_121, %get3A_122] : memref<1x1024x1024xf32, #tpu.memory_space<vmem>>, vector<1x1024x1024xf32>
      %get3A_124 = vector.shape_cast %get3A_123 : vector<1x1024x1024xf32> to vector<1024x1024xf32>
      %dot_general3A_125 = arith.constant dense<0.000000e+00> : vector<256x1024xf32>
      %dot_general3A_126 = tpu.matmul %mul3A_119, %get3A_124, %dot_general3A_125 {dimension_numbers = #tpu.dot_dimension_numbers<[1], [0], [0], [1], [0, 0, 1, 1], [], []>, transpose_lhs_hint = false} : vector<256x1024xf32>, vector<1024x1024xf32>, vector<256x1024xf32> -> vector<256x1024xf32>
      %get3A_127 = arith.constant 0 : index
      %get3A_128 = arith.constant 0 : index
      %get3A_129 = arith.constant 0 : index
      %get3A_130 = vector.load %arg13[%get3A_127, %get3A_128, %get3A_129] : memref<1x1x1024xf32, #tpu.memory_space<vmem>>, vector<1x1x1024xf32>
      %get3A_131 = vector.shape_cast %get3A_130 : vector<1x1x1024xf32> to vector<1x1024xf32>
      %add3A_132 = vector.broadcast %get3A_131 : vector<1x1024xf32> to vector<256x1024xf32>
      %add3A_133 = arith.addf %dot_general3A_126, %add3A_132 : vector<256x1024xf32>
      %swap3A = arith.constant 0 : index
      %swap3A_134 = arith.constant 0 : index
      %swap3A_135 = vector.load %arg14[%swap3A, %swap3A_134] : memref<256x1024xf32, #tpu.memory_space<vmem>>, vector<256x1024xf32>
      tpu.vector_store %arg14[%swap3A, %swap3A_134], %add3A_133 {strides = array<i32>} : memref<256x1024xf32, #tpu.memory_space<vmem>>, vector<256x1024xf32>,
    } else {
    }
    return
  }
  func.func @transform_0(%arg0: i32, %arg1: memref<24xi32, #tpu.memory_space<smem>>, %arg2: memref<24xi32, #tpu.memory_space<smem>>) -> (i32, i32) {
    %c0_i32 = arith.constant 0 : i32
    %c0_i32_0 = arith.constant 0 : i32
    return %arg0, %c0_i32 : i32, i32
  }
  func.func @transform_1(%arg0: i32, %arg1: memref<24xi32, #tpu.memory_space<smem>>, %arg2: memref<24xi32, #tpu.memory_space<smem>>) -> (i32, i32, i32) {
    %get3A = arith.index_cast %arg0 : i32 to index
    %get3A_0 = memref.load %arg1[%get3A] : memref<24xi32, #tpu.memory_space<smem>>
    %c0_i32 = arith.constant 0 : i32
    %c0_i32_1 = arith.constant 0 : i32
    %c0_i32_2 = arith.constant 0 : i32
    return %get3A_0, %c0_i32, %c0_i32_1 : i32, i32, i32
  }
  func.func @transform_2(%arg0: i32, %arg1: memref<24xi32, #tpu.memory_space<smem>>, %arg2: memref<24xi32, #tpu.memory_space<smem>>) -> (i32, i32, i32) {
    %get3A = arith.index_cast %arg0 : i32 to index
    %get3A_0 = memref.load %arg1[%get3A] : memref<24xi32, #tpu.memory_space<smem>>
    %c0_i32 = arith.constant 0 : i32
    %c0_i32_1 = arith.constant 0 : i32
    %c0_i32_2 = arith.constant 0 : i32
    return %get3A_0, %c0_i32, %c0_i32_1 : i32, i32, i32
  }
  func.func @transform_3(%arg0: i32, %arg1: memref<24xi32, #tpu.memory_space<smem>>, %arg2: memref<24xi32, #tpu.memory_space<smem>>) -> (i32, i32, i32) {
    %get3A = arith.index_cast %arg0 : i32 to index
    %get3A_0 = memref.load %arg1[%get3A] : memref<24xi32, #tpu.memory_space<smem>>
    %c0_i32 = arith.constant 0 : i32
    %c0_i32_1 = arith.constant 0 : i32
    %c0_i32_2 = arith.constant 0 : i32
    return %get3A_0, %c0_i32, %c0_i32_1 : i32, i32, i32
  }
  func.func @transform_4(%arg0: i32, %arg1: memref<24xi32, #tpu.memory_space<smem>>, %arg2: memref<24xi32, #tpu.memory_space<smem>>) -> (i32, i32, i32) {
    %get3A = arith.index_cast %arg0 : i32 to index
    %get3A_0 = memref.load %arg1[%get3A] : memref<24xi32, #tpu.memory_space<smem>>
    %c0_i32 = arith.constant 0 : i32
    %c0_i32_1 = arith.constant 0 : i32
    %c0_i32_2 = arith.constant 0 : i32
    return %get3A_0, %c0_i32, %c0_i32_1 : i32, i32, i32
  }
  func.func @transform_5(%arg0: i32, %arg1: memref<24xi32, #tpu.memory_space<smem>>, %arg2: memref<24xi32, #tpu.memory_space<smem>>) -> (i32, i32, i32) {
    %get3A = arith.index_cast %arg0 : i32 to index
    %get3A_0 = memref.load %arg1[%get3A] : memref<24xi32, #tpu.memory_space<smem>>
    %c0_i32 = arith.constant 0 : i32
    %c0_i32_1 = arith.constant 0 : i32
    %c0_i32_2 = arith.constant 0 : i32
    return %get3A_0, %c0_i32, %c0_i32_1 : i32, i32, i32
  }
  func.func @transform_6(%arg0: i32, %arg1: memref<24xi32, #tpu.memory_space<smem>>, %arg2: memref<24xi32, #tpu.memory_space<smem>>) -> (i32, i32, i32) {
    %get3A = arith.index_cast %arg0 : i32 to index
    %get3A_0 = memref.load %arg1[%get3A] : memref<24xi32, #tpu.memory_space<smem>>
    %c0_i32 = arith.constant 0 : i32
    %c0_i32_1 = arith.constant 0 : i32
    %c0_i32_2 = arith.constant 0 : i32
    return %get3A_0, %c0_i32, %c0_i32_1 : i32, i32, i32
  }
  func.func @transform_7(%arg0: i32, %arg1: memref<24xi32, #tpu.memory_space<smem>>, %arg2: memref<24xi32, #tpu.memory_space<smem>>) -> (i32, i32, i32) {
    %get3A = arith.index_cast %arg0 : i32 to index
    %get3A_0 = memref.load %arg1[%get3A] : memref<24xi32, #tpu.memory_space<smem>>
    %c0_i32 = arith.constant 0 : i32
    %c0_i32_1 = arith.constant 0 : i32
    %c0_i32_2 = arith.constant 0 : i32
    return %get3A_0, %c0_i32, %c0_i32_1 : i32, i32, i32
  }
  func.func @transform_8(%arg0: i32, %arg1: memref<24xi32, #tpu.memory_space<smem>>, %arg2: memref<24xi32, #tpu.memory_space<smem>>) -> (i32, i32, i32) {
    %get3A = arith.index_cast %arg0 : i32 to index
    %get3A_0 = memref.load %arg1[%get3A] : memref<24xi32, #tpu.memory_space<smem>>
    %c0_i32 = arith.constant 0 : i32
    %c0_i32_1 = arith.constant 0 : i32
    %c0_i32_2 = arith.constant 0 : i32
    return %get3A_0, %c0_i32, %c0_i32_1 : i32, i32, i32
  }
  func.func @transform_9(%arg0: i32, %arg1: memref<24xi32, #tpu.memory_space<smem>>, %arg2: memref<24xi32, #tpu.memory_space<smem>>) -> (i32, i32, i32) {
    %get3A = arith.index_cast %arg0 : i32 to index
    %get3A_0 = memref.load %arg1[%get3A] : memref<24xi32, #tpu.memory_space<smem>>
    %c0_i32 = arith.constant 0 : i32
    %c0_i32_1 = arith.constant 0 : i32
    %c0_i32_2 = arith.constant 0 : i32
    return %get3A_0, %c0_i32, %c0_i32_1 : i32, i32, i32
  }
  func.func @transform_10(%arg0: i32, %arg1: memref<24xi32, #tpu.memory_space<smem>>, %arg2: memref<24xi32, #tpu.memory_space<smem>>) -> (i32, i32, i32) {
    %get3A = arith.index_cast %arg0 : i32 to index
    %get3A_0 = memref.load %arg1[%get3A] : memref<24xi32, #tpu.memory_space<smem>>
    %c0_i32 = arith.constant 0 : i32
    %c0_i32_1 = arith.constant 0 : i32
    %c0_i32_2 = arith.constant 0 : i32
    return %get3A_0, %c0_i32, %c0_i32_1 : i32, i32, i32
  }
  func.func @transform_11(%arg0: i32, %arg1: memref<24xi32, #tpu.memory_space<smem>>, %arg2: memref<24xi32, #tpu.memory_space<smem>>) -> (i32, i32) {
    %c0_i32 = arith.constant 0 : i32
    %c0_i32_0 = arith.constant 0 : i32
    return %arg0, %c0_i32 : i32, i32
  }
}

</mosaic_0001>

<sc_bundles>
// kernel: kernel.6.cloned.1.call-start
scs
__scs_entry_jumppad:
0x0: {  	(pc) =	sbr.rel $0x88, $3  }
0x1: {  	(tag) =	ssettag $0x0;
	lr =	simm.s32 $0x1  }
0x2: {  	[smem:$0x3F94] =	sst lr;
	_ =	strace $0xD0000000  }
0x3: {  	_ = 	snop  }
0x4: {  	_ = 	snop  }
0x5: {  	_ = 	snop  }
0x6: {  	_ = 	snop  }
0x7: {  	_ = 	snop  }
__scs_overlays_trampoline_lowered:
0x8: {  	[smem:$0x3FA3] =	sst s0  }
0x9: {  	[smem:$0x3FA4] =	sst s1  }
0xa: {  	[smem:$0x3FA5] =	sst s2  }
0xb: {  	[smem:$0x3FA6] =	sst s3  }
0xc: {  	[smem:$0x3FA7] =	sst s4  }
0xd: {  	[smem:$0x3FA8] =	sst s5  }
0xe: {  	[smem:$0x3FA9] =	sst s6  }
0xf: {  	[smem:$0x3FAA] =	sst s7  }
0x10: {  	[smem:$0x3FAB] =	sst s8  }
0x11: {  	[smem:$0x3FAC] =	sst s9;
	s0 =	simm.s32 @!p0 $0x0  }
0x12: {  	s1 =	sld [smem:$0x3F92];
	s0 =	simm.s32 @p0 $0x1  }
0x13: {  	[smem:$0x3FAD] =	sst s0;
	s0 =	simm.s32 @!p1 $0x0  }
0x14: {  	s2 =	sld [smem:$0x3F91];
	s0 =	simm.s32 @p1 $0x1  }
0x15: {  	[smem:$0x3FAE] =	sst s0;
	s0 =	simm.s32 @!p2 $0x0  }
0x16: {  	s3 =	sld [smem:$0x3FDB];
	s0 =	simm.s32 @p2 $0x1  }
0x17: {  	s4 =	simm.s32 $0x1BF5;
	[smem:$0x3FB0] =	sst s0  }
0x18: {  	s0 =	sld [smem:$0x3F93];
	_ =	swait.ge [sflag:s4], $0x0  }
0x19: {  	s7 =	sld [smem:$0x3F94]  }
0x1a: {  	s8 =	sadd.s32 $0xFFFFE003, lr  }
0x1b: {  	s9 =	sadd.s32 $0xFFFFFEF7, lr;
	s5 =	simm.s32 $0xFFFFFFFF;
	p2 =	slt.u32 s8, $0xFFFFF086  }
0x1c: {  	p1 =	slt.u32 s9, $0xF7A;
	s5 =	simm.s32 @!p2 $0x0  }
0x1d: {  	s5 =	simm.s32 @p1 $0x1;
	p0 =	seq.s32 s7, s2  }
0x1e: {  	s7 =	smul.u32 @!p0 $0xF7A, s2;
	p2 =	seq.s32 @!p0 s5, $0x0  }
0x1f: {  	s9 =	smul.u32 $0xF7A, s1;
	s8 =	simm.s32 @!p0 $0x1BF5;
	p2 =	por !p2, p0  }
0x20: {  	[sflag:s8] =	ssyncset.s32 @!p0 $0xFFFFF086;
	s6 =	sadd.s32 @!p0 s3, s7;
	s7 =	simm.s32 @!p0 $0x108  }
0x21: {  	s3 =	sadd.s32 s3, s9;
	s6 =	sadd.s32 @!p0 $0x88, s6;
	s7 =	simm.s32 @p2 $0x1082  }
0x22: {  	[simem:s7], [sflag:s8] =	dma.local @!p0 [hbm:s6], $0xF7A  }
0x23: {  	s9 =	sor.u32 $0xD0000000, s2;
	s6 =	simm.s32 $0x108;
	_ =	swait.ge @!p0 [sflag:s8], $0x0  }
0x24: {  	s3 =	sadd.s32 $0x88, s3;
	s6 =	simm.s32 @!p1 $0x1082;
	[sflag:s4] =	ssyncset.s32 $0xFFFFF086  }
0x25: {  	[simem:s6], [sflag:s4] =	dma.local [hbm:s3], $0xF7A  }
0x26: {  	[smem:$0x3F94] =	sst s1;
	(tag) =	ssettag s2;
	_ =	strace s9  }
0x27: {  	s1 =	sld [smem:$0x3FA4]  }
0x28: {  	s2 =	sld [smem:$0x3FA5]  }
0x29: {  	s4 =	sld [smem:$0x3FA7]  }
0x2a: {  	p0 =	seq.s32 s5, $0x0;
	s5 =	sld [smem:$0x3FA8]  }
0x2b: {  	s6 =	sld [smem:$0x3FA9]  }
0x2c: {  	s7 =	sld [smem:$0x3FAA]  }
0x2d: {  	s3 =	simm.s32 $0x108;
	s8 =	sld [smem:$0x3FAB]  }
0x2e: {  	s3 =	simm.s32 @!p0 $0x1082;
	s9 =	sld [smem:$0x3FAC]  }
0x2f: {  	lr =	sadd.s32 s0, s3;
	s0 =	sld [smem:$0x3FA3]  }
0x30: {  	s3 =	sld [smem:$0x3FA6]  }
0x31: {  	[smem:$0x3FAF] =	sst s10  }
0x32: {  	s10 =	sld [smem:$0x3FAD];
	_ =	sdelay $0x3  }
0x33: {  	p0 =	seq.s32 s10, $0x1;
	s10 =	sld [smem:$0x3FAF];
	_ =	sdelay $0x3  }
0x34: {  	[smem:$0x3FAF] =	sst s10  }
0x35: {  	s10 =	sld [smem:$0x3FAE];
	_ =	sdelay $0x3  }
0x36: {  	p1 =	seq.s32 s10, $0x1;
	s10 =	sld [smem:$0x3FAF];
	_ =	sdelay $0x3  }
0x37: {  	[smem:$0x3FAF] =	sst s10  }
0x38: {  	s10 =	sld [smem:$0x3FB0]  }
0x39: {  	_ = 	snop;
	(pc) =	sbr.ind lr, $3  }
0x3a: {  	_ = 	snop  }
0x3b: {  	_ = 	snop  }
0x3c: {  	p2 =	seq.s32 s10, $0x1;
	s10 =	sld [smem:$0x3FAF]  }
0x3d: {  	_ =	shalt  }
0x3e: {  	_ =	shalt  }
0x3f: {  	_ =	shalt  }
0x40: {  	_ =	shalt  }
0x41: {  	_ =	shalt  }
0x42: {  	_ =	shalt  }
0x43: {  	_ =	shalt  }
0x44: {  	_ =	shalt  }
0x45: {  	_ =	shalt  }
0x46: {  	_ =	shalt  }
0x47: {  	_ =	shalt  }
0x48: {  	_ =	shalt  }
0x49: {  	_ =	shalt  }
0x4a: {  	_ =	shalt  }
0x4b: {  	_ =	shalt  }
0x4c: {  	_ =	shalt  }
0x4d: {  	_ =	shalt  }
0x4e: {  	_ =	shalt  }
0x4f: {  	_ =	shalt  }
0x50: {  	_ =	shalt  }
0x51: {  	_ =	shalt  }
0x52: {  	_ =	shalt  }
0x53: {  	_ =	shalt  }
0x54: {  	_ =	shalt  }
0x55: {  	_ =	shalt  }
0x56: {  	_ =	shalt  }
0x57: {  	_ =	shalt  }
0x58: {  	_ =	shalt  }
0x59: {  	_ =	shalt  }
0x5a: {  	_ =	shalt  }
0x5b: {  	_ =	shalt  }
0x5c: {  	_ =	shalt  }
0x5d: {  	_ =	shalt  }
0x5e: {  	_ =	shalt  }
0x5f: {  	_ =	shalt  }
0x60: {  	_ =	shalt  }
0x61: {  	_ =	shalt  }
0x62: {  	_ =	shalt  }
0x63: {  	_ =	shalt  }
0x64: {  	_ =	shalt  }
0x65: {  	_ =	shalt  }
0x66: {  	_ =	shalt  }
0x67: {  	_ =	shalt  }
0x68: {  	_ =	shalt  }
0x69: {  	_ =	shalt  }
0x6a: {  	_ =	shalt  }
0x6b: {  	_ =	shalt  }
0x6c: {  	_ =	shalt  }
0x6d: {  	_ =	shalt  }
0x6e: {  	_ =	shalt  }
0x6f: {  	_ =	shalt  }
0x70: {  	_ =	shalt  }
0x71: {  	_ =	shalt  }
0x72: {  	_ =	shalt  }
0x73: {  	_ =	shalt  }
0x74: {  	_ =	shalt  }
0x75: {  	_ =	shalt  }
0x76: {  	_ =	shalt  }
0x77: {  	_ =	shalt  }
0x78: {  	_ =	shalt  }
0x79: {  	_ =	shalt  }
0x7a: {  	_ =	shalt  }
0x7b: {  	_ =	shalt  }
0x7c: {  	_ =	shalt  }
0x7d: {  	_ =	shalt  }
0x7e: {  	_ =	shalt  }
0x7f: {  	_ =	shalt  }
0x80: {  	_ =	shalt  }
0x81: {  	_ =	shalt  }
0x82: {  	_ =	shalt  }
0x83: {  	_ =	shalt  }
0x84: {  	_ =	shalt  }
0x85: {  	_ =	shalt  }
0x86: {  	_ =	shalt  }
0x87: {  	_ =	shalt  }
.Lfunc_end0:
.L_simem_size_0:
called_computation_lowered:
.L_overlay_start_0:
0x88: {  	s2 =	sld [smem:$0x3FD9]  }
0x89: {  	s3 =	sld [smem:$0x3FFE];
	_ =	sdelay $0x1  }
0x8a: {  	s1 =	srdreg.scid  }
0x8b: {  	s0 =	sand.u32 $0x1, s1  }
0x8c: {  	s17 =	sshll.u32 s0, $0xA;
	s2 =	sadd.s32 s3, s2  }
0x8d: {  	s2 =	sadd.s32 s2, s17  }
0x8e: {  	[smem:$0x3FBB] =	sst s2  }
0x8f: {  	_ = 	snop  }
0x90: {  	s2 =	sld [smem:$0x3FC9];
	(tm) =	ssettm $0x1  }
0x91: {  	s18 =	sld [smem:$0x3FFB];
	_ =	sdelay $0x3  }
0x92: {  	_ =	strace s18  }
0x93: {  	s3 =	sld [smem:$0x3FFC];
	_ =	sdelay $0x3  }
0x94: {  	_ =	strace s3  }
0x95: {  	s3 =	sld [smem:$0x3FFD];
	_ =	sdelay $0x3  }
0x96: {  	_ =	strace s3  }
0x97: {  	_ =	strace $0x8FFFFFFF  }
0x98: {  	s19 =	sld [smem:$0x3FDB];
	_ =	sdelay $0x1  }
0x99: {  	s4 =	simm.s32 $_scs_section_size  }
0x9a: {  	s5 =	simm.s32 $_size__tile_overlayer_lowered;
	s6 =	simm.s32 $_tile_overlayer_lowered  }
0x9b: {  	s22 =	simm.s32 $0x1BFF;
	s21 =	sshll.u32 s6, $0x1;
	s3 =	sadd.s32 s4, s19  }
0x9c: {  	s7 =	simm.s32 $0x0;
	s20 =	sshll.u32 s5, $0x1;
	s5 =	sadd.s32 s21, s3  }
0x9d: {  	[timem:s7], [sflag:s22] =	dma.local [hbm:s5], s20  }
0x9e: {  	_ =	swait.ge [sflag:s22], s20  }
0x9f: {  	s4 =	ssub.s32 $0x0, s20;
	[sflag:s22] =	ssyncset.done $0x0  }
0xa0: {  	[sflag:s22] =	ssyncadd.s32 s4;
	_ =	sdelay $0x1  }
0xa1: {  	s23 =	simm.s32 $0x1B8B  }
0xa2: {  	_ =	swait.ge [sflag:s23], $0x1  }
0xa3: {  	[sflag:s23] =	ssyncset.done $0x0  }
0xa4: {  	s25 =	simm.s32 $0x1B8E;
	s24 =	sld [smem:$0x3FFE];
	[sflag:s23] =	ssyncadd.s32 $0xFFFFFFFF  }
0xa5: {  	s26 =	simm.s32 $execute0_lowered;
	[smem:$0x3FD2] =	sst s25  }
0xa6: {  	s5 =	sshll.u32 s26, $0x1;
	_ =	strace $0x80000046;
	[dreg:$0x1] =	wrdreg $0xFFFFFFFF  }
0xa7: {  	s28 =	simm.s32 $_size_execute0_lowered;
	s3 =	sadd.s32 s3, s5;
	[dreg:$0x0] =	wrdreg $0x0  }
0xa8: {  	s5 =	sshll.u32 s28, $0x1;
	[dreg:$0x2] =	wrdreg s3  }
0xa9: {  	[dreg:$0x3] =	wrdreg s5  }
0xaa: {  	[dreg:$0x4] =	wrdreg $0xC0  }
0xab: {  	_ =	task [dreg:s7], $0x5FFFF  }
0xac: {  	[dreg:$0x1] =	wrdreg $0xFFFFFFFF  }
0xad: {  	[dreg:$0x0] =	wrdreg $0x60  }
0xae: {  	[dreg:$0x2] =	wrdreg s2  }
0xaf: {  	[dreg:$0x3] =	wrdreg s24  }
0xb0: {  	[dreg:$0x4] =	wrdreg $0x9  }
0xb1: {  	_ =	task.clear_ibuf [dreg:s7], $0x5FFFF;
	_ =	strace $0x90000046  }
0xb2: {  	s29 =	simm.s32 $0x9;
	_ =	strace $0x80000048  }
0xb3: {  	_ =	swait.ge [sflag:s29], $0x1  }
0xb4: {  	[sflag:s29] =	ssyncadd.s32 $0xFFFFFFFF  }
0xb5: {  	_ =	strace $0x90000048  }
0xb6: {  	_ =	sfence  }
0xb7: {  	s30 =	sld [smem:$0x0];
	_ =	sdelay $0x2  }
0xb8: {  	s31 =	sshll.u32 s1, $0xD;
	s1 =	sshrl.u32 s1, $0x2  }
0xb9: {  	s3 =	sand.u32 $0x4000, s31;
	s1 =	sadd.s32 s1, s30  }
0xba: {  	s0 =	sor.u32 s3, s0;
	s1 =	sshll.u32 s1, $0x11  }
0xbb: {  	s0 =	sor.u32 s1, s0  }
0xbc: {  	s0 =	sadd.s32 $0x8F2B, s0  }
0xbd: {  	[sflag:s0] =	ssyncadd.remote.s32 $0x1  }
0xbe: {  	_ =	sfence.sel $0xFFFF  }
0xbf: {  	[dreg:$0x0] =	wrdreg $0xFFFFFFFF;
	(pc) =	sbr.abs _section_cstart, $3  }
0xc0: {  	[dreg:$0x1] =	wrdreg $0xFFFFFFFF  }
0xc1: {  	_ =	task.clear_ibuf [dreg:s7], $0x2FFFF;
	_ =	strace $0x9FFFFFFF  }
0xc2: {  	(tm) =	ssettm $0x7FFFFFFF  }
0xc3: {  	_ =	shalt  }
tec
execute0_lowered:
.L_overlay_start_1:
0x0: {  	(tag) =	ssettag $0x1  }
0x1: {  	s0 =	srdreg.scid  }
0x2: {  	s1 =	rddreg [dreg:$0x0];
	s2 =	stileid.u32  }
0x3: {  	s6 =	rddreg [dreg:$0x1];
	s26 =	simm.s32 $0x80;
	s18 =	simm.s32 $0x100  }
0x4: {  	s22 =	simm.s32 $0x1900;
	s23 =	simm.s32 $0x2100;
	s24 =	simm.s32 $0x2900  }
0x5: {  	s25 =	simm.s32 $0x3100;
	s28 =	simm.s32 $0x4100;
	s29 =	simm.s32 $0x4900  }
0x6: {  	s30 =	simm.s32 $0x5100;
	s31 =	simm.s32 $0x5900;
	s10 =	simm.s32 $0x7100  }
0x7: {  	s11 =	simm.s32 $0x7900;
	s12 =	simm.s32 $0x8100;
	s13 =	simm.s32 $0x8900  }
0x8: {  	s14 =	simm.s32 $0x9100;
	s15 =	simm.s32 $0x9900;
	s16 =	simm.s32 $0xA100  }
0x9: {  	s17 =	simm.s32 $0xA900;
	s9 =	simm.s32 $0xB100;
	s19 =	simm.s32 $0xB900  }
0xa: {  	s0 =	sand.u32 $0x1, s0;
	s3 =	sshll.u32 s2, $0x7;
	s2 =	simm.s32 $0x0  }
0xb: {  	s4 =	sshll.u32 s0, $0x6;
	[smem:$0x7FF] =	sst s2;
	s0 =	ssub.s32 $0x2, s0  }
0xc: {  	s4 =	sor.u32 s4, s3;
	_ =	strace $0x80000047;
	s7 =	sshrl.u32 s0, $0x1  }
0xd: {  	[dreg:$0x6] =	wrdreg s26;
	s3 =	sshrl.u32 s4, $0x3;
	s4 =	sshll.u32 s4, $0x7  }
0xe: {  	s26 =	simm.s32 $0x3900;
	s5 =	sadd.s32 s3, s6;
	s1 =	sadd.s32 s1, s4  }
0xf: {  	s0 =	ssub.s32 s0, s7;
	s8 =	sadd.s32 $0x11200, s5;
	[dreg:$0x5] =	wrdreg s1  }
0x10: {  	v2 =	vlaneseq.u32;
	s3 =	sadd.s32 $0x11400, s6;
	s5 =	sadd.s32 $0x11000, s5;
	[dreg:$0x3] =	wrdreg s8  }
0x11: {  	vm0 =	vmmov $0xffff;
	v1 =	vshrl.u32 v2, $0x3;
	s4 =	sadd.s32 $0x11500, s6;
	s7 =	smax.u32 s0, $0x1;
	[dreg:$0x4] =	wrdreg s5  }
0x12: {  	v0 =	vand.u32 $0x7, v2;
	v2 =	vor.u32 $0x8, v2;
	v1 =	vmul.u32 $0x8, v1;
	s5 =	sadd.s32 $0x11600, s6;
	s6 =	sadd.s32 $0x11700, s6;
	s8 =	simm.s32 $0x3  }
.LBB2_1:
0x13: {  	s20 =	rddreg [dreg:$0x3]  }
0x14: {  	[tilespmem:s2], [sflag:$0x3] =	stream.linear.gather [hbm4b:s20+s2], $0x40, $0x38;
	[tilespmem:$0x10100] =	vst v63  }
0x15: {  	_ =	swait.ge [sflag:s8], $0x40  }
0x16: {  	s0 =	rddreg [dreg:$0x4];
	[sflag:s8] =	ssyncset.done $0x0  }
0x17: {  	s21 =	rddreg [dreg:$0x6];
	[sflag:s8] =	ssyncadd.s32 $0xFFFFFFC0  }
0x18: {  	[tilespmem:s21], [sflag:$0x3] =	stream.linear.gather [hbm4b:s0+s2], $0x40, $0x38;
	[tilespmem:$0x10100] =	vst v63  }
0x19: {  	_ =	swait.ge [sflag:s8], $0x40  }
0x1a: {  	[sflag:s8] =	ssyncset.done $0x0  }
0x1b: {  	s1 =	rddreg [dreg:$0x5];
	[sflag:s8] =	ssyncadd.s32 $0xFFFFFFC0  }
0x1c: {  	[tilespmem:s18], [sflag:$0x3] =	stream.linear.gather [hbm4b:s1+s2], $0x10000, $0x38;
	[tilespmem:$0x10100] =	vst v63  }
0x1d: {  	_ =	swait.ge [sflag:s8], $0x10000  }
0x1e: {  	[sflag:s8] =	ssyncset.done $0x0  }
0x1f: {  	[sflag:s8] =	ssyncadd.s32 $0xFFFF0000  }
0x20: {  	v3 =	vld [tilespmem:$0x0];
	_ =	sdelay $0x4  }
0x21: {  	v4 =	vshll.u32 v3, $0x3  }
0x22: {  	v3 =	vand.u32 $0x7, v3;
	v4 =	vand.u32 $0xFFFFFFC0, v4  }
0x23: {  	v3 =	vor.u32 v3, v4  }
0x24: {  	v4 =	vperm.xlane v3, v0;
	_ =	sdelay $0x1  }
0x25: {  	v4 =	vadd.s32 v1, v4;
	_ =	sdelay $0x4  }
0x26: {  	[hbm4b:s3+s2] =	stream.indirect_vreg.scatter [tilespmem:s18], [sflag:$0x1], $0x80, v4, vm0, $0xb8;
	[tilespmem:$0x10100] =	vst v63  }
0x27: {  	s20 =	simm.s32 $0x900;
	v3 =	vperm.xlane v3, v2  }
0x28: {  	[hbm4b:s4+s2] =	stream.indirect_vreg.scatter [tilespmem:s20], [sflag:$0x1], $0x80, v4, vm0, $0xb8;
	[tilespmem:$0x10100] =	vst v63  }
0x29: {  	s21 =	simm.s32 $0x1100;
	v3 =	vadd.s32 v1, v3  }
0x2a: {  	[hbm4b:s5+s2] =	stream.indirect_vreg.scatter [tilespmem:s21], [sflag:$0x1], $0x80, v4, vm0, $0xb8;
	[tilespmem:$0x10100] =	vst v63  }
0x2b: {  	_ = 	snop  }
0x2c: {  	[hbm4b:s6+s2] =	stream.indirect_vreg.scatter [tilespmem:s22], [sflag:$0x1], $0x80, v4, vm0, $0xb8;
	[tilespmem:$0x10100] =	vst v63  }
0x2d: {  	_ = 	snop  }
0x2e: {  	[hbm4b:s3+s2] =	stream.indirect_vreg.scatter [tilespmem:s23], [sflag:$0x1], $0x80, v3, vm0, $0xb8;
	[tilespmem:$0x10100] =	vst v63  }
0x2f: {  	_ = 	snop  }
0x30: {  	[hbm4b:s4+s2] =	stream.indirect_vreg.scatter [tilespmem:s24], [sflag:$0x1], $0x80, v3, vm0, $0xb8;
	[tilespmem:$0x10100] =	vst v63  }
0x31: {  	_ = 	snop  }
0x32: {  	[hbm4b:s5+s2] =	stream.indirect_vreg.scatter [tilespmem:s25], [sflag:$0x1], $0x80, v3, vm0, $0xb8;
	[tilespmem:$0x10100] =	vst v63  }
0x33: {  	_ = 	snop  }
0x34: {  	[hbm4b:s6+s2] =	stream.indirect_vreg.scatter [tilespmem:s26], [sflag:$0x1], $0x80, v3, vm0, $0xb8;
	[tilespmem:$0x10100] =	vst v63  }
0x35: {  	v3 =	vld [tilespmem:$0x10];
	_ =	sdelay $0x4  }
0x36: {  	v57 =	vshll.u32 v3, $0x3  }
0x37: {  	v3 =	vand.u32 $0x7, v3;
	v4 =	vand.u32 $0xFFFFFFC0, v57  }
0x38: {  	v3 =	vor.u32 v3, v4  }
0x39: {  	v4 =	vperm.xlane v3, v0;
	_ =	sdelay $0x1  }
0x3a: {  	v4 =	vadd.s32 v1, v4;
	_ =	sdelay $0x4  }
0x3b: {  	[hbm4b:s3+s2] =	stream.indirect_vreg.scatter [tilespmem:s28], [sflag:$0x1], $0x80, v4, vm0, $0xb8;
	[tilespmem:$0x10100] =	vst v63  }
0x3c: {  	v3 =	vperm.xlane v3, v2  }
0x3d: {  	[hbm4b:s4+s2] =	stream.indirect_vreg.scatter [tilespmem:s29], [sflag:$0x1], $0x80, v4, vm0, $0xb8;
	[tilespmem:$0x10100] =	vst v63  }
0x3e: {  	v3 =	vadd.s32 v1, v3  }
0x3f: {  	[hbm4b:s5+s2] =	stream.indirect_vreg.scatter [tilespmem:s30], [sflag:$0x1], $0x80, v4, vm0, $0xb8;
	[tilespmem:$0x10100] =	vst v63  }
0x40: {  	_ = 	snop  }
0x41: {  	[hbm4b:s6+s2] =	stream.indirect_vreg.scatter [tilespmem:s31], [sflag:$0x1], $0x80, v4, vm0, $0xb8;
	[tilespmem:$0x10100] =	vst v63  }
0x42: {  	s1 =	simm.s32 $0x6100  }
0x43: {  	[hbm4b:s3+s2] =	stream.indirect_vreg.scatter [tilespmem:s1], [sflag:$0x1], $0x80, v3, vm0, $0xb8;
	[tilespmem:$0x10100] =	vst v63  }
0x44: {  	s0 =	simm.s32 $0x6900  }
0x45: {  	[hbm4b:s4+s2] =	stream.indirect_vreg.scatter [tilespmem:s0], [sflag:$0x1], $0x80, v3, vm0, $0xb8;
	[tilespmem:$0x10100] =	vst v63  }
0x46: {  	_ = 	snop  }
0x47: {  	[hbm4b:s5+s2] =	stream.indirect_vreg.scatter [tilespmem:s10], [sflag:$0x1], $0x80, v3, vm0, $0xb8;
	[tilespmem:$0x10100] =	vst v63  }
0x48: {  	_ = 	snop  }
0x49: {  	[hbm4b:s6+s2] =	stream.indirect_vreg.scatter [tilespmem:s11], [sflag:$0x1], $0x80, v3, vm0, $0xb8;
	[tilespmem:$0x10100] =	vst v63  }
0x4a: {  	v3 =	vld [tilespmem:$0x20];
	_ =	sdelay $0x4  }
0x4b: {  	v58 =	vshll.u32 v3, $0x3  }
0x4c: {  	v3 =	vand.u32 $0x7, v3;
	v4 =	vand.u32 $0xFFFFFFC0, v58  }
0x4d: {  	v3 =	vor.u32 v3, v4  }
0x4e: {  	v4 =	vperm.xlane v3, v0;
	_ =	sdelay $0x1  }
0x4f: {  	v4 =	vadd.s32 v1, v4;
	_ =	sdelay $0x4  }
0x50: {  	[hbm4b:s3+s2] =	stream.indirect_vreg.scatter [tilespmem:s12], [sflag:$0x1], $0x80, v4, vm0, $0xb8;
	[tilespmem:$0x10100] =	vst v63  }
0x51: {  	v3 =	vperm.xlane v3, v2  }
0x52: {  	[hbm4b:s4+s2] =	stream.indirect_vreg.scatter [tilespmem:s13], [sflag:$0x1], $0x80, v4, vm0, $0xb8;
	[tilespmem:$0x10100] =	vst v63  }
0x53: {  	v3 =	vadd.s32 v1, v3  }
0x54: {  	[hbm4b:s5+s2] =	stream.indirect_vreg.scatter [tilespmem:s14], [sflag:$0x1], $0x80, v4, vm0, $0xb8;
	[tilespmem:$0x10100] =	vst v63  }
0x55: {  	_ = 	snop  }
0x56: {  	[hbm4b:s6+s2] =	stream.indirect_vreg.scatter [tilespmem:s15], [sflag:$0x1], $0x80, v4, vm0, $0xb8;
	[tilespmem:$0x10100] =	vst v63  }
0x57: {  	_ = 	snop  }
0x58: {  	[hbm4b:s3+s2] =	stream.indirect_vreg.scatter [tilespmem:s16], [sflag:$0x1], $0x80, v3, vm0, $0xb8;
	[tilespmem:$0x10100] =	vst v63  }
0x59: {  	_ = 	snop  }
0x5a: {  	[hbm4b:s4+s2] =	stream.indirect_vreg.scatter [tilespmem:s17], [sflag:$0x1], $0x80, v3, vm0, $0xb8;
	[tilespmem:$0x10100] =	vst v63  }
0x5b: {  	_ = 	snop  }
0x5c: {  	[hbm4b:s5+s2] =	stream.indirect_vreg.scatter [tilespmem:s9], [sflag:$0x1], $0x80, v3, vm0, $0xb8;
	[tilespmem:$0x10100] =	vst v63  }
0x5d: {  	_ = 	snop  }
0x5e: {  	[hbm4b:s6+s2] =	stream.indirect_vreg.scatter [tilespmem:s19], [sflag:$0x1], $0x80, v3, vm0, $0xb8;
	[tilespmem:$0x10100] =	vst v63  }
0x5f: {  	v3 =	vld [tilespmem:$0x30];
	_ =	sdelay $0x4  }
0x60: {  	v59 =	vshll.u32 v3, $0x3  }
0x61: {  	v3 =	vand.u32 $0x7, v3;
	v4 =	vand.u32 $0xFFFFFFC0, v59  }
0x62: {  	v3 =	vor.u32 v3, v4  }
0x63: {  	v4 =	vperm.xlane v3, v0;
	_ =	sdelay $0x1  }
0x64: {  	v4 =	vadd.s32 v1, v4;
	_ =	sdelay $0x3  }
0x65: {  	s0 =	simm.s32 $0xC100  }
0x66: {  	[hbm4b:s3+s2] =	stream.indirect_vreg.scatter [tilespmem:s0], [sflag:$0x1], $0x80, v4, vm0, $0xb8;
	[tilespmem:$0x10100] =	vst v63  }
0x67: {  	v3 =	vperm.xlane v3, v2;
	s0 =	simm.s32 $0xC900  }
0x68: {  	[hbm4b:s4+s2] =	stream.indirect_vreg.scatter [tilespmem:s0], [sflag:$0x1], $0x80, v4, vm0, $0xb8;
	[tilespmem:$0x10100] =	vst v63  }
0x69: {  	v3 =	vadd.s32 v1, v3;
	s0 =	simm.s32 $0xD100  }
0x6a: {  	[hbm4b:s5+s2] =	stream.indirect_vreg.scatter [tilespmem:s0], [sflag:$0x1], $0x80, v4, vm0, $0xb8;
	[tilespmem:$0x10100] =	vst v63  }
0x6b: {  	s0 =	simm.s32 $0xD900  }
0x6c: {  	[hbm4b:s6+s2] =	stream.indirect_vreg.scatter [tilespmem:s0], [sflag:$0x1], $0x80, v4, vm0, $0xb8;
	[tilespmem:$0x10100] =	vst v63  }
0x6d: {  	s0 =	simm.s32 $0xE100  }
0x6e: {  	[hbm4b:s3+s2] =	stream.indirect_vreg.scatter [tilespmem:s0], [sflag:$0x1], $0x80, v3, vm0, $0xb8;
	[tilespmem:$0x10100] =	vst v63  }
0x6f: {  	s0 =	simm.s32 $0xE900  }
0x70: {  	[hbm4b:s4+s2] =	stream.indirect_vreg.scatter [tilespmem:s0], [sflag:$0x1], $0x80, v3, vm0, $0xb8;
	[tilespmem:$0x10100] =	vst v63  }
0x71: {  	s0 =	simm.s32 $0xF100  }
0x72: {  	[hbm4b:s5+s2] =	stream.indirect_vreg.scatter [tilespmem:s0], [sflag:$0x1], $0x80, v3, vm0, $0xb8;
	[tilespmem:$0x10100] =	vst v63  }
0x73: {  	s0 =	simm.s32 $0xF900  }
0x74: {  	[hbm4b:s6+s2] =	stream.indirect_vreg.scatter [tilespmem:s0], [sflag:$0x1], $0x80, v3, vm0, $0xb8;
	[tilespmem:$0x10100] =	vst v63  }
0x75: {  	v3 =	vld [tilespmem:$0x80];
	_ =	sdelay $0x4  }
0x76: {  	v60 =	vshll.u32 v3, $0x3  }
0x77: {  	v3 =	vand.u32 $0x7, v3;
	v4 =	vand.u32 $0xFFFFFFC0, v60  }
0x78: {  	v3 =	vor.u32 v3, v4  }
0x79: {  	v4 =	vperm.xlane v3, v0;
	_ =	sdelay $0x1  }
0x7a: {  	v4 =	vadd.s32 v1, v4;
	_ =	sdelay $0x4  }
0x7b: {  	[hbm4b:s3+s2] =	stream.indirect_vreg.scatter [tilespmem:s18], [sflag:$0x2], $0x80, v4, vm0, $0xb8;
	[tilespmem:$0x10100] =	vst v63  }
0x7c: {  	v3 =	vperm.xlane v3, v2  }
0x7d: {  	[hbm4b:s4+s2] =	stream.indirect_vreg.scatter [tilespmem:s20], [sflag:$0x2], $0x80, v4, vm0, $0xb8;
	[tilespmem:$0x10100] =	vst v63  }
0x7e: {  	v3 =	vadd.s32 v1, v3  }
0x7f: {  	[hbm4b:s5+s2] =	stream.indirect_vreg.scatter [tilespmem:s21], [sflag:$0x2], $0x80, v4, vm0, $0xb8;
	[tilespmem:$0x10100] =	vst v63  }
0x80: {  	_ = 	snop  }
0x81: {  	[hbm4b:s6+s2] =	stream.indirect_vreg.scatter [tilespmem:s22], [sflag:$0x2], $0x80, v4, vm0, $0xb8;
	[tilespmem:$0x10100] =	vst v63  }
0x82: {  	_ = 	snop  }
0x83: {  	[hbm4b:s3+s2] =	stream.indirect_vreg.scatter [tilespmem:s23], [sflag:$0x2], $0x80, v3, vm0, $0xb8;
	[tilespmem:$0x10100] =	vst v63  }
0x84: {  	_ = 	snop  }
0x85: {  	[hbm4b:s4+s2] =	stream.indirect_vreg.scatter [tilespmem:s24], [sflag:$0x2], $0x80, v3, vm0, $0xb8;
	[tilespmem:$0x10100] =	vst v63  }
0x86: {  	_ = 	snop  }
0x87: {  	[hbm4b:s5+s2] =	stream.indirect_vreg.scatter [tilespmem:s25], [sflag:$0x2], $0x80, v3, vm0, $0xb8;
	[tilespmem:$0x10100] =	vst v63  }
0x88: {  	_ = 	snop  }
0x89: {  	[hbm4b:s6+s2] =	stream.indirect_vreg.scatter [tilespmem:s26], [sflag:$0x2], $0x80, v3, vm0, $0xb8;
	[tilespmem:$0x10100] =	vst v63  }
0x8a: {  	v3 =	vld [tilespmem:$0x90];
	_ =	sdelay $0x4  }
0x8b: {  	v61 =	vshll.u32 v3, $0x3  }
0x8c: {  	v3 =	vand.u32 $0x7, v3;
	v4 =	vand.u32 $0xFFFFFFC0, v61  }
0x8d: {  	v3 =	vor.u32 v3, v4  }
0x8e: {  	v4 =	vperm.xlane v3, v0;
	_ =	sdelay $0x1  }
0x8f: {  	v4 =	vadd.s32 v1, v4;
	_ =	sdelay $0x4  }
0x90: {  	[hbm4b:s3+s2] =	stream.indirect_vreg.scatter [tilespmem:s28], [sflag:$0x2], $0x80, v4, vm0, $0xb8;
	[tilespmem:$0x10100] =	vst v63  }
0x91: {  	v3 =	vperm.xlane v3, v2  }
0x92: {  	[hbm4b:s4+s2] =	stream.indirect_vreg.scatter [tilespmem:s29], [sflag:$0x2], $0x80, v4, vm0, $0xb8;
	[tilespmem:$0x10100] =	vst v63  }
0x93: {  	v3 =	vadd.s32 v1, v3  }
0x94: {  	[hbm4b:s5+s2] =	stream.indirect_vreg.scatter [tilespmem:s30], [sflag:$0x2], $0x80, v4, vm0, $0xb8;
	[tilespmem:$0x10100] =	vst v63  }
0x95: {  	_ = 	snop  }
0x96: {  	[hbm4b:s6+s2] =	stream.indirect_vreg.scatter [tilespmem:s31], [sflag:$0x2], $0x80, v4, vm0, $0xb8;
	[tilespmem:$0x10100] =	vst v63  }
0x97: {  	_ = 	snop  }
0x98: {  	[hbm4b:s3+s2] =	stream.indirect_vreg.scatter [tilespmem:s1], [sflag:$0x2], $0x80, v3, vm0, $0xb8;
	[tilespmem:$0x10100] =	vst v63  }
0x99: {  	s20 =	simm.s32 $0x6900  }
0x9a: {  	[hbm4b:s4+s2] =	stream.indirect_vreg.scatter [tilespmem:s20], [sflag:$0x2], $0x80, v3, vm0, $0xb8;
	[tilespmem:$0x10100] =	vst v63  }
0x9b: {  	_ = 	snop  }
0x9c: {  	[hbm4b:s5+s2] =	stream.indirect_vreg.scatter [tilespmem:s10], [sflag:$0x2], $0x80, v3, vm0, $0xb8;
	[tilespmem:$0x10100] =	vst v63  }
0x9d: {  	_ = 	snop  }
0x9e: {  	[hbm4b:s6+s2] =	stream.indirect_vreg.scatter [tilespmem:s11], [sflag:$0x2], $0x80, v3, vm0, $0xb8;
	[tilespmem:$0x10100] =	vst v63  }
0x9f: {  	v3 =	vld [tilespmem:$0xA0];
	_ =	sdelay $0x4  }
0xa0: {  	v62 =	vshll.u32 v3, $0x3  }
0xa1: {  	v3 =	vand.u32 $0x7, v3;
	v4 =	vand.u32 $0xFFFFFFC0, v62  }
0xa2: {  	v3 =	vor.u32 v3, v4  }
0xa3: {  	v4 =	vperm.xlane v3, v0;
	_ =	sdelay $0x1  }
0xa4: {  	v4 =	vadd.s32 v1, v4;
	_ =	sdelay $0x4  }
0xa5: {  	[hbm4b:s3+s2] =	stream.indirect_vreg.scatter [tilespmem:s12], [sflag:$0x2], $0x80, v4, vm0, $0xb8;
	[tilespmem:$0x10100] =	vst v63  }
0xa6: {  	v3 =	vperm.xlane v3, v2  }
0xa7: {  	[hbm4b:s4+s2] =	stream.indirect_vreg.scatter [tilespmem:s13], [sflag:$0x2], $0x80, v4, vm0, $0xb8;
	[tilespmem:$0x10100] =	vst v63  }
0xa8: {  	v3 =	vadd.s32 v1, v3  }
0xa9: {  	[hbm4b:s5+s2] =	stream.indirect_vreg.scatter [tilespmem:s14], [sflag:$0x2], $0x80, v4, vm0, $0xb8;
	[tilespmem:$0x10100] =	vst v63  }
0xaa: {  	_ = 	snop  }
0xab: {  	[hbm4b:s6+s2] =	stream.indirect_vreg.scatter [tilespmem:s15], [sflag:$0x2], $0x80, v4, vm0, $0xb8;
	[tilespmem:$0x10100] =	vst v63  }
0xac: {  	_ = 	snop  }
0xad: {  	[hbm4b:s3+s2] =	stream.indirect_vreg.scatter [tilespmem:s16], [sflag:$0x2], $0x80, v3, vm0, $0xb8;
	[tilespmem:$0x10100] =	vst v63  }
0xae: {  	_ = 	snop  }
0xaf: {  	[hbm4b:s4+s2] =	stream.indirect_vreg.scatter [tilespmem:s17], [sflag:$0x2], $0x80, v3, vm0, $0xb8;
	[tilespmem:$0x10100] =	vst v63  }
0xb0: {  	_ = 	snop  }
0xb1: {  	[hbm4b:s5+s2] =	stream.indirect_vreg.scatter [tilespmem:s9], [sflag:$0x2], $0x80, v3, vm0, $0xb8;
	[tilespmem:$0x10100] =	vst v63  }
0xb2: {  	_ = 	snop  }
0xb3: {  	[hbm4b:s6+s2] =	stream.indirect_vreg.scatter [tilespmem:s19], [sflag:$0x2], $0x80, v3, vm0, $0xb8;
	[tilespmem:$0x10100] =	vst v63  }
0xb4: {  	v3 =	vld [tilespmem:$0xB0];
	_ =	sdelay $0x4  }
0xb5: {  	v63 =	vshll.u32 v3, $0x3  }
0xb6: {  	v3 =	vand.u32 $0x7, v3;
	v4 =	vand.u32 $0xFFFFFFC0, v63  }
0xb7: {  	v3 =	vor.u32 v3, v4  }
0xb8: {  	v4 =	vperm.xlane v3, v0;
	_ =	sdelay $0x1  }
0xb9: {  	v4 =	vadd.s32 v1, v4;
	_ =	sdelay $0x3  }
0xba: {  	s21 =	simm.s32 $0xC100  }
0xbb: {  	[hbm4b:s3+s2] =	stream.indirect_vreg.scatter [tilespmem:s21], [sflag:$0x2], $0x80, v4, vm0, $0xb8;
	[tilespmem:$0x10100] =	vst v63  }
0xbc: {  	s20 =	simm.s32 $0xC900;
	v3 =	vperm.xlane v3, v2  }
0xbd: {  	[hbm4b:s4+s2] =	stream.indirect_vreg.scatter [tilespmem:s20], [sflag:$0x2], $0x80, v4, vm0, $0xb8;
	[tilespmem:$0x10100] =	vst v63  }
0xbe: {  	v3 =	vadd.s32 v1, v3;
	s21 =	simm.s32 $0xD100  }
0xbf: {  	[hbm4b:s5+s2] =	stream.indirect_vreg.scatter [tilespmem:s21], [sflag:$0x2], $0x80, v4, vm0, $0xb8;
	[tilespmem:$0x10100] =	vst v63  }
0xc0: {  	s20 =	simm.s32 $0xD900  }
0xc1: {  	[hbm4b:s6+s2] =	stream.indirect_vreg.scatter [tilespmem:s20], [sflag:$0x2], $0x80, v4, vm0, $0xb8;
	[tilespmem:$0x10100] =	vst v63  }
0xc2: {  	s21 =	simm.s32 $0xE100  }
0xc3: {  	[hbm4b:s3+s2] =	stream.indirect_vreg.scatter [tilespmem:s21], [sflag:$0x2], $0x80, v3, vm0, $0xb8;
	[tilespmem:$0x10100] =	vst v63  }
0xc4: {  	s20 =	simm.s32 $0xE900  }
0xc5: {  	[hbm4b:s4+s2] =	stream.indirect_vreg.scatter [tilespmem:s20], [sflag:$0x2], $0x80, v3, vm0, $0xb8;
	[tilespmem:$0x10100] =	vst v63  }
0xc6: {  	s21 =	simm.s32 $0xF100  }
0xc7: {  	[hbm4b:s5+s2] =	stream.indirect_vreg.scatter [tilespmem:s21], [sflag:$0x2], $0x80, v3, vm0, $0xb8;
	[tilespmem:$0x10100] =	vst v63  }
0xc8: {  	s20 =	simm.s32 $0x1  }
0xc9: {  	[hbm4b:s6+s2] =	stream.indirect_vreg.scatter [tilespmem:s0], [sflag:$0x2], $0x80, v3, vm0, $0xb8;
	[tilespmem:$0x10100] =	vst v63  }
0xca: {  	p0 =	sne.s32 s7, $0x1;
	_ =	swait.ge [sflag:s20], $0x10000  }
.Ltmp0:
0xcb: {  	[sflag:s20] =	ssyncset.done $0x0;
	(pc) =	sbr.rel @p0 .LBB2_1-.Ltmp0, $4  }
0xcc: {  	s21 =	simm.s32 $0x2;
	[sflag:s20] =	ssyncadd.s32 $0xFFFF0000  }
0xcd: {  	_ =	swait.ge [sflag:s21], $0x10000  }
0xce: {  	[sflag:s21] =	ssyncset.done $0x0  }
0xcf: {  	s7 =	sadd.s32 $0xFFFFFFFF, s7;
	[sflag:s21] =	ssyncadd.s32 $0xFFFF0000  }
0xd0: {  	_ =	sfence.sel $0x180000  }
0xd1: {  	[bflag:$0x0] =	sbarrier.arrive $0xFFFF  }
0xd2: {  	_ =	strace $0x90000047  }
0xd3: {  	s0 =	stileid.u32;
	[bflag:$0x2] =	sbarrier.arrive $0xFFFF  }
0xd4: {  	p0 =	sne.s32 s0, $0x0;
	s0 =	rddreg [dreg:$0x2]  }
0xd5: {  	s0 =	sadd.s32 @!p0 $0x100000, s0  }
0xd6: {  	[sflag:s0] =	ssyncadd.tile.s32 @!p0 $0x1;
	_ =	shalt  }
.Lfunc_end2:
_tile_overlayer_lowered:
.L_overlay_start_2:
0xd7: {  	(tag) =	ssettag $0x2  }
0xd8: {  	s0 =	rddreg [dreg:$0x0];
	s2 =	stileid.u32  }
0xd9: {  	s1 =	rddreg [dreg:$0x1];
	p0 =	sne.s32 s2, $0x0  }
0xda: {  	s3 =	rddreg [dreg:$0x2];
	[bflag:$0x3] =	sbarrier.arrive $0xFFFF;
	s2 =	simm.s32 @!p0 $0x1C03  }
0xdb: {  	[timem:s3], [sflag:s2] =	dma.local @!p0 [hbm:s0], s1  }
0xdc: {  	s0 =	simm.s32 @!p0 $0x3  }
0xdd: {  	_ =	swait.ge @!p0 [sflag:s0], s1  }
0xde: {  	s1 =	ssub.s32 @!p0 $0x0, s1;
	[sflag:s0] =	ssyncset.done @!p0 $0x0  }
0xdf: {  	[sflag:s0] =	ssyncadd.s32 @!p0 s1  }
0xe0: {  	[bflag:$0x3] =	sbarrier.arrive $0xFFFF  }
0xe1: {  	_ =	shalt  }

// kernel: kernel.9.cloned.1.call-start
scs
__scs_entry_jumppad:
0x0: {  	(pc) =	sbr.rel $0x88, $3  }
0x1: {  	(tag) =	ssettag $0x0;
	lr =	simm.s32 $0x1  }
0x2: {  	[smem:$0x3F94] =	sst lr;
	_ =	strace $0xD0000000  }
0x3: {  	_ = 	snop  }
0x4: {  	_ = 	snop  }
0x5: {  	_ = 	snop  }
0x6: {  	_ = 	snop  }
0x7: {  	_ = 	snop  }
__scs_overlays_trampoline_lowered:
0x8: {  	[smem:$0x3FA3] =	sst s0  }
0x9: {  	[smem:$0x3FA4] =	sst s1  }
0xa: {  	[smem:$0x3FA5] =	sst s2  }
0xb: {  	[smem:$0x3FA6] =	sst s3  }
0xc: {  	[smem:$0x3FA7] =	sst s4  }
0xd: {  	[smem:$0x3FA8] =	sst s5  }
0xe: {  	[smem:$0x3FA9] =	sst s6  }
0xf: {  	[smem:$0x3FAA] =	sst s7  }
0x10: {  	[smem:$0x3FAB] =	sst s8  }
0x11: {  	[smem:$0x3FAC] =	sst s9;
	s0 =	simm.s32 @!p0 $0x0  }
0x12: {  	s1 =	sld [smem:$0x3F92];
	s0 =	simm.s32 @p0 $0x1  }
0x13: {  	[smem:$0x3FAD] =	sst s0;
	s0 =	simm.s32 @!p1 $0x0  }
0x14: {  	s2 =	sld [smem:$0x3F91];
	s0 =	simm.s32 @p1 $0x1  }
0x15: {  	[smem:$0x3FAE] =	sst s0;
	s0 =	simm.s32 @!p2 $0x0  }
0x16: {  	s3 =	sld [smem:$0x3FDB];
	s0 =	simm.s32 @p2 $0x1  }
0x17: {  	s4 =	simm.s32 $0x1BF5;
	[smem:$0x3FB0] =	sst s0  }
0x18: {  	s0 =	sld [smem:$0x3F93];
	_ =	swait.ge [sflag:s4], $0x0  }
0x19: {  	s7 =	sld [smem:$0x3F94]  }
0x1a: {  	s8 =	sadd.s32 $0xFFFFE003, lr  }
0x1b: {  	s9 =	sadd.s32 $0xFFFFFEF7, lr;
	s5 =	simm.s32 $0xFFFFFFFF;
	p2 =	slt.u32 s8, $0xFFFFF086  }
0x1c: {  	p1 =	slt.u32 s9, $0xF7A;
	s5 =	simm.s32 @!p2 $0x0  }
0x1d: {  	s5 =	simm.s32 @p1 $0x1;
	p0 =	seq.s32 s7, s2  }
0x1e: {  	s7 =	smul.u32 @!p0 $0xF7A, s2;
	p2 =	seq.s32 @!p0 s5, $0x0  }
0x1f: {  	s9 =	smul.u32 $0xF7A, s1;
	s8 =	simm.s32 @!p0 $0x1BF5;
	p2 =	por !p2, p0  }
0x20: {  	[sflag:s8] =	ssyncset.s32 @!p0 $0xFFFFF086;
	s6 =	sadd.s32 @!p0 s3, s7;
	s7 =	simm.s32 @!p0 $0x108  }
0x21: {  	s3 =	sadd.s32 s3, s9;
	s6 =	sadd.s32 @!p0 $0x88, s6;
	s7 =	simm.s32 @p2 $0x1082  }
0x22: {  	[simem:s7], [sflag:s8] =	dma.local @!p0 [hbm:s6], $0xF7A  }
0x23: {  	s9 =	sor.u32 $0xD0000000, s2;
	s6 =	simm.s32 $0x108;
	_ =	swait.ge @!p0 [sflag:s8], $0x0  }
0x24: {  	s3 =	sadd.s32 $0x88, s3;
	s6 =	simm.s32 @!p1 $0x1082;
	[sflag:s4] =	ssyncset.s32 $0xFFFFF086  }
0x25: {  	[simem:s6], [sflag:s4] =	dma.local [hbm:s3], $0xF7A  }
0x26: {  	[smem:$0x3F94] =	sst s1;
	(tag) =	ssettag s2;
	_ =	strace s9  }
0x27: {  	s1 =	sld [smem:$0x3FA4]  }
0x28: {  	s2 =	sld [smem:$0x3FA5]  }
0x29: {  	s4 =	sld [smem:$0x3FA7]  }
0x2a: {  	p0 =	seq.s32 s5, $0x0;
	s5 =	sld [smem:$0x3FA8]  }
0x2b: {  	s6 =	sld [smem:$0x3FA9]  }
0x2c: {  	s7 =	sld [smem:$0x3FAA]  }
0x2d: {  	s3 =	simm.s32 $0x108;
	s8 =	sld [smem:$0x3FAB]  }
0x2e: {  	s3 =	simm.s32 @!p0 $0x1082;
	s9 =	sld [smem:$0x3FAC]  }
0x2f: {  	lr =	sadd.s32 s0, s3;
	s0 =	sld [smem:$0x3FA3]  }
0x30: {  	s3 =	sld [smem:$0x3FA6]  }
0x31: {  	[smem:$0x3FAF] =	sst s10  }
0x32: {  	s10 =	sld [smem:$0x3FAD];
	_ =	sdelay $0x3  }
0x33: {  	p0 =	seq.s32 s10, $0x1;
	s10 =	sld [smem:$0x3FAF];
	_ =	sdelay $0x3  }
0x34: {  	[smem:$0x3FAF] =	sst s10  }
0x35: {  	s10 =	sld [smem:$0x3FAE];
	_ =	sdelay $0x3  }
0x36: {  	p1 =	seq.s32 s10, $0x1;
	s10 =	sld [smem:$0x3FAF];
	_ =	sdelay $0x3  }
0x37: {  	[smem:$0x3FAF] =	sst s10  }
0x38: {  	s10 =	sld [smem:$0x3FB0]  }
0x39: {  	_ = 	snop;
	(pc) =	sbr.ind lr, $3  }
0x3a: {  	_ = 	snop  }
0x3b: {  	_ = 	snop  }
0x3c: {  	p2 =	seq.s32 s10, $0x1;
	s10 =	sld [smem:$0x3FAF]  }
0x3d: {  	_ =	shalt  }
0x3e: {  	_ =	shalt  }
0x3f: {  	_ =	shalt  }
0x40: {  	_ =	shalt  }
0x41: {  	_ =	shalt  }
0x42: {  	_ =	shalt  }
0x43: {  	_ =	shalt  }
0x44: {  	_ =	shalt  }
0x45: {  	_ =	shalt  }
0x46: {  	_ =	shalt  }
0x47: {  	_ =	shalt  }
0x48: {  	_ =	shalt  }
0x49: {  	_ =	shalt  }
0x4a: {  	_ =	shalt  }
0x4b: {  	_ =	shalt  }
0x4c: {  	_ =	shalt  }
0x4d: {  	_ =	shalt  }
0x4e: {  	_ =	shalt  }
0x4f: {  	_ =	shalt  }
0x50: {  	_ =	shalt  }
0x51: {  	_ =	shalt  }
0x52: {  	_ =	shalt  }
0x53: {  	_ =	shalt  }
0x54: {  	_ =	shalt  }
0x55: {  	_ =	shalt  }
0x56: {  	_ =	shalt  }
0x57: {  	_ =	shalt  }
0x58: {  	_ =	shalt  }
0x59: {  	_ =	shalt  }
0x5a: {  	_ =	shalt  }
0x5b: {  	_ =	shalt  }
0x5c: {  	_ =	shalt  }
0x5d: {  	_ =	shalt  }
0x5e: {  	_ =	shalt  }
0x5f: {  	_ =	shalt  }
0x60: {  	_ =	shalt  }
0x61: {  	_ =	shalt  }
0x62: {  	_ =	shalt  }
0x63: {  	_ =	shalt  }
0x64: {  	_ =	shalt  }
0x65: {  	_ =	shalt  }
0x66: {  	_ =	shalt  }
0x67: {  	_ =	shalt  }
0x68: {  	_ =	shalt  }
0x69: {  	_ =	shalt  }
0x6a: {  	_ =	shalt  }
0x6b: {  	_ =	shalt  }
0x6c: {  	_ =	shalt  }
0x6d: {  	_ =	shalt  }
0x6e: {  	_ =	shalt  }
0x6f: {  	_ =	shalt  }
0x70: {  	_ =	shalt  }
0x71: {  	_ =	shalt  }
0x72: {  	_ =	shalt  }
0x73: {  	_ =	shalt  }
0x74: {  	_ =	shalt  }
0x75: {  	_ =	shalt  }
0x76: {  	_ =	shalt  }
0x77: {  	_ =	shalt  }
0x78: {  	_ =	shalt  }
0x79: {  	_ =	shalt  }
0x7a: {  	_ =	shalt  }
0x7b: {  	_ =	shalt  }
0x7c: {  	_ =	shalt  }
0x7d: {  	_ =	shalt  }
0x7e: {  	_ =	shalt  }
0x7f: {  	_ =	shalt  }
0x80: {  	_ =	shalt  }
0x81: {  	_ =	shalt  }
0x82: {  	_ =	shalt  }
0x83: {  	_ =	shalt  }
0x84: {  	_ =	shalt  }
0x85: {  	_ =	shalt  }
0x86: {  	_ =	shalt  }
0x87: {  	_ =	shalt  }
.Lfunc_end0:
.L_simem_size_0:
called_computation.1_lowered:
.L_overlay_start_0:
0x88: {  	s2 =	sld [smem:$0x3FD9]  }
0x89: {  	s3 =	sld [smem:$0x3FFE];
	_ =	sdelay $0x1  }
0x8a: {  	s1 =	srdreg.scid  }
0x8b: {  	s0 =	sand.u32 $0x1, s1  }
0x8c: {  	s17 =	sshll.u32 s0, $0xA;
	s2 =	sadd.s32 s3, s2  }
0x8d: {  	s2 =	sadd.s32 s2, s17  }
0x8e: {  	[smem:$0x3FBB] =	sst s2  }
0x8f: {  	_ = 	snop  }
0x90: {  	s2 =	sld [smem:$0x3FD0];
	(tm) =	ssettm $0x1  }
0x91: {  	s18 =	sld [smem:$0x3FFB];
	_ =	sdelay $0x3  }
0x92: {  	_ =	strace s18  }
0x93: {  	s3 =	sld [smem:$0x3FFC];
	_ =	sdelay $0x3  }
0x94: {  	_ =	strace s3  }
0x95: {  	s3 =	sld [smem:$0x3FFD];
	_ =	sdelay $0x3  }
0x96: {  	_ =	strace s3  }
0x97: {  	_ =	strace $0x8FFFFFFF  }
0x98: {  	s19 =	sld [smem:$0x3FDB];
	_ =	sdelay $0x1  }
0x99: {  	s4 =	simm.s32 $_scs_section_size  }
0x9a: {  	s5 =	simm.s32 $_size__tile_overlayer_lowered;
	s6 =	simm.s32 $_tile_overlayer_lowered  }
0x9b: {  	s22 =	simm.s32 $0x1BFF;
	s21 =	sshll.u32 s6, $0x1;
	s3 =	sadd.s32 s4, s19  }
0x9c: {  	s7 =	simm.s32 $0x0;
	s20 =	sshll.u32 s5, $0x1;
	s5 =	sadd.s32 s21, s3  }
0x9d: {  	[timem:s7], [sflag:s22] =	dma.local [hbm:s5], s20  }
0x9e: {  	_ =	swait.ge [sflag:s22], s20  }
0x9f: {  	s4 =	ssub.s32 $0x0, s20;
	[sflag:s22] =	ssyncset.done $0x0  }
0xa0: {  	[sflag:s22] =	ssyncadd.s32 s4;
	_ =	sdelay $0x1  }
0xa1: {  	s23 =	simm.s32 $0x1B8B  }
0xa2: {  	_ =	swait.ge [sflag:s23], $0x1  }
0xa3: {  	[sflag:s23] =	ssyncset.done $0x0  }
0xa4: {  	s25 =	simm.s32 $0x1B8E;
	s24 =	sld [smem:$0x3FFE];
	[sflag:s23] =	ssyncadd.s32 $0xFFFFFFFF  }
0xa5: {  	s26 =	simm.s32 $execute0_lowered;
	[smem:$0x3FD2] =	sst s25  }
0xa6: {  	s5 =	sshll.u32 s26, $0x1;
	_ =	strace $0x80000049;
	[dreg:$0x1] =	wrdreg $0xFFFFFFFF  }
0xa7: {  	s28 =	simm.s32 $_size_execute0_lowered;
	s3 =	sadd.s32 s3, s5;
	[dreg:$0x0] =	wrdreg $0x0  }
0xa8: {  	s5 =	sshll.u32 s28, $0x1;
	[dreg:$0x2] =	wrdreg s3  }
0xa9: {  	[dreg:$0x3] =	wrdreg s5  }
0xaa: {  	[dreg:$0x4] =	wrdreg $0xC0  }
0xab: {  	_ =	task [dreg:s7], $0x5FFFF  }
0xac: {  	[dreg:$0x1] =	wrdreg $0xFFFFFFFF  }
0xad: {  	[dreg:$0x0] =	wrdreg $0x60  }
0xae: {  	[dreg:$0x2] =	wrdreg s24  }
0xaf: {  	[dreg:$0x3] =	wrdreg s2  }
0xb0: {  	[dreg:$0x4] =	wrdreg $0x9  }
0xb1: {  	_ =	task.clear_ibuf [dreg:s7], $0x5FFFF;
	_ =	strace $0x90000049  }
0xb2: {  	s29 =	simm.s32 $0x9;
	_ =	strace $0x8000004B  }
0xb3: {  	_ =	swait.ge [sflag:s29], $0x1  }
0xb4: {  	[sflag:s29] =	ssyncadd.s32 $0xFFFFFFFF  }
0xb5: {  	_ =	strace $0x9000004B  }
0xb6: {  	_ =	sfence  }
0xb7: {  	s30 =	sld [smem:$0x0];
	_ =	sdelay $0x2  }
0xb8: {  	s31 =	sshll.u32 s1, $0xD;
	s1 =	sshrl.u32 s1, $0x2  }
0xb9: {  	s3 =	sand.u32 $0x4000, s31;
	s1 =	sadd.s32 s1, s30  }
0xba: {  	s0 =	sor.u32 s3, s0;
	s1 =	sshll.u32 s1, $0x11  }
0xbb: {  	s0 =	sor.u32 s1, s0  }
0xbc: {  	s0 =	sadd.s32 $0x8F2B, s0  }
0xbd: {  	[sflag:s0] =	ssyncadd.remote.s32 $0x1  }
0xbe: {  	_ =	sfence.sel $0xFFFF  }
0xbf: {  	[dreg:$0x0] =	wrdreg $0xFFFFFFFF;
	(pc) =	sbr.abs _section_cstart, $3  }
0xc0: {  	[dreg:$0x1] =	wrdreg $0xFFFFFFFF  }
0xc1: {  	_ =	task.clear_ibuf [dreg:s7], $0x2FFFF;
	_ =	strace $0x9FFFFFFF  }
0xc2: {  	(tm) =	ssettm $0x7FFFFFFF  }
0xc3: {  	_ =	shalt  }
tec
execute0_lowered:
.L_overlay_start_1:
0x0: {  	(tag) =	ssettag $0x1  }
0x1: {  	s0 =	rddreg [dreg:$0x0]  }
0x2: {  	s2 =	rddreg [dreg:$0x1];
	s1 =	simm.s32 $0x0  }
0x3: {  	s5 =	srdreg.scid;
	s8 =	stileid.u32;
	s28 =	simm.s32 $0xD100  }
0x4: {  	s29 =	simm.s32 $0xE100;
	s30 =	simm.s32 $0xE900;
	s14 =	simm.s32 $0xF100  }
0x5: {  	s31 =	simm.s32 $0xF900;
	s15 =	simm.s32 $0x1;
	[smem:$0x7FF] =	sst s1  }
0x6: {  	s3 =	sadd.s32 $0xD1400, s0;
	s4 =	sadd.s32 $0x11200, s0;
	s6 =	sadd.s32 $0x11000, s0  }
0x7: {  	s5 =	sand.u32 $0x1, s5;
	s8 =	sshll.u32 s8, $0x7;
	s11 =	sadd.s32 $0x1000, s0  }
0x8: {  	s12 =	sadd.s32 $0x9000, s0;
	s7 =	ssub.s32 $0x2, s5;
	s5 =	sshll.u32 s5, $0x6  }
0x9: {  	s10 =	sadd.s32 $0xD1700, s0;
	s9 =	sshrl.u32 s7, $0x1;
	s5 =	sor.u32 s5, s8  }
0xa: {  	_ =	strace $0x8000004A;
	s7 =	ssub.s32 s7, s9;
	s8 =	sshrl.u32 s5, $0x3  }
0xb: {  	s19 =	sshll.u32 s5, $0x4;
	s9 =	sadd.s32 $0xD1600, s0;
	s13 =	sshll.u32 s5, $0x7  }
0xc: {  	s5 =	sor.u32 $0x20, s5;
	s18 =	sadd.s32 s4, s8;
	s8 =	sadd.s32 s6, s8  }
0xd: {  	s20 =	sadd.s32 s11, s19;
	s21 =	sadd.s32 s2, s13;
	[dreg:$0x3] =	wrdreg s18  }
0xe: {  	s22 =	sshrl.u32 s5, $0x3;
	s23 =	sshll.u32 s5, $0x4;
	[dreg:$0x4] =	wrdreg s8  }
0xf: {  	s25 =	sshll.u32 s5, $0x7;
	s26 =	smax.u32 s7, $0x1;
	[dreg:$0x5] =	wrdreg s20  }
0x10: {  	s13 =	simm.s32 $0xD900;
	s8 =	sadd.s32 s12, s19;
	[dreg:$0x7] =	wrdreg s21  }
0x11: {  	s4 =	sadd.s32 s4, s22;
	s24 =	sadd.s32 s11, s23;
	[dreg:$0xd] =	wrdreg s26  }
0x12: {  	s18 =	simm.s32 $0x3;
	s20 =	simm.s32 $0x100;
	[dreg:$0x6] =	wrdreg s8  }
0x13: {  	s11 =	simm.s32 $0xB100;
	s26 =	simm.s32 $0xC100;
	[dreg:$0x8] =	wrdreg s4  }
0x14: {  	v2 =	vlaneseq.u32;
	s8 =	sadd.s32 $0xD1500, s0;
	s0 =	sadd.s32 s6, s22;
	[dreg:$0xa] =	wrdreg s24  }
0x15: {  	v0 =	vand.u32 $0x7, v2;
	v1 =	vshrl.u32 v2, $0x3;
	s22 =	simm.s32 $0x9900;
	s24 =	simm.s32 $0xA900;
	[dreg:$0x9] =	wrdreg s0  }
0x16: {  	v63 =	vor.u32 $0x8, v2;
	[tilespmem:$0x1FFD0] =	vst v0;
	v62 =	vmul.u32 $0x8, v1;
	s0 =	sadd.s32 s12, s23;
	s23 =	simm.s32 $0xA100;
	s12 =	simm.s32 $0xC900  }
0x17: {  	[tilespmem:$0x1FFF0] =	vst v63;
	[dreg:$0xb] =	wrdreg s0;
	s0 =	sadd.s32 s2, s25;
	s25 =	simm.s32 $0xB900  }
0x18: {  	vm0 =	vmmov $0xffff;
	[tilespmem:$0x1FFE0] =	vst v62;
	s2 =	simm.s32 $0x0;
	[dreg:$0xc] =	wrdreg s0;
	s0 =	simm.s32 $0x2  }
.LBB2_1:
0x19: {  	s4 =	rddreg [dreg:$0x3]  }
0x1a: {  	[tilespmem:s1], [sflag:$0x3] =	stream.linear.gather [hbm4b:s4+s1], $0x20, $0x38;
	[tilespmem:$0x12100] =	vst v63  }
0x1b: {  	_ =	swait.ge [sflag:s18], $0x20  }
0x1c: {  	[sflag:s18] =	ssyncset.done $0x0  }
0x1d: {  	s5 =	simm.s32 $0x80;
	s21 =	rddreg [dreg:$0x4];
	[sflag:s18] =	ssyncadd.s32 $0xFFFFFFE0  }
0x1e: {  	[tilespmem:s5], [sflag:$0x3] =	stream.linear.gather [hbm4b:s21+s1], $0x20, $0x38;
	[tilespmem:$0x12100] =	vst v63  }
0x1f: {  	_ =	swait.ge [sflag:s18], $0x20  }
0x20: {  	[sflag:s18] =	ssyncset.done $0x0  }
0x21: {  	s16 =	simm.s32 $0x10100;
	s6 =	rddreg [dreg:$0x5];
	[sflag:s18] =	ssyncadd.s32 $0xFFFFFFE0  }
0x22: {  	[tilespmem:s16], [sflag:$0x3] =	stream.linear.gather [hbm4b:s6+s1], $0x1000, $0x38;
	[tilespmem:$0x12100] =	vst v63  }
0x23: {  	_ =	swait.ge [sflag:s18], $0x1000  }
0x24: {  	[sflag:s18] =	ssyncset.done $0x0  }
0x25: {  	s4 =	simm.s32 $0x11100;
	s7 =	rddreg [dreg:$0x6];
	[sflag:s18] =	ssyncadd.s32 $0xFFFFF000  }
0x26: {  	[tilespmem:s4], [sflag:$0x3] =	stream.linear.gather [hbm4b:s7+s1], $0x1000, $0x38;
	[tilespmem:$0x12100] =	vst v63  }
0x27: {  	_ =	swait.ge [sflag:s18], $0x1000  }
0x28: {  	[sflag:s18] =	ssyncset.done $0x0  }
0x29: {  	[sflag:s18] =	ssyncadd.s32 $0xFFFFF000  }
0x2a: {  	v3 =	vld [tilespmem:$0x0];
	_ =	sdelay $0x2  }
0x2b: {  	v0 =	vld [tilespmem:$0x1FFD0];
	_ =	sdelay $0x1  }
0x2c: {  	v1 =	vld [tilespmem:$0x1FFE0];
	v4 =	vshll.u32 v3, $0x3  }
0x2d: {  	v3 =	vand.u32 $0x7, v3;
	v4 =	vand.u32 $0xFFFFFFC0, v4  }
0x2e: {  	v3 =	vor.u32 v3, v4  }
0x2f: {  	v4 =	vperm.xlane v3, v0;
	_ =	sdelay $0x1  }
0x30: {  	v4 =	vadd.s32 v1, v4  }
0x31: {  	v2 =	vld [tilespmem:$0x1FFF0];
	_ =	sdelay $0x3  }
0x32: {  	[tilespmem:s20], [sflag:$0x1] =	stream.indirect_vreg.gather [hbm4b:s3+s1], $0x80, v4, vm0, $0xb8;
	[tilespmem:$0x12100] =	vst v63  }
0x33: {  	s17 =	simm.s32 $0x900;
	v3 =	vperm.xlane v3, v2  }
0x34: {  	[tilespmem:s17], [sflag:$0x1] =	stream.indirect_vreg.gather [hbm4b:s8+s1], $0x80, v4, vm0, $0xb8;
	[tilespmem:$0x12100] =	vst v63  }
0x35: {  	s19 =	simm.s32 $0x1100;
	v3 =	vadd.s32 v1, v3  }
0x36: {  	[tilespmem:s19], [sflag:$0x1] =	stream.indirect_vreg.gather [hbm4b:s9+s1], $0x80, v4, vm0, $0xb8;
	[tilespmem:$0x12100] =	vst v63  }
0x37: {  	s21 =	simm.s32 $0x1900  }
0x38: {  	[tilespmem:s21], [sflag:$0x1] =	stream.indirect_vreg.gather [hbm4b:s10+s1], $0x80, v4, vm0, $0xb8;
	[tilespmem:$0x12100] =	vst v63  }
0x39: {  	s6 =	simm.s32 $0x2100  }
0x3a: {  	[tilespmem:s6], [sflag:$0x1] =	stream.indirect_vreg.gather [hbm4b:s3+s1], $0x80, v3, vm0, $0xb8;
	[tilespmem:$0x12100] =	vst v63  }
0x3b: {  	s7 =	simm.s32 $0x2900  }
0x3c: {  	[tilespmem:s7], [sflag:$0x1] =	stream.indirect_vreg.gather [hbm4b:s8+s1], $0x80, v3, vm0, $0xb8;
	[tilespmem:$0x12100] =	vst v63  }
0x3d: {  	s17 =	simm.s32 $0x3100  }
0x3e: {  	[tilespmem:s17], [sflag:$0x1] =	stream.indirect_vreg.gather [hbm4b:s9+s1], $0x80, v3, vm0, $0xb8;
	[tilespmem:$0x12100] =	vst v63  }
0x3f: {  	s19 =	simm.s32 $0x3900  }
0x40: {  	[tilespmem:s19], [sflag:$0x1] =	stream.indirect_vreg.gather [hbm4b:s10+s1], $0x80, v3, vm0, $0xb8;
	[tilespmem:$0x12100] =	vst v63  }
0x41: {  	v3 =	vld [tilespmem:$0x10];
	_ =	sdelay $0x4  }
0x42: {  	v61 =	vshll.u32 v3, $0x3  }
0x43: {  	v3 =	vand.u32 $0x7, v3;
	v4 =	vand.u32 $0xFFFFFFC0, v61  }
0x44: {  	v3 =	vor.u32 v3, v4  }
0x45: {  	v4 =	vperm.xlane v3, v0;
	_ =	sdelay $0x1  }
0x46: {  	v4 =	vadd.s32 v1, v4;
	_ =	sdelay $0x3  }
0x47: {  	s21 =	simm.s32 $0x4100  }
0x48: {  	[tilespmem:s21], [sflag:$0x1] =	stream.indirect_vreg.gather [hbm4b:s3+s1], $0x80, v4, vm0, $0xb8;
	[tilespmem:$0x12100] =	vst v63  }
0x49: {  	s6 =	simm.s32 $0x4900;
	v3 =	vperm.xlane v3, v2  }
0x4a: {  	[tilespmem:s6], [sflag:$0x1] =	stream.indirect_vreg.gather [hbm4b:s8+s1], $0x80, v4, vm0, $0xb8;
	[tilespmem:$0x12100] =	vst v63  }
0x4b: {  	s7 =	simm.s32 $0x5100;
	v3 =	vadd.s32 v1, v3  }
0x4c: {  	[tilespmem:s7], [sflag:$0x1] =	stream.indirect_vreg.gather [hbm4b:s9+s1], $0x80, v4, vm0, $0xb8;
	[tilespmem:$0x12100] =	vst v63  }
0x4d: {  	s17 =	simm.s32 $0x5900  }
0x4e: {  	[tilespmem:s17], [sflag:$0x1] =	stream.indirect_vreg.gather [hbm4b:s10+s1], $0x80, v4, vm0, $0xb8;
	[tilespmem:$0x12100] =	vst v63  }
0x4f: {  	s19 =	simm.s32 $0x6100  }
0x50: {  	[tilespmem:s19], [sflag:$0x1] =	stream.indirect_vreg.gather [hbm4b:s3+s1], $0x80, v3, vm0, $0xb8;
	[tilespmem:$0x12100] =	vst v63  }
0x51: {  	s21 =	simm.s32 $0x6900  }
0x52: {  	[tilespmem:s21], [sflag:$0x1] =	stream.indirect_vreg.gather [hbm4b:s8+s1], $0x80, v3, vm0, $0xb8;
	[tilespmem:$0x12100] =	vst v63  }
0x53: {  	s6 =	simm.s32 $0x7100  }
0x54: {  	[tilespmem:s6], [sflag:$0x1] =	stream.indirect_vreg.gather [hbm4b:s9+s1], $0x80, v3, vm0, $0xb8;
	[tilespmem:$0x12100] =	vst v63  }
0x55: {  	s7 =	simm.s32 $0x7900  }
0x56: {  	[tilespmem:s7], [sflag:$0x1] =	stream.indirect_vreg.gather [hbm4b:s10+s1], $0x80, v3, vm0, $0xb8;
	[tilespmem:$0x12100] =	vst v63  }
0x57: {  	v3 =	vld [tilespmem:$0x80];
	_ =	sdelay $0x4  }
0x58: {  	v62 =	vshll.u32 v3, $0x3  }
0x59: {  	v3 =	vand.u32 $0x7, v3;
	v4 =	vand.u32 $0xFFFFFFC0, v62  }
0x5a: {  	v3 =	vor.u32 v3, v4  }
0x5b: {  	v4 =	vperm.xlane v3, v0;
	_ =	sdelay $0x1  }
0x5c: {  	v4 =	vadd.s32 v1, v4;
	_ =	sdelay $0x3  }
0x5d: {  	s17 =	simm.s32 $0x8100  }
0x5e: {  	[tilespmem:s17], [sflag:$0x2] =	stream.indirect_vreg.gather [hbm4b:s3+s1], $0x80, v4, vm0, $0xb8;
	[tilespmem:$0x12100] =	vst v63  }
0x5f: {  	s19 =	simm.s32 $0x8900;
	v3 =	vperm.xlane v3, v2  }
0x60: {  	[tilespmem:s19], [sflag:$0x2] =	stream.indirect_vreg.gather [hbm4b:s8+s1], $0x80, v4, vm0, $0xb8;
	[tilespmem:$0x12100] =	vst v63  }
0x61: {  	s21 =	simm.s32 $0x9100;
	v3 =	vadd.s32 v1, v3  }
0x62: {  	[tilespmem:s21], [sflag:$0x2] =	stream.indirect_vreg.gather [hbm4b:s9+s1], $0x80, v4, vm0, $0xb8;
	[tilespmem:$0x12100] =	vst v63  }
0x63: {  	_ = 	snop  }
0x64: {  	[tilespmem:s22], [sflag:$0x2] =	stream.indirect_vreg.gather [hbm4b:s10+s1], $0x80, v4, vm0, $0xb8;
	[tilespmem:$0x12100] =	vst v63  }
0x65: {  	_ = 	snop  }
0x66: {  	[tilespmem:s23], [sflag:$0x2] =	stream.indirect_vreg.gather [hbm4b:s3+s1], $0x80, v3, vm0, $0xb8;
	[tilespmem:$0x12100] =	vst v63  }
0x67: {  	_ = 	snop  }
0x68: {  	[tilespmem:s24], [sflag:$0x2] =	stream.indirect_vreg.gather [hbm4b:s8+s1], $0x80, v3, vm0, $0xb8;
	[tilespmem:$0x12100] =	vst v63  }
0x69: {  	_ = 	snop  }
0x6a: {  	[tilespmem:s11], [sflag:$0x2] =	stream.indirect_vreg.gather [hbm4b:s9+s1], $0x80, v3, vm0, $0xb8;
	[tilespmem:$0x12100] =	vst v63  }
0x6b: {  	_ = 	snop  }
0x6c: {  	[tilespmem:s25], [sflag:$0x2] =	stream.indirect_vreg.gather [hbm4b:s10+s1], $0x80, v3, vm0, $0xb8;
	[tilespmem:$0x12100] =	vst v63  }
0x6d: {  	v3 =	vld [tilespmem:$0x90];
	_ =	sdelay $0x4  }
0x6e: {  	v63 =	vshll.u32 v3, $0x3  }
0x6f: {  	v3 =	vand.u32 $0x7, v3;
	v4 =	vand.u32 $0xFFFFFFC0, v63  }
0x70: {  	v3 =	vor.u32 v3, v4  }
0x71: {  	v4 =	vperm.xlane v3, v0;
	_ =	sdelay $0x1  }
0x72: {  	v4 =	vadd.s32 v1, v4;
	_ =	sdelay $0x4  }
0x73: {  	[tilespmem:s26], [sflag:$0x2] =	stream.indirect_vreg.gather [hbm4b:s3+s1], $0x80, v4, vm0, $0xb8;
	[tilespmem:$0x12100] =	vst v63  }
0x74: {  	v3 =	vperm.xlane v3, v2  }
0x75: {  	[tilespmem:s12], [sflag:$0x2] =	stream.indirect_vreg.gather [hbm4b:s8+s1], $0x80, v4, vm0, $0xb8;
	[tilespmem:$0x12100] =	vst v63  }
0x76: {  	v3 =	vadd.s32 v1, v3  }
0x77: {  	[tilespmem:s28], [sflag:$0x2] =	stream.indirect_vreg.gather [hbm4b:s9+s1], $0x80, v4, vm0, $0xb8;
	[tilespmem:$0x12100] =	vst v63  }
0x78: {  	_ = 	snop  }
0x79: {  	[tilespmem:s13], [sflag:$0x2] =	stream.indirect_vreg.gather [hbm4b:s10+s1], $0x80, v4, vm0, $0xb8;
	[tilespmem:$0x12100] =	vst v63  }
0x7a: {  	_ = 	snop  }
0x7b: {  	[tilespmem:s29], [sflag:$0x2] =	stream.indirect_vreg.gather [hbm4b:s3+s1], $0x80, v3, vm0, $0xb8;
	[tilespmem:$0x12100] =	vst v63  }
0x7c: {  	_ = 	snop  }
0x7d: {  	[tilespmem:s30], [sflag:$0x2] =	stream.indirect_vreg.gather [hbm4b:s8+s1], $0x80, v3, vm0, $0xb8;
	[tilespmem:$0x12100] =	vst v63  }
0x7e: {  	_ = 	snop  }
0x7f: {  	[tilespmem:s14], [sflag:$0x2] =	stream.indirect_vreg.gather [hbm4b:s9+s1], $0x80, v3, vm0, $0xb8;
	[tilespmem:$0x12100] =	vst v63  }
0x80: {  	_ = 	snop  }
0x81: {  	[tilespmem:s31], [sflag:$0x2] =	stream.indirect_vreg.gather [hbm4b:s10+s1], $0x80, v3, vm0, $0xb8;
	[tilespmem:$0x12100] =	vst v63  }
0x82: {  	_ =	swait.ge [sflag:s15], $0x8000  }
0x83: {  	[sflag:s15] =	ssyncset.done $0x0  }
0x84: {  	[sflag:s15] =	ssyncadd.s32 $0xFFFF8000  }
0x85: {  	_ =	swait.ge [sflag:s0], $0x8000  }
0x86: {  	s5 =	simm.s32 $0x0;
	[sflag:s0] =	ssyncset.done $0x0  }
0x87: {  	s6 =	simm.s32 $0x0;
	s17 =	simm.s32 $0x0;
	[sflag:s0] =	ssyncadd.s32 $0xFFFF8000  }
.LBB2_2:
0x88: {  	v3 =	vld [tilespmem:s16+$0x0];
	s7 =	sand.u32 $0x6000, s5;
	s19 =	sand.u32 $0x380, s6  }
0x89: {  	v4 =	vld [tilespmem:s4+$0x0];
	s7 =	sor.u32 s19, s7  }
0x8a: {  	v6 =	vld [tilespmem:s7+$0x100]  }
0x8b: {  	v7 =	vld [tilespmem:s7+$0x8100]  }
0x8c: {  	v10 =	vld [tilespmem:s7+$0x110]  }
0x8d: {  	v11 =	vld [tilespmem:s7+$0x8110]  }
0x8e: {  	v14 =	vld [tilespmem:s7+$0x120]  }
0x8f: {  	v17 =	vld [tilespmem:s7+$0x8120]  }
0x90: {  	v20 =	vld [tilespmem:s7+$0x130]  }
0x91: {  	v21 =	vld [tilespmem:s7+$0x8130]  }
0x92: {  	v26 =	vld [tilespmem:s7+$0x140]  }
0x93: {  	v27 =	vld [tilespmem:s7+$0x8140]  }
0x94: {  	v28 =	vld [tilespmem:s7+$0x150]  }
0x95: {  	v29 =	vld [tilespmem:s7+$0x8150]  }
0x96: {  	v30 =	vld [tilespmem:s7+$0x160]  }
0x97: {  	v31 =	vld [tilespmem:s7+$0x8160]  }
0x98: {  	v32 =	vld [tilespmem:s7+$0x170]  }
0x99: {  	v33 =	vld [tilespmem:s7+$0x8170]  }
0x9a: {  	v34 =	vld [tilespmem:s7+$0x500]  }
0x9b: {  	v35 =	vld [tilespmem:s7+$0x8500]  }
0x9c: {  	v36 =	vld [tilespmem:s7+$0x510]  }
0x9d: {  	v37 =	vld [tilespmem:s7+$0x8510]  }
0x9e: {  	v38 =	vld [tilespmem:s7+$0x520]  }
0x9f: {  	v39 =	vld [tilespmem:s7+$0x8520]  }
0xa0: {  	v40 =	vld [tilespmem:s7+$0x530]  }
0xa1: {  	v41 =	vld [tilespmem:s7+$0x8530]  }
0xa2: {  	v42 =	vld [tilespmem:s7+$0x540]  }
0xa3: {  	v43 =	vld [tilespmem:s7+$0x8540]  }
0xa4: {  	v44 =	vld [tilespmem:s7+$0x550]  }
0xa5: {  	v45 =	vld [tilespmem:s7+$0x8550]  }
0xa6: {  	v46 =	vld [tilespmem:s7+$0x560]  }
0xa7: {  	v47 =	vld [tilespmem:s7+$0x8560]  }
0xa8: {  	v48 =	vld [tilespmem:s7+$0x570]  }
0xa9: {  	v49 =	vld [tilespmem:s7+$0x8570]  }
0xaa: {  	v50 =	vld [tilespmem:s7+$0x900]  }
0xab: {  	v51 =	vld [tilespmem:s7+$0x8900]  }
0xac: {  	v52 =	vld [tilespmem:s7+$0x910]  }
0xad: {  	v53 =	vld [tilespmem:s7+$0x8910]  }
0xae: {  	v54 =	vld [tilespmem:s7+$0x920]  }
0xaf: {  	v55 =	vld [tilespmem:s7+$0x8920]  }
0xb0: {  	v56 =	vld [tilespmem:s7+$0x930]  }
0xb1: {  	v57 =	vld [tilespmem:s7+$0x8930]  }
0xb2: {  	v58 =	vld [tilespmem:s7+$0x940]  }
0xb3: {  	v59 =	vld [tilespmem:s7+$0x8940]  }
0xb4: {  	v60 =	vld [tilespmem:s7+$0x950]  }
0xb5: {  	v61 =	vld [tilespmem:s7+$0x8950]  }
0xb6: {  	v62 =	vld [tilespmem:s7+$0x960]  }
0xb7: {  	v63 =	vld [tilespmem:s7+$0x8960]  }
0xb8: {  	v5 =	vld [tilespmem:s7+$0x970]  }
0xb9: {  	v2 =	vld [tilespmem:s7+$0x8970]  }
0xba: {  	v24 =	vld [tilespmem:s7+$0xD00]  }
0xbb: {  	v25 =	vld [tilespmem:s7+$0x8D00]  }
0xbc: {  	v22 =	vld [tilespmem:s7+$0xD10]  }
0xbd: {  	v23 =	vld [tilespmem:s7+$0x8D10]  }
0xbe: {  	v18 =	vld [tilespmem:s7+$0xD20]  }
0xbf: {  	v0 =	vld [tilespmem:s7+$0xD60]  }
0xc0: {  	v19 =	vld [tilespmem:s7+$0x8D20]  }
0xc1: {  	v15 =	vld [tilespmem:s7+$0xD30]  }
0xc2: {  	v16 =	vld [tilespmem:s7+$0x8D30]  }
0xc3: {  	v12 =	vld [tilespmem:s7+$0xD40];
	v1 =	vmul.f32 v6, v3  }
0xc4: {  	v13 =	vld [tilespmem:s7+$0x8D40];
	[tilespmem:$0x1FFC0] =	vst v0;
	v0 =	vmul.f32 v7, v4;
	v10 =	vmul.f32 v10, v3  }
0xc5: {  	v8 =	vld [tilespmem:s7+$0xD50];
	v11 =	vmul.f32 v11, v4;
	v14 =	vmul.f32 v14, v3  }
0xc6: {  	v9 =	vld [tilespmem:s7+$0x8D50];
	v17 =	vmul.f32 v17, v4;
	v20 =	vmul.f32 v20, v3  }
0xc7: {  	v7 =	vld [tilespmem:s7+$0x8D60];
	v21 =	vmul.f32 v21, v4;
	v26 =	vmul.f32 v26, v3  }
0xc8: {  	v6 =	vld [tilespmem:s7+$0xD70];
	v27 =	vmul.f32 v27, v4;
	v34 =	vmul.f32 v34, v3  }
0xc9: {  	v35 =	vmul.f32 v35, v4;
	v38 =	vmul.f32 v38, v3;
	v1 =	vadd.f32 v0, v1;
	v0 =	vld [tilespmem:s7+$0x8D70]  }
0xca: {  	v39 =	vmul.f32 v39, v4;
	v40 =	vmul.f32 v40, v3;
	v10 =	vadd.f32 v11, v10;
	v11 =	vld [tilespmem:s7+$0x1100]  }
0xcb: {  	v5 =	vmul.f32 v5, v3;
	v2 =	vmul.f32 v2, v4;
	[tilespmem:s7+$0x100] =	vst v1;
	v1 =	vadd.f32 v17, v14;
	v14 =	vld [tilespmem:s7+$0x9100]  }
0xcc: {  	[tilespmem:s7+$0x110] =	vst v10;
	v10 =	vadd.f32 v21, v20;
	v21 =	vmul.f32 v28, v3;
	v28 =	vmul.f32 v29, v4;
	v17 =	vld [tilespmem:s7+$0x1110]  }
0xcd: {  	v52 =	vmul.f32 v52, v3;
	v2 =	vadd.f32 v2, v5;
	v20 =	vld [tilespmem:s7+$0x9110];
	v29 =	vmul.f32 v33, v4;
	[tilespmem:s7+$0x120] =	vst v1  }
0xce: {  	v1 =	vadd.f32 v27, v26;
	v26 =	vmul.f32 v30, v3;
	[tilespmem:s7+$0x130] =	vst v10;
	v10 =	vadd.f32 v28, v21;
	v21 =	vld [tilespmem:s7+$0x1120]  }
0xcf: {  	v27 =	vmul.f32 v31, v4;
	v28 =	vmul.f32 v32, v3;
	v31 =	vld [tilespmem:s7+$0x1130]  }
0xd0: {  	v24 =	vmul.f32 v24, v3;
	v25 =	vmul.f32 v25, v4;
	[tilespmem:s7+$0x970] =	vst v2;
	v32 =	vld [tilespmem:s7+$0x9130]  }
0xd1: {  	v18 =	vmul.f32 v18, v3;
	v33 =	vadd.f32 v27, v26;
	v26 =	vld [tilespmem:s7+$0x9120];
	[tilespmem:s7+$0x150] =	vst v10;
	v10 =	vadd.f32 v29, v28  }
0xd2: {  	[tilespmem:s7+$0x140] =	vst v1;
	v28 =	vmul.f32 v36, v3;
	v36 =	vmul.f32 v37, v4;
	v37 =	vadd.f32 v35, v34;
	v34 =	vld [tilespmem:s7+$0x9140]  }
0xd3: {  	v19 =	vmul.f32 v19, v4;
	v12 =	vmul.f32 v12, v3;
	v35 =	vld [tilespmem:s7+$0x1150];
	[tilespmem:s7+$0x160] =	vst v33  }
0xd4: {  	v13 =	vmul.f32 v13, v4;
	v27 =	vld [tilespmem:s7+$0x9520];
	v29 =	vadd.f32 v25, v24;
	[tilespmem:s7+$0x170] =	vst v10;
	v10 =	vadd.f32 v36, v28  }
0xd5: {  	v36 =	vmul.f32 v41, v4;
	v33 =	vld [tilespmem:s7+$0x1140];
	[tilespmem:s7+$0x500] =	vst v37;
	v37 =	vadd.f32 v39, v38;
	v38 =	vmul.f32 v42, v3  }
0xd6: {  	v39 =	vmul.f32 v43, v4;
	v41 =	vmul.f32 v45, v4;
	v28 =	vld [tilespmem:s7+$0x1520];
	[tilespmem:s7+$0xD00] =	vst v29  }
0xd7: {  	v43 =	vmul.f32 v46, v3;
	[tilespmem:s7+$0x510] =	vst v10;
	v10 =	vadd.f32 v36, v40;
	v40 =	vmul.f32 v44, v3;
	v36 =	vld [tilespmem:s7+$0x9150]  }
0xd8: {  	v46 =	vmul.f32 v48, v3;
	[tilespmem:s7+$0x520] =	vst v37;
	v42 =	vadd.f32 v39, v38;
	v44 =	vmul.f32 v47, v4;
	v37 =	vld [tilespmem:s7+$0x1160]  }
0xd9: {  	v47 =	vmul.f32 v49, v4;
	v49 =	vmul.f32 v50, v3;
	v38 =	vld [tilespmem:s7+$0x9160];
	[tilespmem:s7+$0x530] =	vst v10;
	v45 =	vadd.f32 v41, v40  }
0xda: {  	v50 =	vmul.f32 v51, v4;
	v39 =	vld [tilespmem:s7+$0x1170];
	[tilespmem:s7+$0x540] =	vst v42;
	v48 =	vadd.f32 v44, v43;
	v44 =	vmul.f32 v53, v4  }
0xdb: {  	v51 =	vadd.f32 v47, v46;
	v46 =	vmul.f32 v54, v3;
	v47 =	vmul.f32 v55, v4;
	v40 =	vld [tilespmem:s7+$0x9170];
	[tilespmem:s7+$0x550] =	vst v45  }
0xdc: {  	v41 =	vld [tilespmem:s7+$0x1500];
	v53 =	vmul.f32 v59, v4;
	v55 =	vmul.f32 v60, v3;
	[tilespmem:s7+$0x560] =	vst v48;
	v45 =	vadd.f32 v50, v49  }
0xdd: {  	v42 =	vld [tilespmem:s7+$0x9500];
	v59 =	vmul.f32 v63, v4;
	v63 =	vmul.f32 v23, v4;
	[tilespmem:s7+$0x570] =	vst v51;
	v48 =	vadd.f32 v44, v52  }
0xde: {  	v43 =	vld [tilespmem:s7+$0x1510];
	v49 =	vmul.f32 v56, v3;
	v50 =	vmul.f32 v57, v4;
	v51 =	vadd.f32 v47, v46;
	[tilespmem:s7+$0x900] =	vst v45  }
0xdf: {  	v23 =	vld [tilespmem:s7+$0x9530];
	v25 =	vmul.f32 v33, v3;
	v52 =	vmul.f32 v58, v3;
	v47 =	vadd.f32 v19, v18;
	[tilespmem:s7+$0x910] =	vst v48  }
0xe0: {  	v56 =	vmul.f32 v61, v4;
	v58 =	vmul.f32 v62, v3;
	v44 =	vld [tilespmem:s7+$0x9510];
	v54 =	vadd.f32 v50, v49;
	[tilespmem:s7+$0x920] =	vst v51  }
0xe1: {  	v62 =	vmul.f32 v22, v3;
	v22 =	vld [tilespmem:s7+$0x1530];
	v46 =	vmul.f32 v16, v4;
	v57 =	vadd.f32 v53, v52;
	[tilespmem:s7+$0xD20] =	vst v47  }
0xe2: {  	v16 =	vld [tilespmem:s7+$0x9540];
	v33 =	vmul.f32 v37, v3;
	v60 =	vadd.f32 v56, v55;
	v45 =	vmul.f32 v15, v3;
	[tilespmem:s7+$0x930] =	vst v54  }
0xe3: {  	v18 =	vld [tilespmem:s7+$0x1910];
	v61 =	vadd.f32 v59, v58;
	v49 =	vmul.f32 v8, v3;
	v50 =	vmul.f32 v9, v4;
	[tilespmem:s7+$0x940] =	vst v57  }
0xe4: {  	v19 =	vld [tilespmem:s7+$0x9910];
	v30 =	vadd.f32 v63, v62;
	v56 =	vmul.f32 v11, v3;
	v58 =	vmul.f32 v17, v3;
	[tilespmem:s7+$0x950] =	vst v60  }
0xe5: {  	v15 =	vld [tilespmem:s7+$0x1540];
	v51 =	vadd.f32 v13, v12;
	v59 =	vmul.f32 v20, v4;
	v62 =	vmul.f32 v26, v4;
	[tilespmem:s7+$0x960] =	vst v61  }
0xe6: {  	v9 =	vld [tilespmem:s7+$0x1550];
	v20 =	vmul.f32 v31, v3;
	v26 =	vmul.f32 v34, v4;
	[tilespmem:s7+$0xD10] =	vst v30;
	v48 =	vadd.f32 v46, v45  }
0xe7: {  	v52 =	vld [tilespmem:$0x1FFC0];
	v31 =	vmul.f32 v36, v4;
	v34 =	vmul.f32 v38, v4;
	v53 =	vadd.f32 v50, v49;
	[tilespmem:s7+$0xD40] =	vst v51  }
0xe8: {  	v12 =	vld [tilespmem:s7+$0x9550];
	v36 =	vmul.f32 v39, v3;
	v37 =	vmul.f32 v40, v4;
	v63 =	vadd.f32 v59, v58;
	[tilespmem:s7+$0xD30] =	vst v48  }
0xe9: {  	v11 =	vld [tilespmem:s7+$0x1570];
	v61 =	vmul.f32 v21, v3;
	v21 =	vmul.f32 v32, v4;
	v32 =	vadd.f32 v26, v25;
	[tilespmem:s7+$0xD50] =	vst v53  }
0xea: {  	v13 =	vld [tilespmem:s7+$0x9570];
	v39 =	vmul.f32 v41, v3;
	v40 =	vmul.f32 v42, v4;
	v38 =	vadd.f32 v34, v33;
	[tilespmem:s7+$0x1110] =	vst v63  }
0xeb: {  	v0 =	vmul.f32 v0, v4;
	v17 =	vld [tilespmem:s7+$0x9900];
	v54 =	vmul.f32 v6, v3;
	v42 =	vadd.f32 v37, v36;
	[tilespmem:s7+$0x1140] =	vst v32  }
0xec: {  	v41 =	vld [tilespmem:s7+$0x9920];
	v57 =	vmul.f32 v14, v4;
	v47 =	vadd.f32 v40, v39;
	[tilespmem:s7+$0x1160] =	vst v38  }
0xed: {  	v6 =	vld [tilespmem:s7+$0x1560];
	v0 =	vadd.f32 v0, v54;
	[tilespmem:s7+$0x1170] =	vst v42  }
0xee: {  	v14 =	vld [tilespmem:s7+$0x1900];
	v60 =	vadd.f32 v57, v56;
	[tilespmem:s7+$0x1500] =	vst v47  }
0xef: {  	v7 =	vmul.f32 v7, v4;
	v30 =	vmul.f32 v35, v3;
	v46 =	vld [tilespmem:s7+$0x1930];
	v24 =	vadd.f32 v62, v61;
	[tilespmem:s7+$0xD70] =	vst v0  }
0xf0: {  	v43 =	vmul.f32 v43, v3;
	v50 =	vld [tilespmem:s7+$0x9930];
	v45 =	vmul.f32 v44, v4;
	v29 =	vadd.f32 v21, v20;
	[tilespmem:s7+$0x1100] =	vst v60  }
0xf1: {  	v49 =	vmul.f32 v27, v4;
	v58 =	vld [tilespmem:s7+$0x1950];
	v35 =	vadd.f32 v31, v30;
	v10 =	vmul.f32 v52, v3;
	[tilespmem:s7+$0x1120] =	vst v24  }
0xf2: {  	v36 =	vld [tilespmem:s7+$0x9970];
	v53 =	vmul.f32 v23, v4;
	v51 =	vadd.f32 v45, v43;
	v52 =	vmul.f32 v22, v3;
	[tilespmem:s7+$0x1130] =	vst v29  }
0xf3: {  	v40 =	vld [tilespmem:s7+$0x9940];
	v57 =	vmul.f32 v16, v4;
	v56 =	vmul.f32 v15, v3;
	[tilespmem:s7+$0x1150] =	vst v35;
	v55 =	vadd.f32 v7, v10  }
0xf4: {  	v20 =	vld [tilespmem:s7+$0x1920];
	v26 =	vmul.f32 v11, v3;
	v27 =	vmul.f32 v13, v4;
	[tilespmem:s7+$0x1510] =	vst v51;
	v59 =	vadd.f32 v53, v52  }
0xf5: {  	v62 =	vld [tilespmem:s7+$0x9950];
	v61 =	vmul.f32 v12, v4;
	v60 =	vmul.f32 v9, v3;
	v63 =	vadd.f32 v57, v56;
	[tilespmem:s7+$0xD60] =	vst v55  }
0xf6: {  	v34 =	vmul.f32 v18, v3;
	v16 =	vld [tilespmem:s7+$0x1960];
	v35 =	vmul.f32 v19, v4;
	v33 =	vadd.f32 v27, v26;
	[tilespmem:s7+$0x1530] =	vst v59  }
0xf7: {  	v48 =	vmul.f32 v28, v3;
	v28 =	vld [tilespmem:s7+$0x9960];
	v31 =	vmul.f32 v17, v4;
	v23 =	vadd.f32 v61, v60;
	[tilespmem:s7+$0x1540] =	vst v63  }
0xf8: {  	v32 =	vld [tilespmem:s7+$0x1970];
	v39 =	vmul.f32 v41, v4;
	v30 =	vmul.f32 v14, v3;
	v41 =	vadd.f32 v35, v34;
	[tilespmem:s7+$0x1570] =	vst v33  }
0xf9: {  	v10 =	vld [tilespmem:s7+$0x9560];
	v42 =	vmul.f32 v46, v3;
	v43 =	vmul.f32 v50, v4;
	v55 =	vadd.f32 v49, v48;
	[tilespmem:s7+$0x1550] =	vst v23  }
0xfa: {  	v54 =	vld [tilespmem:s7+$0x1940];
	v37 =	vadd.f32 v31, v30;
	v38 =	vmul.f32 v20, v3;
	[tilespmem:s7+$0x1910] =	vst v41  }
0xfb: {  	v45 =	vmul.f32 v58, v3;
	v46 =	vmul.f32 v62, v4;
	v47 =	vadd.f32 v43, v42;
	[tilespmem:s7+$0x1520] =	vst v55  }
0xfc: {  	v48 =	vmul.f32 v16, v3;
	v49 =	vmul.f32 v28, v4;
	[tilespmem:s7+$0x1900] =	vst v37;
	v44 =	vadd.f32 v39, v38  }
0xfd: {  	v52 =	vmul.f32 v36, v4;
	v51 =	vmul.f32 v32, v3;
	v50 =	vadd.f32 v46, v45;
	[tilespmem:s7+$0x1930] =	vst v47  }
0xfe: {  	v6 =	vmul.f32 v6, v3;
	v53 =	vadd.f32 v49, v48;
	v12 =	vmul.f32 v10, v4;
	[tilespmem:s7+$0x1920] =	vst v44  }
0xff: {  	s21 =	sand.u32 $0x7, s17;
	v54 =	vmul.f32 v54, v3;
	v55 =	vmul.f32 v40, v4;
	v56 =	vadd.f32 v52, v51;
	[tilespmem:s7+$0x1950] =	vst v50  }
0x100: {  	s19 =	sshll.u32 s21, $0x7;
	[tilespmem:s7+$0x1960] =	vst v53;
	v29 =	vadd.f32 v12, v6  }
0x101: {  	s19 =	sadd.s32 s19, s5;
	v2 =	vadd.f32 v55, v54;
	[tilespmem:s7+$0x1970] =	vst v56  }
0x102: {  	s21 =	sor.u32 $0x1C00, s19;
	[tilespmem:s7+$0x1560] =	vst v29  }
0x103: {  	[tilespmem:s7+$0x1940] =	vst v2;
	v0 =	vld [tilespmem:s21+$0x100]  }
0x104: {  	v1 =	vld [tilespmem:s21+$0x8100];
	_ =	sdelay $0x4  }
0x105: {  	v0 =	vmul.f32 v0, v3;
	v1 =	vmul.f32 v1, v4;
	_ =	sdelay $0x1  }
0x106: {  	v0 =	vadd.f32 v1, v0;
	_ =	sdelay $0x1  }
0x107: {  	[tilespmem:s21+$0x100] =	vst v0;
	s21 =	sor.u32 $0x1C10, s19  }
0x108: {  	v0 =	vld [tilespmem:s21+$0x100]  }
0x109: {  	v57 =	vld [tilespmem:s21+$0x8100];
	_ =	sdelay $0x4  }
0x10a: {  	v0 =	vmul.f32 v0, v3;
	v1 =	vmul.f32 v57, v4;
	_ =	sdelay $0x1  }
0x10b: {  	v0 =	vadd.f32 v1, v0;
	_ =	sdelay $0x1  }
0x10c: {  	[tilespmem:s21+$0x100] =	vst v0;
	s21 =	sor.u32 $0x1C20, s19  }
0x10d: {  	v0 =	vld [tilespmem:s21+$0x100]  }
0x10e: {  	v58 =	vld [tilespmem:s21+$0x8100];
	_ =	sdelay $0x4  }
0x10f: {  	v0 =	vmul.f32 v0, v3;
	v1 =	vmul.f32 v58, v4;
	_ =	sdelay $0x1  }
0x110: {  	v0 =	vadd.f32 v1, v0;
	_ =	sdelay $0x1  }
0x111: {  	[tilespmem:s21+$0x100] =	vst v0;
	s21 =	sor.u32 $0x1C30, s19  }
0x112: {  	v0 =	vld [tilespmem:s21+$0x100]  }
0x113: {  	v59 =	vld [tilespmem:s21+$0x8100];
	_ =	sdelay $0x4  }
0x114: {  	v0 =	vmul.f32 v0, v3;
	v1 =	vmul.f32 v59, v4;
	_ =	sdelay $0x1  }
0x115: {  	v0 =	vadd.f32 v1, v0;
	_ =	sdelay $0x1  }
0x116: {  	[tilespmem:s21+$0x100] =	vst v0;
	s21 =	sor.u32 $0x1C40, s19  }
0x117: {  	v0 =	vld [tilespmem:s21+$0x100]  }
0x118: {  	v60 =	vld [tilespmem:s21+$0x8100];
	_ =	sdelay $0x4  }
0x119: {  	v0 =	vmul.f32 v0, v3;
	v1 =	vmul.f32 v60, v4;
	_ =	sdelay $0x1  }
0x11a: {  	v0 =	vadd.f32 v1, v0;
	_ =	sdelay $0x1  }
0x11b: {  	[tilespmem:s21+$0x100] =	vst v0;
	s21 =	sor.u32 $0x1C50, s19  }
0x11c: {  	v0 =	vld [tilespmem:s21+$0x100]  }
0x11d: {  	v61 =	vld [tilespmem:s21+$0x8100];
	_ =	sdelay $0x4  }
0x11e: {  	v0 =	vmul.f32 v0, v3;
	v1 =	vmul.f32 v61, v4;
	_ =	sdelay $0x1  }
0x11f: {  	v0 =	vadd.f32 v1, v0;
	_ =	sdelay $0x1  }
0x120: {  	[tilespmem:s21+$0x100] =	vst v0;
	s21 =	sor.u32 $0x1C60, s19  }
0x121: {  	v0 =	vld [tilespmem:s21+$0x100]  }
0x122: {  	v62 =	vld [tilespmem:s21+$0x8100];
	_ =	sdelay $0x4  }
0x123: {  	v0 =	vmul.f32 v0, v3;
	v1 =	vmul.f32 v62, v4;
	_ =	sdelay $0x1  }
0x124: {  	v0 =	vadd.f32 v1, v0;
	_ =	sdelay $0x1  }
0x125: {  	[tilespmem:s21+$0x100] =	vst v0;
	s21 =	sor.u32 $0x1C70, s19  }
0x126: {  	v0 =	vld [tilespmem:s21+$0x100]  }
0x127: {  	v63 =	vld [tilespmem:s21+$0x8100];
	_ =	sdelay $0x3  }
0x128: {  	p0 =	sne.s32 s6, $0xF80  }
.Ltmp0:
0x129: {  	v0 =	vmul.f32 v0, v3;
	v1 =	vmul.f32 v63, v4;
	(pc) =	sbr.rel @p0 .LBB2_2-.Ltmp0, $4  }
0x12a: {  	_ = 	snop  }
0x12b: {  	v0 =	vadd.f32 v1, v0  }
0x12c: {  	s17 =	sadd.s32 $0x1, s17;
	s16 =	sadd.s32 $0x80, s16  }
0x12d: {  	s4 =	sadd.s32 $0x80, s4;
	s6 =	sadd.s32 $0x80, s6;
	s5 =	sadd.s32 $0x400, s5;
	[tilespmem:s21+$0x100] =	vst v0  }
0x12e: {  	s16 =	simm.s32 $0x0;
	s4 =	rddreg [dreg:$0x7]  }
0x12f: {  	[hbm4b:s4+s16] =	stream.linear.scatter [tilespmem:s20], [sflag:$0x3], $0x8000, $0x38;
	[tilespmem:$0x12100] =	vst v63  }
0x130: {  	_ =	swait.ge [sflag:s18], $0x8000  }
0x131: {  	[sflag:s18] =	ssyncset.done $0x0  }
0x132: {  	s19 =	rddreg [dreg:$0x8];
	[sflag:s18] =	ssyncadd.s32 $0xFFFF8000  }
0x133: {  	[tilespmem:s16], [sflag:$0x3] =	stream.linear.gather [hbm4b:s19+s16], $0x20, $0x38;
	[tilespmem:$0x12100] =	vst v63  }
0x134: {  	_ =	swait.ge [sflag:s18], $0x20  }
0x135: {  	[sflag:s18] =	ssyncset.done $0x0  }
0x136: {  	s5 =	simm.s32 $0x80;
	s21 =	rddreg [dreg:$0x9];
	[sflag:s18] =	ssyncadd.s32 $0xFFFFFFE0  }
0x137: {  	[tilespmem:s5], [sflag:$0x3] =	stream.linear.gather [hbm4b:s21+s16], $0x20, $0x38;
	[tilespmem:$0x12100] =	vst v63  }
0x138: {  	_ =	swait.ge [sflag:s18], $0x20  }
0x139: {  	[sflag:s18] =	ssyncset.done $0x0  }
0x13a: {  	s4 =	simm.s32 $0x10100;
	s6 =	rddreg [dreg:$0xa];
	[sflag:s18] =	ssyncadd.s32 $0xFFFFFFE0  }
0x13b: {  	[tilespmem:s4], [sflag:$0x3] =	stream.linear.gather [hbm4b:s6+s16], $0x1000, $0x38;
	[tilespmem:$0x12100] =	vst v63  }
0x13c: {  	_ =	swait.ge [sflag:s18], $0x1000  }
0x13d: {  	[sflag:s18] =	ssyncset.done $0x0  }
0x13e: {  	s17 =	simm.s32 $0x11100;
	s7 =	rddreg [dreg:$0xb];
	[sflag:s18] =	ssyncadd.s32 $0xFFFFF000  }
0x13f: {  	[tilespmem:s17], [sflag:$0x3] =	stream.linear.gather [hbm4b:s7+s16], $0x1000, $0x38;
	[tilespmem:$0x12100] =	vst v63  }
0x140: {  	_ =	swait.ge [sflag:s18], $0x1000  }
0x141: {  	[sflag:s18] =	ssyncset.done $0x0  }
0x142: {  	[sflag:s18] =	ssyncadd.s32 $0xFFFFF000  }
0x143: {  	v0 =	vld [tilespmem:$0x0];
	_ =	sdelay $0x2  }
0x144: {  	v2 =	vld [tilespmem:$0x1FFD0];
	_ =	sdelay $0x1  }
0x145: {  	v3 =	vld [tilespmem:$0x1FFE0];
	v1 =	vshll.u32 v0, $0x3  }
0x146: {  	v0 =	vand.u32 $0x7, v0;
	v1 =	vand.u32 $0xFFFFFFC0, v1  }
0x147: {  	v0 =	vor.u32 v0, v1  }
0x148: {  	v1 =	vperm.xlane v0, v2;
	_ =	sdelay $0x1  }
0x149: {  	v1 =	vadd.s32 v3, v1  }
0x14a: {  	v4 =	vld [tilespmem:$0x1FFF0];
	_ =	sdelay $0x3  }
0x14b: {  	[tilespmem:s20], [sflag:$0x1] =	stream.indirect_vreg.gather [hbm4b:s3+s16], $0x80, v1, vm0, $0xb8;
	[tilespmem:$0x12100] =	vst v63  }
0x14c: {  	s19 =	simm.s32 $0x900;
	v0 =	vperm.xlane v0, v4  }
0x14d: {  	[tilespmem:s19], [sflag:$0x1] =	stream.indirect_vreg.gather [hbm4b:s8+s16], $0x80, v1, vm0, $0xb8;
	[tilespmem:$0x12100] =	vst v63  }
0x14e: {  	s21 =	simm.s32 $0x1100;
	v0 =	vadd.s32 v3, v0  }
0x14f: {  	[tilespmem:s21], [sflag:$0x1] =	stream.indirect_vreg.gather [hbm4b:s9+s16], $0x80, v1, vm0, $0xb8;
	[tilespmem:$0x12100] =	vst v63  }
0x150: {  	s6 =	simm.s32 $0x1900  }
0x151: {  	[tilespmem:s6], [sflag:$0x1] =	stream.indirect_vreg.gather [hbm4b:s10+s16], $0x80, v1, vm0, $0xb8;
	[tilespmem:$0x12100] =	vst v63  }
0x152: {  	s7 =	simm.s32 $0x2100  }
0x153: {  	[tilespmem:s7], [sflag:$0x1] =	stream.indirect_vreg.gather [hbm4b:s3+s16], $0x80, v0, vm0, $0xb8;
	[tilespmem:$0x12100] =	vst v63  }
0x154: {  	s19 =	simm.s32 $0x2900  }
0x155: {  	[tilespmem:s19], [sflag:$0x1] =	stream.indirect_vreg.gather [hbm4b:s8+s16], $0x80, v0, vm0, $0xb8;
	[tilespmem:$0x12100] =	vst v63  }
0x156: {  	s21 =	simm.s32 $0x3100  }
0x157: {  	[tilespmem:s21], [sflag:$0x1] =	stream.indirect_vreg.gather [hbm4b:s9+s16], $0x80, v0, vm0, $0xb8;
	[tilespmem:$0x12100] =	vst v63  }
0x158: {  	s6 =	simm.s32 $0x3900  }
0x159: {  	[tilespmem:s6], [sflag:$0x1] =	stream.indirect_vreg.gather [hbm4b:s10+s16], $0x80, v0, vm0, $0xb8;
	[tilespmem:$0x12100] =	vst v63  }
0x15a: {  	v0 =	vld [tilespmem:$0x10];
	_ =	sdelay $0x4  }
0x15b: {  	v61 =	vshll.u32 v0, $0x3  }
0x15c: {  	v0 =	vand.u32 $0x7, v0;
	v1 =	vand.u32 $0xFFFFFFC0, v61  }
0x15d: {  	v0 =	vor.u32 v0, v1  }
0x15e: {  	v1 =	vperm.xlane v0, v2;
	_ =	sdelay $0x1  }
0x15f: {  	v1 =	vadd.s32 v3, v1;
	_ =	sdelay $0x3  }
0x160: {  	s7 =	simm.s32 $0x4100  }
0x161: {  	[tilespmem:s7], [sflag:$0x1] =	stream.indirect_vreg.gather [hbm4b:s3+s16], $0x80, v1, vm0, $0xb8;
	[tilespmem:$0x12100] =	vst v63  }
0x162: {  	s19 =	simm.s32 $0x4900;
	v0 =	vperm.xlane v0, v4  }
0x163: {  	[tilespmem:s19], [sflag:$0x1] =	stream.indirect_vreg.gather [hbm4b:s8+s16], $0x80, v1, vm0, $0xb8;
	[tilespmem:$0x12100] =	vst v63  }
0x164: {  	s21 =	simm.s32 $0x5100;
	v0 =	vadd.s32 v3, v0  }
0x165: {  	[tilespmem:s21], [sflag:$0x1] =	stream.indirect_vreg.gather [hbm4b:s9+s16], $0x80, v1, vm0, $0xb8;
	[tilespmem:$0x12100] =	vst v63  }
0x166: {  	s6 =	simm.s32 $0x5900  }
0x167: {  	[tilespmem:s6], [sflag:$0x1] =	stream.indirect_vreg.gather [hbm4b:s10+s16], $0x80, v1, vm0, $0xb8;
	[tilespmem:$0x12100] =	vst v63  }
0x168: {  	s7 =	simm.s32 $0x6100  }
0x169: {  	[tilespmem:s7], [sflag:$0x1] =	stream.indirect_vreg.gather [hbm4b:s3+s16], $0x80, v0, vm0, $0xb8;
	[tilespmem:$0x12100] =	vst v63  }
0x16a: {  	s19 =	simm.s32 $0x6900  }
0x16b: {  	[tilespmem:s19], [sflag:$0x1] =	stream.indirect_vreg.gather [hbm4b:s8+s16], $0x80, v0, vm0, $0xb8;
	[tilespmem:$0x12100] =	vst v63  }
0x16c: {  	s21 =	simm.s32 $0x7100  }
0x16d: {  	[tilespmem:s21], [sflag:$0x1] =	stream.indirect_vreg.gather [hbm4b:s9+s16], $0x80, v0, vm0, $0xb8;
	[tilespmem:$0x12100] =	vst v63  }
0x16e: {  	s6 =	simm.s32 $0x7900  }
0x16f: {  	[tilespmem:s6], [sflag:$0x1] =	stream.indirect_vreg.gather [hbm4b:s10+s16], $0x80, v0, vm0, $0xb8;
	[tilespmem:$0x12100] =	vst v63  }
0x170: {  	v0 =	vld [tilespmem:$0x80];
	_ =	sdelay $0x4  }
0x171: {  	v62 =	vshll.u32 v0, $0x3  }
0x172: {  	v0 =	vand.u32 $0x7, v0;
	v1 =	vand.u32 $0xFFFFFFC0, v62  }
0x173: {  	v0 =	vor.u32 v0, v1  }
0x174: {  	v1 =	vperm.xlane v0, v2;
	_ =	sdelay $0x1  }
0x175: {  	v1 =	vadd.s32 v3, v1;
	_ =	sdelay $0x3  }
0x176: {  	s7 =	simm.s32 $0x8100  }
0x177: {  	[tilespmem:s7], [sflag:$0x2] =	stream.indirect_vreg.gather [hbm4b:s3+s16], $0x80, v1, vm0, $0xb8;
	[tilespmem:$0x12100] =	vst v63  }
0x178: {  	s19 =	simm.s32 $0x8900;
	v0 =	vperm.xlane v0, v4  }
0x179: {  	[tilespmem:s19], [sflag:$0x2] =	stream.indirect_vreg.gather [hbm4b:s8+s16], $0x80, v1, vm0, $0xb8;
	[tilespmem:$0x12100] =	vst v63  }
0x17a: {  	s21 =	simm.s32 $0x9100;
	v0 =	vadd.s32 v3, v0  }
0x17b: {  	[tilespmem:s21], [sflag:$0x2] =	stream.indirect_vreg.gather [hbm4b:s9+s16], $0x80, v1, vm0, $0xb8;
	[tilespmem:$0x12100] =	vst v63  }
0x17c: {  	_ = 	snop  }
0x17d: {  	[tilespmem:s22], [sflag:$0x2] =	stream.indirect_vreg.gather [hbm4b:s10+s16], $0x80, v1, vm0, $0xb8;
	[tilespmem:$0x12100] =	vst v63  }
0x17e: {  	_ = 	snop  }
0x17f: {  	[tilespmem:s23], [sflag:$0x2] =	stream.indirect_vreg.gather [hbm4b:s3+s16], $0x80, v0, vm0, $0xb8;
	[tilespmem:$0x12100] =	vst v63  }
0x180: {  	_ = 	snop  }
0x181: {  	[tilespmem:s24], [sflag:$0x2] =	stream.indirect_vreg.gather [hbm4b:s8+s16], $0x80, v0, vm0, $0xb8;
	[tilespmem:$0x12100] =	vst v63  }
0x182: {  	_ = 	snop  }
0x183: {  	[tilespmem:s11], [sflag:$0x2] =	stream.indirect_vreg.gather [hbm4b:s9+s16], $0x80, v0, vm0, $0xb8;
	[tilespmem:$0x12100] =	vst v63  }
0x184: {  	_ = 	snop  }
0x185: {  	[tilespmem:s25], [sflag:$0x2] =	stream.indirect_vreg.gather [hbm4b:s10+s16], $0x80, v0, vm0, $0xb8;
	[tilespmem:$0x12100] =	vst v63  }
0x186: {  	v0 =	vld [tilespmem:$0x90];
	_ =	sdelay $0x4  }
0x187: {  	v63 =	vshll.u32 v0, $0x3  }
0x188: {  	v0 =	vand.u32 $0x7, v0;
	v1 =	vand.u32 $0xFFFFFFC0, v63  }
0x189: {  	v0 =	vor.u32 v0, v1  }
0x18a: {  	v1 =	vperm.xlane v0, v2;
	_ =	sdelay $0x1  }
0x18b: {  	v1 =	vadd.s32 v3, v1;
	_ =	sdelay $0x4  }
0x18c: {  	[tilespmem:s26], [sflag:$0x2] =	stream.indirect_vreg.gather [hbm4b:s3+s16], $0x80, v1, vm0, $0xb8;
	[tilespmem:$0x12100] =	vst v63  }
0x18d: {  	v0 =	vperm.xlane v0, v4  }
0x18e: {  	[tilespmem:s12], [sflag:$0x2] =	stream.indirect_vreg.gather [hbm4b:s8+s16], $0x80, v1, vm0, $0xb8;
	[tilespmem:$0x12100] =	vst v63  }
0x18f: {  	v0 =	vadd.s32 v3, v0  }
0x190: {  	[tilespmem:s28], [sflag:$0x2] =	stream.indirect_vreg.gather [hbm4b:s9+s16], $0x80, v1, vm0, $0xb8;
	[tilespmem:$0x12100] =	vst v63  }
0x191: {  	_ = 	snop  }
0x192: {  	[tilespmem:s13], [sflag:$0x2] =	stream.indirect_vreg.gather [hbm4b:s10+s16], $0x80, v1, vm0, $0xb8;
	[tilespmem:$0x12100] =	vst v63  }
0x193: {  	_ = 	snop  }
0x194: {  	[tilespmem:s29], [sflag:$0x2] =	stream.indirect_vreg.gather [hbm4b:s3+s16], $0x80, v0, vm0, $0xb8;
	[tilespmem:$0x12100] =	vst v63  }
0x195: {  	_ = 	snop  }
0x196: {  	[tilespmem:s30], [sflag:$0x2] =	stream.indirect_vreg.gather [hbm4b:s8+s16], $0x80, v0, vm0, $0xb8;
	[tilespmem:$0x12100] =	vst v63  }
0x197: {  	_ = 	snop  }
0x198: {  	[tilespmem:s14], [sflag:$0x2] =	stream.indirect_vreg.gather [hbm4b:s9+s16], $0x80, v0, vm0, $0xb8;
	[tilespmem:$0x12100] =	vst v63  }
0x199: {  	_ = 	snop  }
0x19a: {  	[tilespmem:s31], [sflag:$0x2] =	stream.indirect_vreg.gather [hbm4b:s10+s16], $0x80, v0, vm0, $0xb8;
	[tilespmem:$0x12100] =	vst v63  }
0x19b: {  	_ =	swait.ge [sflag:s15], $0x8000  }
0x19c: {  	[sflag:s15] =	ssyncset.done $0x0  }
0x19d: {  	[sflag:s15] =	ssyncadd.s32 $0xFFFF8000  }
0x19e: {  	_ =	swait.ge [sflag:s0], $0x8000  }
0x19f: {  	[sflag:s0] =	ssyncset.done $0x0  }
0x1a0: {  	s5 =	simm.s32 $0x0;
	s6 =	simm.s32 $0x0;
	[sflag:s0] =	ssyncadd.s32 $0xFFFF8000  }
.LBB2_4:
0x1a1: {  	v3 =	vld [tilespmem:s4+$0x0];
	s7 =	sand.u32 $0x6000, s5;
	s19 =	sand.u32 $0x380, s6  }
0x1a2: {  	v4 =	vld [tilespmem:s17+$0x0];
	s7 =	sor.u32 s19, s7  }
0x1a3: {  	v0 =	vld [tilespmem:s7+$0x100]  }
0x1a4: {  	v1 =	vld [tilespmem:s7+$0x8100]  }
0x1a5: {  	v2 =	vld [tilespmem:s7+$0x110]  }
0x1a6: {  	v6 =	vld [tilespmem:s7+$0x8110]  }
0x1a7: {  	v10 =	vld [tilespmem:s7+$0x120]  }
0x1a8: {  	v11 =	vld [tilespmem:s7+$0x8120]  }
0x1a9: {  	v14 =	vld [tilespmem:s7+$0x130]  }
0x1aa: {  	v17 =	vld [tilespmem:s7+$0x8130]  }
0x1ab: {  	v20 =	vld [tilespmem:s7+$0x140]  }
0x1ac: {  	v21 =	vld [tilespmem:s7+$0x8140]  }
0x1ad: {  	v26 =	vld [tilespmem:s7+$0x150]  }
0x1ae: {  	v27 =	vld [tilespmem:s7+$0x8150]  }
0x1af: {  	v28 =	vld [tilespmem:s7+$0x160]  }
0x1b0: {  	v29 =	vld [tilespmem:s7+$0x8160]  }
0x1b1: {  	v30 =	vld [tilespmem:s7+$0x170]  }
0x1b2: {  	v31 =	vld [tilespmem:s7+$0x8170]  }
0x1b3: {  	v32 =	vld [tilespmem:s7+$0x500]  }
0x1b4: {  	v33 =	vld [tilespmem:s7+$0x8500]  }
0x1b5: {  	v34 =	vld [tilespmem:s7+$0x510]  }
0x1b6: {  	v35 =	vld [tilespmem:s7+$0x8510]  }
0x1b7: {  	v36 =	vld [tilespmem:s7+$0x520]  }
0x1b8: {  	v37 =	vld [tilespmem:s7+$0x8520]  }
0x1b9: {  	v38 =	vld [tilespmem:s7+$0x530]  }
0x1ba: {  	v39 =	vld [tilespmem:s7+$0x8530]  }
0x1bb: {  	v40 =	vld [tilespmem:s7+$0x540]  }
0x1bc: {  	v41 =	vld [tilespmem:s7+$0x8540]  }
0x1bd: {  	v42 =	vld [tilespmem:s7+$0x550]  }
0x1be: {  	v43 =	vld [tilespmem:s7+$0x8550]  }
0x1bf: {  	v44 =	vld [tilespmem:s7+$0x560]  }
0x1c0: {  	v45 =	vld [tilespmem:s7+$0x8560]  }
0x1c1: {  	v46 =	vld [tilespmem:s7+$0x570]  }
0x1c2: {  	v47 =	vld [tilespmem:s7+$0x8570]  }
0x1c3: {  	v48 =	vld [tilespmem:s7+$0x900]  }
0x1c4: {  	v49 =	vld [tilespmem:s7+$0x8900]  }
0x1c5: {  	v50 =	vld [tilespmem:s7+$0x910]  }
0x1c6: {  	v51 =	vld [tilespmem:s7+$0x8910]  }
0x1c7: {  	v52 =	vld [tilespmem:s7+$0x920]  }
0x1c8: {  	v53 =	vld [tilespmem:s7+$0x8920]  }
0x1c9: {  	v54 =	vld [tilespmem:s7+$0x930]  }
0x1ca: {  	v55 =	vld [tilespmem:s7+$0x8930]  }
0x1cb: {  	v56 =	vld [tilespmem:s7+$0x940]  }
0x1cc: {  	v57 =	vld [tilespmem:s7+$0x8940]  }
0x1cd: {  	v58 =	vld [tilespmem:s7+$0x950]  }
0x1ce: {  	v59 =	vld [tilespmem:s7+$0x8950]  }
0x1cf: {  	v60 =	vld [tilespmem:s7+$0x960]  }
0x1d0: {  	v61 =	vld [tilespmem:s7+$0x8960]  }
0x1d1: {  	v62 =	vld [tilespmem:s7+$0x970]  }
0x1d2: {  	v63 =	vld [tilespmem:s7+$0x8970]  }
0x1d3: {  	v24 =	vld [tilespmem:s7+$0xD00]  }
0x1d4: {  	v25 =	vld [tilespmem:s7+$0x8D00]  }
0x1d5: {  	v22 =	vld [tilespmem:s7+$0xD10]  }
0x1d6: {  	v23 =	vld [tilespmem:s7+$0x8D10]  }
0x1d7: {  	v18 =	vld [tilespmem:s7+$0xD20]  }
0x1d8: {  	v19 =	vld [tilespmem:s7+$0x8D20]  }
0x1d9: {  	v15 =	vld [tilespmem:s7+$0xD30]  }
0x1da: {  	v16 =	vld [tilespmem:s7+$0x8D30]  }
0x1db: {  	v5 =	vld [tilespmem:s7+$0xD60]  }
0x1dc: {  	v12 =	vld [tilespmem:s7+$0xD40]  }
0x1dd: {  	v13 =	vld [tilespmem:s7+$0x8D40]  }
0x1de: {  	v8 =	vld [tilespmem:s7+$0xD50]  }
0x1df: {  	v9 =	vld [tilespmem:s7+$0x8D50];
	v0 =	vmul.f32 v0, v3;
	v1 =	vmul.f32 v1, v4  }
0x1e0: {  	v7 =	vld [tilespmem:s7+$0x8D60];
	[tilespmem:$0x1FFA0] =	vst v5;
	v5 =	vmul.f32 v2, v3;
	v2 =	vmul.f32 v6, v4  }
0x1e1: {  	v6 =	vld [tilespmem:s7+$0xD70];
	v17 =	vmul.f32 v17, v4;
	v0 =	vadd.f32 v1, v0  }
0x1e2: {  	v1 =	vmul.f32 v10, v3;
	v10 =	vld [tilespmem:s7+$0x8D70];
	v5 =	vadd.f32 v2, v5;
	v2 =	vmul.f32 v14, v3  }
0x1e3: {  	v11 =	vmul.f32 v11, v4;
	v14 =	vld [tilespmem:s7+$0x9100]  }
0x1e4: {  	v26 =	vmul.f32 v26, v3;
	v2 =	vadd.f32 v17, v2;
	v17 =	vld [tilespmem:s7+$0x1110]  }
0x1e5: {  	[tilespmem:s7+$0x100] =	vst v0;
	v0 =	vadd.f32 v11, v1;
	v1 =	vmul.f32 v20, v3;
	v11 =	vmul.f32 v21, v4;
	v20 =	vld [tilespmem:s7+$0x9110]  }
0x1e6: {  	v27 =	vmul.f32 v27, v4;
	v30 =	vmul.f32 v30, v3;
	v21 =	vld [tilespmem:s7+$0x1120];
	[tilespmem:$0x1FFB0] =	vst v6  }
0x1e7: {  	v31 =	vmul.f32 v31, v4;
	v33 =	vmul.f32 v33, v4;
	v6 =	vld [tilespmem:s7+$0x1100];
	[tilespmem:s7+$0x120] =	vst v0;
	v0 =	vadd.f32 v11, v1  }
0x1e8: {  	v1 =	vmul.f32 v28, v3;
	v11 =	vmul.f32 v29, v4;
	[tilespmem:s7+$0x130] =	vst v2;
	v2 =	vadd.f32 v27, v26;
	v26 =	vld [tilespmem:s7+$0x9120]  }
0x1e9: {  	v42 =	vmul.f32 v42, v3;
	[tilespmem:s7+$0x110] =	vst v5;
	v5 =	vmul.f32 v34, v3;
	v28 =	vld [tilespmem:s7+$0x1130]  }
0x1ea: {  	v34 =	vmul.f32 v37, v4;
	v29 =	vld [tilespmem:s7+$0x9130];
	[tilespmem:s7+$0x140] =	vst v0;
	v0 =	vadd.f32 v11, v1;
	v1 =	vmul.f32 v32, v3  }
0x1eb: {  	v37 =	vmul.f32 v39, v4;
	[tilespmem:s7+$0x150] =	vst v2;
	v2 =	vadd.f32 v31, v30;
	v32 =	vmul.f32 v35, v4;
	v30 =	vld [tilespmem:s7+$0x1140]  }
0x1ec: {  	v31 =	vld [tilespmem:s7+$0x9140];
	[tilespmem:s7+$0x160] =	vst v0;
	v0 =	vadd.f32 v33, v1;
	v33 =	vmul.f32 v36, v3;
	v36 =	vmul.f32 v38, v3  }
0x1ed: {  	v39 =	vmul.f32 v40, v3;
	v40 =	vmul.f32 v41, v4;
	v11 =	vld [tilespmem:s7+$0x9550];
	[tilespmem:s7+$0x170] =	vst v2;
	v35 =	vadd.f32 v32, v5  }
0x1ee: {  	v56 =	vmul.f32 v56, v3;
	v32 =	vld [tilespmem:s7+$0x1150];
	[tilespmem:s7+$0x500] =	vst v0;
	v38 =	vadd.f32 v34, v33;
	v41 =	vadd.f32 v37, v36  }
0x1ef: {  	[tilespmem:s7+$0x510] =	vst v35;
	v36 =	vmul.f32 v43, v4;
	v37 =	vadd.f32 v40, v39;
	v39 =	vmul.f32 v45, v4;
	v33 =	vld [tilespmem:s7+$0x9150]  }
0x1f0: {  	v34 =	vld [tilespmem:s7+$0x1160];
	v45 =	vmul.f32 v49, v4;
	[tilespmem:s7+$0x520] =	vst v38;
	v38 =	vmul.f32 v44, v3  }
0x1f1: {  	v35 =	vld [tilespmem:s7+$0x9160];
	[tilespmem:s7+$0x530] =	vst v41;
	v40 =	vadd.f32 v36, v42;
	v41 =	vmul.f32 v46, v3;
	v42 =	vmul.f32 v47, v4  }
0x1f2: {  	[tilespmem:s7+$0x540] =	vst v37;
	v44 =	vmul.f32 v48, v3;
	v47 =	vmul.f32 v50, v3;
	v36 =	vld [tilespmem:s7+$0x1170];
	v43 =	vadd.f32 v39, v38  }
0x1f3: {  	v48 =	vmul.f32 v51, v4;
	v50 =	vmul.f32 v52, v3;
	v37 =	vld [tilespmem:s7+$0x9170];
	[tilespmem:s7+$0x550] =	vst v40;
	v46 =	vadd.f32 v42, v41  }
0x1f4: {  	v51 =	vmul.f32 v53, v4;
	v53 =	vmul.f32 v54, v3;
	v49 =	vadd.f32 v45, v44;
	v38 =	vld [tilespmem:s7+$0x1500];
	[tilespmem:s7+$0x560] =	vst v43  }
0x1f5: {  	v54 =	vmul.f32 v55, v4;
	v52 =	vadd.f32 v48, v47;
	v44 =	vmul.f32 v57, v4;
	v39 =	vld [tilespmem:s7+$0x9500];
	[tilespmem:s7+$0x570] =	vst v46  }
0x1f6: {  	v55 =	vadd.f32 v51, v50;
	v47 =	vmul.f32 v59, v4;
	v40 =	vld [tilespmem:s7+$0x1510];
	v50 =	vmul.f32 v61, v4;
	[tilespmem:s7+$0x900] =	vst v49  }
0x1f7: {  	v45 =	vadd.f32 v54, v53;
	v41 =	vld [tilespmem:s7+$0x9510];
	v53 =	vmul.f32 v63, v4;
	[tilespmem:s7+$0x910] =	vst v52;
	v46 =	vmul.f32 v58, v3  }
0x1f8: {  	v42 =	vld [tilespmem:s7+$0x1520];
	v59 =	vmul.f32 v23, v4;
	[tilespmem:s7+$0x920] =	vst v55;
	v48 =	vadd.f32 v44, v56;
	v49 =	vmul.f32 v60, v3  }
0x1f9: {  	v23 =	vld [tilespmem:s7+$0x1530];
	v61 =	vmul.f32 v18, v3;
	[tilespmem:s7+$0x930] =	vst v45;
	v52 =	vmul.f32 v62, v3;
	v51 =	vadd.f32 v47, v46  }
0x1fa: {  	v18 =	vld [tilespmem:s7+$0x9530];
	v55 =	vmul.f32 v24, v3;
	v56 =	vmul.f32 v25, v4;
	[tilespmem:s7+$0x940] =	vst v48;
	v54 =	vadd.f32 v50, v49  }
0x1fb: {  	v24 =	vld [tilespmem:s7+$0x9520];
	v58 =	vmul.f32 v22, v3;
	v62 =	vmul.f32 v19, v4;
	v57 =	vadd.f32 v53, v52;
	[tilespmem:s7+$0x950] =	vst v51  }
0x1fc: {  	v22 =	vmul.f32 v15, v3;
	v25 =	vmul.f32 v16, v4;
	v16 =	vld [tilespmem:s7+$0x1540];
	v60 =	vadd.f32 v56, v55;
	[tilespmem:s7+$0x960] =	vst v54  }
0x1fd: {  	v43 =	vmul.f32 v12, v3;
	v44 =	vmul.f32 v13, v4;
	v12 =	vld [tilespmem:s7+$0x9540];
	v63 =	vadd.f32 v59, v58;
	[tilespmem:s7+$0x970] =	vst v57  }
0x1fe: {  	v13 =	vld [tilespmem:s7+$0x1570];
	v27 =	vadd.f32 v62, v61;
	v46 =	vmul.f32 v8, v3;
	v47 =	vmul.f32 v9, v4;
	[tilespmem:s7+$0xD00] =	vst v60  }
0x1ff: {  	v15 =	vld [tilespmem:s7+$0x1900];
	v45 =	vadd.f32 v25, v22;
	v55 =	vmul.f32 v14, v4;
	v58 =	vmul.f32 v20, v4;
	[tilespmem:s7+$0xD10] =	vst v63  }
0x200: {  	v19 =	vld [tilespmem:s7+$0x1910];
	v48 =	vadd.f32 v44, v43;
	v22 =	vmul.f32 v30, v3;
	v25 =	vmul.f32 v31, v4;
	[tilespmem:s7+$0xD20] =	vst v27  }
0x201: {  	v9 =	vld [tilespmem:s7+$0x1550];
	v30 =	vmul.f32 v34, v3;
	v31 =	vmul.f32 v35, v4;
	[tilespmem:s7+$0xD30] =	vst v45;
	v50 =	vadd.f32 v47, v46  }
0x202: {  	v49 =	vld [tilespmem:$0x1FFA0];
	v20 =	vmul.f32 v29, v4;
	[tilespmem:s7+$0xD40] =	vst v48;
	v54 =	vmul.f32 v6, v3;
	v29 =	vadd.f32 v25, v22  }
0x203: {  	v52 =	vmul.f32 v10, v4;
	v10 =	vld [tilespmem:s7+$0x1560];
	v57 =	vmul.f32 v17, v3;
	v35 =	vadd.f32 v31, v30;
	[tilespmem:s7+$0xD50] =	vst v50  }
0x204: {  	v61 =	vmul.f32 v26, v4;
	v14 =	vld [tilespmem:s7+$0x9570];
	v60 =	vmul.f32 v21, v3;
	v59 =	vadd.f32 v55, v54;
	[tilespmem:s7+$0x1140] =	vst v29  }
0x205: {  	v7 =	vmul.f32 v7, v4;
	v44 =	vld [tilespmem:s7+$0x1930];
	v63 =	vmul.f32 v28, v3;
	v62 =	vadd.f32 v58, v57;
	[tilespmem:s7+$0x1160] =	vst v35  }
0x206: {  	v51 =	vld [tilespmem:$0x1FFB0];
	v27 =	vmul.f32 v32, v3;
	v28 =	vmul.f32 v33, v4;
	v21 =	vadd.f32 v61, v60;
	[tilespmem:s7+$0x1100] =	vst v59  }
0x207: {  	v34 =	vmul.f32 v37, v4;
	v17 =	vld [tilespmem:s7+$0x9900];
	v33 =	vmul.f32 v36, v3;
	v26 =	vadd.f32 v20, v63;
	[tilespmem:s7+$0x1110] =	vst v62  }
0x208: {  	v37 =	vmul.f32 v39, v4;
	v36 =	vmul.f32 v38, v3;
	v38 =	vld [tilespmem:s7+$0x9920];
	v32 =	vadd.f32 v28, v27;
	[tilespmem:s7+$0x1120] =	vst v21  }
0x209: {  	v40 =	vmul.f32 v40, v3;
	v43 =	vmul.f32 v41, v4;
	v48 =	vld [tilespmem:s7+$0x9930];
	v39 =	vadd.f32 v34, v33;
	[tilespmem:s7+$0x1130] =	vst v26  }
0x20a: {  	v31 =	vld [tilespmem:s7+$0x1970];
	v45 =	vadd.f32 v37, v36;
	v50 =	vmul.f32 v23, v3;
	v1 =	vmul.f32 v49, v3;
	[tilespmem:s7+$0x1150] =	vst v32  }
0x20b: {  	v20 =	vld [tilespmem:s7+$0x9910];
	v23 =	vmul.f32 v13, v3;
	v49 =	vadd.f32 v43, v40;
	[tilespmem:s7+$0x1170] =	vst v39;
	v26 =	vmul.f32 v14, v4  }
0x20c: {  	v46 =	vmul.f32 v42, v3;
	v55 =	vld [tilespmem:s7+$0x1950];
	[tilespmem:s7+$0x1500] =	vst v45;
	v5 =	vmul.f32 v51, v3;
	v53 =	vadd.f32 v7, v1  }
0x20d: {  	v47 =	vmul.f32 v24, v4;
	v58 =	vmul.f32 v11, v4;
	v63 =	vld [tilespmem:s7+$0x1960];
	[tilespmem:s7+$0x1510] =	vst v49;
	v32 =	vadd.f32 v26, v23  }
0x20e: {  	v27 =	vld [tilespmem:s7+$0x9960];
	v29 =	vmul.f32 v15, v3;
	v57 =	vmul.f32 v9, v3;
	v56 =	vadd.f32 v52, v5;
	[tilespmem:s7+$0xD60] =	vst v53  }
0x20f: {  	v35 =	vld [tilespmem:s7+$0x9970];
	v41 =	vmul.f32 v44, v3;
	v30 =	vmul.f32 v17, v4;
	v52 =	vadd.f32 v47, v46;
	[tilespmem:s7+$0x1570] =	vst v32  }
0x210: {  	v21 =	vld [tilespmem:s7+$0x1920];
	v42 =	vmul.f32 v48, v4;
	v53 =	vmul.f32 v16, v3;
	v16 =	vadd.f32 v58, v57;
	[tilespmem:s7+$0xD70] =	vst v56  }
0x211: {  	v59 =	vld [tilespmem:s7+$0x9950];
	v51 =	vmul.f32 v18, v4;
	v36 =	vadd.f32 v30, v29;
	[tilespmem:s7+$0x1520] =	vst v52  }
0x212: {  	v54 =	vmul.f32 v12, v4;
	v39 =	vld [tilespmem:s7+$0x9940];
	v46 =	vadd.f32 v42, v41;
	[tilespmem:s7+$0x1550] =	vst v16  }
0x213: {  	v33 =	vmul.f32 v19, v3;
	v7 =	vld [tilespmem:s7+$0x9560];
	v34 =	vmul.f32 v20, v4;
	v56 =	vadd.f32 v51, v50;
	[tilespmem:s7+$0x1900] =	vst v36  }
0x214: {  	v18 =	vld [tilespmem:s7+$0x1940];
	v47 =	vmul.f32 v63, v3;
	v48 =	vmul.f32 v27, v4;
	v60 =	vadd.f32 v54, v53;
	[tilespmem:s7+$0x1930] =	vst v46  }
0x215: {  	v38 =	vmul.f32 v38, v4;
	v37 =	vmul.f32 v21, v3;
	v40 =	vadd.f32 v34, v33;
	[tilespmem:s7+$0x1530] =	vst v56  }
0x216: {  	v44 =	vmul.f32 v55, v3;
	v45 =	vmul.f32 v59, v4;
	v52 =	vadd.f32 v48, v47;
	[tilespmem:s7+$0x1540] =	vst v60  }
0x217: {  	v50 =	vmul.f32 v31, v3;
	v51 =	vmul.f32 v35, v4;
	v43 =	vadd.f32 v38, v37;
	[tilespmem:s7+$0x1910] =	vst v40  }
0x218: {  	v61 =	vmul.f32 v10, v3;
	v62 =	vmul.f32 v7, v4;
	v49 =	vadd.f32 v45, v44;
	[tilespmem:s7+$0x1960] =	vst v52  }
0x219: {  	s21 =	sand.u32 $0x7, s16;
	v54 =	vmul.f32 v39, v4;
	v53 =	vmul.f32 v18, v3;
	v55 =	vadd.f32 v51, v50;
	[tilespmem:s7+$0x1920] =	vst v43  }
0x21a: {  	s19 =	sshll.u32 s21, $0x7;
	v28 =	vadd.f32 v62, v61;
	[tilespmem:s7+$0x1950] =	vst v49  }
0x21b: {  	s19 =	sadd.s32 s19, s5;
	v56 =	vadd.f32 v54, v53;
	[tilespmem:s7+$0x1970] =	vst v55  }
0x21c: {  	s21 =	sor.u32 $0x1C00, s19;
	[tilespmem:s7+$0x1560] =	vst v28  }
0x21d: {  	[tilespmem:s7+$0x1940] =	vst v56;
	v0 =	vld [tilespmem:s21+$0x100]  }
0x21e: {  	v1 =	vld [tilespmem:s21+$0x8100];
	_ =	sdelay $0x4  }
0x21f: {  	v0 =	vmul.f32 v0, v3;
	v1 =	vmul.f32 v1, v4;
	_ =	sdelay $0x1  }
0x220: {  	v0 =	vadd.f32 v1, v0;
	_ =	sdelay $0x1  }
0x221: {  	[tilespmem:s21+$0x100] =	vst v0;
	s21 =	sor.u32 $0x1C10, s19  }
0x222: {  	v0 =	vld [tilespmem:s21+$0x100]  }
0x223: {  	v57 =	vld [tilespmem:s21+$0x8100];
	_ =	sdelay $0x4  }
0x224: {  	v0 =	vmul.f32 v0, v3;
	v1 =	vmul.f32 v57, v4;
	_ =	sdelay $0x1  }
0x225: {  	v0 =	vadd.f32 v1, v0;
	_ =	sdelay $0x1  }
0x226: {  	[tilespmem:s21+$0x100] =	vst v0;
	s21 =	sor.u32 $0x1C20, s19  }
0x227: {  	v0 =	vld [tilespmem:s21+$0x100]  }
0x228: {  	v58 =	vld [tilespmem:s21+$0x8100];
	_ =	sdelay $0x4  }
0x229: {  	v0 =	vmul.f32 v0, v3;
	v1 =	vmul.f32 v58, v4;
	_ =	sdelay $0x1  }
0x22a: {  	v0 =	vadd.f32 v1, v0;
	_ =	sdelay $0x1  }
0x22b: {  	[tilespmem:s21+$0x100] =	vst v0;
	s21 =	sor.u32 $0x1C30, s19  }
0x22c: {  	v0 =	vld [tilespmem:s21+$0x100]  }
0x22d: {  	v59 =	vld [tilespmem:s21+$0x8100];
	_ =	sdelay $0x4  }
0x22e: {  	v0 =	vmul.f32 v0, v3;
	v1 =	vmul.f32 v59, v4;
	_ =	sdelay $0x1  }
0x22f: {  	v0 =	vadd.f32 v1, v0;
	_ =	sdelay $0x1  }
0x230: {  	[tilespmem:s21+$0x100] =	vst v0;
	s21 =	sor.u32 $0x1C40, s19  }
0x231: {  	v0 =	vld [tilespmem:s21+$0x100]  }
0x232: {  	v60 =	vld [tilespmem:s21+$0x8100];
	_ =	sdelay $0x4  }
0x233: {  	v0 =	vmul.f32 v0, v3;
	v1 =	vmul.f32 v60, v4;
	_ =	sdelay $0x1  }
0x234: {  	v0 =	vadd.f32 v1, v0;
	_ =	sdelay $0x1  }
0x235: {  	[tilespmem:s21+$0x100] =	vst v0;
	s21 =	sor.u32 $0x1C50, s19  }
0x236: {  	v0 =	vld [tilespmem:s21+$0x100]  }
0x237: {  	v61 =	vld [tilespmem:s21+$0x8100];
	_ =	sdelay $0x4  }
0x238: {  	v0 =	vmul.f32 v0, v3;
	v1 =	vmul.f32 v61, v4;
	_ =	sdelay $0x1  }
0x239: {  	v0 =	vadd.f32 v1, v0;
	_ =	sdelay $0x1  }
0x23a: {  	[tilespmem:s21+$0x100] =	vst v0;
	s21 =	sor.u32 $0x1C60, s19  }
0x23b: {  	v0 =	vld [tilespmem:s21+$0x100]  }
0x23c: {  	v62 =	vld [tilespmem:s21+$0x8100];
	_ =	sdelay $0x4  }
0x23d: {  	v0 =	vmul.f32 v0, v3;
	v1 =	vmul.f32 v62, v4;
	_ =	sdelay $0x1  }
0x23e: {  	v0 =	vadd.f32 v1, v0;
	_ =	sdelay $0x1  }
0x23f: {  	[tilespmem:s21+$0x100] =	vst v0;
	s21 =	sor.u32 $0x1C70, s19  }
0x240: {  	v0 =	vld [tilespmem:s21+$0x100]  }
0x241: {  	v63 =	vld [tilespmem:s21+$0x8100];
	_ =	sdelay $0x3  }
0x242: {  	p0 =	sne.s32 s6, $0xF80  }
.Ltmp1:
0x243: {  	v0 =	vmul.f32 v0, v3;
	v1 =	vmul.f32 v63, v4;
	(pc) =	sbr.rel @p0 .LBB2_4-.Ltmp1, $4  }
0x244: {  	_ = 	snop  }
0x245: {  	v0 =	vadd.f32 v1, v0  }
0x246: {  	s16 =	sadd.s32 $0x1, s16;
	s4 =	sadd.s32 $0x80, s4  }
0x247: {  	s17 =	sadd.s32 $0x80, s17;
	s6 =	sadd.s32 $0x80, s6;
	s5 =	sadd.s32 $0x400, s5;
	[tilespmem:s21+$0x100] =	vst v0  }
0x248: {  	s4 =	rddreg [dreg:$0xc]  }
0x249: {  	[hbm4b:s4+s1] =	stream.linear.scatter [tilespmem:s20], [sflag:$0x3], $0x8000, $0x38;
	[tilespmem:$0x12100] =	vst v63  }
0x24a: {  	_ =	swait.ge [sflag:s18], $0x8000  }
0x24b: {  	s2 =	sadd.s32 $0x1, s2;
	s21 =	rddreg [dreg:$0xd]  }
0x24c: {  	p0 =	sne.s32 s2, s21  }
.Ltmp2:
0x24d: {  	_ = 	snop;
	(pc) =	sbr.rel @p0 .LBB2_1-.Ltmp2, $3  }
0x24e: {  	_ =	sdelay $0x1  }
0x24f: {  	[sflag:s18] =	ssyncset.done $0x0  }
0x250: {  	[sflag:s18] =	ssyncadd.s32 $0xFFFF8000  }
0x251: {  	_ =	sfence.sel $0x180000  }
0x252: {  	[bflag:$0x0] =	sbarrier.arrive $0xFFFF  }
0x253: {  	_ =	strace $0x9000004A  }
0x254: {  	s0 =	stileid.u32;
	[bflag:$0x2] =	sbarrier.arrive $0xFFFF  }
0x255: {  	p0 =	sne.s32 s0, $0x0;
	s0 =	rddreg [dreg:$0x2]  }
0x256: {  	s0 =	sadd.s32 @!p0 $0x100000, s0  }
0x257: {  	[sflag:s0] =	ssyncadd.tile.s32 @!p0 $0x1;
	_ =	shalt  }
.Lfunc_end2:
_tile_overlayer_lowered:
.L_overlay_start_2:
0x258: {  	(tag) =	ssettag $0x2  }
0x259: {  	s0 =	rddreg [dreg:$0x0];
	s2 =	stileid.u32  }
0x25a: {  	s1 =	rddreg [dreg:$0x1];
	p0 =	sne.s32 s2, $0x0  }
0x25b: {  	s3 =	rddreg [dreg:$0x2];
	[bflag:$0x3] =	sbarrier.arrive $0xFFFF;
	s2 =	simm.s32 @!p0 $0x1C03  }
0x25c: {  	[timem:s3], [sflag:s2] =	dma.local @!p0 [hbm:s0], s1  }
0x25d: {  	s0 =	simm.s32 @!p0 $0x3  }
0x25e: {  	_ =	swait.ge @!p0 [sflag:s0], s1  }
0x25f: {  	s1 =	ssub.s32 @!p0 $0x0, s1;
	[sflag:s0] =	ssyncset.done @!p0 $0x0  }
0x260: {  	[sflag:s0] =	ssyncadd.s32 @!p0 s1  }
0x261: {  	[bflag:$0x3] =	sbarrier.arrive $0xFFFF  }
0x262: {  	_ =	shalt  }

</sc_bundles>
